<compile_context>
chip_gen: v7x
topology: tpu7x:2x2x1
jax: 0.10.2.dev20260603
libtpu: 0.0.44.dev20260713+nightly
codegen_flags: <defaults>
</compile_context>

<pallas_src>
import functools

import jax
import jax.numpy as jnp
from jax import lax
from jax.experimental import pallas as pl
from jax.experimental.pallas import tpu as pltpu
from jax.experimental.pallas import tpu_sc as plsc

NCODES = 8192
DIM = 256
ROWS_PER_BLOCK = 512
SUBROWS = 128
SEGMENTS = ((0, 2736), (2736, 5472), (5472, NCODES))
SEGPAD = 2816
CBPAD = SEGPAD - (NCODES - SEGMENTS[-1][0])


def _seg_scan(z2r, e2p, zer, lo):
    m = None
    ix = None
    ids0 = jax.lax.broadcasted_iota(jnp.int32, (SUBROWS, 128), 1) + lo
    for k in range(SEGPAD // 128):
        e2k = jax.lax.slice(e2p, (0, k * 128), (1, (k + 1) * 128))
        zek = jax.lax.slice(zer, (0, k * 128), (SUBROWS, (k + 1) * 128))
        t = (z2r + e2k) + zek
        ids = ids0 + k * 128
        if m is None:
            m, ix = t, ids
        else:
            take = t < m
            m = jnp.where(take, t, m)
            ix = jnp.where(take, ids, ix)
    cmin = jnp.min(m, axis=1, keepdims=True)
    cidx = jnp.min(jnp.where(m == cmin, ix, NCODES), axis=1, keepdims=True)
    return cmin, cidx


def _dist_argmin_body(z_ref, cb_hbm, idx_ref, md_ref, cb_vmem, e2_ref, sem):
    @pl.when(pl.program_id(0) == 0)
    def _setup():
        copy = pltpu.make_async_copy(cb_hbm, cb_vmem.at[pl.ds(0, NCODES), :],
                                     sem)
        copy.start()
        copy.wait()
        cb_vmem[pl.ds(NCODES, CBPAD), :] = jnp.zeros((CBPAD, DIM), jnp.float32)
        e2_ref[...] = jnp.full((len(SEGMENTS), SEGPAD), 1e30, jnp.float32)
        for s, (lo, hi) in enumerate(SEGMENTS):
            cb = cb_vmem[pl.ds(lo, hi - lo), :]
            e2_ref[pl.ds(s, 1), :hi - lo] = jnp.sum(cb * cb, axis=1)[None, :]
        cb_vmem[pl.ds(0, NCODES), :] = cb_vmem[pl.ds(0, NCODES), :] * -2.0

    zb = z_ref[...]
    z2 = jnp.sum(zb * zb, axis=1, keepdims=True)
    per_seg = []
    for s, (lo, hi) in enumerate(SEGMENTS):
        cb2 = cb_vmem[pl.ds(lo, SEGPAD), :]
        ze2 = jax.lax.dot_general(
            zb, cb2, (((1,), (1,)), ((), ())),
            preferred_element_type=jnp.float32)
        e2p = e2_ref[pl.ds(s, 1), :]
        cmins, cidxs = [], []
        for r in range(ROWS_PER_BLOCK // SUBROWS):
            z2r = jax.lax.slice(z2, (r * SUBROWS, 0), ((r + 1) * SUBROWS, 1))
            zer = jax.lax.slice(ze2, (r * SUBROWS, 0),
                                ((r + 1) * SUBROWS, SEGPAD))
            cmin, cidx = _seg_scan(z2r, e2p, zer, lo)
            cmins.append(cmin)
            cidxs.append(cidx)
        per_seg.append((jnp.concatenate(cmins, axis=0),
                        jnp.concatenate(cidxs, axis=0)))

    minv = None
    mind = None
    mini = None
    for cmin, cidx in per_seg:
        if minv is None:
            minv, mind, mini = cmin, cmin, cidx
        else:
            spilled = minv.astype(jnp.bfloat16).astype(jnp.float32)
            upd = cmin < spilled
            minv = jnp.where(upd, cmin, spilled)
            mind = jnp.where(upd, cmin, mind)
            mini = jnp.where(upd, cidx, mini)
    idx_ref[0] = mini
    md_ref[0] = mind


GATHER_CHUNK = 256


def _sc_gather_body(table_hbm, idx_hbm, out_hbm, idx_v, rows_v, sem):
    n_chunks = 32768 // (32 * GATHER_CHUNK)
    wid = lax.axis_index("s") * 2 + lax.axis_index("c")
    for c in range(n_chunks):
        base = (wid * n_chunks + c) * GATHER_CHUNK
        pltpu.sync_copy(idx_hbm.at[pl.ds(base, GATHER_CHUNK)], idx_v)
        pltpu.async_copy(table_hbm.at[idx_v], rows_v, sem).wait()
        pltpu.sync_copy(rows_v, out_hbm.at[pl.ds(base, GATHER_CHUNK)])


def _sc_gather(codebook, idx):
    mesh = plsc.VectorSubcoreMesh(core_axis_name="c", subcore_axis_name="s")
    return pl.kernel(
        _sc_gather_body,
        out_type=jax.ShapeDtypeStruct((idx.shape[0], DIM), jnp.float32),
        mesh=mesh,
        scratch_types=[
            pltpu.VMEM((GATHER_CHUNK,), jnp.int32),
            pltpu.VMEM((GATHER_CHUNK, DIM), jnp.float32),
            pltpu.SemaphoreType.DMA,
        ],
    )(codebook, idx)


def kernel(z, codebook):
    B, Dd, H, W = z.shape
    N = B * H * W
    z_flat = jnp.transpose(z, (0, 2, 3, 1)).reshape(N, Dd)
    nb = N // ROWS_PER_BLOCK
    idx3, md3 = pl.pallas_call(
        _dist_argmin_body,
        grid=(nb,),
        in_specs=[
            pl.BlockSpec((ROWS_PER_BLOCK, Dd), lambda i: (i, 0)),
            pl.BlockSpec(memory_space=pltpu.MemorySpace.HBM),
        ],
        out_specs=[
            pl.BlockSpec((1, ROWS_PER_BLOCK, 1), lambda i: (i, 0, 0)),
            pl.BlockSpec((1, ROWS_PER_BLOCK, 1), lambda i: (i, 0, 0)),
        ],
        out_shape=[
            jax.ShapeDtypeStruct((nb, ROWS_PER_BLOCK, 1), jnp.int32),
            jax.ShapeDtypeStruct((nb, ROWS_PER_BLOCK, 1), jnp.float32),
        ],
        scratch_shapes=[
            pltpu.VMEM((NCODES + CBPAD, DIM), jnp.float32),
            pltpu.VMEM((len(SEGMENTS), SEGPAD), jnp.float32),
            pltpu.SemaphoreType.DMA,
        ],
    )(z_flat, codebook)
    idx = idx3.reshape(N)
    vq_loss = 1.25 * (jnp.sum(md3) / (N * Dd))
    z_q_rows = _sc_gather(codebook, idx)
    z_q = jnp.transpose(z_q_rows.reshape(B, H, W, Dd), (0, 3, 1, 2))
    return (z_q, vq_loss, idx.reshape(B, H, W))

# --- scband reference (transcript-rebuilt; emitter-appended) ---
"""Pipeline reference for scband-vector-quantizer2-d-13907104105085 (READ-ONLY COPY).

The authoritative reference and input builder live on the scoring server;
editing this copy changes nothing except your own understanding.
"""

import jax, jax.numpy as jnp
import numpy as np

N_CODES = 8192
D = 256
BETA = 0.25

def setup_inputs(seed: int = 0) -> dict:
    key = jax.random.key(seed)
    k1, k2 = jax.random.split(key)
    z = jax.random.normal(k1, (32, 256, 32, 32), dtype=jnp.float32)
    codebook = jax.random.uniform(k2, (N_CODES, D), dtype=jnp.float32, minval=-1.0 / N_CODES, maxval=1.0 / N_CODES)
    return {"z": z, "codebook": codebook}

def reference(z, codebook):
    B, Dd, H, W = z.shape
    z_flat = jnp.transpose(z, (0, 2, 3, 1)).reshape(-1, Dd)
    z2 = jnp.sum(z_flat ** 2, axis=1, keepdims=True)
    e2 = jnp.sum(codebook ** 2, axis=1)[None, :]
    ze = z_flat @ codebook.T
    dists = z2 + e2 - 2.0 * ze
    idx = jnp.argmin(dists, axis=1)
    z_q = jnp.take(codebook, idx, axis=0).reshape(B, H, W, Dd)
    z_q = jnp.transpose(z_q, (0, 3, 1, 2))
    commit = jnp.mean((jax.lax.stop_gradient(z_q) - z) ** 2)
    codebk = jnp.mean((z_q - jax.lax.stop_gradient(z)) ** 2)
    vq_loss = codebk + BETA * commit
    z_q_st = z + jax.lax.stop_gradient(z_q - z)
    return (z_q_st, vq_loss, idx.reshape(B, H, W))

if __name__ == "__main__":
    import jax
    _d = setup_inputs()
    print(jax.jit(kernel)(*tuple(_d.values())))

</pallas_src>

<mosaic_0001>
#map = affine_map<(d0, d1) -> (0, 0)>
#map1 = affine_map<(d0, d1) -> (0)>
module attributes {stable_mosaic.version = 14 : i64} {
  func.func @_sc_gather_body(%arg0: i32, %arg1: i32, %arg2: memref<8192x256xf32, #tpu.memory_space<hbm>>, %arg3: memref<32768xi32, #tpu.memory_space<hbm>>, %arg4: memref<32768x256xf32, #tpu.memory_space<hbm>>, %arg5: memref<256xi32, #tpu.memory_space<vmem>>, %arg6: memref<256x256xf32, #tpu.memory_space<vmem>>, %arg7: memref<!tpu.dma_semaphore, #tpu.memory_space<semaphore_mem>>) attributes {dimension_semantics = [#tpu.dimension_semantics<core_parallel>, #tpu.dimension_semantics<subcore_parallel>], iteration_bounds = array<i64: 2, 16>, scalar_prefetch = 0 : i64, scratch_operands = 3 : i64, tpu.core_type = #tpu.core_type<sc_vector_subcore>, window_params = [{transform_indices = #map}, {transform_indices = #map1}, {transform_indices = #map}]} {
    %mul3A = arith.constant 2 : i32
    %mul3A_0 = arith.muli %arg1, %mul3A : i32
    %add3A = arith.addi %mul3A_0, %arg0 : i32
    %mul3A_1 = arith.constant 4 : i32
    %mul3A_2 = arith.muli %add3A, %mul3A_1 : i32
    %add3A_3 = arith.constant 0 : i32
    %add3A_4 = arith.addi %mul3A_2, %add3A_3 : i32
    %mul3A_5 = arith.constant 256 : i32
    %mul3A_6 = arith.muli %add3A_4, %mul3A_5 : i32
    "tpu.region"() ({
      %run_scoped3A = tpu.sem_alloc : memref<!tpu.dma_semaphore, #tpu.memory_space<semaphore_mem>>
      %dma_start3A_47 = tpu.memref_slice %arg3[%mul3A_6] : memref<32768xi32, #tpu.memory_space<hbm>> -> memref<256xi32, #tpu.memory_space<hbm>>
      %dma_start3A_48 = tpu.memref_slice %arg3[%mul3A_6] : memref<32768xi32, #tpu.memory_space<hbm>> -> memref<256xi32, #tpu.memory_space<hbm>>
      tpu.enqueue_dma source(%dma_start3A_48 : memref<256xi32, #tpu.memory_space<hbm>>) target(%arg5 : memref<256xi32, #tpu.memory_space<vmem>>) target_semaphore(%run_scoped3A : memref<!tpu.dma_semaphore, #tpu.memory_space<semaphore_mem>>)
      %dma_wait3A_49 = tpu.memref_slice %arg3[%mul3A_6] : memref<32768xi32, #tpu.memory_space<hbm>> -> memref<256xi32, #tpu.memory_space<hbm>>
      %dma_wait3A_50 = tpu.memref_slice %arg3[%mul3A_6] : memref<32768xi32, #tpu.memory_space<hbm>> -> memref<256xi32, #tpu.memory_space<hbm>>
      tpu.wait_dma2 semaphore(%run_scoped3A : memref<!tpu.dma_semaphore, #tpu.memory_space<semaphore_mem>>) src(%dma_wait3A_50 : memref<256xi32, #tpu.memory_space<hbm>>) dst(%arg5 : memref<256xi32, #tpu.memory_space<vmem>>)
      tpu.yield
    }) : () -> ()
    %dma_start3A = arith.constant 0 : i32
    %dma_start3A_7 = arith.constant 0 : i32
    %dma_start3A_8 = tpu.memref_slice %arg2[%dma_start3A, %dma_start3A_7] : memref<8192x256xf32, #tpu.memory_space<hbm>> -> memref<8192x256xf32, #tpu.memory_space<hbm>>
    tpu.enqueue_indirect_dma source(%dma_start3A_8 : memref<8192x256xf32, #tpu.memory_space<hbm>>) target(%arg6 : memref<256x256xf32, #tpu.memory_space<vmem>>) offsets(%arg5 : memref<256xi32, #tpu.memory_space<vmem>>) semaphore(%arg7 : memref<!tpu.dma_semaphore, #tpu.memory_space<semaphore_mem>>)
    %dma_wait3A = arith.constant 0 : i32
    %dma_wait3A_9 = arith.constant 0 : i32
    %dma_wait3A_10 = tpu.memref_slice %arg2[%dma_wait3A, %dma_wait3A_9] : memref<8192x256xf32, #tpu.memory_space<hbm>> -> memref<8192x256xf32, #tpu.memory_space<hbm>>
    tpu.wait_indirect_dma semaphore(%arg7 : memref<!tpu.dma_semaphore, #tpu.memory_space<semaphore_mem>>) src(%dma_wait3A_10 : memref<8192x256xf32, #tpu.memory_space<hbm>>) dst(%arg6 : memref<256x256xf32, #tpu.memory_space<vmem>>)
    "tpu.region"() ({
      %run_scoped3A = tpu.sem_alloc : memref<!tpu.dma_semaphore, #tpu.memory_space<semaphore_mem>>
      %dma_start3A_47 = arith.constant 0 : i32
      %dma_start3A_48 = tpu.memref_slice %arg4[%mul3A_6, %dma_start3A_47] : memref<32768x256xf32, #tpu.memory_space<hbm>> -> memref<256x256xf32, #tpu.memory_space<hbm>>
      %dma_start3A_49 = arith.constant 0 : i32
      %dma_start3A_50 = tpu.memref_slice %arg4[%mul3A_6, %dma_start3A_49] : memref<32768x256xf32, #tpu.memory_space<hbm>> -> memref<256x256xf32, #tpu.memory_space<hbm>>
      tpu.enqueue_dma source(%arg6 : memref<256x256xf32, #tpu.memory_space<vmem>>) target(%dma_start3A_50 : memref<256x256xf32, #tpu.memory_space<hbm>>) target_semaphore(%run_scoped3A : memref<!tpu.dma_semaphore, #tpu.memory_space<semaphore_mem>>)
      %dma_wait3A_51 = arith.constant 0 : i32
      %dma_wait3A_52 = tpu.memref_slice %arg4[%mul3A_6, %dma_wait3A_51] : memref<32768x256xf32, #tpu.memory_space<hbm>> -> memref<256x256xf32, #tpu.memory_space<hbm>>
      %dma_wait3A_53 = arith.constant 0 : i32
      %dma_wait3A_54 = tpu.memref_slice %arg4[%mul3A_6, %dma_wait3A_53] : memref<32768x256xf32, #tpu.memory_space<hbm>> -> memref<256x256xf32, #tpu.memory_space<hbm>>
      tpu.wait_dma2 semaphore(%run_scoped3A : memref<!tpu.dma_semaphore, #tpu.memory_space<semaphore_mem>>) src(%arg6 : memref<256x256xf32, #tpu.memory_space<vmem>>) dst(%dma_wait3A_54 : memref<256x256xf32, #tpu.memory_space<hbm>>)
      tpu.yield
    }) : () -> ()
    %mul3A_11 = arith.constant 4 : i32
    %mul3A_12 = arith.muli %add3A, %mul3A_11 : i32
    %add3A_13 = arith.constant 1 : i32
    %add3A_14 = arith.addi %mul3A_12, %add3A_13 : i32
    %mul3A_15 = arith.constant 256 : i32
    %mul3A_16 = arith.muli %add3A_14, %mul3A_15 : i32
    "tpu.region"() ({
      %run_scoped3A = tpu.sem_alloc : memref<!tpu.dma_semaphore, #tpu.memory_space<semaphore_mem>>
      %dma_start3A_47 = tpu.memref_slice %arg3[%mul3A_16] : memref<32768xi32, #tpu.memory_space<hbm>> -> memref<256xi32, #tpu.memory_space<hbm>>
      %dma_start3A_48 = tpu.memref_slice %arg3[%mul3A_16] : memref<32768xi32, #tpu.memory_space<hbm>> -> memref<256xi32, #tpu.memory_space<hbm>>
      tpu.enqueue_dma source(%dma_start3A_48 : memref<256xi32, #tpu.memory_space<hbm>>) target(%arg5 : memref<256xi32, #tpu.memory_space<vmem>>) target_semaphore(%run_scoped3A : memref<!tpu.dma_semaphore, #tpu.memory_space<semaphore_mem>>)
      %dma_wait3A_49 = tpu.memref_slice %arg3[%mul3A_16] : memref<32768xi32, #tpu.memory_space<hbm>> -> memref<256xi32, #tpu.memory_space<hbm>>
      %dma_wait3A_50 = tpu.memref_slice %arg3[%mul3A_16] : memref<32768xi32, #tpu.memory_space<hbm>> -> memref<256xi32, #tpu.memory_space<hbm>>
      tpu.wait_dma2 semaphore(%run_scoped3A : memref<!tpu.dma_semaphore, #tpu.memory_space<semaphore_mem>>) src(%dma_wait3A_50 : memref<256xi32, #tpu.memory_space<hbm>>) dst(%arg5 : memref<256xi32, #tpu.memory_space<vmem>>)
      tpu.yield
    }) : () -> ()
    %dma_start3A_17 = arith.constant 0 : i32
    %dma_start3A_18 = arith.constant 0 : i32
    %dma_start3A_19 = tpu.memref_slice %arg2[%dma_start3A_17, %dma_start3A_18] : memref<8192x256xf32, #tpu.memory_space<hbm>> -> memref<8192x256xf32, #tpu.memory_space<hbm>>
    tpu.enqueue_indirect_dma source(%dma_start3A_19 : memref<8192x256xf32, #tpu.memory_space<hbm>>) target(%arg6 : memref<256x256xf32, #tpu.memory_space<vmem>>) offsets(%arg5 : memref<256xi32, #tpu.memory_space<vmem>>) semaphore(%arg7 : memref<!tpu.dma_semaphore, #tpu.memory_space<semaphore_mem>>)
    %dma_wait3A_20 = arith.constant 0 : i32
    %dma_wait3A_21 = arith.constant 0 : i32
    %dma_wait3A_22 = tpu.memref_slice %arg2[%dma_wait3A_20, %dma_wait3A_21] : memref<8192x256xf32, #tpu.memory_space<hbm>> -> memref<8192x256xf32, #tpu.memory_space<hbm>>
    tpu.wait_indirect_dma semaphore(%arg7 : memref<!tpu.dma_semaphore, #tpu.memory_space<semaphore_mem>>) src(%dma_wait3A_22 : memref<8192x256xf32, #tpu.memory_space<hbm>>) dst(%arg6 : memref<256x256xf32, #tpu.memory_space<vmem>>)
    "tpu.region"() ({
      %run_scoped3A = tpu.sem_alloc : memref<!tpu.dma_semaphore, #tpu.memory_space<semaphore_mem>>
      %dma_start3A_47 = arith.constant 0 : i32
      %dma_start3A_48 = tpu.memref_slice %arg4[%mul3A_16, %dma_start3A_47] : memref<32768x256xf32, #tpu.memory_space<hbm>> -> memref<256x256xf32, #tpu.memory_space<hbm>>
      %dma_start3A_49 = arith.constant 0 : i32
      %dma_start3A_50 = tpu.memref_slice %arg4[%mul3A_16, %dma_start3A_49] : memref<32768x256xf32, #tpu.memory_space<hbm>> -> memref<256x256xf32, #tpu.memory_space<hbm>>
      tpu.enqueue_dma source(%arg6 : memref<256x256xf32, #tpu.memory_space<vmem>>) target(%dma_start3A_50 : memref<256x256xf32, #tpu.memory_space<hbm>>) target_semaphore(%run_scoped3A : memref<!tpu.dma_semaphore, #tpu.memory_space<semaphore_mem>>)
      %dma_wait3A_51 = arith.constant 0 : i32
      %dma_wait3A_52 = tpu.memref_slice %arg4[%mul3A_16, %dma_wait3A_51] : memref<32768x256xf32, #tpu.memory_space<hbm>> -> memref<256x256xf32, #tpu.memory_space<hbm>>
      %dma_wait3A_53 = arith.constant 0 : i32
      %dma_wait3A_54 = tpu.memref_slice %arg4[%mul3A_16, %dma_wait3A_53] : memref<32768x256xf32, #tpu.memory_space<hbm>> -> memref<256x256xf32, #tpu.memory_space<hbm>>
      tpu.wait_dma2 semaphore(%run_scoped3A : memref<!tpu.dma_semaphore, #tpu.memory_space<semaphore_mem>>) src(%arg6 : memref<256x256xf32, #tpu.memory_space<vmem>>) dst(%dma_wait3A_54 : memref<256x256xf32, #tpu.memory_space<hbm>>)
      tpu.yield
    }) : () -> ()
    %mul3A_23 = arith.constant 4 : i32
    %mul3A_24 = arith.muli %add3A, %mul3A_23 : i32
    %add3A_25 = arith.constant 2 : i32
    %add3A_26 = arith.addi %mul3A_24, %add3A_25 : i32
    %mul3A_27 = arith.constant 256 : i32
    %mul3A_28 = arith.muli %add3A_26, %mul3A_27 : i32
    "tpu.region"() ({
      %run_scoped3A = tpu.sem_alloc : memref<!tpu.dma_semaphore, #tpu.memory_space<semaphore_mem>>
      %dma_start3A_47 = tpu.memref_slice %arg3[%mul3A_28] : memref<32768xi32, #tpu.memory_space<hbm>> -> memref<256xi32, #tpu.memory_space<hbm>>
      %dma_start3A_48 = tpu.memref_slice %arg3[%mul3A_28] : memref<32768xi32, #tpu.memory_space<hbm>> -> memref<256xi32, #tpu.memory_space<hbm>>
      tpu.enqueue_dma source(%dma_start3A_48 : memref<256xi32, #tpu.memory_space<hbm>>) target(%arg5 : memref<256xi32, #tpu.memory_space<vmem>>) target_semaphore(%run_scoped3A : memref<!tpu.dma_semaphore, #tpu.memory_space<semaphore_mem>>)
      %dma_wait3A_49 = tpu.memref_slice %arg3[%mul3A_28] : memref<32768xi32, #tpu.memory_space<hbm>> -> memref<256xi32, #tpu.memory_space<hbm>>
      %dma_wait3A_50 = tpu.memref_slice %arg3[%mul3A_28] : memref<32768xi32, #tpu.memory_space<hbm>> -> memref<256xi32, #tpu.memory_space<hbm>>
      tpu.wait_dma2 semaphore(%run_scoped3A : memref<!tpu.dma_semaphore, #tpu.memory_space<semaphore_mem>>) src(%dma_wait3A_50 : memref<256xi32, #tpu.memory_space<hbm>>) dst(%arg5 : memref<256xi32, #tpu.memory_space<vmem>>)
      tpu.yield
    }) : () -> ()
    %dma_start3A_29 = arith.constant 0 : i32
    %dma_start3A_30 = arith.constant 0 : i32
    %dma_start3A_31 = tpu.memref_slice %arg2[%dma_start3A_29, %dma_start3A_30] : memref<8192x256xf32, #tpu.memory_space<hbm>> -> memref<8192x256xf32, #tpu.memory_space<hbm>>
    tpu.enqueue_indirect_dma source(%dma_start3A_31 : memref<8192x256xf32, #tpu.memory_space<hbm>>) target(%arg6 : memref<256x256xf32, #tpu.memory_space<vmem>>) offsets(%arg5 : memref<256xi32, #tpu.memory_space<vmem>>) semaphore(%arg7 : memref<!tpu.dma_semaphore, #tpu.memory_space<semaphore_mem>>)
    %dma_wait3A_32 = arith.constant 0 : i32
    %dma_wait3A_33 = arith.constant 0 : i32
    %dma_wait3A_34 = tpu.memref_slice %arg2[%dma_wait3A_32, %dma_wait3A_33] : memref<8192x256xf32, #tpu.memory_space<hbm>> -> memref<8192x256xf32, #tpu.memory_space<hbm>>
    tpu.wait_indirect_dma semaphore(%arg7 : memref<!tpu.dma_semaphore, #tpu.memory_space<semaphore_mem>>) src(%dma_wait3A_34 : memref<8192x256xf32, #tpu.memory_space<hbm>>) dst(%arg6 : memref<256x256xf32, #tpu.memory_space<vmem>>)
    "tpu.region"() ({
      %run_scoped3A = tpu.sem_alloc : memref<!tpu.dma_semaphore, #tpu.memory_space<semaphore_mem>>
      %dma_start3A_47 = arith.constant 0 : i32
      %dma_start3A_48 = tpu.memref_slice %arg4[%mul3A_28, %dma_start3A_47] : memref<32768x256xf32, #tpu.memory_space<hbm>> -> memref<256x256xf32, #tpu.memory_space<hbm>>
      %dma_start3A_49 = arith.constant 0 : i32
      %dma_start3A_50 = tpu.memref_slice %arg4[%mul3A_28, %dma_start3A_49] : memref<32768x256xf32, #tpu.memory_space<hbm>> -> memref<256x256xf32, #tpu.memory_space<hbm>>
      tpu.enqueue_dma source(%arg6 : memref<256x256xf32, #tpu.memory_space<vmem>>) target(%dma_start3A_50 : memref<256x256xf32, #tpu.memory_space<hbm>>) target_semaphore(%run_scoped3A : memref<!tpu.dma_semaphore, #tpu.memory_space<semaphore_mem>>)
      %dma_wait3A_51 = arith.constant 0 : i32
      %dma_wait3A_52 = tpu.memref_slice %arg4[%mul3A_28, %dma_wait3A_51] : memref<32768x256xf32, #tpu.memory_space<hbm>> -> memref<256x256xf32, #tpu.memory_space<hbm>>
      %dma_wait3A_53 = arith.constant 0 : i32
      %dma_wait3A_54 = tpu.memref_slice %arg4[%mul3A_28, %dma_wait3A_53] : memref<32768x256xf32, #tpu.memory_space<hbm>> -> memref<256x256xf32, #tpu.memory_space<hbm>>
      tpu.wait_dma2 semaphore(%run_scoped3A : memref<!tpu.dma_semaphore, #tpu.memory_space<semaphore_mem>>) src(%arg6 : memref<256x256xf32, #tpu.memory_space<vmem>>) dst(%dma_wait3A_54 : memref<256x256xf32, #tpu.memory_space<hbm>>)
      tpu.yield
    }) : () -> ()
    %mul3A_35 = arith.constant 4 : i32
    %mul3A_36 = arith.muli %add3A, %mul3A_35 : i32
    %add3A_37 = arith.constant 3 : i32
    %add3A_38 = arith.addi %mul3A_36, %add3A_37 : i32
    %mul3A_39 = arith.constant 256 : i32
    %mul3A_40 = arith.muli %add3A_38, %mul3A_39 : i32
    "tpu.region"() ({
      %run_scoped3A = tpu.sem_alloc : memref<!tpu.dma_semaphore, #tpu.memory_space<semaphore_mem>>
      %dma_start3A_47 = tpu.memref_slice %arg3[%mul3A_40] : memref<32768xi32, #tpu.memory_space<hbm>> -> memref<256xi32, #tpu.memory_space<hbm>>
      %dma_start3A_48 = tpu.memref_slice %arg3[%mul3A_40] : memref<32768xi32, #tpu.memory_space<hbm>> -> memref<256xi32, #tpu.memory_space<hbm>>
      tpu.enqueue_dma source(%dma_start3A_48 : memref<256xi32, #tpu.memory_space<hbm>>) target(%arg5 : memref<256xi32, #tpu.memory_space<vmem>>) target_semaphore(%run_scoped3A : memref<!tpu.dma_semaphore, #tpu.memory_space<semaphore_mem>>)
      %dma_wait3A_49 = tpu.memref_slice %arg3[%mul3A_40] : memref<32768xi32, #tpu.memory_space<hbm>> -> memref<256xi32, #tpu.memory_space<hbm>>
      %dma_wait3A_50 = tpu.memref_slice %arg3[%mul3A_40] : memref<32768xi32, #tpu.memory_space<hbm>> -> memref<256xi32, #tpu.memory_space<hbm>>
      tpu.wait_dma2 semaphore(%run_scoped3A : memref<!tpu.dma_semaphore, #tpu.memory_space<semaphore_mem>>) src(%dma_wait3A_50 : memref<256xi32, #tpu.memory_space<hbm>>) dst(%arg5 : memref<256xi32, #tpu.memory_space<vmem>>)
      tpu.yield
    }) : () -> ()
    %dma_start3A_41 = arith.constant 0 : i32
    %dma_start3A_42 = arith.constant 0 : i32
    %dma_start3A_43 = tpu.memref_slice %arg2[%dma_start3A_41, %dma_start3A_42] : memref<8192x256xf32, #tpu.memory_space<hbm>> -> memref<8192x256xf32, #tpu.memory_space<hbm>>
    tpu.enqueue_indirect_dma source(%dma_start3A_43 : memref<8192x256xf32, #tpu.memory_space<hbm>>) target(%arg6 : memref<256x256xf32, #tpu.memory_space<vmem>>) offsets(%arg5 : memref<256xi32, #tpu.memory_space<vmem>>) semaphore(%arg7 : memref<!tpu.dma_semaphore, #tpu.memory_space<semaphore_mem>>)
    %dma_wait3A_44 = arith.constant 0 : i32
    %dma_wait3A_45 = arith.constant 0 : i32
    %dma_wait3A_46 = tpu.memref_slice %arg2[%dma_wait3A_44, %dma_wait3A_45] : memref<8192x256xf32, #tpu.memory_space<hbm>> -> memref<8192x256xf32, #tpu.memory_space<hbm>>
    tpu.wait_indirect_dma semaphore(%arg7 : memref<!tpu.dma_semaphore, #tpu.memory_space<semaphore_mem>>) src(%dma_wait3A_46 : memref<8192x256xf32, #tpu.memory_space<hbm>>) dst(%arg6 : memref<256x256xf32, #tpu.memory_space<vmem>>)
    "tpu.region"() ({
      %run_scoped3A = tpu.sem_alloc : memref<!tpu.dma_semaphore, #tpu.memory_space<semaphore_mem>>
      %dma_start3A_47 = arith.constant 0 : i32
      %dma_start3A_48 = tpu.memref_slice %arg4[%mul3A_40, %dma_start3A_47] : memref<32768x256xf32, #tpu.memory_space<hbm>> -> memref<256x256xf32, #tpu.memory_space<hbm>>
      %dma_start3A_49 = arith.constant 0 : i32
      %dma_start3A_50 = tpu.memref_slice %arg4[%mul3A_40, %dma_start3A_49] : memref<32768x256xf32, #tpu.memory_space<hbm>> -> memref<256x256xf32, #tpu.memory_space<hbm>>
      tpu.enqueue_dma source(%arg6 : memref<256x256xf32, #tpu.memory_space<vmem>>) target(%dma_start3A_50 : memref<256x256xf32, #tpu.memory_space<hbm>>) target_semaphore(%run_scoped3A : memref<!tpu.dma_semaphore, #tpu.memory_space<semaphore_mem>>)
      %dma_wait3A_51 = arith.constant 0 : i32
      %dma_wait3A_52 = tpu.memref_slice %arg4[%mul3A_40, %dma_wait3A_51] : memref<32768x256xf32, #tpu.memory_space<hbm>> -> memref<256x256xf32, #tpu.memory_space<hbm>>
      %dma_wait3A_53 = arith.constant 0 : i32
      %dma_wait3A_54 = tpu.memref_slice %arg4[%mul3A_40, %dma_wait3A_53] : memref<32768x256xf32, #tpu.memory_space<hbm>> -> memref<256x256xf32, #tpu.memory_space<hbm>>
      tpu.wait_dma2 semaphore(%run_scoped3A : memref<!tpu.dma_semaphore, #tpu.memory_space<semaphore_mem>>) src(%arg6 : memref<256x256xf32, #tpu.memory_space<vmem>>) dst(%dma_wait3A_54 : memref<256x256xf32, #tpu.memory_space<hbm>>)
      tpu.yield
    }) : () -> ()
    return
  }
}

module attributes {stable_mosaic.version = 14 : i64} {
  func.func @_dist_argmin_body(%arg0: i32, %arg1: memref<512x256xf32, #tpu.memory_space<vmem>>, %arg2: memref<8192x256xf32, #tpu.memory_space<hbm>>, %arg3: memref<1x512x1xi32, #tpu.memory_space<vmem>>, %arg4: memref<1x512x1xf32, #tpu.memory_space<vmem>>, %arg5: memref<8288x256xf32, #tpu.memory_space<vmem>>, %arg6: memref<3x2816xf32, #tpu.memory_space<vmem>>, %arg7: memref<!tpu.dma_semaphore, #tpu.memory_space<semaphore_mem>>) attributes {dimension_semantics = [#tpu.dimension_semantics<arbitrary>], iteration_bounds = array<i64: 64>, scalar_prefetch = 0 : i64, scratch_operands = 3 : i64, tpu.core_type = #tpu.core_type<tc>, window_params = [{transform_indices = @transform_0, window_bounds = array<i64: 512, 256>}, {}, {transform_indices = @transform_2, window_bounds = array<i64: 1, 512, 1>}, {transform_indices = @transform_3, window_bounds = array<i64: 1, 512, 1>}]} {
    %eq3A = arith.constant 0 : i32
    %eq3A_0 = arith.cmpi eq, %arg0, %eq3A : i32
    %convert_element_type3A = arith.extui %eq3A_0 : i1 to i32
    %cond3A = arith.constant 0 : i32
    %cond3A_1 = arith.cmpi ne, %convert_element_type3A, %cond3A : i32
    scf.if %cond3A_1 {
      %dma_start3A = arith.constant 0 : i32
      %dma_start3A_3384 = arith.constant 0 : i32
      %dma_start3A_3385 = tpu.memref_slice %arg5[%dma_start3A, %dma_start3A_3384] : memref<8288x256xf32, #tpu.memory_space<vmem>> -> memref<8192x256xf32, #tpu.memory_space<vmem>>
      tpu.enqueue_dma source(%arg2 : memref<8192x256xf32, #tpu.memory_space<hbm>>) target(%dma_start3A_3385 : memref<8192x256xf32, #tpu.memory_space<vmem>>) target_semaphore(%arg7 : memref<!tpu.dma_semaphore, #tpu.memory_space<semaphore_mem>>)
      %dma_wait3A = arith.constant 0 : i32
      %dma_wait3A_3386 = arith.constant 0 : i32
      %dma_wait3A_3387 = tpu.memref_slice %arg5[%dma_wait3A, %dma_wait3A_3386] : memref<8288x256xf32, #tpu.memory_space<vmem>> -> memref<8192x256xf32, #tpu.memory_space<vmem>>
      tpu.wait_dma2 semaphore(%arg7 : memref<!tpu.dma_semaphore, #tpu.memory_space<semaphore_mem>>) src(%arg2 : memref<8192x256xf32, #tpu.memory_space<hbm>>) dst(%dma_wait3A_3387 : memref<8192x256xf32, #tpu.memory_space<vmem>>)
      %broadcast_in_dim3A_3388 = arith.constant 0.000000e+00 : f32
      %broadcast_in_dim3A_3389 = vector.broadcast %broadcast_in_dim3A_3388 : f32 to vector<96x256xf32>
      %swap3A_3390 = arith.constant 8192 : index
      %swap3A_3391 = arith.constant 0 : index
      %swap3A_3392 = vector.load %arg5[%swap3A_3390, %swap3A_3391] : memref<8288x256xf32, #tpu.memory_space<vmem>>, vector<96x256xf32>
      tpu.vector_store %arg5[%swap3A_3390, %swap3A_3391], %broadcast_in_dim3A_3389 {strides = array<i32>} : memref<8288x256xf32, #tpu.memory_space<vmem>>, vector<96x256xf32>,
      %broadcast_in_dim3A_3393 = arith.constant 1.000000e+30 : f32
      %broadcast_in_dim3A_3394 = vector.broadcast %broadcast_in_dim3A_3393 : f32 to vector<3x2816xf32>
      %swap3A_3395 = arith.constant 0 : index
      %swap3A_3396 = arith.constant 0 : index
      %swap3A_3397 = vector.load %arg6[%swap3A_3395, %swap3A_3396] : memref<3x2816xf32, #tpu.memory_space<vmem>>, vector<3x2816xf32>
      tpu.vector_store %arg6[%swap3A_3395, %swap3A_3396], %broadcast_in_dim3A_3394 {strides = array<i32>} : memref<3x2816xf32, #tpu.memory_space<vmem>>, vector<3x2816xf32>,
      %get3A_3398 = arith.constant 0 : index
      %get3A_3399 = arith.constant 0 : index
      %get3A_3400 = vector.load %arg5[%get3A_3398, %get3A_3399] : memref<8288x256xf32, #tpu.memory_space<vmem>>, vector<2736x256xf32>
      %mul3A_3401 = arith.mulf %get3A_3400, %get3A_3400 : vector<2736x256xf32>
      %reduce_sum3A_3402 = arith.constant dense<0.000000e+00> : vector<2736xf32>
      %reduce_sum3A_3403 = vector.multi_reduction <add>, %mul3A_3401, %reduce_sum3A_3402 [1] : vector<2736x256xf32> to vector<2736xf32>
      %broadcast_in_dim3A_3404 = vector.shape_cast %reduce_sum3A_3403 : vector<2736xf32> to vector<1x2736xf32>
      %swap3A_3405 = arith.constant 0 : index
      %swap3A_3406 = arith.constant 0 : index
      %swap3A_3407 = vector.load %arg6[%swap3A_3405, %swap3A_3406] : memref<3x2816xf32, #tpu.memory_space<vmem>>, vector<1x2736xf32>
      tpu.vector_store %arg6[%swap3A_3405, %swap3A_3406], %broadcast_in_dim3A_3404 {strides = array<i32>} : memref<3x2816xf32, #tpu.memory_space<vmem>>, vector<1x2736xf32>,
      %get3A_3408 = arith.constant 2736 : index
      %get3A_3409 = arith.constant 0 : index
      %get3A_3410 = vector.load %arg5[%get3A_3408, %get3A_3409] : memref<8288x256xf32, #tpu.memory_space<vmem>>, vector<2736x256xf32>
      %mul3A_3411 = arith.mulf %get3A_3410, %get3A_3410 : vector<2736x256xf32>
      %reduce_sum3A_3412 = arith.constant dense<0.000000e+00> : vector<2736xf32>
      %reduce_sum3A_3413 = vector.multi_reduction <add>, %mul3A_3411, %reduce_sum3A_3412 [1] : vector<2736x256xf32> to vector<2736xf32>
      %broadcast_in_dim3A_3414 = vector.shape_cast %reduce_sum3A_3413 : vector<2736xf32> to vector<1x2736xf32>
      %swap3A_3415 = arith.constant 1 : index
      %swap3A_3416 = arith.constant 0 : index
      %swap3A_3417 = vector.load %arg6[%swap3A_3415, %swap3A_3416] : memref<3x2816xf32, #tpu.memory_space<vmem>>, vector<1x2736xf32>
      tpu.vector_store %arg6[%swap3A_3415, %swap3A_3416], %broadcast_in_dim3A_3414 {strides = array<i32>} : memref<3x2816xf32, #tpu.memory_space<vmem>>, vector<1x2736xf32>,
      %get3A_3418 = arith.constant 5472 : index
      %get3A_3419 = arith.constant 0 : index
      %get3A_3420 = vector.load %arg5[%get3A_3418, %get3A_3419] : memref<8288x256xf32, #tpu.memory_space<vmem>>, vector<2720x256xf32>
      %mul3A_3421 = arith.mulf %get3A_3420, %get3A_3420 : vector<2720x256xf32>
      %reduce_sum3A_3422 = arith.constant dense<0.000000e+00> : vector<2720xf32>
      %reduce_sum3A_3423 = vector.multi_reduction <add>, %mul3A_3421, %reduce_sum3A_3422 [1] : vector<2720x256xf32> to vector<2720xf32>
      %broadcast_in_dim3A_3424 = vector.shape_cast %reduce_sum3A_3423 : vector<2720xf32> to vector<1x2720xf32>
      %swap3A_3425 = arith.constant 2 : index
      %swap3A_3426 = arith.constant 0 : index
      %swap3A_3427 = vector.load %arg6[%swap3A_3425, %swap3A_3426] : memref<3x2816xf32, #tpu.memory_space<vmem>>, vector<1x2720xf32>
      tpu.vector_store %arg6[%swap3A_3425, %swap3A_3426], %broadcast_in_dim3A_3424 {strides = array<i32>} : memref<3x2816xf32, #tpu.memory_space<vmem>>, vector<1x2720xf32>,
      %get3A_3428 = arith.constant 0 : index
      %get3A_3429 = arith.constant 0 : index
      %get3A_3430 = vector.load %arg5[%get3A_3428, %get3A_3429] : memref<8288x256xf32, #tpu.memory_space<vmem>>, vector<8192x256xf32>
      %mul3A_3431 = arith.constant -2.000000e+00 : f32
      %mul3A_3432 = vector.broadcast %mul3A_3431 : f32 to vector<8192x256xf32>
      %mul3A_3433 = arith.mulf %get3A_3430, %mul3A_3432 : vector<8192x256xf32>
      %swap3A_3434 = arith.constant 0 : index
      %swap3A_3435 = arith.constant 0 : index
      %swap3A_3436 = vector.load %arg5[%swap3A_3434, %swap3A_3435] : memref<8288x256xf32, #tpu.memory_space<vmem>>, vector<8192x256xf32>
      tpu.vector_store %arg5[%swap3A_3434, %swap3A_3435], %mul3A_3433 {strides = array<i32>} : memref<8288x256xf32, #tpu.memory_space<vmem>>, vector<8192x256xf32>,
    } else {
    }
    %get3A = arith.constant 0 : index
    %get3A_2 = arith.constant 0 : index
    %get3A_3 = vector.load %arg1[%get3A, %get3A_2] : memref<512x256xf32, #tpu.memory_space<vmem>>, vector<512x256xf32>
    %mul3A = arith.mulf %get3A_3, %get3A_3 : vector<512x256xf32>
    %reduce_sum3A = arith.constant dense<0.000000e+00> : vector<512xf32>
    %reduce_sum3A_4 = vector.multi_reduction <add>, %mul3A, %reduce_sum3A [1] : vector<512x256xf32> to vector<512xf32>
    %broadcast_in_dim3A = vector.shape_cast %reduce_sum3A_4 : vector<512xf32> to vector<512x1xf32>
    %get3A_5 = arith.constant 0 : index
    %get3A_6 = arith.constant 0 : index
    %get3A_7 = vector.load %arg5[%get3A_5, %get3A_6] : memref<8288x256xf32, #tpu.memory_space<vmem>>, vector<2816x256xf32>
    %dot_general3A = arith.constant dense<0.000000e+00> : vector<512x2816xf32>
    %dot_general3A_8 = tpu.matmul %get3A_3, %get3A_7, %dot_general3A {dimension_numbers = #tpu.dot_dimension_numbers<[1], [1], [0], [0], [0, 0, 1, 0], [], []>, transpose_lhs_hint = false} : vector<512x256xf32>, vector<2816x256xf32>, vector<512x2816xf32> -> vector<512x2816xf32>
    %get3A_9 = arith.constant 0 : index
    %get3A_10 = arith.constant 0 : index
    %get3A_11 = vector.load %arg6[%get3A_9, %get3A_10] : memref<3x2816xf32, #tpu.memory_space<vmem>>, vector<1x2816xf32>
    %slice3A = vector.extract_strided_slice %broadcast_in_dim3A {offsets = [0, 0], sizes = [128, 1], strides = [1, 1]} : vector<512x1xf32> to vector<128x1xf32>
    %slice3A_12 = vector.extract_strided_slice %dot_general3A_8 {offsets = [0, 0], sizes = [128, 2816], strides = [1, 1]} : vector<512x2816xf32> to vector<128x2816xf32>
    %iota3A = tpu.iota {dimensions = array<i32: 1>} : vector<128x128xi32>
    %add3A = arith.constant 0 : i32
    %add3A_13 = vector.broadcast %add3A : i32 to vector<128x128xi32>
    %add3A_14 = arith.addi %iota3A, %add3A_13 : vector<128x128xi32>
    %slice3A_15 = vector.extract_strided_slice %get3A_11 {offsets = [0, 0], sizes = [1, 128], strides = [1, 1]} : vector<1x2816xf32> to vector<1x128xf32>
    %slice3A_16 = vector.extract_strided_slice %slice3A_12 {offsets = [0, 0], sizes = [128, 128], strides = [1, 1]} : vector<128x2816xf32> to vector<128x128xf32>
    %add3A_17 = vector.broadcast %slice3A : vector<128x1xf32> to vector<128x128xf32>
    %add3A_18 = vector.broadcast %slice3A_15 : vector<1x128xf32> to vector<128x128xf32>
    %add3A_19 = arith.addf %add3A_17, %add3A_18 : vector<128x128xf32>
    %add3A_20 = arith.addf %add3A_19, %slice3A_16 : vector<128x128xf32>
    %add3A_21 = arith.constant 0 : i32
    %add3A_22 = vector.broadcast %add3A_21 : i32 to vector<128x128xi32>
    %add3A_23 = arith.addi %add3A_14, %add3A_22 : vector<128x128xi32>
    %slice3A_24 = vector.extract_strided_slice %get3A_11 {offsets = [0, 128], sizes = [1, 128], strides = [1, 1]} : vector<1x2816xf32> to vector<1x128xf32>
    %slice3A_25 = vector.extract_strided_slice %slice3A_12 {offsets = [0, 128], sizes = [128, 128], strides = [1, 1]} : vector<128x2816xf32> to vector<128x128xf32>
    %add3A_26 = vector.broadcast %slice3A : vector<128x1xf32> to vector<128x128xf32>
    %add3A_27 = vector.broadcast %slice3A_24 : vector<1x128xf32> to vector<128x128xf32>
    %add3A_28 = arith.addf %add3A_26, %add3A_27 : vector<128x128xf32>
    %add3A_29 = arith.addf %add3A_28, %slice3A_25 : vector<128x128xf32>
    %add3A_30 = arith.constant 128 : i32
    %add3A_31 = vector.broadcast %add3A_30 : i32 to vector<128x128xi32>
    %add3A_32 = arith.addi %add3A_14, %add3A_31 : vector<128x128xi32>
    %lt3A = arith.cmpf olt, %add3A_29, %add3A_20 : vector<128x128xf32>
    %select_n3A = arith.select %lt3A, %add3A_29, %add3A_20 : vector<128x128xi1>, vector<128x128xf32>
    %select_n3A_33 = arith.select %lt3A, %add3A_32, %add3A_23 : vector<128x128xi1>, vector<128x128xi32>
    %slice3A_34 = vector.extract_strided_slice %get3A_11 {offsets = [0, 256], sizes = [1, 128], strides = [1, 1]} : vector<1x2816xf32> to vector<1x128xf32>
    %slice3A_35 = vector.extract_strided_slice %slice3A_12 {offsets = [0, 256], sizes = [128, 128], strides = [1, 1]} : vector<128x2816xf32> to vector<128x128xf32>
    %add3A_36 = vector.broadcast %slice3A : vector<128x1xf32> to vector<128x128xf32>
    %add3A_37 = vector.broadcast %slice3A_34 : vector<1x128xf32> to vector<128x128xf32>
    %add3A_38 = arith.addf %add3A_36, %add3A_37 : vector<128x128xf32>
    %add3A_39 = arith.addf %add3A_38, %slice3A_35 : vector<128x128xf32>
    %add3A_40 = arith.constant 256 : i32
    %add3A_41 = vector.broadcast %add3A_40 : i32 to vector<128x128xi32>
    %add3A_42 = arith.addi %add3A_14, %add3A_41 : vector<128x128xi32>
    %lt3A_43 = arith.cmpf olt, %add3A_39, %select_n3A : vector<128x128xf32>
    %select_n3A_44 = arith.select %lt3A_43, %add3A_39, %select_n3A : vector<128x128xi1>, vector<128x128xf32>
    %select_n3A_45 = arith.select %lt3A_43, %add3A_42, %select_n3A_33 : vector<128x128xi1>, vector<128x128xi32>
    %slice3A_46 = vector.extract_strided_slice %get3A_11 {offsets = [0, 384], sizes = [1, 128], strides = [1, 1]} : vector<1x2816xf32> to vector<1x128xf32>
    %slice3A_47 = vector.extract_strided_slice %slice3A_12 {offsets = [0, 384], sizes = [128, 128], strides = [1, 1]} : vector<128x2816xf32> to vector<128x128xf32>
    %add3A_48 = vector.broadcast %slice3A : vector<128x1xf32> to vector<128x128xf32>
    %add3A_49 = vector.broadcast %slice3A_46 : vector<1x128xf32> to vector<128x128xf32>
    %add3A_50 = arith.addf %add3A_48, %add3A_49 : vector<128x128xf32>
    %add3A_51 = arith.addf %add3A_50, %slice3A_47 : vector<128x128xf32>
    %add3A_52 = arith.constant 384 : i32
    %add3A_53 = vector.broadcast %add3A_52 : i32 to vector<128x128xi32>
    %add3A_54 = arith.addi %add3A_14, %add3A_53 : vector<128x128xi32>
    %lt3A_55 = arith.cmpf olt, %add3A_51, %select_n3A_44 : vector<128x128xf32>
    %select_n3A_56 = arith.select %lt3A_55, %add3A_51, %select_n3A_44 : vector<128x128xi1>, vector<128x128xf32>
    %select_n3A_57 = arith.select %lt3A_55, %add3A_54, %select_n3A_45 : vector<128x128xi1>, vector<128x128xi32>
    %slice3A_58 = vector.extract_strided_slice %get3A_11 {offsets = [0, 512], sizes = [1, 128], strides = [1, 1]} : vector<1x2816xf32> to vector<1x128xf32>
    %slice3A_59 = vector.extract_strided_slice %slice3A_12 {offsets = [0, 512], sizes = [128, 128], strides = [1, 1]} : vector<128x2816xf32> to vector<128x128xf32>
    %add3A_60 = vector.broadcast %slice3A : vector<128x1xf32> to vector<128x128xf32>
    %add3A_61 = vector.broadcast %slice3A_58 : vector<1x128xf32> to vector<128x128xf32>
    %add3A_62 = arith.addf %add3A_60, %add3A_61 : vector<128x128xf32>
    %add3A_63 = arith.addf %add3A_62, %slice3A_59 : vector<128x128xf32>
    %add3A_64 = arith.constant 512 : i32
    %add3A_65 = vector.broadcast %add3A_64 : i32 to vector<128x128xi32>
    %add3A_66 = arith.addi %add3A_14, %add3A_65 : vector<128x128xi32>
    %lt3A_67 = arith.cmpf olt, %add3A_63, %select_n3A_56 : vector<128x128xf32>
    %select_n3A_68 = arith.select %lt3A_67, %add3A_63, %select_n3A_56 : vector<128x128xi1>, vector<128x128xf32>
    %select_n3A_69 = arith.select %lt3A_67, %add3A_66, %select_n3A_57 : vector<128x128xi1>, vector<128x128xi32>
    %slice3A_70 = vector.extract_strided_slice %get3A_11 {offsets = [0, 640], sizes = [1, 128], strides = [1, 1]} : vector<1x2816xf32> to vector<1x128xf32>
    %slice3A_71 = vector.extract_strided_slice %slice3A_12 {offsets = [0, 640], sizes = [128, 128], strides = [1, 1]} : vector<128x2816xf32> to vector<128x128xf32>
    %add3A_72 = vector.broadcast %slice3A : vector<128x1xf32> to vector<128x128xf32>
    %add3A_73 = vector.broadcast %slice3A_70 : vector<1x128xf32> to vector<128x128xf32>
    %add3A_74 = arith.addf %add3A_72, %add3A_73 : vector<128x128xf32>
    %add3A_75 = arith.addf %add3A_74, %slice3A_71 : vector<128x128xf32>
    %add3A_76 = arith.constant 640 : i32
    %add3A_77 = vector.broadcast %add3A_76 : i32 to vector<128x128xi32>
    %add3A_78 = arith.addi %add3A_14, %add3A_77 : vector<128x128xi32>
    %lt3A_79 = arith.cmpf olt, %add3A_75, %select_n3A_68 : vector<128x128xf32>
    %select_n3A_80 = arith.select %lt3A_79, %add3A_75, %select_n3A_68 : vector<128x128xi1>, vector<128x128xf32>
    %select_n3A_81 = arith.select %lt3A_79, %add3A_78, %select_n3A_69 : vector<128x128xi1>, vector<128x128xi32>
    %slice3A_82 = vector.extract_strided_slice %get3A_11 {offsets = [0, 768], sizes = [1, 128], strides = [1, 1]} : vector<1x2816xf32> to vector<1x128xf32>
    %slice3A_83 = vector.extract_strided_slice %slice3A_12 {offsets = [0, 768], sizes = [128, 128], strides = [1, 1]} : vector<128x2816xf32> to vector<128x128xf32>
    %add3A_84 = vector.broadcast %slice3A : vector<128x1xf32> to vector<128x128xf32>
    %add3A_85 = vector.broadcast %slice3A_82 : vector<1x128xf32> to vector<128x128xf32>
    %add3A_86 = arith.addf %add3A_84, %add3A_85 : vector<128x128xf32>
    %add3A_87 = arith.addf %add3A_86, %slice3A_83 : vector<128x128xf32>
    %add3A_88 = arith.constant 768 : i32
    %add3A_89 = vector.broadcast %add3A_88 : i32 to vector<128x128xi32>
    %add3A_90 = arith.addi %add3A_14, %add3A_89 : vector<128x128xi32>
    %lt3A_91 = arith.cmpf olt, %add3A_87, %select_n3A_80 : vector<128x128xf32>
    %select_n3A_92 = arith.select %lt3A_91, %add3A_87, %select_n3A_80 : vector<128x128xi1>, vector<128x128xf32>
    %select_n3A_93 = arith.select %lt3A_91, %add3A_90, %select_n3A_81 : vector<128x128xi1>, vector<128x128xi32>
    %slice3A_94 = vector.extract_strided_slice %get3A_11 {offsets = [0, 896], sizes = [1, 128], strides = [1, 1]} : vector<1x2816xf32> to vector<1x128xf32>
    %slice3A_95 = vector.extract_strided_slice %slice3A_12 {offsets = [0, 896], sizes = [128, 128], strides = [1, 1]} : vector<128x2816xf32> to vector<128x128xf32>
    %add3A_96 = vector.broadcast %slice3A : vector<128x1xf32> to vector<128x128xf32>
    %add3A_97 = vector.broadcast %slice3A_94 : vector<1x128xf32> to vector<128x128xf32>
    %add3A_98 = arith.addf %add3A_96, %add3A_97 : vector<128x128xf32>
    %add3A_99 = arith.addf %add3A_98, %slice3A_95 : vector<128x128xf32>
    %add3A_100 = arith.constant 896 : i32
    %add3A_101 = vector.broadcast %add3A_100 : i32 to vector<128x128xi32>
    %add3A_102 = arith.addi %add3A_14, %add3A_101 : vector<128x128xi32>
    %lt3A_103 = arith.cmpf olt, %add3A_99, %select_n3A_92 : vector<128x128xf32>
    %select_n3A_104 = arith.select %lt3A_103, %add3A_99, %select_n3A_92 : vector<128x128xi1>, vector<128x128xf32>
    %select_n3A_105 = arith.select %lt3A_103, %add3A_102, %select_n3A_93 : vector<128x128xi1>, vector<128x128xi32>
    %slice3A_106 = vector.extract_strided_slice %get3A_11 {offsets = [0, 1024], sizes = [1, 128], strides = [1, 1]} : vector<1x2816xf32> to vector<1x128xf32>
    %slice3A_107 = vector.extract_strided_slice %slice3A_12 {offsets = [0, 1024], sizes = [128, 128], strides = [1, 1]} : vector<128x2816xf32> to vector<128x128xf32>
    %add3A_108 = vector.broadcast %slice3A : vector<128x1xf32> to vector<128x128xf32>
    %add3A_109 = vector.broadcast %slice3A_106 : vector<1x128xf32> to vector<128x128xf32>
    %add3A_110 = arith.addf %add3A_108, %add3A_109 : vector<128x128xf32>
    %add3A_111 = arith.addf %add3A_110, %slice3A_107 : vector<128x128xf32>
    %add3A_112 = arith.constant 1024 : i32
    %add3A_113 = vector.broadcast %add3A_112 : i32 to vector<128x128xi32>
    %add3A_114 = arith.addi %add3A_14, %add3A_113 : vector<128x128xi32>
    %lt3A_115 = arith.cmpf olt, %add3A_111, %select_n3A_104 : vector<128x128xf32>
    %select_n3A_116 = arith.select %lt3A_115, %add3A_111, %select_n3A_104 : vector<128x128xi1>, vector<128x128xf32>
    %select_n3A_117 = arith.select %lt3A_115, %add3A_114, %select_n3A_105 : vector<128x128xi1>, vector<128x128xi32>
    %slice3A_118 = vector.extract_strided_slice %get3A_11 {offsets = [0, 1152], sizes = [1, 128], strides = [1, 1]} : vector<1x2816xf32> to vector<1x128xf32>
    %slice3A_119 = vector.extract_strided_slice %slice3A_12 {offsets = [0, 1152], sizes = [128, 128], strides = [1, 1]} : vector<128x2816xf32> to vector<128x128xf32>
    %add3A_120 = vector.broadcast %slice3A : vector<128x1xf32> to vector<128x128xf32>
    %add3A_121 = vector.broadcast %slice3A_118 : vector<1x128xf32> to vector<128x128xf32>
    %add3A_122 = arith.addf %add3A_120, %add3A_121 : vector<128x128xf32>
    %add3A_123 = arith.addf %add3A_122, %slice3A_119 : vector<128x128xf32>
    %add3A_124 = arith.constant 1152 : i32
    %add3A_125 = vector.broadcast %add3A_124 : i32 to vector<128x128xi32>
    %add3A_126 = arith.addi %add3A_14, %add3A_125 : vector<128x128xi32>
    %lt3A_127 = arith.cmpf olt, %add3A_123, %select_n3A_116 : vector<128x128xf32>
    %select_n3A_128 = arith.select %lt3A_127, %add3A_123, %select_n3A_116 : vector<128x128xi1>, vector<128x128xf32>
    %select_n3A_129 = arith.select %lt3A_127, %add3A_126, %select_n3A_117 : vector<128x128xi1>, vector<128x128xi32>
    %slice3A_130 = vector.extract_strided_slice %get3A_11 {offsets = [0, 1280], sizes = [1, 128], strides = [1, 1]} : vector<1x2816xf32> to vector<1x128xf32>
    %slice3A_131 = vector.extract_strided_slice %slice3A_12 {offsets = [0, 1280], sizes = [128, 128], strides = [1, 1]} : vector<128x2816xf32> to vector<128x128xf32>
    %add3A_132 = vector.broadcast %slice3A : vector<128x1xf32> to vector<128x128xf32>
    %add3A_133 = vector.broadcast %slice3A_130 : vector<1x128xf32> to vector<128x128xf32>
    %add3A_134 = arith.addf %add3A_132, %add3A_133 : vector<128x128xf32>
    %add3A_135 = arith.addf %add3A_134, %slice3A_131 : vector<128x128xf32>
    %add3A_136 = arith.constant 1280 : i32
    %add3A_137 = vector.broadcast %add3A_136 : i32 to vector<128x128xi32>
    %add3A_138 = arith.addi %add3A_14, %add3A_137 : vector<128x128xi32>
    %lt3A_139 = arith.cmpf olt, %add3A_135, %select_n3A_128 : vector<128x128xf32>
    %select_n3A_140 = arith.select %lt3A_139, %add3A_135, %select_n3A_128 : vector<128x128xi1>, vector<128x128xf32>
    %select_n3A_141 = arith.select %lt3A_139, %add3A_138, %select_n3A_129 : vector<128x128xi1>, vector<128x128xi32>
    %slice3A_142 = vector.extract_strided_slice %get3A_11 {offsets = [0, 1408], sizes = [1, 128], strides = [1, 1]} : vector<1x2816xf32> to vector<1x128xf32>
    %slice3A_143 = vector.extract_strided_slice %slice3A_12 {offsets = [0, 1408], sizes = [128, 128], strides = [1, 1]} : vector<128x2816xf32> to vector<128x128xf32>
    %add3A_144 = vector.broadcast %slice3A : vector<128x1xf32> to vector<128x128xf32>
    %add3A_145 = vector.broadcast %slice3A_142 : vector<1x128xf32> to vector<128x128xf32>
    %add3A_146 = arith.addf %add3A_144, %add3A_145 : vector<128x128xf32>
    %add3A_147 = arith.addf %add3A_146, %slice3A_143 : vector<128x128xf32>
    %add3A_148 = arith.constant 1408 : i32
    %add3A_149 = vector.broadcast %add3A_148 : i32 to vector<128x128xi32>
    %add3A_150 = arith.addi %add3A_14, %add3A_149 : vector<128x128xi32>
    %lt3A_151 = arith.cmpf olt, %add3A_147, %select_n3A_140 : vector<128x128xf32>
    %select_n3A_152 = arith.select %lt3A_151, %add3A_147, %select_n3A_140 : vector<128x128xi1>, vector<128x128xf32>
    %select_n3A_153 = arith.select %lt3A_151, %add3A_150, %select_n3A_141 : vector<128x128xi1>, vector<128x128xi32>
    %slice3A_154 = vector.extract_strided_slice %get3A_11 {offsets = [0, 1536], sizes = [1, 128], strides = [1, 1]} : vector<1x2816xf32> to vector<1x128xf32>
    %slice3A_155 = vector.extract_strided_slice %slice3A_12 {offsets = [0, 1536], sizes = [128, 128], strides = [1, 1]} : vector<128x2816xf32> to vector<128x128xf32>
    %add3A_156 = vector.broadcast %slice3A : vector<128x1xf32> to vector<128x128xf32>
    %add3A_157 = vector.broadcast %slice3A_154 : vector<1x128xf32> to vector<128x128xf32>
    %add3A_158 = arith.addf %add3A_156, %add3A_157 : vector<128x128xf32>
    %add3A_159 = arith.addf %add3A_158, %slice3A_155 : vector<128x128xf32>
    %add3A_160 = arith.constant 1536 : i32
    %add3A_161 = vector.broadcast %add3A_160 : i32 to vector<128x128xi32>
    %add3A_162 = arith.addi %add3A_14, %add3A_161 : vector<128x128xi32>
    %lt3A_163 = arith.cmpf olt, %add3A_159, %select_n3A_152 : vector<128x128xf32>
    %select_n3A_164 = arith.select %lt3A_163, %add3A_159, %select_n3A_152 : vector<128x128xi1>, vector<128x128xf32>
    %select_n3A_165 = arith.select %lt3A_163, %add3A_162, %select_n3A_153 : vector<128x128xi1>, vector<128x128xi32>
    %slice3A_166 = vector.extract_strided_slice %get3A_11 {offsets = [0, 1664], sizes = [1, 128], strides = [1, 1]} : vector<1x2816xf32> to vector<1x128xf32>
    %slice3A_167 = vector.extract_strided_slice %slice3A_12 {offsets = [0, 1664], sizes = [128, 128], strides = [1, 1]} : vector<128x2816xf32> to vector<128x128xf32>
    %add3A_168 = vector.broadcast %slice3A : vector<128x1xf32> to vector<128x128xf32>
    %add3A_169 = vector.broadcast %slice3A_166 : vector<1x128xf32> to vector<128x128xf32>
    %add3A_170 = arith.addf %add3A_168, %add3A_169 : vector<128x128xf32>
    %add3A_171 = arith.addf %add3A_170, %slice3A_167 : vector<128x128xf32>
    %add3A_172 = arith.constant 1664 : i32
    %add3A_173 = vector.broadcast %add3A_172 : i32 to vector<128x128xi32>
    %add3A_174 = arith.addi %add3A_14, %add3A_173 : vector<128x128xi32>
    %lt3A_175 = arith.cmpf olt, %add3A_171, %select_n3A_164 : vector<128x128xf32>
    %select_n3A_176 = arith.select %lt3A_175, %add3A_171, %select_n3A_164 : vector<128x128xi1>, vector<128x128xf32>
    %select_n3A_177 = arith.select %lt3A_175, %add3A_174, %select_n3A_165 : vector<128x128xi1>, vector<128x128xi32>
    %slice3A_178 = vector.extract_strided_slice %get3A_11 {offsets = [0, 1792], sizes = [1, 128], strides = [1, 1]} : vector<1x2816xf32> to vector<1x128xf32>
    %slice3A_179 = vector.extract_strided_slice %slice3A_12 {offsets = [0, 1792], sizes = [128, 128], strides = [1, 1]} : vector<128x2816xf32> to vector<128x128xf32>
    %add3A_180 = vector.broadcast %slice3A : vector<128x1xf32> to vector<128x128xf32>
    %add3A_181 = vector.broadcast %slice3A_178 : vector<1x128xf32> to vector<128x128xf32>
    %add3A_182 = arith.addf %add3A_180, %add3A_181 : vector<128x128xf32>
    %add3A_183 = arith.addf %add3A_182, %slice3A_179 : vector<128x128xf32>
    %add3A_184 = arith.constant 1792 : i32
    %add3A_185 = vector.broadcast %add3A_184 : i32 to vector<128x128xi32>
    %add3A_186 = arith.addi %add3A_14, %add3A_185 : vector<128x128xi32>
    %lt3A_187 = arith.cmpf olt, %add3A_183, %select_n3A_176 : vector<128x128xf32>
    %select_n3A_188 = arith.select %lt3A_187, %add3A_183, %select_n3A_176 : vector<128x128xi1>, vector<128x128xf32>
    %select_n3A_189 = arith.select %lt3A_187, %add3A_186, %select_n3A_177 : vector<128x128xi1>, vector<128x128xi32>
    %slice3A_190 = vector.extract_strided_slice %get3A_11 {offsets = [0, 1920], sizes = [1, 128], strides = [1, 1]} : vector<1x2816xf32> to vector<1x128xf32>
    %slice3A_191 = vector.extract_strided_slice %slice3A_12 {offsets = [0, 1920], sizes = [128, 128], strides = [1, 1]} : vector<128x2816xf32> to vector<128x128xf32>
    %add3A_192 = vector.broadcast %slice3A : vector<128x1xf32> to vector<128x128xf32>
    %add3A_193 = vector.broadcast %slice3A_190 : vector<1x128xf32> to vector<128x128xf32>
    %add3A_194 = arith.addf %add3A_192, %add3A_193 : vector<128x128xf32>
    %add3A_195 = arith.addf %add3A_194, %slice3A_191 : vector<128x128xf32>
    %add3A_196 = arith.constant 1920 : i32
    %add3A_197 = vector.broadcast %add3A_196 : i32 to vector<128x128xi32>
    %add3A_198 = arith.addi %add3A_14, %add3A_197 : vector<128x128xi32>
    %lt3A_199 = arith.cmpf olt, %add3A_195, %select_n3A_188 : vector<128x128xf32>
    %select_n3A_200 = arith.select %lt3A_199, %add3A_195, %select_n3A_188 : vector<128x128xi1>, vector<128x128xf32>
    %select_n3A_201 = arith.select %lt3A_199, %add3A_198, %select_n3A_189 : vector<128x128xi1>, vector<128x128xi32>
    %slice3A_202 = vector.extract_strided_slice %get3A_11 {offsets = [0, 2048], sizes = [1, 128], strides = [1, 1]} : vector<1x2816xf32> to vector<1x128xf32>
    %slice3A_203 = vector.extract_strided_slice %slice3A_12 {offsets = [0, 2048], sizes = [128, 128], strides = [1, 1]} : vector<128x2816xf32> to vector<128x128xf32>
    %add3A_204 = vector.broadcast %slice3A : vector<128x1xf32> to vector<128x128xf32>
    %add3A_205 = vector.broadcast %slice3A_202 : vector<1x128xf32> to vector<128x128xf32>
    %add3A_206 = arith.addf %add3A_204, %add3A_205 : vector<128x128xf32>
    %add3A_207 = arith.addf %add3A_206, %slice3A_203 : vector<128x128xf32>
    %add3A_208 = arith.constant 2048 : i32
    %add3A_209 = vector.broadcast %add3A_208 : i32 to vector<128x128xi32>
    %add3A_210 = arith.addi %add3A_14, %add3A_209 : vector<128x128xi32>
    %lt3A_211 = arith.cmpf olt, %add3A_207, %select_n3A_200 : vector<128x128xf32>
    %select_n3A_212 = arith.select %lt3A_211, %add3A_207, %select_n3A_200 : vector<128x128xi1>, vector<128x128xf32>
    %select_n3A_213 = arith.select %lt3A_211, %add3A_210, %select_n3A_201 : vector<128x128xi1>, vector<128x128xi32>
    %slice3A_214 = vector.extract_strided_slice %get3A_11 {offsets = [0, 2176], sizes = [1, 128], strides = [1, 1]} : vector<1x2816xf32> to vector<1x128xf32>
    %slice3A_215 = vector.extract_strided_slice %slice3A_12 {offsets = [0, 2176], sizes = [128, 128], strides = [1, 1]} : vector<128x2816xf32> to vector<128x128xf32>
    %add3A_216 = vector.broadcast %slice3A : vector<128x1xf32> to vector<128x128xf32>
    %add3A_217 = vector.broadcast %slice3A_214 : vector<1x128xf32> to vector<128x128xf32>
    %add3A_218 = arith.addf %add3A_216, %add3A_217 : vector<128x128xf32>
    %add3A_219 = arith.addf %add3A_218, %slice3A_215 : vector<128x128xf32>
    %add3A_220 = arith.constant 2176 : i32
    %add3A_221 = vector.broadcast %add3A_220 : i32 to vector<128x128xi32>
    %add3A_222 = arith.addi %add3A_14, %add3A_221 : vector<128x128xi32>
    %lt3A_223 = arith.cmpf olt, %add3A_219, %select_n3A_212 : vector<128x128xf32>
    %select_n3A_224 = arith.select %lt3A_223, %add3A_219, %select_n3A_212 : vector<128x128xi1>, vector<128x128xf32>
    %select_n3A_225 = arith.select %lt3A_223, %add3A_222, %select_n3A_213 : vector<128x128xi1>, vector<128x128xi32>
    %slice3A_226 = vector.extract_strided_slice %get3A_11 {offsets = [0, 2304], sizes = [1, 128], strides = [1, 1]} : vector<1x2816xf32> to vector<1x128xf32>
    %slice3A_227 = vector.extract_strided_slice %slice3A_12 {offsets = [0, 2304], sizes = [128, 128], strides = [1, 1]} : vector<128x2816xf32> to vector<128x128xf32>
    %add3A_228 = vector.broadcast %slice3A : vector<128x1xf32> to vector<128x128xf32>
    %add3A_229 = vector.broadcast %slice3A_226 : vector<1x128xf32> to vector<128x128xf32>
    %add3A_230 = arith.addf %add3A_228, %add3A_229 : vector<128x128xf32>
    %add3A_231 = arith.addf %add3A_230, %slice3A_227 : vector<128x128xf32>
    %add3A_232 = arith.constant 2304 : i32
    %add3A_233 = vector.broadcast %add3A_232 : i32 to vector<128x128xi32>
    %add3A_234 = arith.addi %add3A_14, %add3A_233 : vector<128x128xi32>
    %lt3A_235 = arith.cmpf olt, %add3A_231, %select_n3A_224 : vector<128x128xf32>
    %select_n3A_236 = arith.select %lt3A_235, %add3A_231, %select_n3A_224 : vector<128x128xi1>, vector<128x128xf32>
    %select_n3A_237 = arith.select %lt3A_235, %add3A_234, %select_n3A_225 : vector<128x128xi1>, vector<128x128xi32>
    %slice3A_238 = vector.extract_strided_slice %get3A_11 {offsets = [0, 2432], sizes = [1, 128], strides = [1, 1]} : vector<1x2816xf32> to vector<1x128xf32>
    %slice3A_239 = vector.extract_strided_slice %slice3A_12 {offsets = [0, 2432], sizes = [128, 128], strides = [1, 1]} : vector<128x2816xf32> to vector<128x128xf32>
    %add3A_240 = vector.broadcast %slice3A : vector<128x1xf32> to vector<128x128xf32>
    %add3A_241 = vector.broadcast %slice3A_238 : vector<1x128xf32> to vector<128x128xf32>
    %add3A_242 = arith.addf %add3A_240, %add3A_241 : vector<128x128xf32>
    %add3A_243 = arith.addf %add3A_242, %slice3A_239 : vector<128x128xf32>
    %add3A_244 = arith.constant 2432 : i32
    %add3A_245 = vector.broadcast %add3A_244 : i32 to vector<128x128xi32>
    %add3A_246 = arith.addi %add3A_14, %add3A_245 : vector<128x128xi32>
    %lt3A_247 = arith.cmpf olt, %add3A_243, %select_n3A_236 : vector<128x128xf32>
    %select_n3A_248 = arith.select %lt3A_247, %add3A_243, %select_n3A_236 : vector<128x128xi1>, vector<128x128xf32>
    %select_n3A_249 = arith.select %lt3A_247, %add3A_246, %select_n3A_237 : vector<128x128xi1>, vector<128x128xi32>
    %slice3A_250 = vector.extract_strided_slice %get3A_11 {offsets = [0, 2560], sizes = [1, 128], strides = [1, 1]} : vector<1x2816xf32> to vector<1x128xf32>
    %slice3A_251 = vector.extract_strided_slice %slice3A_12 {offsets = [0, 2560], sizes = [128, 128], strides = [1, 1]} : vector<128x2816xf32> to vector<128x128xf32>
    %add3A_252 = vector.broadcast %slice3A : vector<128x1xf32> to vector<128x128xf32>
    %add3A_253 = vector.broadcast %slice3A_250 : vector<1x128xf32> to vector<128x128xf32>
    %add3A_254 = arith.addf %add3A_252, %add3A_253 : vector<128x128xf32>
    %add3A_255 = arith.addf %add3A_254, %slice3A_251 : vector<128x128xf32>
    %add3A_256 = arith.constant 2560 : i32
    %add3A_257 = vector.broadcast %add3A_256 : i32 to vector<128x128xi32>
    %add3A_258 = arith.addi %add3A_14, %add3A_257 : vector<128x128xi32>
    %lt3A_259 = arith.cmpf olt, %add3A_255, %select_n3A_248 : vector<128x128xf32>
    %select_n3A_260 = arith.select %lt3A_259, %add3A_255, %select_n3A_248 : vector<128x128xi1>, vector<128x128xf32>
    %select_n3A_261 = arith.select %lt3A_259, %add3A_258, %select_n3A_249 : vector<128x128xi1>, vector<128x128xi32>
    %slice3A_262 = vector.extract_strided_slice %get3A_11 {offsets = [0, 2688], sizes = [1, 128], strides = [1, 1]} : vector<1x2816xf32> to vector<1x128xf32>
    %slice3A_263 = vector.extract_strided_slice %slice3A_12 {offsets = [0, 2688], sizes = [128, 128], strides = [1, 1]} : vector<128x2816xf32> to vector<128x128xf32>
    %add3A_264 = vector.broadcast %slice3A : vector<128x1xf32> to vector<128x128xf32>
    %add3A_265 = vector.broadcast %slice3A_262 : vector<1x128xf32> to vector<128x128xf32>
    %add3A_266 = arith.addf %add3A_264, %add3A_265 : vector<128x128xf32>
    %add3A_267 = arith.addf %add3A_266, %slice3A_263 : vector<128x128xf32>
    %add3A_268 = arith.constant 2688 : i32
    %add3A_269 = vector.broadcast %add3A_268 : i32 to vector<128x128xi32>
    %add3A_270 = arith.addi %add3A_14, %add3A_269 : vector<128x128xi32>
    %lt3A_271 = arith.cmpf olt, %add3A_267, %select_n3A_260 : vector<128x128xf32>
    %select_n3A_272 = arith.select %lt3A_271, %add3A_267, %select_n3A_260 : vector<128x128xi1>, vector<128x128xf32>
    %select_n3A_273 = arith.select %lt3A_271, %add3A_270, %select_n3A_261 : vector<128x128xi1>, vector<128x128xi32>
    %reduce_min3A = arith.constant dense<0x7F800000> : vector<128xf32>
    %reduce_min3A_274 = vector.multi_reduction <minimumf>, %select_n3A_272, %reduce_min3A [1] : vector<128x128xf32> to vector<128xf32>
    %broadcast_in_dim3A_275 = vector.shape_cast %reduce_min3A_274 : vector<128xf32> to vector<128x1xf32>
    %eq3A_276 = vector.broadcast %broadcast_in_dim3A_275 : vector<128x1xf32> to vector<128x128xf32>
    %eq3A_277 = arith.cmpf oeq, %select_n3A_272, %eq3A_276 : vector<128x128xf32>
    %jit3A = arith.constant 8192 : i32
    %broadcast_in_dim3A_278 = vector.broadcast %jit3A : i32 to vector<128x128xi32>
    %select_n3A_279 = arith.select %eq3A_277, %select_n3A_273, %broadcast_in_dim3A_278 : vector<128x128xi1>, vector<128x128xi32>
    %reduce_min3A_280 = arith.constant dense<2147483647> : vector<128xi32>
    %reduce_min3A_281 = vector.multi_reduction <minsi>, %select_n3A_279, %reduce_min3A_280 [1] : vector<128x128xi32> to vector<128xi32>
    %broadcast_in_dim3A_282 = vector.shape_cast %reduce_min3A_281 : vector<128xi32> to vector<128x1xi32>
    %slice3A_283 = vector.extract_strided_slice %broadcast_in_dim3A {offsets = [128, 0], sizes = [128, 1], strides = [1, 1]} : vector<512x1xf32> to vector<128x1xf32>
    %slice3A_284 = vector.extract_strided_slice %dot_general3A_8 {offsets = [128, 0], sizes = [128, 2816], strides = [1, 1]} : vector<512x2816xf32> to vector<128x2816xf32>
    %iota3A_285 = tpu.iota {dimensions = array<i32: 1>} : vector<128x128xi32>
    %add3A_286 = arith.constant 0 : i32
    %add3A_287 = vector.broadcast %add3A_286 : i32 to vector<128x128xi32>
    %add3A_288 = arith.addi %iota3A_285, %add3A_287 : vector<128x128xi32>
    %slice3A_289 = vector.extract_strided_slice %get3A_11 {offsets = [0, 0], sizes = [1, 128], strides = [1, 1]} : vector<1x2816xf32> to vector<1x128xf32>
    %slice3A_290 = vector.extract_strided_slice %slice3A_284 {offsets = [0, 0], sizes = [128, 128], strides = [1, 1]} : vector<128x2816xf32> to vector<128x128xf32>
    %add3A_291 = vector.broadcast %slice3A_283 : vector<128x1xf32> to vector<128x128xf32>
    %add3A_292 = vector.broadcast %slice3A_289 : vector<1x128xf32> to vector<128x128xf32>
    %add3A_293 = arith.addf %add3A_291, %add3A_292 : vector<128x128xf32>
    %add3A_294 = arith.addf %add3A_293, %slice3A_290 : vector<128x128xf32>
    %add3A_295 = arith.constant 0 : i32
    %add3A_296 = vector.broadcast %add3A_295 : i32 to vector<128x128xi32>
    %add3A_297 = arith.addi %add3A_288, %add3A_296 : vector<128x128xi32>
    %slice3A_298 = vector.extract_strided_slice %get3A_11 {offsets = [0, 128], sizes = [1, 128], strides = [1, 1]} : vector<1x2816xf32> to vector<1x128xf32>
    %slice3A_299 = vector.extract_strided_slice %slice3A_284 {offsets = [0, 128], sizes = [128, 128], strides = [1, 1]} : vector<128x2816xf32> to vector<128x128xf32>
    %add3A_300 = vector.broadcast %slice3A_283 : vector<128x1xf32> to vector<128x128xf32>
    %add3A_301 = vector.broadcast %slice3A_298 : vector<1x128xf32> to vector<128x128xf32>
    %add3A_302 = arith.addf %add3A_300, %add3A_301 : vector<128x128xf32>
    %add3A_303 = arith.addf %add3A_302, %slice3A_299 : vector<128x128xf32>
    %add3A_304 = arith.constant 128 : i32
    %add3A_305 = vector.broadcast %add3A_304 : i32 to vector<128x128xi32>
    %add3A_306 = arith.addi %add3A_288, %add3A_305 : vector<128x128xi32>
    %lt3A_307 = arith.cmpf olt, %add3A_303, %add3A_294 : vector<128x128xf32>
    %select_n3A_308 = arith.select %lt3A_307, %add3A_303, %add3A_294 : vector<128x128xi1>, vector<128x128xf32>
    %select_n3A_309 = arith.select %lt3A_307, %add3A_306, %add3A_297 : vector<128x128xi1>, vector<128x128xi32>
    %slice3A_310 = vector.extract_strided_slice %get3A_11 {offsets = [0, 256], sizes = [1, 128], strides = [1, 1]} : vector<1x2816xf32> to vector<1x128xf32>
    %slice3A_311 = vector.extract_strided_slice %slice3A_284 {offsets = [0, 256], sizes = [128, 128], strides = [1, 1]} : vector<128x2816xf32> to vector<128x128xf32>
    %add3A_312 = vector.broadcast %slice3A_283 : vector<128x1xf32> to vector<128x128xf32>
    %add3A_313 = vector.broadcast %slice3A_310 : vector<1x128xf32> to vector<128x128xf32>
    %add3A_314 = arith.addf %add3A_312, %add3A_313 : vector<128x128xf32>
    %add3A_315 = arith.addf %add3A_314, %slice3A_311 : vector<128x128xf32>
    %add3A_316 = arith.constant 256 : i32
    %add3A_317 = vector.broadcast %add3A_316 : i32 to vector<128x128xi32>
    %add3A_318 = arith.addi %add3A_288, %add3A_317 : vector<128x128xi32>
    %lt3A_319 = arith.cmpf olt, %add3A_315, %select_n3A_308 : vector<128x128xf32>
    %select_n3A_320 = arith.select %lt3A_319, %add3A_315, %select_n3A_308 : vector<128x128xi1>, vector<128x128xf32>
    %select_n3A_321 = arith.select %lt3A_319, %add3A_318, %select_n3A_309 : vector<128x128xi1>, vector<128x128xi32>
    %slice3A_322 = vector.extract_strided_slice %get3A_11 {offsets = [0, 384], sizes = [1, 128], strides = [1, 1]} : vector<1x2816xf32> to vector<1x128xf32>
    %slice3A_323 = vector.extract_strided_slice %slice3A_284 {offsets = [0, 384], sizes = [128, 128], strides = [1, 1]} : vector<128x2816xf32> to vector<128x128xf32>
    %add3A_324 = vector.broadcast %slice3A_283 : vector<128x1xf32> to vector<128x128xf32>
    %add3A_325 = vector.broadcast %slice3A_322 : vector<1x128xf32> to vector<128x128xf32>
    %add3A_326 = arith.addf %add3A_324, %add3A_325 : vector<128x128xf32>
    %add3A_327 = arith.addf %add3A_326, %slice3A_323 : vector<128x128xf32>
    %add3A_328 = arith.constant 384 : i32
    %add3A_329 = vector.broadcast %add3A_328 : i32 to vector<128x128xi32>
    %add3A_330 = arith.addi %add3A_288, %add3A_329 : vector<128x128xi32>
    %lt3A_331 = arith.cmpf olt, %add3A_327, %select_n3A_320 : vector<128x128xf32>
    %select_n3A_332 = arith.select %lt3A_331, %add3A_327, %select_n3A_320 : vector<128x128xi1>, vector<128x128xf32>
    %select_n3A_333 = arith.select %lt3A_331, %add3A_330, %select_n3A_321 : vector<128x128xi1>, vector<128x128xi32>
    %slice3A_334 = vector.extract_strided_slice %get3A_11 {offsets = [0, 512], sizes = [1, 128], strides = [1, 1]} : vector<1x2816xf32> to vector<1x128xf32>
    %slice3A_335 = vector.extract_strided_slice %slice3A_284 {offsets = [0, 512], sizes = [128, 128], strides = [1, 1]} : vector<128x2816xf32> to vector<128x128xf32>
    %add3A_336 = vector.broadcast %slice3A_283 : vector<128x1xf32> to vector<128x128xf32>
    %add3A_337 = vector.broadcast %slice3A_334 : vector<1x128xf32> to vector<128x128xf32>
    %add3A_338 = arith.addf %add3A_336, %add3A_337 : vector<128x128xf32>
    %add3A_339 = arith.addf %add3A_338, %slice3A_335 : vector<128x128xf32>
    %add3A_340 = arith.constant 512 : i32
    %add3A_341 = vector.broadcast %add3A_340 : i32 to vector<128x128xi32>
    %add3A_342 = arith.addi %add3A_288, %add3A_341 : vector<128x128xi32>
    %lt3A_343 = arith.cmpf olt, %add3A_339, %select_n3A_332 : vector<128x128xf32>
    %select_n3A_344 = arith.select %lt3A_343, %add3A_339, %select_n3A_332 : vector<128x128xi1>, vector<128x128xf32>
    %select_n3A_345 = arith.select %lt3A_343, %add3A_342, %select_n3A_333 : vector<128x128xi1>, vector<128x128xi32>
    %slice3A_346 = vector.extract_strided_slice %get3A_11 {offsets = [0, 640], sizes = [1, 128], strides = [1, 1]} : vector<1x2816xf32> to vector<1x128xf32>
    %slice3A_347 = vector.extract_strided_slice %slice3A_284 {offsets = [0, 640], sizes = [128, 128], strides = [1, 1]} : vector<128x2816xf32> to vector<128x128xf32>
    %add3A_348 = vector.broadcast %slice3A_283 : vector<128x1xf32> to vector<128x128xf32>
    %add3A_349 = vector.broadcast %slice3A_346 : vector<1x128xf32> to vector<128x128xf32>
    %add3A_350 = arith.addf %add3A_348, %add3A_349 : vector<128x128xf32>
    %add3A_351 = arith.addf %add3A_350, %slice3A_347 : vector<128x128xf32>
    %add3A_352 = arith.constant 640 : i32
    %add3A_353 = vector.broadcast %add3A_352 : i32 to vector<128x128xi32>
    %add3A_354 = arith.addi %add3A_288, %add3A_353 : vector<128x128xi32>
    %lt3A_355 = arith.cmpf olt, %add3A_351, %select_n3A_344 : vector<128x128xf32>
    %select_n3A_356 = arith.select %lt3A_355, %add3A_351, %select_n3A_344 : vector<128x128xi1>, vector<128x128xf32>
    %select_n3A_357 = arith.select %lt3A_355, %add3A_354, %select_n3A_345 : vector<128x128xi1>, vector<128x128xi32>
    %slice3A_358 = vector.extract_strided_slice %get3A_11 {offsets = [0, 768], sizes = [1, 128], strides = [1, 1]} : vector<1x2816xf32> to vector<1x128xf32>
    %slice3A_359 = vector.extract_strided_slice %slice3A_284 {offsets = [0, 768], sizes = [128, 128], strides = [1, 1]} : vector<128x2816xf32> to vector<128x128xf32>
    %add3A_360 = vector.broadcast %slice3A_283 : vector<128x1xf32> to vector<128x128xf32>
    %add3A_361 = vector.broadcast %slice3A_358 : vector<1x128xf32> to vector<128x128xf32>
    %add3A_362 = arith.addf %add3A_360, %add3A_361 : vector<128x128xf32>
    %add3A_363 = arith.addf %add3A_362, %slice3A_359 : vector<128x128xf32>
    %add3A_364 = arith.constant 768 : i32
    %add3A_365 = vector.broadcast %add3A_364 : i32 to vector<128x128xi32>
    %add3A_366 = arith.addi %add3A_288, %add3A_365 : vector<128x128xi32>
    %lt3A_367 = arith.cmpf olt, %add3A_363, %select_n3A_356 : vector<128x128xf32>
    %select_n3A_368 = arith.select %lt3A_367, %add3A_363, %select_n3A_356 : vector<128x128xi1>, vector<128x128xf32>
    %select_n3A_369 = arith.select %lt3A_367, %add3A_366, %select_n3A_357 : vector<128x128xi1>, vector<128x128xi32>
    %slice3A_370 = vector.extract_strided_slice %get3A_11 {offsets = [0, 896], sizes = [1, 128], strides = [1, 1]} : vector<1x2816xf32> to vector<1x128xf32>
    %slice3A_371 = vector.extract_strided_slice %slice3A_284 {offsets = [0, 896], sizes = [128, 128], strides = [1, 1]} : vector<128x2816xf32> to vector<128x128xf32>
    %add3A_372 = vector.broadcast %slice3A_283 : vector<128x1xf32> to vector<128x128xf32>
    %add3A_373 = vector.broadcast %slice3A_370 : vector<1x128xf32> to vector<128x128xf32>
    %add3A_374 = arith.addf %add3A_372, %add3A_373 : vector<128x128xf32>
    %add3A_375 = arith.addf %add3A_374, %slice3A_371 : vector<128x128xf32>
    %add3A_376 = arith.constant 896 : i32
    %add3A_377 = vector.broadcast %add3A_376 : i32 to vector<128x128xi32>
    %add3A_378 = arith.addi %add3A_288, %add3A_377 : vector<128x128xi32>
    %lt3A_379 = arith.cmpf olt, %add3A_375, %select_n3A_368 : vector<128x128xf32>
    %select_n3A_380 = arith.select %lt3A_379, %add3A_375, %select_n3A_368 : vector<128x128xi1>, vector<128x128xf32>
    %select_n3A_381 = arith.select %lt3A_379, %add3A_378, %select_n3A_369 : vector<128x128xi1>, vector<128x128xi32>
    %slice3A_382 = vector.extract_strided_slice %get3A_11 {offsets = [0, 1024], sizes = [1, 128], strides = [1, 1]} : vector<1x2816xf32> to vector<1x128xf32>
    %slice3A_383 = vector.extract_strided_slice %slice3A_284 {offsets = [0, 1024], sizes = [128, 128], strides = [1, 1]} : vector<128x2816xf32> to vector<128x128xf32>
    %add3A_384 = vector.broadcast %slice3A_283 : vector<128x1xf32> to vector<128x128xf32>
    %add3A_385 = vector.broadcast %slice3A_382 : vector<1x128xf32> to vector<128x128xf32>
    %add3A_386 = arith.addf %add3A_384, %add3A_385 : vector<128x128xf32>
    %add3A_387 = arith.addf %add3A_386, %slice3A_383 : vector<128x128xf32>
    %add3A_388 = arith.constant 1024 : i32
    %add3A_389 = vector.broadcast %add3A_388 : i32 to vector<128x128xi32>
    %add3A_390 = arith.addi %add3A_288, %add3A_389 : vector<128x128xi32>
    %lt3A_391 = arith.cmpf olt, %add3A_387, %select_n3A_380 : vector<128x128xf32>
    %select_n3A_392 = arith.select %lt3A_391, %add3A_387, %select_n3A_380 : vector<128x128xi1>, vector<128x128xf32>
    %select_n3A_393 = arith.select %lt3A_391, %add3A_390, %select_n3A_381 : vector<128x128xi1>, vector<128x128xi32>
    %slice3A_394 = vector.extract_strided_slice %get3A_11 {offsets = [0, 1152], sizes = [1, 128], strides = [1, 1]} : vector<1x2816xf32> to vector<1x128xf32>
    %slice3A_395 = vector.extract_strided_slice %slice3A_284 {offsets = [0, 1152], sizes = [128, 128], strides = [1, 1]} : vector<128x2816xf32> to vector<128x128xf32>
    %add3A_396 = vector.broadcast %slice3A_283 : vector<128x1xf32> to vector<128x128xf32>
    %add3A_397 = vector.broadcast %slice3A_394 : vector<1x128xf32> to vector<128x128xf32>
    %add3A_398 = arith.addf %add3A_396, %add3A_397 : vector<128x128xf32>
    %add3A_399 = arith.addf %add3A_398, %slice3A_395 : vector<128x128xf32>
    %add3A_400 = arith.constant 1152 : i32
    %add3A_401 = vector.broadcast %add3A_400 : i32 to vector<128x128xi32>
    %add3A_402 = arith.addi %add3A_288, %add3A_401 : vector<128x128xi32>
    %lt3A_403 = arith.cmpf olt, %add3A_399, %select_n3A_392 : vector<128x128xf32>
    %select_n3A_404 = arith.select %lt3A_403, %add3A_399, %select_n3A_392 : vector<128x128xi1>, vector<128x128xf32>
    %select_n3A_405 = arith.select %lt3A_403, %add3A_402, %select_n3A_393 : vector<128x128xi1>, vector<128x128xi32>
    %slice3A_406 = vector.extract_strided_slice %get3A_11 {offsets = [0, 1280], sizes = [1, 128], strides = [1, 1]} : vector<1x2816xf32> to vector<1x128xf32>
    %slice3A_407 = vector.extract_strided_slice %slice3A_284 {offsets = [0, 1280], sizes = [128, 128], strides = [1, 1]} : vector<128x2816xf32> to vector<128x128xf32>
    %add3A_408 = vector.broadcast %slice3A_283 : vector<128x1xf32> to vector<128x128xf32>
    %add3A_409 = vector.broadcast %slice3A_406 : vector<1x128xf32> to vector<128x128xf32>
    %add3A_410 = arith.addf %add3A_408, %add3A_409 : vector<128x128xf32>
    %add3A_411 = arith.addf %add3A_410, %slice3A_407 : vector<128x128xf32>
    %add3A_412 = arith.constant 1280 : i32
    %add3A_413 = vector.broadcast %add3A_412 : i32 to vector<128x128xi32>
    %add3A_414 = arith.addi %add3A_288, %add3A_413 : vector<128x128xi32>
    %lt3A_415 = arith.cmpf olt, %add3A_411, %select_n3A_404 : vector<128x128xf32>
    %select_n3A_416 = arith.select %lt3A_415, %add3A_411, %select_n3A_404 : vector<128x128xi1>, vector<128x128xf32>
    %select_n3A_417 = arith.select %lt3A_415, %add3A_414, %select_n3A_405 : vector<128x128xi1>, vector<128x128xi32>
    %slice3A_418 = vector.extract_strided_slice %get3A_11 {offsets = [0, 1408], sizes = [1, 128], strides = [1, 1]} : vector<1x2816xf32> to vector<1x128xf32>
    %slice3A_419 = vector.extract_strided_slice %slice3A_284 {offsets = [0, 1408], sizes = [128, 128], strides = [1, 1]} : vector<128x2816xf32> to vector<128x128xf32>
    %add3A_420 = vector.broadcast %slice3A_283 : vector<128x1xf32> to vector<128x128xf32>
    %add3A_421 = vector.broadcast %slice3A_418 : vector<1x128xf32> to vector<128x128xf32>
    %add3A_422 = arith.addf %add3A_420, %add3A_421 : vector<128x128xf32>
    %add3A_423 = arith.addf %add3A_422, %slice3A_419 : vector<128x128xf32>
    %add3A_424 = arith.constant 1408 : i32
    %add3A_425 = vector.broadcast %add3A_424 : i32 to vector<128x128xi32>
    %add3A_426 = arith.addi %add3A_288, %add3A_425 : vector<128x128xi32>
    %lt3A_427 = arith.cmpf olt, %add3A_423, %select_n3A_416 : vector<128x128xf32>
    %select_n3A_428 = arith.select %lt3A_427, %add3A_423, %select_n3A_416 : vector<128x128xi1>, vector<128x128xf32>
    %select_n3A_429 = arith.select %lt3A_427, %add3A_426, %select_n3A_417 : vector<128x128xi1>, vector<128x128xi32>
    %slice3A_430 = vector.extract_strided_slice %get3A_11 {offsets = [0, 1536], sizes = [1, 128], strides = [1, 1]} : vector<1x2816xf32> to vector<1x128xf32>
    %slice3A_431 = vector.extract_strided_slice %slice3A_284 {offsets = [0, 1536], sizes = [128, 128], strides = [1, 1]} : vector<128x2816xf32> to vector<128x128xf32>
    %add3A_432 = vector.broadcast %slice3A_283 : vector<128x1xf32> to vector<128x128xf32>
    %add3A_433 = vector.broadcast %slice3A_430 : vector<1x128xf32> to vector<128x128xf32>
    %add3A_434 = arith.addf %add3A_432, %add3A_433 : vector<128x128xf32>
    %add3A_435 = arith.addf %add3A_434, %slice3A_431 : vector<128x128xf32>
    %add3A_436 = arith.constant 1536 : i32
    %add3A_437 = vector.broadcast %add3A_436 : i32 to vector<128x128xi32>
    %add3A_438 = arith.addi %add3A_288, %add3A_437 : vector<128x128xi32>
    %lt3A_439 = arith.cmpf olt, %add3A_435, %select_n3A_428 : vector<128x128xf32>
    %select_n3A_440 = arith.select %lt3A_439, %add3A_435, %select_n3A_428 : vector<128x128xi1>, vector<128x128xf32>
    %select_n3A_441 = arith.select %lt3A_439, %add3A_438, %select_n3A_429 : vector<128x128xi1>, vector<128x128xi32>
    %slice3A_442 = vector.extract_strided_slice %get3A_11 {offsets = [0, 1664], sizes = [1, 128], strides = [1, 1]} : vector<1x2816xf32> to vector<1x128xf32>
    %slice3A_443 = vector.extract_strided_slice %slice3A_284 {offsets = [0, 1664], sizes = [128, 128], strides = [1, 1]} : vector<128x2816xf32> to vector<128x128xf32>
    %add3A_444 = vector.broadcast %slice3A_283 : vector<128x1xf32> to vector<128x128xf32>
    %add3A_445 = vector.broadcast %slice3A_442 : vector<1x128xf32> to vector<128x128xf32>
    %add3A_446 = arith.addf %add3A_444, %add3A_445 : vector<128x128xf32>
    %add3A_447 = arith.addf %add3A_446, %slice3A_443 : vector<128x128xf32>
    %add3A_448 = arith.constant 1664 : i32
    %add3A_449 = vector.broadcast %add3A_448 : i32 to vector<128x128xi32>
    %add3A_450 = arith.addi %add3A_288, %add3A_449 : vector<128x128xi32>
    %lt3A_451 = arith.cmpf olt, %add3A_447, %select_n3A_440 : vector<128x128xf32>
    %select_n3A_452 = arith.select %lt3A_451, %add3A_447, %select_n3A_440 : vector<128x128xi1>, vector<128x128xf32>
    %select_n3A_453 = arith.select %lt3A_451, %add3A_450, %select_n3A_441 : vector<128x128xi1>, vector<128x128xi32>
    %slice3A_454 = vector.extract_strided_slice %get3A_11 {offsets = [0, 1792], sizes = [1, 128], strides = [1, 1]} : vector<1x2816xf32> to vector<1x128xf32>
    %slice3A_455 = vector.extract_strided_slice %slice3A_284 {offsets = [0, 1792], sizes = [128, 128], strides = [1, 1]} : vector<128x2816xf32> to vector<128x128xf32>
    %add3A_456 = vector.broadcast %slice3A_283 : vector<128x1xf32> to vector<128x128xf32>
    %add3A_457 = vector.broadcast %slice3A_454 : vector<1x128xf32> to vector<128x128xf32>
    %add3A_458 = arith.addf %add3A_456, %add3A_457 : vector<128x128xf32>
    %add3A_459 = arith.addf %add3A_458, %slice3A_455 : vector<128x128xf32>
    %add3A_460 = arith.constant 1792 : i32
    %add3A_461 = vector.broadcast %add3A_460 : i32 to vector<128x128xi32>
    %add3A_462 = arith.addi %add3A_288, %add3A_461 : vector<128x128xi32>
    %lt3A_463 = arith.cmpf olt, %add3A_459, %select_n3A_452 : vector<128x128xf32>
    %select_n3A_464 = arith.select %lt3A_463, %add3A_459, %select_n3A_452 : vector<128x128xi1>, vector<128x128xf32>
    %select_n3A_465 = arith.select %lt3A_463, %add3A_462, %select_n3A_453 : vector<128x128xi1>, vector<128x128xi32>
    %slice3A_466 = vector.extract_strided_slice %get3A_11 {offsets = [0, 1920], sizes = [1, 128], strides = [1, 1]} : vector<1x2816xf32> to vector<1x128xf32>
    %slice3A_467 = vector.extract_strided_slice %slice3A_284 {offsets = [0, 1920], sizes = [128, 128], strides = [1, 1]} : vector<128x2816xf32> to vector<128x128xf32>
    %add3A_468 = vector.broadcast %slice3A_283 : vector<128x1xf32> to vector<128x128xf32>
    %add3A_469 = vector.broadcast %slice3A_466 : vector<1x128xf32> to vector<128x128xf32>
    %add3A_470 = arith.addf %add3A_468, %add3A_469 : vector<128x128xf32>
    %add3A_471 = arith.addf %add3A_470, %slice3A_467 : vector<128x128xf32>
    %add3A_472 = arith.constant 1920 : i32
    %add3A_473 = vector.broadcast %add3A_472 : i32 to vector<128x128xi32>
    %add3A_474 = arith.addi %add3A_288, %add3A_473 : vector<128x128xi32>
    %lt3A_475 = arith.cmpf olt, %add3A_471, %select_n3A_464 : vector<128x128xf32>
    %select_n3A_476 = arith.select %lt3A_475, %add3A_471, %select_n3A_464 : vector<128x128xi1>, vector<128x128xf32>
    %select_n3A_477 = arith.select %lt3A_475, %add3A_474, %select_n3A_465 : vector<128x128xi1>, vector<128x128xi32>
    %slice3A_478 = vector.extract_strided_slice %get3A_11 {offsets = [0, 2048], sizes = [1, 128], strides = [1, 1]} : vector<1x2816xf32> to vector<1x128xf32>
    %slice3A_479 = vector.extract_strided_slice %slice3A_284 {offsets = [0, 2048], sizes = [128, 128], strides = [1, 1]} : vector<128x2816xf32> to vector<128x128xf32>
    %add3A_480 = vector.broadcast %slice3A_283 : vector<128x1xf32> to vector<128x128xf32>
    %add3A_481 = vector.broadcast %slice3A_478 : vector<1x128xf32> to vector<128x128xf32>
    %add3A_482 = arith.addf %add3A_480, %add3A_481 : vector<128x128xf32>
    %add3A_483 = arith.addf %add3A_482, %slice3A_479 : vector<128x128xf32>
    %add3A_484 = arith.constant 2048 : i32
    %add3A_485 = vector.broadcast %add3A_484 : i32 to vector<128x128xi32>
    %add3A_486 = arith.addi %add3A_288, %add3A_485 : vector<128x128xi32>
    %lt3A_487 = arith.cmpf olt, %add3A_483, %select_n3A_476 : vector<128x128xf32>
    %select_n3A_488 = arith.select %lt3A_487, %add3A_483, %select_n3A_476 : vector<128x128xi1>, vector<128x128xf32>
    %select_n3A_489 = arith.select %lt3A_487, %add3A_486, %select_n3A_477 : vector<128x128xi1>, vector<128x128xi32>
    %slice3A_490 = vector.extract_strided_slice %get3A_11 {offsets = [0, 2176], sizes = [1, 128], strides = [1, 1]} : vector<1x2816xf32> to vector<1x128xf32>
    %slice3A_491 = vector.extract_strided_slice %slice3A_284 {offsets = [0, 2176], sizes = [128, 128], strides = [1, 1]} : vector<128x2816xf32> to vector<128x128xf32>
    %add3A_492 = vector.broadcast %slice3A_283 : vector<128x1xf32> to vector<128x128xf32>
    %add3A_493 = vector.broadcast %slice3A_490 : vector<1x128xf32> to vector<128x128xf32>
    %add3A_494 = arith.addf %add3A_492, %add3A_493 : vector<128x128xf32>
    %add3A_495 = arith.addf %add3A_494, %slice3A_491 : vector<128x128xf32>
    %add3A_496 = arith.constant 2176 : i32
    %add3A_497 = vector.broadcast %add3A_496 : i32 to vector<128x128xi32>
    %add3A_498 = arith.addi %add3A_288, %add3A_497 : vector<128x128xi32>
    %lt3A_499 = arith.cmpf olt, %add3A_495, %select_n3A_488 : vector<128x128xf32>
    %select_n3A_500 = arith.select %lt3A_499, %add3A_495, %select_n3A_488 : vector<128x128xi1>, vector<128x128xf32>
    %select_n3A_501 = arith.select %lt3A_499, %add3A_498, %select_n3A_489 : vector<128x128xi1>, vector<128x128xi32>
    %slice3A_502 = vector.extract_strided_slice %get3A_11 {offsets = [0, 2304], sizes = [1, 128], strides = [1, 1]} : vector<1x2816xf32> to vector<1x128xf32>
    %slice3A_503 = vector.extract_strided_slice %slice3A_284 {offsets = [0, 2304], sizes = [128, 128], strides = [1, 1]} : vector<128x2816xf32> to vector<128x128xf32>
    %add3A_504 = vector.broadcast %slice3A_283 : vector<128x1xf32> to vector<128x128xf32>
    %add3A_505 = vector.broadcast %slice3A_502 : vector<1x128xf32> to vector<128x128xf32>
    %add3A_506 = arith.addf %add3A_504, %add3A_505 : vector<128x128xf32>
    %add3A_507 = arith.addf %add3A_506, %slice3A_503 : vector<128x128xf32>
    %add3A_508 = arith.constant 2304 : i32
    %add3A_509 = vector.broadcast %add3A_508 : i32 to vector<128x128xi32>
    %add3A_510 = arith.addi %add3A_288, %add3A_509 : vector<128x128xi32>
    %lt3A_511 = arith.cmpf olt, %add3A_507, %select_n3A_500 : vector<128x128xf32>
    %select_n3A_512 = arith.select %lt3A_511, %add3A_507, %select_n3A_500 : vector<128x128xi1>, vector<128x128xf32>
    %select_n3A_513 = arith.select %lt3A_511, %add3A_510, %select_n3A_501 : vector<128x128xi1>, vector<128x128xi32>
    %slice3A_514 = vector.extract_strided_slice %get3A_11 {offsets = [0, 2432], sizes = [1, 128], strides = [1, 1]} : vector<1x2816xf32> to vector<1x128xf32>
    %slice3A_515 = vector.extract_strided_slice %slice3A_284 {offsets = [0, 2432], sizes = [128, 128], strides = [1, 1]} : vector<128x2816xf32> to vector<128x128xf32>
    %add3A_516 = vector.broadcast %slice3A_283 : vector<128x1xf32> to vector<128x128xf32>
    %add3A_517 = vector.broadcast %slice3A_514 : vector<1x128xf32> to vector<128x128xf32>
    %add3A_518 = arith.addf %add3A_516, %add3A_517 : vector<128x128xf32>
    %add3A_519 = arith.addf %add3A_518, %slice3A_515 : vector<128x128xf32>
    %add3A_520 = arith.constant 2432 : i32
    %add3A_521 = vector.broadcast %add3A_520 : i32 to vector<128x128xi32>
    %add3A_522 = arith.addi %add3A_288, %add3A_521 : vector<128x128xi32>
    %lt3A_523 = arith.cmpf olt, %add3A_519, %select_n3A_512 : vector<128x128xf32>
    %select_n3A_524 = arith.select %lt3A_523, %add3A_519, %select_n3A_512 : vector<128x128xi1>, vector<128x128xf32>
    %select_n3A_525 = arith.select %lt3A_523, %add3A_522, %select_n3A_513 : vector<128x128xi1>, vector<128x128xi32>
    %slice3A_526 = vector.extract_strided_slice %get3A_11 {offsets = [0, 2560], sizes = [1, 128], strides = [1, 1]} : vector<1x2816xf32> to vector<1x128xf32>
    %slice3A_527 = vector.extract_strided_slice %slice3A_284 {offsets = [0, 2560], sizes = [128, 128], strides = [1, 1]} : vector<128x2816xf32> to vector<128x128xf32>
    %add3A_528 = vector.broadcast %slice3A_283 : vector<128x1xf32> to vector<128x128xf32>
    %add3A_529 = vector.broadcast %slice3A_526 : vector<1x128xf32> to vector<128x128xf32>
    %add3A_530 = arith.addf %add3A_528, %add3A_529 : vector<128x128xf32>
    %add3A_531 = arith.addf %add3A_530, %slice3A_527 : vector<128x128xf32>
    %add3A_532 = arith.constant 2560 : i32
    %add3A_533 = vector.broadcast %add3A_532 : i32 to vector<128x128xi32>
    %add3A_534 = arith.addi %add3A_288, %add3A_533 : vector<128x128xi32>
    %lt3A_535 = arith.cmpf olt, %add3A_531, %select_n3A_524 : vector<128x128xf32>
    %select_n3A_536 = arith.select %lt3A_535, %add3A_531, %select_n3A_524 : vector<128x128xi1>, vector<128x128xf32>
    %select_n3A_537 = arith.select %lt3A_535, %add3A_534, %select_n3A_525 : vector<128x128xi1>, vector<128x128xi32>
    %slice3A_538 = vector.extract_strided_slice %get3A_11 {offsets = [0, 2688], sizes = [1, 128], strides = [1, 1]} : vector<1x2816xf32> to vector<1x128xf32>
    %slice3A_539 = vector.extract_strided_slice %slice3A_284 {offsets = [0, 2688], sizes = [128, 128], strides = [1, 1]} : vector<128x2816xf32> to vector<128x128xf32>
    %add3A_540 = vector.broadcast %slice3A_283 : vector<128x1xf32> to vector<128x128xf32>
    %add3A_541 = vector.broadcast %slice3A_538 : vector<1x128xf32> to vector<128x128xf32>
    %add3A_542 = arith.addf %add3A_540, %add3A_541 : vector<128x128xf32>
    %add3A_543 = arith.addf %add3A_542, %slice3A_539 : vector<128x128xf32>
    %add3A_544 = arith.constant 2688 : i32
    %add3A_545 = vector.broadcast %add3A_544 : i32 to vector<128x128xi32>
    %add3A_546 = arith.addi %add3A_288, %add3A_545 : vector<128x128xi32>
    %lt3A_547 = arith.cmpf olt, %add3A_543, %select_n3A_536 : vector<128x128xf32>
    %select_n3A_548 = arith.select %lt3A_547, %add3A_543, %select_n3A_536 : vector<128x128xi1>, vector<128x128xf32>
    %select_n3A_549 = arith.select %lt3A_547, %add3A_546, %select_n3A_537 : vector<128x128xi1>, vector<128x128xi32>
    %reduce_min3A_550 = arith.constant dense<0x7F800000> : vector<128xf32>
    %reduce_min3A_551 = vector.multi_reduction <minimumf>, %select_n3A_548, %reduce_min3A_550 [1] : vector<128x128xf32> to vector<128xf32>
    %broadcast_in_dim3A_552 = vector.shape_cast %reduce_min3A_551 : vector<128xf32> to vector<128x1xf32>
    %eq3A_553 = vector.broadcast %broadcast_in_dim3A_552 : vector<128x1xf32> to vector<128x128xf32>
    %eq3A_554 = arith.cmpf oeq, %select_n3A_548, %eq3A_553 : vector<128x128xf32>
    %jit3A_555 = arith.constant 8192 : i32
    %broadcast_in_dim3A_556 = vector.broadcast %jit3A_555 : i32 to vector<128x128xi32>
    %select_n3A_557 = arith.select %eq3A_554, %select_n3A_549, %broadcast_in_dim3A_556 : vector<128x128xi1>, vector<128x128xi32>
    %reduce_min3A_558 = arith.constant dense<2147483647> : vector<128xi32>
    %reduce_min3A_559 = vector.multi_reduction <minsi>, %select_n3A_557, %reduce_min3A_558 [1] : vector<128x128xi32> to vector<128xi32>
    %broadcast_in_dim3A_560 = vector.shape_cast %reduce_min3A_559 : vector<128xi32> to vector<128x1xi32>
    %slice3A_561 = vector.extract_strided_slice %broadcast_in_dim3A {offsets = [256, 0], sizes = [128, 1], strides = [1, 1]} : vector<512x1xf32> to vector<128x1xf32>
    %slice3A_562 = vector.extract_strided_slice %dot_general3A_8 {offsets = [256, 0], sizes = [128, 2816], strides = [1, 1]} : vector<512x2816xf32> to vector<128x2816xf32>
    %iota3A_563 = tpu.iota {dimensions = array<i32: 1>} : vector<128x128xi32>
    %add3A_564 = arith.constant 0 : i32
    %add3A_565 = vector.broadcast %add3A_564 : i32 to vector<128x128xi32>
    %add3A_566 = arith.addi %iota3A_563, %add3A_565 : vector<128x128xi32>
    %slice3A_567 = vector.extract_strided_slice %get3A_11 {offsets = [0, 0], sizes = [1, 128], strides = [1, 1]} : vector<1x2816xf32> to vector<1x128xf32>
    %slice3A_568 = vector.extract_strided_slice %slice3A_562 {offsets = [0, 0], sizes = [128, 128], strides = [1, 1]} : vector<128x2816xf32> to vector<128x128xf32>
    %add3A_569 = vector.broadcast %slice3A_561 : vector<128x1xf32> to vector<128x128xf32>
    %add3A_570 = vector.broadcast %slice3A_567 : vector<1x128xf32> to vector<128x128xf32>
    %add3A_571 = arith.addf %add3A_569, %add3A_570 : vector<128x128xf32>
    %add3A_572 = arith.addf %add3A_571, %slice3A_568 : vector<128x128xf32>
    %add3A_573 = arith.constant 0 : i32
    %add3A_574 = vector.broadcast %add3A_573 : i32 to vector<128x128xi32>
    %add3A_575 = arith.addi %add3A_566, %add3A_574 : vector<128x128xi32>
    %slice3A_576 = vector.extract_strided_slice %get3A_11 {offsets = [0, 128], sizes = [1, 128], strides = [1, 1]} : vector<1x2816xf32> to vector<1x128xf32>
    %slice3A_577 = vector.extract_strided_slice %slice3A_562 {offsets = [0, 128], sizes = [128, 128], strides = [1, 1]} : vector<128x2816xf32> to vector<128x128xf32>
    %add3A_578 = vector.broadcast %slice3A_561 : vector<128x1xf32> to vector<128x128xf32>
    %add3A_579 = vector.broadcast %slice3A_576 : vector<1x128xf32> to vector<128x128xf32>
    %add3A_580 = arith.addf %add3A_578, %add3A_579 : vector<128x128xf32>
    %add3A_581 = arith.addf %add3A_580, %slice3A_577 : vector<128x128xf32>
    %add3A_582 = arith.constant 128 : i32
    %add3A_583 = vector.broadcast %add3A_582 : i32 to vector<128x128xi32>
    %add3A_584 = arith.addi %add3A_566, %add3A_583 : vector<128x128xi32>
    %lt3A_585 = arith.cmpf olt, %add3A_581, %add3A_572 : vector<128x128xf32>
    %select_n3A_586 = arith.select %lt3A_585, %add3A_581, %add3A_572 : vector<128x128xi1>, vector<128x128xf32>
    %select_n3A_587 = arith.select %lt3A_585, %add3A_584, %add3A_575 : vector<128x128xi1>, vector<128x128xi32>
    %slice3A_588 = vector.extract_strided_slice %get3A_11 {offsets = [0, 256], sizes = [1, 128], strides = [1, 1]} : vector<1x2816xf32> to vector<1x128xf32>
    %slice3A_589 = vector.extract_strided_slice %slice3A_562 {offsets = [0, 256], sizes = [128, 128], strides = [1, 1]} : vector<128x2816xf32> to vector<128x128xf32>
    %add3A_590 = vector.broadcast %slice3A_561 : vector<128x1xf32> to vector<128x128xf32>
    %add3A_591 = vector.broadcast %slice3A_588 : vector<1x128xf32> to vector<128x128xf32>
    %add3A_592 = arith.addf %add3A_590, %add3A_591 : vector<128x128xf32>
    %add3A_593 = arith.addf %add3A_592, %slice3A_589 : vector<128x128xf32>
    %add3A_594 = arith.constant 256 : i32
    %add3A_595 = vector.broadcast %add3A_594 : i32 to vector<128x128xi32>
    %add3A_596 = arith.addi %add3A_566, %add3A_595 : vector<128x128xi32>
    %lt3A_597 = arith.cmpf olt, %add3A_593, %select_n3A_586 : vector<128x128xf32>
    %select_n3A_598 = arith.select %lt3A_597, %add3A_593, %select_n3A_586 : vector<128x128xi1>, vector<128x128xf32>
    %select_n3A_599 = arith.select %lt3A_597, %add3A_596, %select_n3A_587 : vector<128x128xi1>, vector<128x128xi32>
    %slice3A_600 = vector.extract_strided_slice %get3A_11 {offsets = [0, 384], sizes = [1, 128], strides = [1, 1]} : vector<1x2816xf32> to vector<1x128xf32>
    %slice3A_601 = vector.extract_strided_slice %slice3A_562 {offsets = [0, 384], sizes = [128, 128], strides = [1, 1]} : vector<128x2816xf32> to vector<128x128xf32>
    %add3A_602 = vector.broadcast %slice3A_561 : vector<128x1xf32> to vector<128x128xf32>
    %add3A_603 = vector.broadcast %slice3A_600 : vector<1x128xf32> to vector<128x128xf32>
    %add3A_604 = arith.addf %add3A_602, %add3A_603 : vector<128x128xf32>
    %add3A_605 = arith.addf %add3A_604, %slice3A_601 : vector<128x128xf32>
    %add3A_606 = arith.constant 384 : i32
    %add3A_607 = vector.broadcast %add3A_606 : i32 to vector<128x128xi32>
    %add3A_608 = arith.addi %add3A_566, %add3A_607 : vector<128x128xi32>
    %lt3A_609 = arith.cmpf olt, %add3A_605, %select_n3A_598 : vector<128x128xf32>
    %select_n3A_610 = arith.select %lt3A_609, %add3A_605, %select_n3A_598 : vector<128x128xi1>, vector<128x128xf32>
    %select_n3A_611 = arith.select %lt3A_609, %add3A_608, %select_n3A_599 : vector<128x128xi1>, vector<128x128xi32>
    %slice3A_612 = vector.extract_strided_slice %get3A_11 {offsets = [0, 512], sizes = [1, 128], strides = [1, 1]} : vector<1x2816xf32> to vector<1x128xf32>
    %slice3A_613 = vector.extract_strided_slice %slice3A_562 {offsets = [0, 512], sizes = [128, 128], strides = [1, 1]} : vector<128x2816xf32> to vector<128x128xf32>
    %add3A_614 = vector.broadcast %slice3A_561 : vector<128x1xf32> to vector<128x128xf32>
    %add3A_615 = vector.broadcast %slice3A_612 : vector<1x128xf32> to vector<128x128xf32>
    %add3A_616 = arith.addf %add3A_614, %add3A_615 : vector<128x128xf32>
    %add3A_617 = arith.addf %add3A_616, %slice3A_613 : vector<128x128xf32>
    %add3A_618 = arith.constant 512 : i32
    %add3A_619 = vector.broadcast %add3A_618 : i32 to vector<128x128xi32>
    %add3A_620 = arith.addi %add3A_566, %add3A_619 : vector<128x128xi32>
    %lt3A_621 = arith.cmpf olt, %add3A_617, %select_n3A_610 : vector<128x128xf32>
    %select_n3A_622 = arith.select %lt3A_621, %add3A_617, %select_n3A_610 : vector<128x128xi1>, vector<128x128xf32>
    %select_n3A_623 = arith.select %lt3A_621, %add3A_620, %select_n3A_611 : vector<128x128xi1>, vector<128x128xi32>
    %slice3A_624 = vector.extract_strided_slice %get3A_11 {offsets = [0, 640], sizes = [1, 128], strides = [1, 1]} : vector<1x2816xf32> to vector<1x128xf32>
    %slice3A_625 = vector.extract_strided_slice %slice3A_562 {offsets = [0, 640], sizes = [128, 128], strides = [1, 1]} : vector<128x2816xf32> to vector<128x128xf32>
    %add3A_626 = vector.broadcast %slice3A_561 : vector<128x1xf32> to vector<128x128xf32>
    %add3A_627 = vector.broadcast %slice3A_624 : vector<1x128xf32> to vector<128x128xf32>
    %add3A_628 = arith.addf %add3A_626, %add3A_627 : vector<128x128xf32>
    %add3A_629 = arith.addf %add3A_628, %slice3A_625 : vector<128x128xf32>
    %add3A_630 = arith.constant 640 : i32
    %add3A_631 = vector.broadcast %add3A_630 : i32 to vector<128x128xi32>
    %add3A_632 = arith.addi %add3A_566, %add3A_631 : vector<128x128xi32>
    %lt3A_633 = arith.cmpf olt, %add3A_629, %select_n3A_622 : vector<128x128xf32>
    %select_n3A_634 = arith.select %lt3A_633, %add3A_629, %select_n3A_622 : vector<128x128xi1>, vector<128x128xf32>
    %select_n3A_635 = arith.select %lt3A_633, %add3A_632, %select_n3A_623 : vector<128x128xi1>, vector<128x128xi32>
    %slice3A_636 = vector.extract_strided_slice %get3A_11 {offsets = [0, 768], sizes = [1, 128], strides = [1, 1]} : vector<1x2816xf32> to vector<1x128xf32>
    %slice3A_637 = vector.extract_strided_slice %slice3A_562 {offsets = [0, 768], sizes = [128, 128], strides = [1, 1]} : vector<128x2816xf32> to vector<128x128xf32>
    %add3A_638 = vector.broadcast %slice3A_561 : vector<128x1xf32> to vector<128x128xf32>
    %add3A_639 = vector.broadcast %slice3A_636 : vector<1x128xf32> to vector<128x128xf32>
    %add3A_640 = arith.addf %add3A_638, %add3A_639 : vector<128x128xf32>
    %add3A_641 = arith.addf %add3A_640, %slice3A_637 : vector<128x128xf32>
    %add3A_642 = arith.constant 768 : i32
    %add3A_643 = vector.broadcast %add3A_642 : i32 to vector<128x128xi32>
    %add3A_644 = arith.addi %add3A_566, %add3A_643 : vector<128x128xi32>
    %lt3A_645 = arith.cmpf olt, %add3A_641, %select_n3A_634 : vector<128x128xf32>
    %select_n3A_646 = arith.select %lt3A_645, %add3A_641, %select_n3A_634 : vector<128x128xi1>, vector<128x128xf32>
    %select_n3A_647 = arith.select %lt3A_645, %add3A_644, %select_n3A_635 : vector<128x128xi1>, vector<128x128xi32>
    %slice3A_648 = vector.extract_strided_slice %get3A_11 {offsets = [0, 896], sizes = [1, 128], strides = [1, 1]} : vector<1x2816xf32> to vector<1x128xf32>
    %slice3A_649 = vector.extract_strided_slice %slice3A_562 {offsets = [0, 896], sizes = [128, 128], strides = [1, 1]} : vector<128x2816xf32> to vector<128x128xf32>
    %add3A_650 = vector.broadcast %slice3A_561 : vector<128x1xf32> to vector<128x128xf32>
    %add3A_651 = vector.broadcast %slice3A_648 : vector<1x128xf32> to vector<128x128xf32>
    %add3A_652 = arith.addf %add3A_650, %add3A_651 : vector<128x128xf32>
    %add3A_653 = arith.addf %add3A_652, %slice3A_649 : vector<128x128xf32>
    %add3A_654 = arith.constant 896 : i32
    %add3A_655 = vector.broadcast %add3A_654 : i32 to vector<128x128xi32>
    %add3A_656 = arith.addi %add3A_566, %add3A_655 : vector<128x128xi32>
    %lt3A_657 = arith.cmpf olt, %add3A_653, %select_n3A_646 : vector<128x128xf32>
    %select_n3A_658 = arith.select %lt3A_657, %add3A_653, %select_n3A_646 : vector<128x128xi1>, vector<128x128xf32>
    %select_n3A_659 = arith.select %lt3A_657, %add3A_656, %select_n3A_647 : vector<128x128xi1>, vector<128x128xi32>
    %slice3A_660 = vector.extract_strided_slice %get3A_11 {offsets = [0, 1024], sizes = [1, 128], strides = [1, 1]} : vector<1x2816xf32> to vector<1x128xf32>
    %slice3A_661 = vector.extract_strided_slice %slice3A_562 {offsets = [0, 1024], sizes = [128, 128], strides = [1, 1]} : vector<128x2816xf32> to vector<128x128xf32>
    %add3A_662 = vector.broadcast %slice3A_561 : vector<128x1xf32> to vector<128x128xf32>
    %add3A_663 = vector.broadcast %slice3A_660 : vector<1x128xf32> to vector<128x128xf32>
    %add3A_664 = arith.addf %add3A_662, %add3A_663 : vector<128x128xf32>
    %add3A_665 = arith.addf %add3A_664, %slice3A_661 : vector<128x128xf32>
    %add3A_666 = arith.constant 1024 : i32
    %add3A_667 = vector.broadcast %add3A_666 : i32 to vector<128x128xi32>
    %add3A_668 = arith.addi %add3A_566, %add3A_667 : vector<128x128xi32>
    %lt3A_669 = arith.cmpf olt, %add3A_665, %select_n3A_658 : vector<128x128xf32>
    %select_n3A_670 = arith.select %lt3A_669, %add3A_665, %select_n3A_658 : vector<128x128xi1>, vector<128x128xf32>
    %select_n3A_671 = arith.select %lt3A_669, %add3A_668, %select_n3A_659 : vector<128x128xi1>, vector<128x128xi32>
    %slice3A_672 = vector.extract_strided_slice %get3A_11 {offsets = [0, 1152], sizes = [1, 128], strides = [1, 1]} : vector<1x2816xf32> to vector<1x128xf32>
    %slice3A_673 = vector.extract_strided_slice %slice3A_562 {offsets = [0, 1152], sizes = [128, 128], strides = [1, 1]} : vector<128x2816xf32> to vector<128x128xf32>
    %add3A_674 = vector.broadcast %slice3A_561 : vector<128x1xf32> to vector<128x128xf32>
    %add3A_675 = vector.broadcast %slice3A_672 : vector<1x128xf32> to vector<128x128xf32>
    %add3A_676 = arith.addf %add3A_674, %add3A_675 : vector<128x128xf32>
    %add3A_677 = arith.addf %add3A_676, %slice3A_673 : vector<128x128xf32>
    %add3A_678 = arith.constant 1152 : i32
    %add3A_679 = vector.broadcast %add3A_678 : i32 to vector<128x128xi32>
    %add3A_680 = arith.addi %add3A_566, %add3A_679 : vector<128x128xi32>
    %lt3A_681 = arith.cmpf olt, %add3A_677, %select_n3A_670 : vector<128x128xf32>
    %select_n3A_682 = arith.select %lt3A_681, %add3A_677, %select_n3A_670 : vector<128x128xi1>, vector<128x128xf32>
    %select_n3A_683 = arith.select %lt3A_681, %add3A_680, %select_n3A_671 : vector<128x128xi1>, vector<128x128xi32>
    %slice3A_684 = vector.extract_strided_slice %get3A_11 {offsets = [0, 1280], sizes = [1, 128], strides = [1, 1]} : vector<1x2816xf32> to vector<1x128xf32>
    %slice3A_685 = vector.extract_strided_slice %slice3A_562 {offsets = [0, 1280], sizes = [128, 128], strides = [1, 1]} : vector<128x2816xf32> to vector<128x128xf32>
    %add3A_686 = vector.broadcast %slice3A_561 : vector<128x1xf32> to vector<128x128xf32>
    %add3A_687 = vector.broadcast %slice3A_684 : vector<1x128xf32> to vector<128x128xf32>
    %add3A_688 = arith.addf %add3A_686, %add3A_687 : vector<128x128xf32>
    %add3A_689 = arith.addf %add3A_688, %slice3A_685 : vector<128x128xf32>
    %add3A_690 = arith.constant 1280 : i32
    %add3A_691 = vector.broadcast %add3A_690 : i32 to vector<128x128xi32>
    %add3A_692 = arith.addi %add3A_566, %add3A_691 : vector<128x128xi32>
    %lt3A_693 = arith.cmpf olt, %add3A_689, %select_n3A_682 : vector<128x128xf32>
    %select_n3A_694 = arith.select %lt3A_693, %add3A_689, %select_n3A_682 : vector<128x128xi1>, vector<128x128xf32>
    %select_n3A_695 = arith.select %lt3A_693, %add3A_692, %select_n3A_683 : vector<128x128xi1>, vector<128x128xi32>
    %slice3A_696 = vector.extract_strided_slice %get3A_11 {offsets = [0, 1408], sizes = [1, 128], strides = [1, 1]} : vector<1x2816xf32> to vector<1x128xf32>
    %slice3A_697 = vector.extract_strided_slice %slice3A_562 {offsets = [0, 1408], sizes = [128, 128], strides = [1, 1]} : vector<128x2816xf32> to vector<128x128xf32>
    %add3A_698 = vector.broadcast %slice3A_561 : vector<128x1xf32> to vector<128x128xf32>
    %add3A_699 = vector.broadcast %slice3A_696 : vector<1x128xf32> to vector<128x128xf32>
    %add3A_700 = arith.addf %add3A_698, %add3A_699 : vector<128x128xf32>
    %add3A_701 = arith.addf %add3A_700, %slice3A_697 : vector<128x128xf32>
    %add3A_702 = arith.constant 1408 : i32
    %add3A_703 = vector.broadcast %add3A_702 : i32 to vector<128x128xi32>
    %add3A_704 = arith.addi %add3A_566, %add3A_703 : vector<128x128xi32>
    %lt3A_705 = arith.cmpf olt, %add3A_701, %select_n3A_694 : vector<128x128xf32>
    %select_n3A_706 = arith.select %lt3A_705, %add3A_701, %select_n3A_694 : vector<128x128xi1>, vector<128x128xf32>
    %select_n3A_707 = arith.select %lt3A_705, %add3A_704, %select_n3A_695 : vector<128x128xi1>, vector<128x128xi32>
    %slice3A_708 = vector.extract_strided_slice %get3A_11 {offsets = [0, 1536], sizes = [1, 128], strides = [1, 1]} : vector<1x2816xf32> to vector<1x128xf32>
    %slice3A_709 = vector.extract_strided_slice %slice3A_562 {offsets = [0, 1536], sizes = [128, 128], strides = [1, 1]} : vector<128x2816xf32> to vector<128x128xf32>
    %add3A_710 = vector.broadcast %slice3A_561 : vector<128x1xf32> to vector<128x128xf32>
    %add3A_711 = vector.broadcast %slice3A_708 : vector<1x128xf32> to vector<128x128xf32>
    %add3A_712 = arith.addf %add3A_710, %add3A_711 : vector<128x128xf32>
    %add3A_713 = arith.addf %add3A_712, %slice3A_709 : vector<128x128xf32>
    %add3A_714 = arith.constant 1536 : i32
    %add3A_715 = vector.broadcast %add3A_714 : i32 to vector<128x128xi32>
    %add3A_716 = arith.addi %add3A_566, %add3A_715 : vector<128x128xi32>
    %lt3A_717 = arith.cmpf olt, %add3A_713, %select_n3A_706 : vector<128x128xf32>
    %select_n3A_718 = arith.select %lt3A_717, %add3A_713, %select_n3A_706 : vector<128x128xi1>, vector<128x128xf32>
    %select_n3A_719 = arith.select %lt3A_717, %add3A_716, %select_n3A_707 : vector<128x128xi1>, vector<128x128xi32>
    %slice3A_720 = vector.extract_strided_slice %get3A_11 {offsets = [0, 1664], sizes = [1, 128], strides = [1, 1]} : vector<1x2816xf32> to vector<1x128xf32>
    %slice3A_721 = vector.extract_strided_slice %slice3A_562 {offsets = [0, 1664], sizes = [128, 128], strides = [1, 1]} : vector<128x2816xf32> to vector<128x128xf32>
    %add3A_722 = vector.broadcast %slice3A_561 : vector<128x1xf32> to vector<128x128xf32>
    %add3A_723 = vector.broadcast %slice3A_720 : vector<1x128xf32> to vector<128x128xf32>
    %add3A_724 = arith.addf %add3A_722, %add3A_723 : vector<128x128xf32>
    %add3A_725 = arith.addf %add3A_724, %slice3A_721 : vector<128x128xf32>
    %add3A_726 = arith.constant 1664 : i32
    %add3A_727 = vector.broadcast %add3A_726 : i32 to vector<128x128xi32>
    %add3A_728 = arith.addi %add3A_566, %add3A_727 : vector<128x128xi32>
    %lt3A_729 = arith.cmpf olt, %add3A_725, %select_n3A_718 : vector<128x128xf32>
    %select_n3A_730 = arith.select %lt3A_729, %add3A_725, %select_n3A_718 : vector<128x128xi1>, vector<128x128xf32>
    %select_n3A_731 = arith.select %lt3A_729, %add3A_728, %select_n3A_719 : vector<128x128xi1>, vector<128x128xi32>
    %slice3A_732 = vector.extract_strided_slice %get3A_11 {offsets = [0, 1792], sizes = [1, 128], strides = [1, 1]} : vector<1x2816xf32> to vector<1x128xf32>
    %slice3A_733 = vector.extract_strided_slice %slice3A_562 {offsets = [0, 1792], sizes = [128, 128], strides = [1, 1]} : vector<128x2816xf32> to vector<128x128xf32>
    %add3A_734 = vector.broadcast %slice3A_561 : vector<128x1xf32> to vector<128x128xf32>
    %add3A_735 = vector.broadcast %slice3A_732 : vector<1x128xf32> to vector<128x128xf32>
    %add3A_736 = arith.addf %add3A_734, %add3A_735 : vector<128x128xf32>
    %add3A_737 = arith.addf %add3A_736, %slice3A_733 : vector<128x128xf32>
    %add3A_738 = arith.constant 1792 : i32
    %add3A_739 = vector.broadcast %add3A_738 : i32 to vector<128x128xi32>
    %add3A_740 = arith.addi %add3A_566, %add3A_739 : vector<128x128xi32>
    %lt3A_741 = arith.cmpf olt, %add3A_737, %select_n3A_730 : vector<128x128xf32>
    %select_n3A_742 = arith.select %lt3A_741, %add3A_737, %select_n3A_730 : vector<128x128xi1>, vector<128x128xf32>
    %select_n3A_743 = arith.select %lt3A_741, %add3A_740, %select_n3A_731 : vector<128x128xi1>, vector<128x128xi32>
    %slice3A_744 = vector.extract_strided_slice %get3A_11 {offsets = [0, 1920], sizes = [1, 128], strides = [1, 1]} : vector<1x2816xf32> to vector<1x128xf32>
    %slice3A_745 = vector.extract_strided_slice %slice3A_562 {offsets = [0, 1920], sizes = [128, 128], strides = [1, 1]} : vector<128x2816xf32> to vector<128x128xf32>
    %add3A_746 = vector.broadcast %slice3A_561 : vector<128x1xf32> to vector<128x128xf32>
    %add3A_747 = vector.broadcast %slice3A_744 : vector<1x128xf32> to vector<128x128xf32>
    %add3A_748 = arith.addf %add3A_746, %add3A_747 : vector<128x128xf32>
    %add3A_749 = arith.addf %add3A_748, %slice3A_745 : vector<128x128xf32>
    %add3A_750 = arith.constant 1920 : i32
    %add3A_751 = vector.broadcast %add3A_750 : i32 to vector<128x128xi32>
    %add3A_752 = arith.addi %add3A_566, %add3A_751 : vector<128x128xi32>
    %lt3A_753 = arith.cmpf olt, %add3A_749, %select_n3A_742 : vector<128x128xf32>
    %select_n3A_754 = arith.select %lt3A_753, %add3A_749, %select_n3A_742 : vector<128x128xi1>, vector<128x128xf32>
    %select_n3A_755 = arith.select %lt3A_753, %add3A_752, %select_n3A_743 : vector<128x128xi1>, vector<128x128xi32>
    %slice3A_756 = vector.extract_strided_slice %get3A_11 {offsets = [0, 2048], sizes = [1, 128], strides = [1, 1]} : vector<1x2816xf32> to vector<1x128xf32>
    %slice3A_757 = vector.extract_strided_slice %slice3A_562 {offsets = [0, 2048], sizes = [128, 128], strides = [1, 1]} : vector<128x2816xf32> to vector<128x128xf32>
    %add3A_758 = vector.broadcast %slice3A_561 : vector<128x1xf32> to vector<128x128xf32>
    %add3A_759 = vector.broadcast %slice3A_756 : vector<1x128xf32> to vector<128x128xf32>
    %add3A_760 = arith.addf %add3A_758, %add3A_759 : vector<128x128xf32>
    %add3A_761 = arith.addf %add3A_760, %slice3A_757 : vector<128x128xf32>
    %add3A_762 = arith.constant 2048 : i32
    %add3A_763 = vector.broadcast %add3A_762 : i32 to vector<128x128xi32>
    %add3A_764 = arith.addi %add3A_566, %add3A_763 : vector<128x128xi32>
    %lt3A_765 = arith.cmpf olt, %add3A_761, %select_n3A_754 : vector<128x128xf32>
    %select_n3A_766 = arith.select %lt3A_765, %add3A_761, %select_n3A_754 : vector<128x128xi1>, vector<128x128xf32>
    %select_n3A_767 = arith.select %lt3A_765, %add3A_764, %select_n3A_755 : vector<128x128xi1>, vector<128x128xi32>
    %slice3A_768 = vector.extract_strided_slice %get3A_11 {offsets = [0, 2176], sizes = [1, 128], strides = [1, 1]} : vector<1x2816xf32> to vector<1x128xf32>
    %slice3A_769 = vector.extract_strided_slice %slice3A_562 {offsets = [0, 2176], sizes = [128, 128], strides = [1, 1]} : vector<128x2816xf32> to vector<128x128xf32>
    %add3A_770 = vector.broadcast %slice3A_561 : vector<128x1xf32> to vector<128x128xf32>
    %add3A_771 = vector.broadcast %slice3A_768 : vector<1x128xf32> to vector<128x128xf32>
    %add3A_772 = arith.addf %add3A_770, %add3A_771 : vector<128x128xf32>
    %add3A_773 = arith.addf %add3A_772, %slice3A_769 : vector<128x128xf32>
    %add3A_774 = arith.constant 2176 : i32
    %add3A_775 = vector.broadcast %add3A_774 : i32 to vector<128x128xi32>
    %add3A_776 = arith.addi %add3A_566, %add3A_775 : vector<128x128xi32>
    %lt3A_777 = arith.cmpf olt, %add3A_773, %select_n3A_766 : vector<128x128xf32>
    %select_n3A_778 = arith.select %lt3A_777, %add3A_773, %select_n3A_766 : vector<128x128xi1>, vector<128x128xf32>
    %select_n3A_779 = arith.select %lt3A_777, %add3A_776, %select_n3A_767 : vector<128x128xi1>, vector<128x128xi32>
    %slice3A_780 = vector.extract_strided_slice %get3A_11 {offsets = [0, 2304], sizes = [1, 128], strides = [1, 1]} : vector<1x2816xf32> to vector<1x128xf32>
    %slice3A_781 = vector.extract_strided_slice %slice3A_562 {offsets = [0, 2304], sizes = [128, 128], strides = [1, 1]} : vector<128x2816xf32> to vector<128x128xf32>
    %add3A_782 = vector.broadcast %slice3A_561 : vector<128x1xf32> to vector<128x128xf32>
    %add3A_783 = vector.broadcast %slice3A_780 : vector<1x128xf32> to vector<128x128xf32>
    %add3A_784 = arith.addf %add3A_782, %add3A_783 : vector<128x128xf32>
    %add3A_785 = arith.addf %add3A_784, %slice3A_781 : vector<128x128xf32>
    %add3A_786 = arith.constant 2304 : i32
    %add3A_787 = vector.broadcast %add3A_786 : i32 to vector<128x128xi32>
    %add3A_788 = arith.addi %add3A_566, %add3A_787 : vector<128x128xi32>
    %lt3A_789 = arith.cmpf olt, %add3A_785, %select_n3A_778 : vector<128x128xf32>
    %select_n3A_790 = arith.select %lt3A_789, %add3A_785, %select_n3A_778 : vector<128x128xi1>, vector<128x128xf32>
    %select_n3A_791 = arith.select %lt3A_789, %add3A_788, %select_n3A_779 : vector<128x128xi1>, vector<128x128xi32>
    %slice3A_792 = vector.extract_strided_slice %get3A_11 {offsets = [0, 2432], sizes = [1, 128], strides = [1, 1]} : vector<1x2816xf32> to vector<1x128xf32>
    %slice3A_793 = vector.extract_strided_slice %slice3A_562 {offsets = [0, 2432], sizes = [128, 128], strides = [1, 1]} : vector<128x2816xf32> to vector<128x128xf32>
    %add3A_794 = vector.broadcast %slice3A_561 : vector<128x1xf32> to vector<128x128xf32>
    %add3A_795 = vector.broadcast %slice3A_792 : vector<1x128xf32> to vector<128x128xf32>
    %add3A_796 = arith.addf %add3A_794, %add3A_795 : vector<128x128xf32>
    %add3A_797 = arith.addf %add3A_796, %slice3A_793 : vector<128x128xf32>
    %add3A_798 = arith.constant 2432 : i32
    %add3A_799 = vector.broadcast %add3A_798 : i32 to vector<128x128xi32>
    %add3A_800 = arith.addi %add3A_566, %add3A_799 : vector<128x128xi32>
    %lt3A_801 = arith.cmpf olt, %add3A_797, %select_n3A_790 : vector<128x128xf32>
    %select_n3A_802 = arith.select %lt3A_801, %add3A_797, %select_n3A_790 : vector<128x128xi1>, vector<128x128xf32>
    %select_n3A_803 = arith.select %lt3A_801, %add3A_800, %select_n3A_791 : vector<128x128xi1>, vector<128x128xi32>
    %slice3A_804 = vector.extract_strided_slice %get3A_11 {offsets = [0, 2560], sizes = [1, 128], strides = [1, 1]} : vector<1x2816xf32> to vector<1x128xf32>
    %slice3A_805 = vector.extract_strided_slice %slice3A_562 {offsets = [0, 2560], sizes = [128, 128], strides = [1, 1]} : vector<128x2816xf32> to vector<128x128xf32>
    %add3A_806 = vector.broadcast %slice3A_561 : vector<128x1xf32> to vector<128x128xf32>
    %add3A_807 = vector.broadcast %slice3A_804 : vector<1x128xf32> to vector<128x128xf32>
    %add3A_808 = arith.addf %add3A_806, %add3A_807 : vector<128x128xf32>
    %add3A_809 = arith.addf %add3A_808, %slice3A_805 : vector<128x128xf32>
    %add3A_810 = arith.constant 2560 : i32
    %add3A_811 = vector.broadcast %add3A_810 : i32 to vector<128x128xi32>
    %add3A_812 = arith.addi %add3A_566, %add3A_811 : vector<128x128xi32>
    %lt3A_813 = arith.cmpf olt, %add3A_809, %select_n3A_802 : vector<128x128xf32>
    %select_n3A_814 = arith.select %lt3A_813, %add3A_809, %select_n3A_802 : vector<128x128xi1>, vector<128x128xf32>
    %select_n3A_815 = arith.select %lt3A_813, %add3A_812, %select_n3A_803 : vector<128x128xi1>, vector<128x128xi32>
    %slice3A_816 = vector.extract_strided_slice %get3A_11 {offsets = [0, 2688], sizes = [1, 128], strides = [1, 1]} : vector<1x2816xf32> to vector<1x128xf32>
    %slice3A_817 = vector.extract_strided_slice %slice3A_562 {offsets = [0, 2688], sizes = [128, 128], strides = [1, 1]} : vector<128x2816xf32> to vector<128x128xf32>
    %add3A_818 = vector.broadcast %slice3A_561 : vector<128x1xf32> to vector<128x128xf32>
    %add3A_819 = vector.broadcast %slice3A_816 : vector<1x128xf32> to vector<128x128xf32>
    %add3A_820 = arith.addf %add3A_818, %add3A_819 : vector<128x128xf32>
    %add3A_821 = arith.addf %add3A_820, %slice3A_817 : vector<128x128xf32>
    %add3A_822 = arith.constant 2688 : i32
    %add3A_823 = vector.broadcast %add3A_822 : i32 to vector<128x128xi32>
    %add3A_824 = arith.addi %add3A_566, %add3A_823 : vector<128x128xi32>
    %lt3A_825 = arith.cmpf olt, %add3A_821, %select_n3A_814 : vector<128x128xf32>
    %select_n3A_826 = arith.select %lt3A_825, %add3A_821, %select_n3A_814 : vector<128x128xi1>, vector<128x128xf32>
    %select_n3A_827 = arith.select %lt3A_825, %add3A_824, %select_n3A_815 : vector<128x128xi1>, vector<128x128xi32>
    %reduce_min3A_828 = arith.constant dense<0x7F800000> : vector<128xf32>
    %reduce_min3A_829 = vector.multi_reduction <minimumf>, %select_n3A_826, %reduce_min3A_828 [1] : vector<128x128xf32> to vector<128xf32>
    %broadcast_in_dim3A_830 = vector.shape_cast %reduce_min3A_829 : vector<128xf32> to vector<128x1xf32>
    %eq3A_831 = vector.broadcast %broadcast_in_dim3A_830 : vector<128x1xf32> to vector<128x128xf32>
    %eq3A_832 = arith.cmpf oeq, %select_n3A_826, %eq3A_831 : vector<128x128xf32>
    %jit3A_833 = arith.constant 8192 : i32
    %broadcast_in_dim3A_834 = vector.broadcast %jit3A_833 : i32 to vector<128x128xi32>
    %select_n3A_835 = arith.select %eq3A_832, %select_n3A_827, %broadcast_in_dim3A_834 : vector<128x128xi1>, vector<128x128xi32>
    %reduce_min3A_836 = arith.constant dense<2147483647> : vector<128xi32>
    %reduce_min3A_837 = vector.multi_reduction <minsi>, %select_n3A_835, %reduce_min3A_836 [1] : vector<128x128xi32> to vector<128xi32>
    %broadcast_in_dim3A_838 = vector.shape_cast %reduce_min3A_837 : vector<128xi32> to vector<128x1xi32>
    %slice3A_839 = vector.extract_strided_slice %broadcast_in_dim3A {offsets = [384, 0], sizes = [128, 1], strides = [1, 1]} : vector<512x1xf32> to vector<128x1xf32>
    %slice3A_840 = vector.extract_strided_slice %dot_general3A_8 {offsets = [384, 0], sizes = [128, 2816], strides = [1, 1]} : vector<512x2816xf32> to vector<128x2816xf32>
    %iota3A_841 = tpu.iota {dimensions = array<i32: 1>} : vector<128x128xi32>
    %add3A_842 = arith.constant 0 : i32
    %add3A_843 = vector.broadcast %add3A_842 : i32 to vector<128x128xi32>
    %add3A_844 = arith.addi %iota3A_841, %add3A_843 : vector<128x128xi32>
    %slice3A_845 = vector.extract_strided_slice %get3A_11 {offsets = [0, 0], sizes = [1, 128], strides = [1, 1]} : vector<1x2816xf32> to vector<1x128xf32>
    %slice3A_846 = vector.extract_strided_slice %slice3A_840 {offsets = [0, 0], sizes = [128, 128], strides = [1, 1]} : vector<128x2816xf32> to vector<128x128xf32>
    %add3A_847 = vector.broadcast %slice3A_839 : vector<128x1xf32> to vector<128x128xf32>
    %add3A_848 = vector.broadcast %slice3A_845 : vector<1x128xf32> to vector<128x128xf32>
    %add3A_849 = arith.addf %add3A_847, %add3A_848 : vector<128x128xf32>
    %add3A_850 = arith.addf %add3A_849, %slice3A_846 : vector<128x128xf32>
    %add3A_851 = arith.constant 0 : i32
    %add3A_852 = vector.broadcast %add3A_851 : i32 to vector<128x128xi32>
    %add3A_853 = arith.addi %add3A_844, %add3A_852 : vector<128x128xi32>
    %slice3A_854 = vector.extract_strided_slice %get3A_11 {offsets = [0, 128], sizes = [1, 128], strides = [1, 1]} : vector<1x2816xf32> to vector<1x128xf32>
    %slice3A_855 = vector.extract_strided_slice %slice3A_840 {offsets = [0, 128], sizes = [128, 128], strides = [1, 1]} : vector<128x2816xf32> to vector<128x128xf32>
    %add3A_856 = vector.broadcast %slice3A_839 : vector<128x1xf32> to vector<128x128xf32>
    %add3A_857 = vector.broadcast %slice3A_854 : vector<1x128xf32> to vector<128x128xf32>
    %add3A_858 = arith.addf %add3A_856, %add3A_857 : vector<128x128xf32>
    %add3A_859 = arith.addf %add3A_858, %slice3A_855 : vector<128x128xf32>
    %add3A_860 = arith.constant 128 : i32
    %add3A_861 = vector.broadcast %add3A_860 : i32 to vector<128x128xi32>
    %add3A_862 = arith.addi %add3A_844, %add3A_861 : vector<128x128xi32>
    %lt3A_863 = arith.cmpf olt, %add3A_859, %add3A_850 : vector<128x128xf32>
    %select_n3A_864 = arith.select %lt3A_863, %add3A_859, %add3A_850 : vector<128x128xi1>, vector<128x128xf32>
    %select_n3A_865 = arith.select %lt3A_863, %add3A_862, %add3A_853 : vector<128x128xi1>, vector<128x128xi32>
    %slice3A_866 = vector.extract_strided_slice %get3A_11 {offsets = [0, 256], sizes = [1, 128], strides = [1, 1]} : vector<1x2816xf32> to vector<1x128xf32>
    %slice3A_867 = vector.extract_strided_slice %slice3A_840 {offsets = [0, 256], sizes = [128, 128], strides = [1, 1]} : vector<128x2816xf32> to vector<128x128xf32>
    %add3A_868 = vector.broadcast %slice3A_839 : vector<128x1xf32> to vector<128x128xf32>
    %add3A_869 = vector.broadcast %slice3A_866 : vector<1x128xf32> to vector<128x128xf32>
    %add3A_870 = arith.addf %add3A_868, %add3A_869 : vector<128x128xf32>
    %add3A_871 = arith.addf %add3A_870, %slice3A_867 : vector<128x128xf32>
    %add3A_872 = arith.constant 256 : i32
    %add3A_873 = vector.broadcast %add3A_872 : i32 to vector<128x128xi32>
    %add3A_874 = arith.addi %add3A_844, %add3A_873 : vector<128x128xi32>
    %lt3A_875 = arith.cmpf olt, %add3A_871, %select_n3A_864 : vector<128x128xf32>
    %select_n3A_876 = arith.select %lt3A_875, %add3A_871, %select_n3A_864 : vector<128x128xi1>, vector<128x128xf32>
    %select_n3A_877 = arith.select %lt3A_875, %add3A_874, %select_n3A_865 : vector<128x128xi1>, vector<128x128xi32>
    %slice3A_878 = vector.extract_strided_slice %get3A_11 {offsets = [0, 384], sizes = [1, 128], strides = [1, 1]} : vector<1x2816xf32> to vector<1x128xf32>
    %slice3A_879 = vector.extract_strided_slice %slice3A_840 {offsets = [0, 384], sizes = [128, 128], strides = [1, 1]} : vector<128x2816xf32> to vector<128x128xf32>
    %add3A_880 = vector.broadcast %slice3A_839 : vector<128x1xf32> to vector<128x128xf32>
    %add3A_881 = vector.broadcast %slice3A_878 : vector<1x128xf32> to vector<128x128xf32>
    %add3A_882 = arith.addf %add3A_880, %add3A_881 : vector<128x128xf32>
    %add3A_883 = arith.addf %add3A_882, %slice3A_879 : vector<128x128xf32>
    %add3A_884 = arith.constant 384 : i32
    %add3A_885 = vector.broadcast %add3A_884 : i32 to vector<128x128xi32>
    %add3A_886 = arith.addi %add3A_844, %add3A_885 : vector<128x128xi32>
    %lt3A_887 = arith.cmpf olt, %add3A_883, %select_n3A_876 : vector<128x128xf32>
    %select_n3A_888 = arith.select %lt3A_887, %add3A_883, %select_n3A_876 : vector<128x128xi1>, vector<128x128xf32>
    %select_n3A_889 = arith.select %lt3A_887, %add3A_886, %select_n3A_877 : vector<128x128xi1>, vector<128x128xi32>
    %slice3A_890 = vector.extract_strided_slice %get3A_11 {offsets = [0, 512], sizes = [1, 128], strides = [1, 1]} : vector<1x2816xf32> to vector<1x128xf32>
    %slice3A_891 = vector.extract_strided_slice %slice3A_840 {offsets = [0, 512], sizes = [128, 128], strides = [1, 1]} : vector<128x2816xf32> to vector<128x128xf32>
    %add3A_892 = vector.broadcast %slice3A_839 : vector<128x1xf32> to vector<128x128xf32>
    %add3A_893 = vector.broadcast %slice3A_890 : vector<1x128xf32> to vector<128x128xf32>
    %add3A_894 = arith.addf %add3A_892, %add3A_893 : vector<128x128xf32>
    %add3A_895 = arith.addf %add3A_894, %slice3A_891 : vector<128x128xf32>
    %add3A_896 = arith.constant 512 : i32
    %add3A_897 = vector.broadcast %add3A_896 : i32 to vector<128x128xi32>
    %add3A_898 = arith.addi %add3A_844, %add3A_897 : vector<128x128xi32>
    %lt3A_899 = arith.cmpf olt, %add3A_895, %select_n3A_888 : vector<128x128xf32>
    %select_n3A_900 = arith.select %lt3A_899, %add3A_895, %select_n3A_888 : vector<128x128xi1>, vector<128x128xf32>
    %select_n3A_901 = arith.select %lt3A_899, %add3A_898, %select_n3A_889 : vector<128x128xi1>, vector<128x128xi32>
    %slice3A_902 = vector.extract_strided_slice %get3A_11 {offsets = [0, 640], sizes = [1, 128], strides = [1, 1]} : vector<1x2816xf32> to vector<1x128xf32>
    %slice3A_903 = vector.extract_strided_slice %slice3A_840 {offsets = [0, 640], sizes = [128, 128], strides = [1, 1]} : vector<128x2816xf32> to vector<128x128xf32>
    %add3A_904 = vector.broadcast %slice3A_839 : vector<128x1xf32> to vector<128x128xf32>
    %add3A_905 = vector.broadcast %slice3A_902 : vector<1x128xf32> to vector<128x128xf32>
    %add3A_906 = arith.addf %add3A_904, %add3A_905 : vector<128x128xf32>
    %add3A_907 = arith.addf %add3A_906, %slice3A_903 : vector<128x128xf32>
    %add3A_908 = arith.constant 640 : i32
    %add3A_909 = vector.broadcast %add3A_908 : i32 to vector<128x128xi32>
    %add3A_910 = arith.addi %add3A_844, %add3A_909 : vector<128x128xi32>
    %lt3A_911 = arith.cmpf olt, %add3A_907, %select_n3A_900 : vector<128x128xf32>
    %select_n3A_912 = arith.select %lt3A_911, %add3A_907, %select_n3A_900 : vector<128x128xi1>, vector<128x128xf32>
    %select_n3A_913 = arith.select %lt3A_911, %add3A_910, %select_n3A_901 : vector<128x128xi1>, vector<128x128xi32>
    %slice3A_914 = vector.extract_strided_slice %get3A_11 {offsets = [0, 768], sizes = [1, 128], strides = [1, 1]} : vector<1x2816xf32> to vector<1x128xf32>
    %slice3A_915 = vector.extract_strided_slice %slice3A_840 {offsets = [0, 768], sizes = [128, 128], strides = [1, 1]} : vector<128x2816xf32> to vector<128x128xf32>
    %add3A_916 = vector.broadcast %slice3A_839 : vector<128x1xf32> to vector<128x128xf32>
    %add3A_917 = vector.broadcast %slice3A_914 : vector<1x128xf32> to vector<128x128xf32>
    %add3A_918 = arith.addf %add3A_916, %add3A_917 : vector<128x128xf32>
    %add3A_919 = arith.addf %add3A_918, %slice3A_915 : vector<128x128xf32>
    %add3A_920 = arith.constant 768 : i32
    %add3A_921 = vector.broadcast %add3A_920 : i32 to vector<128x128xi32>
    %add3A_922 = arith.addi %add3A_844, %add3A_921 : vector<128x128xi32>
    %lt3A_923 = arith.cmpf olt, %add3A_919, %select_n3A_912 : vector<128x128xf32>
    %select_n3A_924 = arith.select %lt3A_923, %add3A_919, %select_n3A_912 : vector<128x128xi1>, vector<128x128xf32>
    %select_n3A_925 = arith.select %lt3A_923, %add3A_922, %select_n3A_913 : vector<128x128xi1>, vector<128x128xi32>
    %slice3A_926 = vector.extract_strided_slice %get3A_11 {offsets = [0, 896], sizes = [1, 128], strides = [1, 1]} : vector<1x2816xf32> to vector<1x128xf32>
    %slice3A_927 = vector.extract_strided_slice %slice3A_840 {offsets = [0, 896], sizes = [128, 128], strides = [1, 1]} : vector<128x2816xf32> to vector<128x128xf32>
    %add3A_928 = vector.broadcast %slice3A_839 : vector<128x1xf32> to vector<128x128xf32>
    %add3A_929 = vector.broadcast %slice3A_926 : vector<1x128xf32> to vector<128x128xf32>
    %add3A_930 = arith.addf %add3A_928, %add3A_929 : vector<128x128xf32>
    %add3A_931 = arith.addf %add3A_930, %slice3A_927 : vector<128x128xf32>
    %add3A_932 = arith.constant 896 : i32
    %add3A_933 = vector.broadcast %add3A_932 : i32 to vector<128x128xi32>
    %add3A_934 = arith.addi %add3A_844, %add3A_933 : vector<128x128xi32>
    %lt3A_935 = arith.cmpf olt, %add3A_931, %select_n3A_924 : vector<128x128xf32>
    %select_n3A_936 = arith.select %lt3A_935, %add3A_931, %select_n3A_924 : vector<128x128xi1>, vector<128x128xf32>
    %select_n3A_937 = arith.select %lt3A_935, %add3A_934, %select_n3A_925 : vector<128x128xi1>, vector<128x128xi32>
    %slice3A_938 = vector.extract_strided_slice %get3A_11 {offsets = [0, 1024], sizes = [1, 128], strides = [1, 1]} : vector<1x2816xf32> to vector<1x128xf32>
    %slice3A_939 = vector.extract_strided_slice %slice3A_840 {offsets = [0, 1024], sizes = [128, 128], strides = [1, 1]} : vector<128x2816xf32> to vector<128x128xf32>
    %add3A_940 = vector.broadcast %slice3A_839 : vector<128x1xf32> to vector<128x128xf32>
    %add3A_941 = vector.broadcast %slice3A_938 : vector<1x128xf32> to vector<128x128xf32>
    %add3A_942 = arith.addf %add3A_940, %add3A_941 : vector<128x128xf32>
    %add3A_943 = arith.addf %add3A_942, %slice3A_939 : vector<128x128xf32>
    %add3A_944 = arith.constant 1024 : i32
    %add3A_945 = vector.broadcast %add3A_944 : i32 to vector<128x128xi32>
    %add3A_946 = arith.addi %add3A_844, %add3A_945 : vector<128x128xi32>
    %lt3A_947 = arith.cmpf olt, %add3A_943, %select_n3A_936 : vector<128x128xf32>
    %select_n3A_948 = arith.select %lt3A_947, %add3A_943, %select_n3A_936 : vector<128x128xi1>, vector<128x128xf32>
    %select_n3A_949 = arith.select %lt3A_947, %add3A_946, %select_n3A_937 : vector<128x128xi1>, vector<128x128xi32>
    %slice3A_950 = vector.extract_strided_slice %get3A_11 {offsets = [0, 1152], sizes = [1, 128], strides = [1, 1]} : vector<1x2816xf32> to vector<1x128xf32>
    %slice3A_951 = vector.extract_strided_slice %slice3A_840 {offsets = [0, 1152], sizes = [128, 128], strides = [1, 1]} : vector<128x2816xf32> to vector<128x128xf32>
    %add3A_952 = vector.broadcast %slice3A_839 : vector<128x1xf32> to vector<128x128xf32>
    %add3A_953 = vector.broadcast %slice3A_950 : vector<1x128xf32> to vector<128x128xf32>
    %add3A_954 = arith.addf %add3A_952, %add3A_953 : vector<128x128xf32>
    %add3A_955 = arith.addf %add3A_954, %slice3A_951 : vector<128x128xf32>
    %add3A_956 = arith.constant 1152 : i32
    %add3A_957 = vector.broadcast %add3A_956 : i32 to vector<128x128xi32>
    %add3A_958 = arith.addi %add3A_844, %add3A_957 : vector<128x128xi32>
    %lt3A_959 = arith.cmpf olt, %add3A_955, %select_n3A_948 : vector<128x128xf32>
    %select_n3A_960 = arith.select %lt3A_959, %add3A_955, %select_n3A_948 : vector<128x128xi1>, vector<128x128xf32>
    %select_n3A_961 = arith.select %lt3A_959, %add3A_958, %select_n3A_949 : vector<128x128xi1>, vector<128x128xi32>
    %slice3A_962 = vector.extract_strided_slice %get3A_11 {offsets = [0, 1280], sizes = [1, 128], strides = [1, 1]} : vector<1x2816xf32> to vector<1x128xf32>
    %slice3A_963 = vector.extract_strided_slice %slice3A_840 {offsets = [0, 1280], sizes = [128, 128], strides = [1, 1]} : vector<128x2816xf32> to vector<128x128xf32>
    %add3A_964 = vector.broadcast %slice3A_839 : vector<128x1xf32> to vector<128x128xf32>
    %add3A_965 = vector.broadcast %slice3A_962 : vector<1x128xf32> to vector<128x128xf32>
    %add3A_966 = arith.addf %add3A_964, %add3A_965 : vector<128x128xf32>
    %add3A_967 = arith.addf %add3A_966, %slice3A_963 : vector<128x128xf32>
    %add3A_968 = arith.constant 1280 : i32
    %add3A_969 = vector.broadcast %add3A_968 : i32 to vector<128x128xi32>
    %add3A_970 = arith.addi %add3A_844, %add3A_969 : vector<128x128xi32>
    %lt3A_971 = arith.cmpf olt, %add3A_967, %select_n3A_960 : vector<128x128xf32>
    %select_n3A_972 = arith.select %lt3A_971, %add3A_967, %select_n3A_960 : vector<128x128xi1>, vector<128x128xf32>
    %select_n3A_973 = arith.select %lt3A_971, %add3A_970, %select_n3A_961 : vector<128x128xi1>, vector<128x128xi32>
    %slice3A_974 = vector.extract_strided_slice %get3A_11 {offsets = [0, 1408], sizes = [1, 128], strides = [1, 1]} : vector<1x2816xf32> to vector<1x128xf32>
    %slice3A_975 = vector.extract_strided_slice %slice3A_840 {offsets = [0, 1408], sizes = [128, 128], strides = [1, 1]} : vector<128x2816xf32> to vector<128x128xf32>
    %add3A_976 = vector.broadcast %slice3A_839 : vector<128x1xf32> to vector<128x128xf32>
    %add3A_977 = vector.broadcast %slice3A_974 : vector<1x128xf32> to vector<128x128xf32>
    %add3A_978 = arith.addf %add3A_976, %add3A_977 : vector<128x128xf32>
    %add3A_979 = arith.addf %add3A_978, %slice3A_975 : vector<128x128xf32>
    %add3A_980 = arith.constant 1408 : i32
    %add3A_981 = vector.broadcast %add3A_980 : i32 to vector<128x128xi32>
    %add3A_982 = arith.addi %add3A_844, %add3A_981 : vector<128x128xi32>
    %lt3A_983 = arith.cmpf olt, %add3A_979, %select_n3A_972 : vector<128x128xf32>
    %select_n3A_984 = arith.select %lt3A_983, %add3A_979, %select_n3A_972 : vector<128x128xi1>, vector<128x128xf32>
    %select_n3A_985 = arith.select %lt3A_983, %add3A_982, %select_n3A_973 : vector<128x128xi1>, vector<128x128xi32>
    %slice3A_986 = vector.extract_strided_slice %get3A_11 {offsets = [0, 1536], sizes = [1, 128], strides = [1, 1]} : vector<1x2816xf32> to vector<1x128xf32>
    %slice3A_987 = vector.extract_strided_slice %slice3A_840 {offsets = [0, 1536], sizes = [128, 128], strides = [1, 1]} : vector<128x2816xf32> to vector<128x128xf32>
    %add3A_988 = vector.broadcast %slice3A_839 : vector<128x1xf32> to vector<128x128xf32>
    %add3A_989 = vector.broadcast %slice3A_986 : vector<1x128xf32> to vector<128x128xf32>
    %add3A_990 = arith.addf %add3A_988, %add3A_989 : vector<128x128xf32>
    %add3A_991 = arith.addf %add3A_990, %slice3A_987 : vector<128x128xf32>
    %add3A_992 = arith.constant 1536 : i32
    %add3A_993 = vector.broadcast %add3A_992 : i32 to vector<128x128xi32>
    %add3A_994 = arith.addi %add3A_844, %add3A_993 : vector<128x128xi32>
    %lt3A_995 = arith.cmpf olt, %add3A_991, %select_n3A_984 : vector<128x128xf32>
    %select_n3A_996 = arith.select %lt3A_995, %add3A_991, %select_n3A_984 : vector<128x128xi1>, vector<128x128xf32>
    %select_n3A_997 = arith.select %lt3A_995, %add3A_994, %select_n3A_985 : vector<128x128xi1>, vector<128x128xi32>
    %slice3A_998 = vector.extract_strided_slice %get3A_11 {offsets = [0, 1664], sizes = [1, 128], strides = [1, 1]} : vector<1x2816xf32> to vector<1x128xf32>
    %slice3A_999 = vector.extract_strided_slice %slice3A_840 {offsets = [0, 1664], sizes = [128, 128], strides = [1, 1]} : vector<128x2816xf32> to vector<128x128xf32>
    %add3A_1000 = vector.broadcast %slice3A_839 : vector<128x1xf32> to vector<128x128xf32>
    %add3A_1001 = vector.broadcast %slice3A_998 : vector<1x128xf32> to vector<128x128xf32>
    %add3A_1002 = arith.addf %add3A_1000, %add3A_1001 : vector<128x128xf32>
    %add3A_1003 = arith.addf %add3A_1002, %slice3A_999 : vector<128x128xf32>
    %add3A_1004 = arith.constant 1664 : i32
    %add3A_1005 = vector.broadcast %add3A_1004 : i32 to vector<128x128xi32>
    %add3A_1006 = arith.addi %add3A_844, %add3A_1005 : vector<128x128xi32>
    %lt3A_1007 = arith.cmpf olt, %add3A_1003, %select_n3A_996 : vector<128x128xf32>
    %select_n3A_1008 = arith.select %lt3A_1007, %add3A_1003, %select_n3A_996 : vector<128x128xi1>, vector<128x128xf32>
    %select_n3A_1009 = arith.select %lt3A_1007, %add3A_1006, %select_n3A_997 : vector<128x128xi1>, vector<128x128xi32>
    %slice3A_1010 = vector.extract_strided_slice %get3A_11 {offsets = [0, 1792], sizes = [1, 128], strides = [1, 1]} : vector<1x2816xf32> to vector<1x128xf32>
    %slice3A_1011 = vector.extract_strided_slice %slice3A_840 {offsets = [0, 1792], sizes = [128, 128], strides = [1, 1]} : vector<128x2816xf32> to vector<128x128xf32>
    %add3A_1012 = vector.broadcast %slice3A_839 : vector<128x1xf32> to vector<128x128xf32>
    %add3A_1013 = vector.broadcast %slice3A_1010 : vector<1x128xf32> to vector<128x128xf32>
    %add3A_1014 = arith.addf %add3A_1012, %add3A_1013 : vector<128x128xf32>
    %add3A_1015 = arith.addf %add3A_1014, %slice3A_1011 : vector<128x128xf32>
    %add3A_1016 = arith.constant 1792 : i32
    %add3A_1017 = vector.broadcast %add3A_1016 : i32 to vector<128x128xi32>
    %add3A_1018 = arith.addi %add3A_844, %add3A_1017 : vector<128x128xi32>
    %lt3A_1019 = arith.cmpf olt, %add3A_1015, %select_n3A_1008 : vector<128x128xf32>
    %select_n3A_1020 = arith.select %lt3A_1019, %add3A_1015, %select_n3A_1008 : vector<128x128xi1>, vector<128x128xf32>
    %select_n3A_1021 = arith.select %lt3A_1019, %add3A_1018, %select_n3A_1009 : vector<128x128xi1>, vector<128x128xi32>
    %slice3A_1022 = vector.extract_strided_slice %get3A_11 {offsets = [0, 1920], sizes = [1, 128], strides = [1, 1]} : vector<1x2816xf32> to vector<1x128xf32>
    %slice3A_1023 = vector.extract_strided_slice %slice3A_840 {offsets = [0, 1920], sizes = [128, 128], strides = [1, 1]} : vector<128x2816xf32> to vector<128x128xf32>
    %add3A_1024 = vector.broadcast %slice3A_839 : vector<128x1xf32> to vector<128x128xf32>
    %add3A_1025 = vector.broadcast %slice3A_1022 : vector<1x128xf32> to vector<128x128xf32>
    %add3A_1026 = arith.addf %add3A_1024, %add3A_1025 : vector<128x128xf32>
    %add3A_1027 = arith.addf %add3A_1026, %slice3A_1023 : vector<128x128xf32>
    %add3A_1028 = arith.constant 1920 : i32
    %add3A_1029 = vector.broadcast %add3A_1028 : i32 to vector<128x128xi32>
    %add3A_1030 = arith.addi %add3A_844, %add3A_1029 : vector<128x128xi32>
    %lt3A_1031 = arith.cmpf olt, %add3A_1027, %select_n3A_1020 : vector<128x128xf32>
    %select_n3A_1032 = arith.select %lt3A_1031, %add3A_1027, %select_n3A_1020 : vector<128x128xi1>, vector<128x128xf32>
    %select_n3A_1033 = arith.select %lt3A_1031, %add3A_1030, %select_n3A_1021 : vector<128x128xi1>, vector<128x128xi32>
    %slice3A_1034 = vector.extract_strided_slice %get3A_11 {offsets = [0, 2048], sizes = [1, 128], strides = [1, 1]} : vector<1x2816xf32> to vector<1x128xf32>
    %slice3A_1035 = vector.extract_strided_slice %slice3A_840 {offsets = [0, 2048], sizes = [128, 128], strides = [1, 1]} : vector<128x2816xf32> to vector<128x128xf32>
    %add3A_1036 = vector.broadcast %slice3A_839 : vector<128x1xf32> to vector<128x128xf32>
    %add3A_1037 = vector.broadcast %slice3A_1034 : vector<1x128xf32> to vector<128x128xf32>
    %add3A_1038 = arith.addf %add3A_1036, %add3A_1037 : vector<128x128xf32>
    %add3A_1039 = arith.addf %add3A_1038, %slice3A_1035 : vector<128x128xf32>
    %add3A_1040 = arith.constant 2048 : i32
    %add3A_1041 = vector.broadcast %add3A_1040 : i32 to vector<128x128xi32>
    %add3A_1042 = arith.addi %add3A_844, %add3A_1041 : vector<128x128xi32>
    %lt3A_1043 = arith.cmpf olt, %add3A_1039, %select_n3A_1032 : vector<128x128xf32>
    %select_n3A_1044 = arith.select %lt3A_1043, %add3A_1039, %select_n3A_1032 : vector<128x128xi1>, vector<128x128xf32>
    %select_n3A_1045 = arith.select %lt3A_1043, %add3A_1042, %select_n3A_1033 : vector<128x128xi1>, vector<128x128xi32>
    %slice3A_1046 = vector.extract_strided_slice %get3A_11 {offsets = [0, 2176], sizes = [1, 128], strides = [1, 1]} : vector<1x2816xf32> to vector<1x128xf32>
    %slice3A_1047 = vector.extract_strided_slice %slice3A_840 {offsets = [0, 2176], sizes = [128, 128], strides = [1, 1]} : vector<128x2816xf32> to vector<128x128xf32>
    %add3A_1048 = vector.broadcast %slice3A_839 : vector<128x1xf32> to vector<128x128xf32>
    %add3A_1049 = vector.broadcast %slice3A_1046 : vector<1x128xf32> to vector<128x128xf32>
    %add3A_1050 = arith.addf %add3A_1048, %add3A_1049 : vector<128x128xf32>
    %add3A_1051 = arith.addf %add3A_1050, %slice3A_1047 : vector<128x128xf32>
    %add3A_1052 = arith.constant 2176 : i32
    %add3A_1053 = vector.broadcast %add3A_1052 : i32 to vector<128x128xi32>
    %add3A_1054 = arith.addi %add3A_844, %add3A_1053 : vector<128x128xi32>
    %lt3A_1055 = arith.cmpf olt, %add3A_1051, %select_n3A_1044 : vector<128x128xf32>
    %select_n3A_1056 = arith.select %lt3A_1055, %add3A_1051, %select_n3A_1044 : vector<128x128xi1>, vector<128x128xf32>
    %select_n3A_1057 = arith.select %lt3A_1055, %add3A_1054, %select_n3A_1045 : vector<128x128xi1>, vector<128x128xi32>
    %slice3A_1058 = vector.extract_strided_slice %get3A_11 {offsets = [0, 2304], sizes = [1, 128], strides = [1, 1]} : vector<1x2816xf32> to vector<1x128xf32>
    %slice3A_1059 = vector.extract_strided_slice %slice3A_840 {offsets = [0, 2304], sizes = [128, 128], strides = [1, 1]} : vector<128x2816xf32> to vector<128x128xf32>
    %add3A_1060 = vector.broadcast %slice3A_839 : vector<128x1xf32> to vector<128x128xf32>
    %add3A_1061 = vector.broadcast %slice3A_1058 : vector<1x128xf32> to vector<128x128xf32>
    %add3A_1062 = arith.addf %add3A_1060, %add3A_1061 : vector<128x128xf32>
    %add3A_1063 = arith.addf %add3A_1062, %slice3A_1059 : vector<128x128xf32>
    %add3A_1064 = arith.constant 2304 : i32
    %add3A_1065 = vector.broadcast %add3A_1064 : i32 to vector<128x128xi32>
    %add3A_1066 = arith.addi %add3A_844, %add3A_1065 : vector<128x128xi32>
    %lt3A_1067 = arith.cmpf olt, %add3A_1063, %select_n3A_1056 : vector<128x128xf32>
    %select_n3A_1068 = arith.select %lt3A_1067, %add3A_1063, %select_n3A_1056 : vector<128x128xi1>, vector<128x128xf32>
    %select_n3A_1069 = arith.select %lt3A_1067, %add3A_1066, %select_n3A_1057 : vector<128x128xi1>, vector<128x128xi32>
    %slice3A_1070 = vector.extract_strided_slice %get3A_11 {offsets = [0, 2432], sizes = [1, 128], strides = [1, 1]} : vector<1x2816xf32> to vector<1x128xf32>
    %slice3A_1071 = vector.extract_strided_slice %slice3A_840 {offsets = [0, 2432], sizes = [128, 128], strides = [1, 1]} : vector<128x2816xf32> to vector<128x128xf32>
    %add3A_1072 = vector.broadcast %slice3A_839 : vector<128x1xf32> to vector<128x128xf32>
    %add3A_1073 = vector.broadcast %slice3A_1070 : vector<1x128xf32> to vector<128x128xf32>
    %add3A_1074 = arith.addf %add3A_1072, %add3A_1073 : vector<128x128xf32>
    %add3A_1075 = arith.addf %add3A_1074, %slice3A_1071 : vector<128x128xf32>
    %add3A_1076 = arith.constant 2432 : i32
    %add3A_1077 = vector.broadcast %add3A_1076 : i32 to vector<128x128xi32>
    %add3A_1078 = arith.addi %add3A_844, %add3A_1077 : vector<128x128xi32>
    %lt3A_1079 = arith.cmpf olt, %add3A_1075, %select_n3A_1068 : vector<128x128xf32>
    %select_n3A_1080 = arith.select %lt3A_1079, %add3A_1075, %select_n3A_1068 : vector<128x128xi1>, vector<128x128xf32>
    %select_n3A_1081 = arith.select %lt3A_1079, %add3A_1078, %select_n3A_1069 : vector<128x128xi1>, vector<128x128xi32>
    %slice3A_1082 = vector.extract_strided_slice %get3A_11 {offsets = [0, 2560], sizes = [1, 128], strides = [1, 1]} : vector<1x2816xf32> to vector<1x128xf32>
    %slice3A_1083 = vector.extract_strided_slice %slice3A_840 {offsets = [0, 2560], sizes = [128, 128], strides = [1, 1]} : vector<128x2816xf32> to vector<128x128xf32>
    %add3A_1084 = vector.broadcast %slice3A_839 : vector<128x1xf32> to vector<128x128xf32>
    %add3A_1085 = vector.broadcast %slice3A_1082 : vector<1x128xf32> to vector<128x128xf32>
    %add3A_1086 = arith.addf %add3A_1084, %add3A_1085 : vector<128x128xf32>
    %add3A_1087 = arith.addf %add3A_1086, %slice3A_1083 : vector<128x128xf32>
    %add3A_1088 = arith.constant 2560 : i32
    %add3A_1089 = vector.broadcast %add3A_1088 : i32 to vector<128x128xi32>
    %add3A_1090 = arith.addi %add3A_844, %add3A_1089 : vector<128x128xi32>
    %lt3A_1091 = arith.cmpf olt, %add3A_1087, %select_n3A_1080 : vector<128x128xf32>
    %select_n3A_1092 = arith.select %lt3A_1091, %add3A_1087, %select_n3A_1080 : vector<128x128xi1>, vector<128x128xf32>
    %select_n3A_1093 = arith.select %lt3A_1091, %add3A_1090, %select_n3A_1081 : vector<128x128xi1>, vector<128x128xi32>
    %slice3A_1094 = vector.extract_strided_slice %get3A_11 {offsets = [0, 2688], sizes = [1, 128], strides = [1, 1]} : vector<1x2816xf32> to vector<1x128xf32>
    %slice3A_1095 = vector.extract_strided_slice %slice3A_840 {offsets = [0, 2688], sizes = [128, 128], strides = [1, 1]} : vector<128x2816xf32> to vector<128x128xf32>
    %add3A_1096 = vector.broadcast %slice3A_839 : vector<128x1xf32> to vector<128x128xf32>
    %add3A_1097 = vector.broadcast %slice3A_1094 : vector<1x128xf32> to vector<128x128xf32>
    %add3A_1098 = arith.addf %add3A_1096, %add3A_1097 : vector<128x128xf32>
    %add3A_1099 = arith.addf %add3A_1098, %slice3A_1095 : vector<128x128xf32>
    %add3A_1100 = arith.constant 2688 : i32
    %add3A_1101 = vector.broadcast %add3A_1100 : i32 to vector<128x128xi32>
    %add3A_1102 = arith.addi %add3A_844, %add3A_1101 : vector<128x128xi32>
    %lt3A_1103 = arith.cmpf olt, %add3A_1099, %select_n3A_1092 : vector<128x128xf32>
    %select_n3A_1104 = arith.select %lt3A_1103, %add3A_1099, %select_n3A_1092 : vector<128x128xi1>, vector<128x128xf32>
    %select_n3A_1105 = arith.select %lt3A_1103, %add3A_1102, %select_n3A_1093 : vector<128x128xi1>, vector<128x128xi32>
    %reduce_min3A_1106 = arith.constant dense<0x7F800000> : vector<128xf32>
    %reduce_min3A_1107 = vector.multi_reduction <minimumf>, %select_n3A_1104, %reduce_min3A_1106 [1] : vector<128x128xf32> to vector<128xf32>
    %broadcast_in_dim3A_1108 = vector.shape_cast %reduce_min3A_1107 : vector<128xf32> to vector<128x1xf32>
    %eq3A_1109 = vector.broadcast %broadcast_in_dim3A_1108 : vector<128x1xf32> to vector<128x128xf32>
    %eq3A_1110 = arith.cmpf oeq, %select_n3A_1104, %eq3A_1109 : vector<128x128xf32>
    %jit3A_1111 = arith.constant 8192 : i32
    %broadcast_in_dim3A_1112 = vector.broadcast %jit3A_1111 : i32 to vector<128x128xi32>
    %select_n3A_1113 = arith.select %eq3A_1110, %select_n3A_1105, %broadcast_in_dim3A_1112 : vector<128x128xi1>, vector<128x128xi32>
    %reduce_min3A_1114 = arith.constant dense<2147483647> : vector<128xi32>
    %reduce_min3A_1115 = vector.multi_reduction <minsi>, %select_n3A_1113, %reduce_min3A_1114 [1] : vector<128x128xi32> to vector<128xi32>
    %broadcast_in_dim3A_1116 = vector.shape_cast %reduce_min3A_1115 : vector<128xi32> to vector<128x1xi32>
    %concatenate3A = tpu.concatenate %broadcast_in_dim3A_275, %broadcast_in_dim3A_552, %broadcast_in_dim3A_830, %broadcast_in_dim3A_1108 in 0 : vector<128x1xf32>, vector<128x1xf32>, vector<128x1xf32>, vector<128x1xf32> -> vector<512x1xf32>
    %concatenate3A_1117 = tpu.concatenate %broadcast_in_dim3A_282, %broadcast_in_dim3A_560, %broadcast_in_dim3A_838, %broadcast_in_dim3A_1116 in 0 : vector<128x1xi32>, vector<128x1xi32>, vector<128x1xi32>, vector<128x1xi32> -> vector<512x1xi32>
    %get3A_1118 = arith.constant 2736 : index
    %get3A_1119 = arith.constant 0 : index
    %get3A_1120 = vector.load %arg5[%get3A_1118, %get3A_1119] : memref<8288x256xf32, #tpu.memory_space<vmem>>, vector<2816x256xf32>
    %dot_general3A_1121 = arith.constant dense<0.000000e+00> : vector<512x2816xf32>
    %dot_general3A_1122 = tpu.matmul %get3A_3, %get3A_1120, %dot_general3A_1121 {dimension_numbers = #tpu.dot_dimension_numbers<[1], [1], [0], [0], [0, 0, 1, 0], [], []>, transpose_lhs_hint = false} : vector<512x256xf32>, vector<2816x256xf32>, vector<512x2816xf32> -> vector<512x2816xf32>
    %get3A_1123 = arith.constant 1 : index
    %get3A_1124 = arith.constant 0 : index
    %get3A_1125 = vector.load %arg6[%get3A_1123, %get3A_1124] : memref<3x2816xf32, #tpu.memory_space<vmem>>, vector<1x2816xf32>
    %slice3A_1126 = vector.extract_strided_slice %broadcast_in_dim3A {offsets = [0, 0], sizes = [128, 1], strides = [1, 1]} : vector<512x1xf32> to vector<128x1xf32>
    %slice3A_1127 = vector.extract_strided_slice %dot_general3A_1122 {offsets = [0, 0], sizes = [128, 2816], strides = [1, 1]} : vector<512x2816xf32> to vector<128x2816xf32>
    %iota3A_1128 = tpu.iota {dimensions = array<i32: 1>} : vector<128x128xi32>
    %add3A_1129 = arith.constant 2736 : i32
    %add3A_1130 = vector.broadcast %add3A_1129 : i32 to vector<128x128xi32>
    %add3A_1131 = arith.addi %iota3A_1128, %add3A_1130 : vector<128x128xi32>
    %slice3A_1132 = vector.extract_strided_slice %get3A_1125 {offsets = [0, 0], sizes = [1, 128], strides = [1, 1]} : vector<1x2816xf32> to vector<1x128xf32>
    %slice3A_1133 = vector.extract_strided_slice %slice3A_1127 {offsets = [0, 0], sizes = [128, 128], strides = [1, 1]} : vector<128x2816xf32> to vector<128x128xf32>
    %add3A_1134 = vector.broadcast %slice3A_1126 : vector<128x1xf32> to vector<128x128xf32>
    %add3A_1135 = vector.broadcast %slice3A_1132 : vector<1x128xf32> to vector<128x128xf32>
    %add3A_1136 = arith.addf %add3A_1134, %add3A_1135 : vector<128x128xf32>
    %add3A_1137 = arith.addf %add3A_1136, %slice3A_1133 : vector<128x128xf32>
    %add3A_1138 = arith.constant 0 : i32
    %add3A_1139 = vector.broadcast %add3A_1138 : i32 to vector<128x128xi32>
    %add3A_1140 = arith.addi %add3A_1131, %add3A_1139 : vector<128x128xi32>
    %slice3A_1141 = vector.extract_strided_slice %get3A_1125 {offsets = [0, 128], sizes = [1, 128], strides = [1, 1]} : vector<1x2816xf32> to vector<1x128xf32>
    %slice3A_1142 = vector.extract_strided_slice %slice3A_1127 {offsets = [0, 128], sizes = [128, 128], strides = [1, 1]} : vector<128x2816xf32> to vector<128x128xf32>
    %add3A_1143 = vector.broadcast %slice3A_1126 : vector<128x1xf32> to vector<128x128xf32>
    %add3A_1144 = vector.broadcast %slice3A_1141 : vector<1x128xf32> to vector<128x128xf32>
    %add3A_1145 = arith.addf %add3A_1143, %add3A_1144 : vector<128x128xf32>
    %add3A_1146 = arith.addf %add3A_1145, %slice3A_1142 : vector<128x128xf32>
    %add3A_1147 = arith.constant 128 : i32
    %add3A_1148 = vector.broadcast %add3A_1147 : i32 to vector<128x128xi32>
    %add3A_1149 = arith.addi %add3A_1131, %add3A_1148 : vector<128x128xi32>
    %lt3A_1150 = arith.cmpf olt, %add3A_1146, %add3A_1137 : vector<128x128xf32>
    %select_n3A_1151 = arith.select %lt3A_1150, %add3A_1146, %add3A_1137 : vector<128x128xi1>, vector<128x128xf32>
    %select_n3A_1152 = arith.select %lt3A_1150, %add3A_1149, %add3A_1140 : vector<128x128xi1>, vector<128x128xi32>
    %slice3A_1153 = vector.extract_strided_slice %get3A_1125 {offsets = [0, 256], sizes = [1, 128], strides = [1, 1]} : vector<1x2816xf32> to vector<1x128xf32>
    %slice3A_1154 = vector.extract_strided_slice %slice3A_1127 {offsets = [0, 256], sizes = [128, 128], strides = [1, 1]} : vector<128x2816xf32> to vector<128x128xf32>
    %add3A_1155 = vector.broadcast %slice3A_1126 : vector<128x1xf32> to vector<128x128xf32>
    %add3A_1156 = vector.broadcast %slice3A_1153 : vector<1x128xf32> to vector<128x128xf32>
    %add3A_1157 = arith.addf %add3A_1155, %add3A_1156 : vector<128x128xf32>
    %add3A_1158 = arith.addf %add3A_1157, %slice3A_1154 : vector<128x128xf32>
    %add3A_1159 = arith.constant 256 : i32
    %add3A_1160 = vector.broadcast %add3A_1159 : i32 to vector<128x128xi32>
    %add3A_1161 = arith.addi %add3A_1131, %add3A_1160 : vector<128x128xi32>
    %lt3A_1162 = arith.cmpf olt, %add3A_1158, %select_n3A_1151 : vector<128x128xf32>
    %select_n3A_1163 = arith.select %lt3A_1162, %add3A_1158, %select_n3A_1151 : vector<128x128xi1>, vector<128x128xf32>
    %select_n3A_1164 = arith.select %lt3A_1162, %add3A_1161, %select_n3A_1152 : vector<128x128xi1>, vector<128x128xi32>
    %slice3A_1165 = vector.extract_strided_slice %get3A_1125 {offsets = [0, 384], sizes = [1, 128], strides = [1, 1]} : vector<1x2816xf32> to vector<1x128xf32>
    %slice3A_1166 = vector.extract_strided_slice %slice3A_1127 {offsets = [0, 384], sizes = [128, 128], strides = [1, 1]} : vector<128x2816xf32> to vector<128x128xf32>
    %add3A_1167 = vector.broadcast %slice3A_1126 : vector<128x1xf32> to vector<128x128xf32>
    %add3A_1168 = vector.broadcast %slice3A_1165 : vector<1x128xf32> to vector<128x128xf32>
    %add3A_1169 = arith.addf %add3A_1167, %add3A_1168 : vector<128x128xf32>
    %add3A_1170 = arith.addf %add3A_1169, %slice3A_1166 : vector<128x128xf32>
    %add3A_1171 = arith.constant 384 : i32
    %add3A_1172 = vector.broadcast %add3A_1171 : i32 to vector<128x128xi32>
    %add3A_1173 = arith.addi %add3A_1131, %add3A_1172 : vector<128x128xi32>
    %lt3A_1174 = arith.cmpf olt, %add3A_1170, %select_n3A_1163 : vector<128x128xf32>
    %select_n3A_1175 = arith.select %lt3A_1174, %add3A_1170, %select_n3A_1163 : vector<128x128xi1>, vector<128x128xf32>
    %select_n3A_1176 = arith.select %lt3A_1174, %add3A_1173, %select_n3A_1164 : vector<128x128xi1>, vector<128x128xi32>
    %slice3A_1177 = vector.extract_strided_slice %get3A_1125 {offsets = [0, 512], sizes = [1, 128], strides = [1, 1]} : vector<1x2816xf32> to vector<1x128xf32>
    %slice3A_1178 = vector.extract_strided_slice %slice3A_1127 {offsets = [0, 512], sizes = [128, 128], strides = [1, 1]} : vector<128x2816xf32> to vector<128x128xf32>
    %add3A_1179 = vector.broadcast %slice3A_1126 : vector<128x1xf32> to vector<128x128xf32>
    %add3A_1180 = vector.broadcast %slice3A_1177 : vector<1x128xf32> to vector<128x128xf32>
    %add3A_1181 = arith.addf %add3A_1179, %add3A_1180 : vector<128x128xf32>
    %add3A_1182 = arith.addf %add3A_1181, %slice3A_1178 : vector<128x128xf32>
    %add3A_1183 = arith.constant 512 : i32
    %add3A_1184 = vector.broadcast %add3A_1183 : i32 to vector<128x128xi32>
    %add3A_1185 = arith.addi %add3A_1131, %add3A_1184 : vector<128x128xi32>
    %lt3A_1186 = arith.cmpf olt, %add3A_1182, %select_n3A_1175 : vector<128x128xf32>
    %select_n3A_1187 = arith.select %lt3A_1186, %add3A_1182, %select_n3A_1175 : vector<128x128xi1>, vector<128x128xf32>
    %select_n3A_1188 = arith.select %lt3A_1186, %add3A_1185, %select_n3A_1176 : vector<128x128xi1>, vector<128x128xi32>
    %slice3A_1189 = vector.extract_strided_slice %get3A_1125 {offsets = [0, 640], sizes = [1, 128], strides = [1, 1]} : vector<1x2816xf32> to vector<1x128xf32>
    %slice3A_1190 = vector.extract_strided_slice %slice3A_1127 {offsets = [0, 640], sizes = [128, 128], strides = [1, 1]} : vector<128x2816xf32> to vector<128x128xf32>
    %add3A_1191 = vector.broadcast %slice3A_1126 : vector<128x1xf32> to vector<128x128xf32>
    %add3A_1192 = vector.broadcast %slice3A_1189 : vector<1x128xf32> to vector<128x128xf32>
    %add3A_1193 = arith.addf %add3A_1191, %add3A_1192 : vector<128x128xf32>
    %add3A_1194 = arith.addf %add3A_1193, %slice3A_1190 : vector<128x128xf32>
    %add3A_1195 = arith.constant 640 : i32
    %add3A_1196 = vector.broadcast %add3A_1195 : i32 to vector<128x128xi32>
    %add3A_1197 = arith.addi %add3A_1131, %add3A_1196 : vector<128x128xi32>
    %lt3A_1198 = arith.cmpf olt, %add3A_1194, %select_n3A_1187 : vector<128x128xf32>
    %select_n3A_1199 = arith.select %lt3A_1198, %add3A_1194, %select_n3A_1187 : vector<128x128xi1>, vector<128x128xf32>
    %select_n3A_1200 = arith.select %lt3A_1198, %add3A_1197, %select_n3A_1188 : vector<128x128xi1>, vector<128x128xi32>
    %slice3A_1201 = vector.extract_strided_slice %get3A_1125 {offsets = [0, 768], sizes = [1, 128], strides = [1, 1]} : vector<1x2816xf32> to vector<1x128xf32>
    %slice3A_1202 = vector.extract_strided_slice %slice3A_1127 {offsets = [0, 768], sizes = [128, 128], strides = [1, 1]} : vector<128x2816xf32> to vector<128x128xf32>
    %add3A_1203 = vector.broadcast %slice3A_1126 : vector<128x1xf32> to vector<128x128xf32>
    %add3A_1204 = vector.broadcast %slice3A_1201 : vector<1x128xf32> to vector<128x128xf32>
    %add3A_1205 = arith.addf %add3A_1203, %add3A_1204 : vector<128x128xf32>
    %add3A_1206 = arith.addf %add3A_1205, %slice3A_1202 : vector<128x128xf32>
    %add3A_1207 = arith.constant 768 : i32
    %add3A_1208 = vector.broadcast %add3A_1207 : i32 to vector<128x128xi32>
    %add3A_1209 = arith.addi %add3A_1131, %add3A_1208 : vector<128x128xi32>
    %lt3A_1210 = arith.cmpf olt, %add3A_1206, %select_n3A_1199 : vector<128x128xf32>
    %select_n3A_1211 = arith.select %lt3A_1210, %add3A_1206, %select_n3A_1199 : vector<128x128xi1>, vector<128x128xf32>
    %select_n3A_1212 = arith.select %lt3A_1210, %add3A_1209, %select_n3A_1200 : vector<128x128xi1>, vector<128x128xi32>
    %slice3A_1213 = vector.extract_strided_slice %get3A_1125 {offsets = [0, 896], sizes = [1, 128], strides = [1, 1]} : vector<1x2816xf32> to vector<1x128xf32>
    %slice3A_1214 = vector.extract_strided_slice %slice3A_1127 {offsets = [0, 896], sizes = [128, 128], strides = [1, 1]} : vector<128x2816xf32> to vector<128x128xf32>
    %add3A_1215 = vector.broadcast %slice3A_1126 : vector<128x1xf32> to vector<128x128xf32>
    %add3A_1216 = vector.broadcast %slice3A_1213 : vector<1x128xf32> to vector<128x128xf32>
    %add3A_1217 = arith.addf %add3A_1215, %add3A_1216 : vector<128x128xf32>
    %add3A_1218 = arith.addf %add3A_1217, %slice3A_1214 : vector<128x128xf32>
    %add3A_1219 = arith.constant 896 : i32
    %add3A_1220 = vector.broadcast %add3A_1219 : i32 to vector<128x128xi32>
    %add3A_1221 = arith.addi %add3A_1131, %add3A_1220 : vector<128x128xi32>
    %lt3A_1222 = arith.cmpf olt, %add3A_1218, %select_n3A_1211 : vector<128x128xf32>
    %select_n3A_1223 = arith.select %lt3A_1222, %add3A_1218, %select_n3A_1211 : vector<128x128xi1>, vector<128x128xf32>
    %select_n3A_1224 = arith.select %lt3A_1222, %add3A_1221, %select_n3A_1212 : vector<128x128xi1>, vector<128x128xi32>
    %slice3A_1225 = vector.extract_strided_slice %get3A_1125 {offsets = [0, 1024], sizes = [1, 128], strides = [1, 1]} : vector<1x2816xf32> to vector<1x128xf32>
    %slice3A_1226 = vector.extract_strided_slice %slice3A_1127 {offsets = [0, 1024], sizes = [128, 128], strides = [1, 1]} : vector<128x2816xf32> to vector<128x128xf32>
    %add3A_1227 = vector.broadcast %slice3A_1126 : vector<128x1xf32> to vector<128x128xf32>
    %add3A_1228 = vector.broadcast %slice3A_1225 : vector<1x128xf32> to vector<128x128xf32>
    %add3A_1229 = arith.addf %add3A_1227, %add3A_1228 : vector<128x128xf32>
    %add3A_1230 = arith.addf %add3A_1229, %slice3A_1226 : vector<128x128xf32>
    %add3A_1231 = arith.constant 1024 : i32
    %add3A_1232 = vector.broadcast %add3A_1231 : i32 to vector<128x128xi32>
    %add3A_1233 = arith.addi %add3A_1131, %add3A_1232 : vector<128x128xi32>
    %lt3A_1234 = arith.cmpf olt, %add3A_1230, %select_n3A_1223 : vector<128x128xf32>
    %select_n3A_1235 = arith.select %lt3A_1234, %add3A_1230, %select_n3A_1223 : vector<128x128xi1>, vector<128x128xf32>
    %select_n3A_1236 = arith.select %lt3A_1234, %add3A_1233, %select_n3A_1224 : vector<128x128xi1>, vector<128x128xi32>
    %slice3A_1237 = vector.extract_strided_slice %get3A_1125 {offsets = [0, 1152], sizes = [1, 128], strides = [1, 1]} : vector<1x2816xf32> to vector<1x128xf32>
    %slice3A_1238 = vector.extract_strided_slice %slice3A_1127 {offsets = [0, 1152], sizes = [128, 128], strides = [1, 1]} : vector<128x2816xf32> to vector<128x128xf32>
    %add3A_1239 = vector.broadcast %slice3A_1126 : vector<128x1xf32> to vector<128x128xf32>
    %add3A_1240 = vector.broadcast %slice3A_1237 : vector<1x128xf32> to vector<128x128xf32>
    %add3A_1241 = arith.addf %add3A_1239, %add3A_1240 : vector<128x128xf32>
    %add3A_1242 = arith.addf %add3A_1241, %slice3A_1238 : vector<128x128xf32>
    %add3A_1243 = arith.constant 1152 : i32
    %add3A_1244 = vector.broadcast %add3A_1243 : i32 to vector<128x128xi32>
    %add3A_1245 = arith.addi %add3A_1131, %add3A_1244 : vector<128x128xi32>
    %lt3A_1246 = arith.cmpf olt, %add3A_1242, %select_n3A_1235 : vector<128x128xf32>
    %select_n3A_1247 = arith.select %lt3A_1246, %add3A_1242, %select_n3A_1235 : vector<128x128xi1>, vector<128x128xf32>
    %select_n3A_1248 = arith.select %lt3A_1246, %add3A_1245, %select_n3A_1236 : vector<128x128xi1>, vector<128x128xi32>
    %slice3A_1249 = vector.extract_strided_slice %get3A_1125 {offsets = [0, 1280], sizes = [1, 128], strides = [1, 1]} : vector<1x2816xf32> to vector<1x128xf32>
    %slice3A_1250 = vector.extract_strided_slice %slice3A_1127 {offsets = [0, 1280], sizes = [128, 128], strides = [1, 1]} : vector<128x2816xf32> to vector<128x128xf32>
    %add3A_1251 = vector.broadcast %slice3A_1126 : vector<128x1xf32> to vector<128x128xf32>
    %add3A_1252 = vector.broadcast %slice3A_1249 : vector<1x128xf32> to vector<128x128xf32>
    %add3A_1253 = arith.addf %add3A_1251, %add3A_1252 : vector<128x128xf32>
    %add3A_1254 = arith.addf %add3A_1253, %slice3A_1250 : vector<128x128xf32>
    %add3A_1255 = arith.constant 1280 : i32
    %add3A_1256 = vector.broadcast %add3A_1255 : i32 to vector<128x128xi32>
    %add3A_1257 = arith.addi %add3A_1131, %add3A_1256 : vector<128x128xi32>
    %lt3A_1258 = arith.cmpf olt, %add3A_1254, %select_n3A_1247 : vector<128x128xf32>
    %select_n3A_1259 = arith.select %lt3A_1258, %add3A_1254, %select_n3A_1247 : vector<128x128xi1>, vector<128x128xf32>
    %select_n3A_1260 = arith.select %lt3A_1258, %add3A_1257, %select_n3A_1248 : vector<128x128xi1>, vector<128x128xi32>
    %slice3A_1261 = vector.extract_strided_slice %get3A_1125 {offsets = [0, 1408], sizes = [1, 128], strides = [1, 1]} : vector<1x2816xf32> to vector<1x128xf32>
    %slice3A_1262 = vector.extract_strided_slice %slice3A_1127 {offsets = [0, 1408], sizes = [128, 128], strides = [1, 1]} : vector<128x2816xf32> to vector<128x128xf32>
    %add3A_1263 = vector.broadcast %slice3A_1126 : vector<128x1xf32> to vector<128x128xf32>
    %add3A_1264 = vector.broadcast %slice3A_1261 : vector<1x128xf32> to vector<128x128xf32>
    %add3A_1265 = arith.addf %add3A_1263, %add3A_1264 : vector<128x128xf32>
    %add3A_1266 = arith.addf %add3A_1265, %slice3A_1262 : vector<128x128xf32>
    %add3A_1267 = arith.constant 1408 : i32
    %add3A_1268 = vector.broadcast %add3A_1267 : i32 to vector<128x128xi32>
    %add3A_1269 = arith.addi %add3A_1131, %add3A_1268 : vector<128x128xi32>
    %lt3A_1270 = arith.cmpf olt, %add3A_1266, %select_n3A_1259 : vector<128x128xf32>
    %select_n3A_1271 = arith.select %lt3A_1270, %add3A_1266, %select_n3A_1259 : vector<128x128xi1>, vector<128x128xf32>
    %select_n3A_1272 = arith.select %lt3A_1270, %add3A_1269, %select_n3A_1260 : vector<128x128xi1>, vector<128x128xi32>
    %slice3A_1273 = vector.extract_strided_slice %get3A_1125 {offsets = [0, 1536], sizes = [1, 128], strides = [1, 1]} : vector<1x2816xf32> to vector<1x128xf32>
    %slice3A_1274 = vector.extract_strided_slice %slice3A_1127 {offsets = [0, 1536], sizes = [128, 128], strides = [1, 1]} : vector<128x2816xf32> to vector<128x128xf32>
    %add3A_1275 = vector.broadcast %slice3A_1126 : vector<128x1xf32> to vector<128x128xf32>
    %add3A_1276 = vector.broadcast %slice3A_1273 : vector<1x128xf32> to vector<128x128xf32>
    %add3A_1277 = arith.addf %add3A_1275, %add3A_1276 : vector<128x128xf32>
    %add3A_1278 = arith.addf %add3A_1277, %slice3A_1274 : vector<128x128xf32>
    %add3A_1279 = arith.constant 1536 : i32
    %add3A_1280 = vector.broadcast %add3A_1279 : i32 to vector<128x128xi32>
    %add3A_1281 = arith.addi %add3A_1131, %add3A_1280 : vector<128x128xi32>
    %lt3A_1282 = arith.cmpf olt, %add3A_1278, %select_n3A_1271 : vector<128x128xf32>
    %select_n3A_1283 = arith.select %lt3A_1282, %add3A_1278, %select_n3A_1271 : vector<128x128xi1>, vector<128x128xf32>
    %select_n3A_1284 = arith.select %lt3A_1282, %add3A_1281, %select_n3A_1272 : vector<128x128xi1>, vector<128x128xi32>
    %slice3A_1285 = vector.extract_strided_slice %get3A_1125 {offsets = [0, 1664], sizes = [1, 128], strides = [1, 1]} : vector<1x2816xf32> to vector<1x128xf32>
    %slice3A_1286 = vector.extract_strided_slice %slice3A_1127 {offsets = [0, 1664], sizes = [128, 128], strides = [1, 1]} : vector<128x2816xf32> to vector<128x128xf32>
    %add3A_1287 = vector.broadcast %slice3A_1126 : vector<128x1xf32> to vector<128x128xf32>
    %add3A_1288 = vector.broadcast %slice3A_1285 : vector<1x128xf32> to vector<128x128xf32>
    %add3A_1289 = arith.addf %add3A_1287, %add3A_1288 : vector<128x128xf32>
    %add3A_1290 = arith.addf %add3A_1289, %slice3A_1286 : vector<128x128xf32>
    %add3A_1291 = arith.constant 1664 : i32
    %add3A_1292 = vector.broadcast %add3A_1291 : i32 to vector<128x128xi32>
    %add3A_1293 = arith.addi %add3A_1131, %add3A_1292 : vector<128x128xi32>
    %lt3A_1294 = arith.cmpf olt, %add3A_1290, %select_n3A_1283 : vector<128x128xf32>
    %select_n3A_1295 = arith.select %lt3A_1294, %add3A_1290, %select_n3A_1283 : vector<128x128xi1>, vector<128x128xf32>
    %select_n3A_1296 = arith.select %lt3A_1294, %add3A_1293, %select_n3A_1284 : vector<128x128xi1>, vector<128x128xi32>
    %slice3A_1297 = vector.extract_strided_slice %get3A_1125 {offsets = [0, 1792], sizes = [1, 128], strides = [1, 1]} : vector<1x2816xf32> to vector<1x128xf32>
    %slice3A_1298 = vector.extract_strided_slice %slice3A_1127 {offsets = [0, 1792], sizes = [128, 128], strides = [1, 1]} : vector<128x2816xf32> to vector<128x128xf32>
    %add3A_1299 = vector.broadcast %slice3A_1126 : vector<128x1xf32> to vector<128x128xf32>
    %add3A_1300 = vector.broadcast %slice3A_1297 : vector<1x128xf32> to vector<128x128xf32>
    %add3A_1301 = arith.addf %add3A_1299, %add3A_1300 : vector<128x128xf32>
    %add3A_1302 = arith.addf %add3A_1301, %slice3A_1298 : vector<128x128xf32>
    %add3A_1303 = arith.constant 1792 : i32
    %add3A_1304 = vector.broadcast %add3A_1303 : i32 to vector<128x128xi32>
    %add3A_1305 = arith.addi %add3A_1131, %add3A_1304 : vector<128x128xi32>
    %lt3A_1306 = arith.cmpf olt, %add3A_1302, %select_n3A_1295 : vector<128x128xf32>
    %select_n3A_1307 = arith.select %lt3A_1306, %add3A_1302, %select_n3A_1295 : vector<128x128xi1>, vector<128x128xf32>
    %select_n3A_1308 = arith.select %lt3A_1306, %add3A_1305, %select_n3A_1296 : vector<128x128xi1>, vector<128x128xi32>
    %slice3A_1309 = vector.extract_strided_slice %get3A_1125 {offsets = [0, 1920], sizes = [1, 128], strides = [1, 1]} : vector<1x2816xf32> to vector<1x128xf32>
    %slice3A_1310 = vector.extract_strided_slice %slice3A_1127 {offsets = [0, 1920], sizes = [128, 128], strides = [1, 1]} : vector<128x2816xf32> to vector<128x128xf32>
    %add3A_1311 = vector.broadcast %slice3A_1126 : vector<128x1xf32> to vector<128x128xf32>
    %add3A_1312 = vector.broadcast %slice3A_1309 : vector<1x128xf32> to vector<128x128xf32>
    %add3A_1313 = arith.addf %add3A_1311, %add3A_1312 : vector<128x128xf32>
    %add3A_1314 = arith.addf %add3A_1313, %slice3A_1310 : vector<128x128xf32>
    %add3A_1315 = arith.constant 1920 : i32
    %add3A_1316 = vector.broadcast %add3A_1315 : i32 to vector<128x128xi32>
    %add3A_1317 = arith.addi %add3A_1131, %add3A_1316 : vector<128x128xi32>
    %lt3A_1318 = arith.cmpf olt, %add3A_1314, %select_n3A_1307 : vector<128x128xf32>
    %select_n3A_1319 = arith.select %lt3A_1318, %add3A_1314, %select_n3A_1307 : vector<128x128xi1>, vector<128x128xf32>
    %select_n3A_1320 = arith.select %lt3A_1318, %add3A_1317, %select_n3A_1308 : vector<128x128xi1>, vector<128x128xi32>
    %slice3A_1321 = vector.extract_strided_slice %get3A_1125 {offsets = [0, 2048], sizes = [1, 128], strides = [1, 1]} : vector<1x2816xf32> to vector<1x128xf32>
    %slice3A_1322 = vector.extract_strided_slice %slice3A_1127 {offsets = [0, 2048], sizes = [128, 128], strides = [1, 1]} : vector<128x2816xf32> to vector<128x128xf32>
    %add3A_1323 = vector.broadcast %slice3A_1126 : vector<128x1xf32> to vector<128x128xf32>
    %add3A_1324 = vector.broadcast %slice3A_1321 : vector<1x128xf32> to vector<128x128xf32>
    %add3A_1325 = arith.addf %add3A_1323, %add3A_1324 : vector<128x128xf32>
    %add3A_1326 = arith.addf %add3A_1325, %slice3A_1322 : vector<128x128xf32>
    %add3A_1327 = arith.constant 2048 : i32
    %add3A_1328 = vector.broadcast %add3A_1327 : i32 to vector<128x128xi32>
    %add3A_1329 = arith.addi %add3A_1131, %add3A_1328 : vector<128x128xi32>
    %lt3A_1330 = arith.cmpf olt, %add3A_1326, %select_n3A_1319 : vector<128x128xf32>
    %select_n3A_1331 = arith.select %lt3A_1330, %add3A_1326, %select_n3A_1319 : vector<128x128xi1>, vector<128x128xf32>
    %select_n3A_1332 = arith.select %lt3A_1330, %add3A_1329, %select_n3A_1320 : vector<128x128xi1>, vector<128x128xi32>
    %slice3A_1333 = vector.extract_strided_slice %get3A_1125 {offsets = [0, 2176], sizes = [1, 128], strides = [1, 1]} : vector<1x2816xf32> to vector<1x128xf32>
    %slice3A_1334 = vector.extract_strided_slice %slice3A_1127 {offsets = [0, 2176], sizes = [128, 128], strides = [1, 1]} : vector<128x2816xf32> to vector<128x128xf32>
    %add3A_1335 = vector.broadcast %slice3A_1126 : vector<128x1xf32> to vector<128x128xf32>
    %add3A_1336 = vector.broadcast %slice3A_1333 : vector<1x128xf32> to vector<128x128xf32>
    %add3A_1337 = arith.addf %add3A_1335, %add3A_1336 : vector<128x128xf32>
    %add3A_1338 = arith.addf %add3A_1337, %slice3A_1334 : vector<128x128xf32>
    %add3A_1339 = arith.constant 2176 : i32
    %add3A_1340 = vector.broadcast %add3A_1339 : i32 to vector<128x128xi32>
    %add3A_1341 = arith.addi %add3A_1131, %add3A_1340 : vector<128x128xi32>
    %lt3A_1342 = arith.cmpf olt, %add3A_1338, %select_n3A_1331 : vector<128x128xf32>
    %select_n3A_1343 = arith.select %lt3A_1342, %add3A_1338, %select_n3A_1331 : vector<128x128xi1>, vector<128x128xf32>
    %select_n3A_1344 = arith.select %lt3A_1342, %add3A_1341, %select_n3A_1332 : vector<128x128xi1>, vector<128x128xi32>
    %slice3A_1345 = vector.extract_strided_slice %get3A_1125 {offsets = [0, 2304], sizes = [1, 128], strides = [1, 1]} : vector<1x2816xf32> to vector<1x128xf32>
    %slice3A_1346 = vector.extract_strided_slice %slice3A_1127 {offsets = [0, 2304], sizes = [128, 128], strides = [1, 1]} : vector<128x2816xf32> to vector<128x128xf32>
    %add3A_1347 = vector.broadcast %slice3A_1126 : vector<128x1xf32> to vector<128x128xf32>
    %add3A_1348 = vector.broadcast %slice3A_1345 : vector<1x128xf32> to vector<128x128xf32>
    %add3A_1349 = arith.addf %add3A_1347, %add3A_1348 : vector<128x128xf32>
    %add3A_1350 = arith.addf %add3A_1349, %slice3A_1346 : vector<128x128xf32>
    %add3A_1351 = arith.constant 2304 : i32
    %add3A_1352 = vector.broadcast %add3A_1351 : i32 to vector<128x128xi32>
    %add3A_1353 = arith.addi %add3A_1131, %add3A_1352 : vector<128x128xi32>
    %lt3A_1354 = arith.cmpf olt, %add3A_1350, %select_n3A_1343 : vector<128x128xf32>
    %select_n3A_1355 = arith.select %lt3A_1354, %add3A_1350, %select_n3A_1343 : vector<128x128xi1>, vector<128x128xf32>
    %select_n3A_1356 = arith.select %lt3A_1354, %add3A_1353, %select_n3A_1344 : vector<128x128xi1>, vector<128x128xi32>
    %slice3A_1357 = vector.extract_strided_slice %get3A_1125 {offsets = [0, 2432], sizes = [1, 128], strides = [1, 1]} : vector<1x2816xf32> to vector<1x128xf32>
    %slice3A_1358 = vector.extract_strided_slice %slice3A_1127 {offsets = [0, 2432], sizes = [128, 128], strides = [1, 1]} : vector<128x2816xf32> to vector<128x128xf32>
    %add3A_1359 = vector.broadcast %slice3A_1126 : vector<128x1xf32> to vector<128x128xf32>
    %add3A_1360 = vector.broadcast %slice3A_1357 : vector<1x128xf32> to vector<128x128xf32>
    %add3A_1361 = arith.addf %add3A_1359, %add3A_1360 : vector<128x128xf32>
    %add3A_1362 = arith.addf %add3A_1361, %slice3A_1358 : vector<128x128xf32>
    %add3A_1363 = arith.constant 2432 : i32
    %add3A_1364 = vector.broadcast %add3A_1363 : i32 to vector<128x128xi32>
    %add3A_1365 = arith.addi %add3A_1131, %add3A_1364 : vector<128x128xi32>
    %lt3A_1366 = arith.cmpf olt, %add3A_1362, %select_n3A_1355 : vector<128x128xf32>
    %select_n3A_1367 = arith.select %lt3A_1366, %add3A_1362, %select_n3A_1355 : vector<128x128xi1>, vector<128x128xf32>
    %select_n3A_1368 = arith.select %lt3A_1366, %add3A_1365, %select_n3A_1356 : vector<128x128xi1>, vector<128x128xi32>
    %slice3A_1369 = vector.extract_strided_slice %get3A_1125 {offsets = [0, 2560], sizes = [1, 128], strides = [1, 1]} : vector<1x2816xf32> to vector<1x128xf32>
    %slice3A_1370 = vector.extract_strided_slice %slice3A_1127 {offsets = [0, 2560], sizes = [128, 128], strides = [1, 1]} : vector<128x2816xf32> to vector<128x128xf32>
    %add3A_1371 = vector.broadcast %slice3A_1126 : vector<128x1xf32> to vector<128x128xf32>
    %add3A_1372 = vector.broadcast %slice3A_1369 : vector<1x128xf32> to vector<128x128xf32>
    %add3A_1373 = arith.addf %add3A_1371, %add3A_1372 : vector<128x128xf32>
    %add3A_1374 = arith.addf %add3A_1373, %slice3A_1370 : vector<128x128xf32>
    %add3A_1375 = arith.constant 2560 : i32
    %add3A_1376 = vector.broadcast %add3A_1375 : i32 to vector<128x128xi32>
    %add3A_1377 = arith.addi %add3A_1131, %add3A_1376 : vector<128x128xi32>
    %lt3A_1378 = arith.cmpf olt, %add3A_1374, %select_n3A_1367 : vector<128x128xf32>
    %select_n3A_1379 = arith.select %lt3A_1378, %add3A_1374, %select_n3A_1367 : vector<128x128xi1>, vector<128x128xf32>
    %select_n3A_1380 = arith.select %lt3A_1378, %add3A_1377, %select_n3A_1368 : vector<128x128xi1>, vector<128x128xi32>
    %slice3A_1381 = vector.extract_strided_slice %get3A_1125 {offsets = [0, 2688], sizes = [1, 128], strides = [1, 1]} : vector<1x2816xf32> to vector<1x128xf32>
    %slice3A_1382 = vector.extract_strided_slice %slice3A_1127 {offsets = [0, 2688], sizes = [128, 128], strides = [1, 1]} : vector<128x2816xf32> to vector<128x128xf32>
    %add3A_1383 = vector.broadcast %slice3A_1126 : vector<128x1xf32> to vector<128x128xf32>
    %add3A_1384 = vector.broadcast %slice3A_1381 : vector<1x128xf32> to vector<128x128xf32>
    %add3A_1385 = arith.addf %add3A_1383, %add3A_1384 : vector<128x128xf32>
    %add3A_1386 = arith.addf %add3A_1385, %slice3A_1382 : vector<128x128xf32>
    %add3A_1387 = arith.constant 2688 : i32
    %add3A_1388 = vector.broadcast %add3A_1387 : i32 to vector<128x128xi32>
    %add3A_1389 = arith.addi %add3A_1131, %add3A_1388 : vector<128x128xi32>
    %lt3A_1390 = arith.cmpf olt, %add3A_1386, %select_n3A_1379 : vector<128x128xf32>
    %select_n3A_1391 = arith.select %lt3A_1390, %add3A_1386, %select_n3A_1379 : vector<128x128xi1>, vector<128x128xf32>
    %select_n3A_1392 = arith.select %lt3A_1390, %add3A_1389, %select_n3A_1380 : vector<128x128xi1>, vector<128x128xi32>
    %reduce_min3A_1393 = arith.constant dense<0x7F800000> : vector<128xf32>
    %reduce_min3A_1394 = vector.multi_reduction <minimumf>, %select_n3A_1391, %reduce_min3A_1393 [1] : vector<128x128xf32> to vector<128xf32>
    %broadcast_in_dim3A_1395 = vector.shape_cast %reduce_min3A_1394 : vector<128xf32> to vector<128x1xf32>
    %eq3A_1396 = vector.broadcast %broadcast_in_dim3A_1395 : vector<128x1xf32> to vector<128x128xf32>
    %eq3A_1397 = arith.cmpf oeq, %select_n3A_1391, %eq3A_1396 : vector<128x128xf32>
    %jit3A_1398 = arith.constant 8192 : i32
    %broadcast_in_dim3A_1399 = vector.broadcast %jit3A_1398 : i32 to vector<128x128xi32>
    %select_n3A_1400 = arith.select %eq3A_1397, %select_n3A_1392, %broadcast_in_dim3A_1399 : vector<128x128xi1>, vector<128x128xi32>
    %reduce_min3A_1401 = arith.constant dense<2147483647> : vector<128xi32>
    %reduce_min3A_1402 = vector.multi_reduction <minsi>, %select_n3A_1400, %reduce_min3A_1401 [1] : vector<128x128xi32> to vector<128xi32>
    %broadcast_in_dim3A_1403 = vector.shape_cast %reduce_min3A_1402 : vector<128xi32> to vector<128x1xi32>
    %slice3A_1404 = vector.extract_strided_slice %broadcast_in_dim3A {offsets = [128, 0], sizes = [128, 1], strides = [1, 1]} : vector<512x1xf32> to vector<128x1xf32>
    %slice3A_1405 = vector.extract_strided_slice %dot_general3A_1122 {offsets = [128, 0], sizes = [128, 2816], strides = [1, 1]} : vector<512x2816xf32> to vector<128x2816xf32>
    %iota3A_1406 = tpu.iota {dimensions = array<i32: 1>} : vector<128x128xi32>
    %add3A_1407 = arith.constant 2736 : i32
    %add3A_1408 = vector.broadcast %add3A_1407 : i32 to vector<128x128xi32>
    %add3A_1409 = arith.addi %iota3A_1406, %add3A_1408 : vector<128x128xi32>
    %slice3A_1410 = vector.extract_strided_slice %get3A_1125 {offsets = [0, 0], sizes = [1, 128], strides = [1, 1]} : vector<1x2816xf32> to vector<1x128xf32>
    %slice3A_1411 = vector.extract_strided_slice %slice3A_1405 {offsets = [0, 0], sizes = [128, 128], strides = [1, 1]} : vector<128x2816xf32> to vector<128x128xf32>
    %add3A_1412 = vector.broadcast %slice3A_1404 : vector<128x1xf32> to vector<128x128xf32>
    %add3A_1413 = vector.broadcast %slice3A_1410 : vector<1x128xf32> to vector<128x128xf32>
    %add3A_1414 = arith.addf %add3A_1412, %add3A_1413 : vector<128x128xf32>
    %add3A_1415 = arith.addf %add3A_1414, %slice3A_1411 : vector<128x128xf32>
    %add3A_1416 = arith.constant 0 : i32
    %add3A_1417 = vector.broadcast %add3A_1416 : i32 to vector<128x128xi32>
    %add3A_1418 = arith.addi %add3A_1409, %add3A_1417 : vector<128x128xi32>
    %slice3A_1419 = vector.extract_strided_slice %get3A_1125 {offsets = [0, 128], sizes = [1, 128], strides = [1, 1]} : vector<1x2816xf32> to vector<1x128xf32>
    %slice3A_1420 = vector.extract_strided_slice %slice3A_1405 {offsets = [0, 128], sizes = [128, 128], strides = [1, 1]} : vector<128x2816xf32> to vector<128x128xf32>
    %add3A_1421 = vector.broadcast %slice3A_1404 : vector<128x1xf32> to vector<128x128xf32>
    %add3A_1422 = vector.broadcast %slice3A_1419 : vector<1x128xf32> to vector<128x128xf32>
    %add3A_1423 = arith.addf %add3A_1421, %add3A_1422 : vector<128x128xf32>
    %add3A_1424 = arith.addf %add3A_1423, %slice3A_1420 : vector<128x128xf32>
    %add3A_1425 = arith.constant 128 : i32
    %add3A_1426 = vector.broadcast %add3A_1425 : i32 to vector<128x128xi32>
    %add3A_1427 = arith.addi %add3A_1409, %add3A_1426 : vector<128x128xi32>
    %lt3A_1428 = arith.cmpf olt, %add3A_1424, %add3A_1415 : vector<128x128xf32>
    %select_n3A_1429 = arith.select %lt3A_1428, %add3A_1424, %add3A_1415 : vector<128x128xi1>, vector<128x128xf32>
    %select_n3A_1430 = arith.select %lt3A_1428, %add3A_1427, %add3A_1418 : vector<128x128xi1>, vector<128x128xi32>
    %slice3A_1431 = vector.extract_strided_slice %get3A_1125 {offsets = [0, 256], sizes = [1, 128], strides = [1, 1]} : vector<1x2816xf32> to vector<1x128xf32>
    %slice3A_1432 = vector.extract_strided_slice %slice3A_1405 {offsets = [0, 256], sizes = [128, 128], strides = [1, 1]} : vector<128x2816xf32> to vector<128x128xf32>
    %add3A_1433 = vector.broadcast %slice3A_1404 : vector<128x1xf32> to vector<128x128xf32>
    %add3A_1434 = vector.broadcast %slice3A_1431 : vector<1x128xf32> to vector<128x128xf32>
    %add3A_1435 = arith.addf %add3A_1433, %add3A_1434 : vector<128x128xf32>
    %add3A_1436 = arith.addf %add3A_1435, %slice3A_1432 : vector<128x128xf32>
    %add3A_1437 = arith.constant 256 : i32
    %add3A_1438 = vector.broadcast %add3A_1437 : i32 to vector<128x128xi32>
    %add3A_1439 = arith.addi %add3A_1409, %add3A_1438 : vector<128x128xi32>
    %lt3A_1440 = arith.cmpf olt, %add3A_1436, %select_n3A_1429 : vector<128x128xf32>
    %select_n3A_1441 = arith.select %lt3A_1440, %add3A_1436, %select_n3A_1429 : vector<128x128xi1>, vector<128x128xf32>
    %select_n3A_1442 = arith.select %lt3A_1440, %add3A_1439, %select_n3A_1430 : vector<128x128xi1>, vector<128x128xi32>
    %slice3A_1443 = vector.extract_strided_slice %get3A_1125 {offsets = [0, 384], sizes = [1, 128], strides = [1, 1]} : vector<1x2816xf32> to vector<1x128xf32>
    %slice3A_1444 = vector.extract_strided_slice %slice3A_1405 {offsets = [0, 384], sizes = [128, 128], strides = [1, 1]} : vector<128x2816xf32> to vector<128x128xf32>
    %add3A_1445 = vector.broadcast %slice3A_1404 : vector<128x1xf32> to vector<128x128xf32>
    %add3A_1446 = vector.broadcast %slice3A_1443 : vector<1x128xf32> to vector<128x128xf32>
    %add3A_1447 = arith.addf %add3A_1445, %add3A_1446 : vector<128x128xf32>
    %add3A_1448 = arith.addf %add3A_1447, %slice3A_1444 : vector<128x128xf32>
    %add3A_1449 = arith.constant 384 : i32
    %add3A_1450 = vector.broadcast %add3A_1449 : i32 to vector<128x128xi32>
    %add3A_1451 = arith.addi %add3A_1409, %add3A_1450 : vector<128x128xi32>
    %lt3A_1452 = arith.cmpf olt, %add3A_1448, %select_n3A_1441 : vector<128x128xf32>
    %select_n3A_1453 = arith.select %lt3A_1452, %add3A_1448, %select_n3A_1441 : vector<128x128xi1>, vector<128x128xf32>
    %select_n3A_1454 = arith.select %lt3A_1452, %add3A_1451, %select_n3A_1442 : vector<128x128xi1>, vector<128x128xi32>
    %slice3A_1455 = vector.extract_strided_slice %get3A_1125 {offsets = [0, 512], sizes = [1, 128], strides = [1, 1]} : vector<1x2816xf32> to vector<1x128xf32>
    %slice3A_1456 = vector.extract_strided_slice %slice3A_1405 {offsets = [0, 512], sizes = [128, 128], strides = [1, 1]} : vector<128x2816xf32> to vector<128x128xf32>
    %add3A_1457 = vector.broadcast %slice3A_1404 : vector<128x1xf32> to vector<128x128xf32>
    %add3A_1458 = vector.broadcast %slice3A_1455 : vector<1x128xf32> to vector<128x128xf32>
    %add3A_1459 = arith.addf %add3A_1457, %add3A_1458 : vector<128x128xf32>
    %add3A_1460 = arith.addf %add3A_1459, %slice3A_1456 : vector<128x128xf32>
    %add3A_1461 = arith.constant 512 : i32
    %add3A_1462 = vector.broadcast %add3A_1461 : i32 to vector<128x128xi32>
    %add3A_1463 = arith.addi %add3A_1409, %add3A_1462 : vector<128x128xi32>
    %lt3A_1464 = arith.cmpf olt, %add3A_1460, %select_n3A_1453 : vector<128x128xf32>
    %select_n3A_1465 = arith.select %lt3A_1464, %add3A_1460, %select_n3A_1453 : vector<128x128xi1>, vector<128x128xf32>
    %select_n3A_1466 = arith.select %lt3A_1464, %add3A_1463, %select_n3A_1454 : vector<128x128xi1>, vector<128x128xi32>
    %slice3A_1467 = vector.extract_strided_slice %get3A_1125 {offsets = [0, 640], sizes = [1, 128], strides = [1, 1]} : vector<1x2816xf32> to vector<1x128xf32>
    %slice3A_1468 = vector.extract_strided_slice %slice3A_1405 {offsets = [0, 640], sizes = [128, 128], strides = [1, 1]} : vector<128x2816xf32> to vector<128x128xf32>
    %add3A_1469 = vector.broadcast %slice3A_1404 : vector<128x1xf32> to vector<128x128xf32>
    %add3A_1470 = vector.broadcast %slice3A_1467 : vector<1x128xf32> to vector<128x128xf32>
    %add3A_1471 = arith.addf %add3A_1469, %add3A_1470 : vector<128x128xf32>
    %add3A_1472 = arith.addf %add3A_1471, %slice3A_1468 : vector<128x128xf32>
    %add3A_1473 = arith.constant 640 : i32
    %add3A_1474 = vector.broadcast %add3A_1473 : i32 to vector<128x128xi32>
    %add3A_1475 = arith.addi %add3A_1409, %add3A_1474 : vector<128x128xi32>
    %lt3A_1476 = arith.cmpf olt, %add3A_1472, %select_n3A_1465 : vector<128x128xf32>
    %select_n3A_1477 = arith.select %lt3A_1476, %add3A_1472, %select_n3A_1465 : vector<128x128xi1>, vector<128x128xf32>
    %select_n3A_1478 = arith.select %lt3A_1476, %add3A_1475, %select_n3A_1466 : vector<128x128xi1>, vector<128x128xi32>
    %slice3A_1479 = vector.extract_strided_slice %get3A_1125 {offsets = [0, 768], sizes = [1, 128], strides = [1, 1]} : vector<1x2816xf32> to vector<1x128xf32>
    %slice3A_1480 = vector.extract_strided_slice %slice3A_1405 {offsets = [0, 768], sizes = [128, 128], strides = [1, 1]} : vector<128x2816xf32> to vector<128x128xf32>
    %add3A_1481 = vector.broadcast %slice3A_1404 : vector<128x1xf32> to vector<128x128xf32>
    %add3A_1482 = vector.broadcast %slice3A_1479 : vector<1x128xf32> to vector<128x128xf32>
    %add3A_1483 = arith.addf %add3A_1481, %add3A_1482 : vector<128x128xf32>
    %add3A_1484 = arith.addf %add3A_1483, %slice3A_1480 : vector<128x128xf32>
    %add3A_1485 = arith.constant 768 : i32
    %add3A_1486 = vector.broadcast %add3A_1485 : i32 to vector<128x128xi32>
    %add3A_1487 = arith.addi %add3A_1409, %add3A_1486 : vector<128x128xi32>
    %lt3A_1488 = arith.cmpf olt, %add3A_1484, %select_n3A_1477 : vector<128x128xf32>
    %select_n3A_1489 = arith.select %lt3A_1488, %add3A_1484, %select_n3A_1477 : vector<128x128xi1>, vector<128x128xf32>
    %select_n3A_1490 = arith.select %lt3A_1488, %add3A_1487, %select_n3A_1478 : vector<128x128xi1>, vector<128x128xi32>
    %slice3A_1491 = vector.extract_strided_slice %get3A_1125 {offsets = [0, 896], sizes = [1, 128], strides = [1, 1]} : vector<1x2816xf32> to vector<1x128xf32>
    %slice3A_1492 = vector.extract_strided_slice %slice3A_1405 {offsets = [0, 896], sizes = [128, 128], strides = [1, 1]} : vector<128x2816xf32> to vector<128x128xf32>
    %add3A_1493 = vector.broadcast %slice3A_1404 : vector<128x1xf32> to vector<128x128xf32>
    %add3A_1494 = vector.broadcast %slice3A_1491 : vector<1x128xf32> to vector<128x128xf32>
    %add3A_1495 = arith.addf %add3A_1493, %add3A_1494 : vector<128x128xf32>
    %add3A_1496 = arith.addf %add3A_1495, %slice3A_1492 : vector<128x128xf32>
    %add3A_1497 = arith.constant 896 : i32
    %add3A_1498 = vector.broadcast %add3A_1497 : i32 to vector<128x128xi32>
    %add3A_1499 = arith.addi %add3A_1409, %add3A_1498 : vector<128x128xi32>
    %lt3A_1500 = arith.cmpf olt, %add3A_1496, %select_n3A_1489 : vector<128x128xf32>
    %select_n3A_1501 = arith.select %lt3A_1500, %add3A_1496, %select_n3A_1489 : vector<128x128xi1>, vector<128x128xf32>
    %select_n3A_1502 = arith.select %lt3A_1500, %add3A_1499, %select_n3A_1490 : vector<128x128xi1>, vector<128x128xi32>
    %slice3A_1503 = vector.extract_strided_slice %get3A_1125 {offsets = [0, 1024], sizes = [1, 128], strides = [1, 1]} : vector<1x2816xf32> to vector<1x128xf32>
    %slice3A_1504 = vector.extract_strided_slice %slice3A_1405 {offsets = [0, 1024], sizes = [128, 128], strides = [1, 1]} : vector<128x2816xf32> to vector<128x128xf32>
    %add3A_1505 = vector.broadcast %slice3A_1404 : vector<128x1xf32> to vector<128x128xf32>
    %add3A_1506 = vector.broadcast %slice3A_1503 : vector<1x128xf32> to vector<128x128xf32>
    %add3A_1507 = arith.addf %add3A_1505, %add3A_1506 : vector<128x128xf32>
    %add3A_1508 = arith.addf %add3A_1507, %slice3A_1504 : vector<128x128xf32>
    %add3A_1509 = arith.constant 1024 : i32
    %add3A_1510 = vector.broadcast %add3A_1509 : i32 to vector<128x128xi32>
    %add3A_1511 = arith.addi %add3A_1409, %add3A_1510 : vector<128x128xi32>
    %lt3A_1512 = arith.cmpf olt, %add3A_1508, %select_n3A_1501 : vector<128x128xf32>
    %select_n3A_1513 = arith.select %lt3A_1512, %add3A_1508, %select_n3A_1501 : vector<128x128xi1>, vector<128x128xf32>
    %select_n3A_1514 = arith.select %lt3A_1512, %add3A_1511, %select_n3A_1502 : vector<128x128xi1>, vector<128x128xi32>
    %slice3A_1515 = vector.extract_strided_slice %get3A_1125 {offsets = [0, 1152], sizes = [1, 128], strides = [1, 1]} : vector<1x2816xf32> to vector<1x128xf32>
    %slice3A_1516 = vector.extract_strided_slice %slice3A_1405 {offsets = [0, 1152], sizes = [128, 128], strides = [1, 1]} : vector<128x2816xf32> to vector<128x128xf32>
    %add3A_1517 = vector.broadcast %slice3A_1404 : vector<128x1xf32> to vector<128x128xf32>
    %add3A_1518 = vector.broadcast %slice3A_1515 : vector<1x128xf32> to vector<128x128xf32>
    %add3A_1519 = arith.addf %add3A_1517, %add3A_1518 : vector<128x128xf32>
    %add3A_1520 = arith.addf %add3A_1519, %slice3A_1516 : vector<128x128xf32>
    %add3A_1521 = arith.constant 1152 : i32
    %add3A_1522 = vector.broadcast %add3A_1521 : i32 to vector<128x128xi32>
    %add3A_1523 = arith.addi %add3A_1409, %add3A_1522 : vector<128x128xi32>
    %lt3A_1524 = arith.cmpf olt, %add3A_1520, %select_n3A_1513 : vector<128x128xf32>
    %select_n3A_1525 = arith.select %lt3A_1524, %add3A_1520, %select_n3A_1513 : vector<128x128xi1>, vector<128x128xf32>
    %select_n3A_1526 = arith.select %lt3A_1524, %add3A_1523, %select_n3A_1514 : vector<128x128xi1>, vector<128x128xi32>
    %slice3A_1527 = vector.extract_strided_slice %get3A_1125 {offsets = [0, 1280], sizes = [1, 128], strides = [1, 1]} : vector<1x2816xf32> to vector<1x128xf32>
    %slice3A_1528 = vector.extract_strided_slice %slice3A_1405 {offsets = [0, 1280], sizes = [128, 128], strides = [1, 1]} : vector<128x2816xf32> to vector<128x128xf32>
    %add3A_1529 = vector.broadcast %slice3A_1404 : vector<128x1xf32> to vector<128x128xf32>
    %add3A_1530 = vector.broadcast %slice3A_1527 : vector<1x128xf32> to vector<128x128xf32>
    %add3A_1531 = arith.addf %add3A_1529, %add3A_1530 : vector<128x128xf32>
    %add3A_1532 = arith.addf %add3A_1531, %slice3A_1528 : vector<128x128xf32>
    %add3A_1533 = arith.constant 1280 : i32
    %add3A_1534 = vector.broadcast %add3A_1533 : i32 to vector<128x128xi32>
    %add3A_1535 = arith.addi %add3A_1409, %add3A_1534 : vector<128x128xi32>
    %lt3A_1536 = arith.cmpf olt, %add3A_1532, %select_n3A_1525 : vector<128x128xf32>
    %select_n3A_1537 = arith.select %lt3A_1536, %add3A_1532, %select_n3A_1525 : vector<128x128xi1>, vector<128x128xf32>
    %select_n3A_1538 = arith.select %lt3A_1536, %add3A_1535, %select_n3A_1526 : vector<128x128xi1>, vector<128x128xi32>
    %slice3A_1539 = vector.extract_strided_slice %get3A_1125 {offsets = [0, 1408], sizes = [1, 128], strides = [1, 1]} : vector<1x2816xf32> to vector<1x128xf32>
    %slice3A_1540 = vector.extract_strided_slice %slice3A_1405 {offsets = [0, 1408], sizes = [128, 128], strides = [1, 1]} : vector<128x2816xf32> to vector<128x128xf32>
    %add3A_1541 = vector.broadcast %slice3A_1404 : vector<128x1xf32> to vector<128x128xf32>
    %add3A_1542 = vector.broadcast %slice3A_1539 : vector<1x128xf32> to vector<128x128xf32>
    %add3A_1543 = arith.addf %add3A_1541, %add3A_1542 : vector<128x128xf32>
    %add3A_1544 = arith.addf %add3A_1543, %slice3A_1540 : vector<128x128xf32>
    %add3A_1545 = arith.constant 1408 : i32
    %add3A_1546 = vector.broadcast %add3A_1545 : i32 to vector<128x128xi32>
    %add3A_1547 = arith.addi %add3A_1409, %add3A_1546 : vector<128x128xi32>
    %lt3A_1548 = arith.cmpf olt, %add3A_1544, %select_n3A_1537 : vector<128x128xf32>
    %select_n3A_1549 = arith.select %lt3A_1548, %add3A_1544, %select_n3A_1537 : vector<128x128xi1>, vector<128x128xf32>
    %select_n3A_1550 = arith.select %lt3A_1548, %add3A_1547, %select_n3A_1538 : vector<128x128xi1>, vector<128x128xi32>
    %slice3A_1551 = vector.extract_strided_slice %get3A_1125 {offsets = [0, 1536], sizes = [1, 128], strides = [1, 1]} : vector<1x2816xf32> to vector<1x128xf32>
    %slice3A_1552 = vector.extract_strided_slice %slice3A_1405 {offsets = [0, 1536], sizes = [128, 128], strides = [1, 1]} : vector<128x2816xf32> to vector<128x128xf32>
    %add3A_1553 = vector.broadcast %slice3A_1404 : vector<128x1xf32> to vector<128x128xf32>
    %add3A_1554 = vector.broadcast %slice3A_1551 : vector<1x128xf32> to vector<128x128xf32>
    %add3A_1555 = arith.addf %add3A_1553, %add3A_1554 : vector<128x128xf32>
    %add3A_1556 = arith.addf %add3A_1555, %slice3A_1552 : vector<128x128xf32>
    %add3A_1557 = arith.constant 1536 : i32
    %add3A_1558 = vector.broadcast %add3A_1557 : i32 to vector<128x128xi32>
    %add3A_1559 = arith.addi %add3A_1409, %add3A_1558 : vector<128x128xi32>
    %lt3A_1560 = arith.cmpf olt, %add3A_1556, %select_n3A_1549 : vector<128x128xf32>
    %select_n3A_1561 = arith.select %lt3A_1560, %add3A_1556, %select_n3A_1549 : vector<128x128xi1>, vector<128x128xf32>
    %select_n3A_1562 = arith.select %lt3A_1560, %add3A_1559, %select_n3A_1550 : vector<128x128xi1>, vector<128x128xi32>
    %slice3A_1563 = vector.extract_strided_slice %get3A_1125 {offsets = [0, 1664], sizes = [1, 128], strides = [1, 1]} : vector<1x2816xf32> to vector<1x128xf32>
    %slice3A_1564 = vector.extract_strided_slice %slice3A_1405 {offsets = [0, 1664], sizes = [128, 128], strides = [1, 1]} : vector<128x2816xf32> to vector<128x128xf32>
    %add3A_1565 = vector.broadcast %slice3A_1404 : vector<128x1xf32> to vector<128x128xf32>
    %add3A_1566 = vector.broadcast %slice3A_1563 : vector<1x128xf32> to vector<128x128xf32>
    %add3A_1567 = arith.addf %add3A_1565, %add3A_1566 : vector<128x128xf32>
    %add3A_1568 = arith.addf %add3A_1567, %slice3A_1564 : vector<128x128xf32>
    %add3A_1569 = arith.constant 1664 : i32
    %add3A_1570 = vector.broadcast %add3A_1569 : i32 to vector<128x128xi32>
    %add3A_1571 = arith.addi %add3A_1409, %add3A_1570 : vector<128x128xi32>
    %lt3A_1572 = arith.cmpf olt, %add3A_1568, %select_n3A_1561 : vector<128x128xf32>
    %select_n3A_1573 = arith.select %lt3A_1572, %add3A_1568, %select_n3A_1561 : vector<128x128xi1>, vector<128x128xf32>
    %select_n3A_1574 = arith.select %lt3A_1572, %add3A_1571, %select_n3A_1562 : vector<128x128xi1>, vector<128x128xi32>
    %slice3A_1575 = vector.extract_strided_slice %get3A_1125 {offsets = [0, 1792], sizes = [1, 128], strides = [1, 1]} : vector<1x2816xf32> to vector<1x128xf32>
    %slice3A_1576 = vector.extract_strided_slice %slice3A_1405 {offsets = [0, 1792], sizes = [128, 128], strides = [1, 1]} : vector<128x2816xf32> to vector<128x128xf32>
    %add3A_1577 = vector.broadcast %slice3A_1404 : vector<128x1xf32> to vector<128x128xf32>
    %add3A_1578 = vector.broadcast %slice3A_1575 : vector<1x128xf32> to vector<128x128xf32>
    %add3A_1579 = arith.addf %add3A_1577, %add3A_1578 : vector<128x128xf32>
    %add3A_1580 = arith.addf %add3A_1579, %slice3A_1576 : vector<128x128xf32>
    %add3A_1581 = arith.constant 1792 : i32
    %add3A_1582 = vector.broadcast %add3A_1581 : i32 to vector<128x128xi32>
    %add3A_1583 = arith.addi %add3A_1409, %add3A_1582 : vector<128x128xi32>
    %lt3A_1584 = arith.cmpf olt, %add3A_1580, %select_n3A_1573 : vector<128x128xf32>
    %select_n3A_1585 = arith.select %lt3A_1584, %add3A_1580, %select_n3A_1573 : vector<128x128xi1>, vector<128x128xf32>
    %select_n3A_1586 = arith.select %lt3A_1584, %add3A_1583, %select_n3A_1574 : vector<128x128xi1>, vector<128x128xi32>
    %slice3A_1587 = vector.extract_strided_slice %get3A_1125 {offsets = [0, 1920], sizes = [1, 128], strides = [1, 1]} : vector<1x2816xf32> to vector<1x128xf32>
    %slice3A_1588 = vector.extract_strided_slice %slice3A_1405 {offsets = [0, 1920], sizes = [128, 128], strides = [1, 1]} : vector<128x2816xf32> to vector<128x128xf32>
    %add3A_1589 = vector.broadcast %slice3A_1404 : vector<128x1xf32> to vector<128x128xf32>
    %add3A_1590 = vector.broadcast %slice3A_1587 : vector<1x128xf32> to vector<128x128xf32>
    %add3A_1591 = arith.addf %add3A_1589, %add3A_1590 : vector<128x128xf32>
    %add3A_1592 = arith.addf %add3A_1591, %slice3A_1588 : vector<128x128xf32>
    %add3A_1593 = arith.constant 1920 : i32
    %add3A_1594 = vector.broadcast %add3A_1593 : i32 to vector<128x128xi32>
    %add3A_1595 = arith.addi %add3A_1409, %add3A_1594 : vector<128x128xi32>
    %lt3A_1596 = arith.cmpf olt, %add3A_1592, %select_n3A_1585 : vector<128x128xf32>
    %select_n3A_1597 = arith.select %lt3A_1596, %add3A_1592, %select_n3A_1585 : vector<128x128xi1>, vector<128x128xf32>
    %select_n3A_1598 = arith.select %lt3A_1596, %add3A_1595, %select_n3A_1586 : vector<128x128xi1>, vector<128x128xi32>
    %slice3A_1599 = vector.extract_strided_slice %get3A_1125 {offsets = [0, 2048], sizes = [1, 128], strides = [1, 1]} : vector<1x2816xf32> to vector<1x128xf32>
    %slice3A_1600 = vector.extract_strided_slice %slice3A_1405 {offsets = [0, 2048], sizes = [128, 128], strides = [1, 1]} : vector<128x2816xf32> to vector<128x128xf32>
    %add3A_1601 = vector.broadcast %slice3A_1404 : vector<128x1xf32> to vector<128x128xf32>
    %add3A_1602 = vector.broadcast %slice3A_1599 : vector<1x128xf32> to vector<128x128xf32>
    %add3A_1603 = arith.addf %add3A_1601, %add3A_1602 : vector<128x128xf32>
    %add3A_1604 = arith.addf %add3A_1603, %slice3A_1600 : vector<128x128xf32>
    %add3A_1605 = arith.constant 2048 : i32
    %add3A_1606 = vector.broadcast %add3A_1605 : i32 to vector<128x128xi32>
    %add3A_1607 = arith.addi %add3A_1409, %add3A_1606 : vector<128x128xi32>
    %lt3A_1608 = arith.cmpf olt, %add3A_1604, %select_n3A_1597 : vector<128x128xf32>
    %select_n3A_1609 = arith.select %lt3A_1608, %add3A_1604, %select_n3A_1597 : vector<128x128xi1>, vector<128x128xf32>
    %select_n3A_1610 = arith.select %lt3A_1608, %add3A_1607, %select_n3A_1598 : vector<128x128xi1>, vector<128x128xi32>
    %slice3A_1611 = vector.extract_strided_slice %get3A_1125 {offsets = [0, 2176], sizes = [1, 128], strides = [1, 1]} : vector<1x2816xf32> to vector<1x128xf32>
    %slice3A_1612 = vector.extract_strided_slice %slice3A_1405 {offsets = [0, 2176], sizes = [128, 128], strides = [1, 1]} : vector<128x2816xf32> to vector<128x128xf32>
    %add3A_1613 = vector.broadcast %slice3A_1404 : vector<128x1xf32> to vector<128x128xf32>
    %add3A_1614 = vector.broadcast %slice3A_1611 : vector<1x128xf32> to vector<128x128xf32>
    %add3A_1615 = arith.addf %add3A_1613, %add3A_1614 : vector<128x128xf32>
    %add3A_1616 = arith.addf %add3A_1615, %slice3A_1612 : vector<128x128xf32>
    %add3A_1617 = arith.constant 2176 : i32
    %add3A_1618 = vector.broadcast %add3A_1617 : i32 to vector<128x128xi32>
    %add3A_1619 = arith.addi %add3A_1409, %add3A_1618 : vector<128x128xi32>
    %lt3A_1620 = arith.cmpf olt, %add3A_1616, %select_n3A_1609 : vector<128x128xf32>
    %select_n3A_1621 = arith.select %lt3A_1620, %add3A_1616, %select_n3A_1609 : vector<128x128xi1>, vector<128x128xf32>
    %select_n3A_1622 = arith.select %lt3A_1620, %add3A_1619, %select_n3A_1610 : vector<128x128xi1>, vector<128x128xi32>
    %slice3A_1623 = vector.extract_strided_slice %get3A_1125 {offsets = [0, 2304], sizes = [1, 128], strides = [1, 1]} : vector<1x2816xf32> to vector<1x128xf32>
    %slice3A_1624 = vector.extract_strided_slice %slice3A_1405 {offsets = [0, 2304], sizes = [128, 128], strides = [1, 1]} : vector<128x2816xf32> to vector<128x128xf32>
    %add3A_1625 = vector.broadcast %slice3A_1404 : vector<128x1xf32> to vector<128x128xf32>
    %add3A_1626 = vector.broadcast %slice3A_1623 : vector<1x128xf32> to vector<128x128xf32>
    %add3A_1627 = arith.addf %add3A_1625, %add3A_1626 : vector<128x128xf32>
    %add3A_1628 = arith.addf %add3A_1627, %slice3A_1624 : vector<128x128xf32>
    %add3A_1629 = arith.constant 2304 : i32
    %add3A_1630 = vector.broadcast %add3A_1629 : i32 to vector<128x128xi32>
    %add3A_1631 = arith.addi %add3A_1409, %add3A_1630 : vector<128x128xi32>
    %lt3A_1632 = arith.cmpf olt, %add3A_1628, %select_n3A_1621 : vector<128x128xf32>
    %select_n3A_1633 = arith.select %lt3A_1632, %add3A_1628, %select_n3A_1621 : vector<128x128xi1>, vector<128x128xf32>
    %select_n3A_1634 = arith.select %lt3A_1632, %add3A_1631, %select_n3A_1622 : vector<128x128xi1>, vector<128x128xi32>
    %slice3A_1635 = vector.extract_strided_slice %get3A_1125 {offsets = [0, 2432], sizes = [1, 128], strides = [1, 1]} : vector<1x2816xf32> to vector<1x128xf32>
    %slice3A_1636 = vector.extract_strided_slice %slice3A_1405 {offsets = [0, 2432], sizes = [128, 128], strides = [1, 1]} : vector<128x2816xf32> to vector<128x128xf32>
    %add3A_1637 = vector.broadcast %slice3A_1404 : vector<128x1xf32> to vector<128x128xf32>
    %add3A_1638 = vector.broadcast %slice3A_1635 : vector<1x128xf32> to vector<128x128xf32>
    %add3A_1639 = arith.addf %add3A_1637, %add3A_1638 : vector<128x128xf32>
    %add3A_1640 = arith.addf %add3A_1639, %slice3A_1636 : vector<128x128xf32>
    %add3A_1641 = arith.constant 2432 : i32
    %add3A_1642 = vector.broadcast %add3A_1641 : i32 to vector<128x128xi32>
    %add3A_1643 = arith.addi %add3A_1409, %add3A_1642 : vector<128x128xi32>
    %lt3A_1644 = arith.cmpf olt, %add3A_1640, %select_n3A_1633 : vector<128x128xf32>
    %select_n3A_1645 = arith.select %lt3A_1644, %add3A_1640, %select_n3A_1633 : vector<128x128xi1>, vector<128x128xf32>
    %select_n3A_1646 = arith.select %lt3A_1644, %add3A_1643, %select_n3A_1634 : vector<128x128xi1>, vector<128x128xi32>
    %slice3A_1647 = vector.extract_strided_slice %get3A_1125 {offsets = [0, 2560], sizes = [1, 128], strides = [1, 1]} : vector<1x2816xf32> to vector<1x128xf32>
    %slice3A_1648 = vector.extract_strided_slice %slice3A_1405 {offsets = [0, 2560], sizes = [128, 128], strides = [1, 1]} : vector<128x2816xf32> to vector<128x128xf32>
    %add3A_1649 = vector.broadcast %slice3A_1404 : vector<128x1xf32> to vector<128x128xf32>
    %add3A_1650 = vector.broadcast %slice3A_1647 : vector<1x128xf32> to vector<128x128xf32>
    %add3A_1651 = arith.addf %add3A_1649, %add3A_1650 : vector<128x128xf32>
    %add3A_1652 = arith.addf %add3A_1651, %slice3A_1648 : vector<128x128xf32>
    %add3A_1653 = arith.constant 2560 : i32
    %add3A_1654 = vector.broadcast %add3A_1653 : i32 to vector<128x128xi32>
    %add3A_1655 = arith.addi %add3A_1409, %add3A_1654 : vector<128x128xi32>
    %lt3A_1656 = arith.cmpf olt, %add3A_1652, %select_n3A_1645 : vector<128x128xf32>
    %select_n3A_1657 = arith.select %lt3A_1656, %add3A_1652, %select_n3A_1645 : vector<128x128xi1>, vector<128x128xf32>
    %select_n3A_1658 = arith.select %lt3A_1656, %add3A_1655, %select_n3A_1646 : vector<128x128xi1>, vector<128x128xi32>
    %slice3A_1659 = vector.extract_strided_slice %get3A_1125 {offsets = [0, 2688], sizes = [1, 128], strides = [1, 1]} : vector<1x2816xf32> to vector<1x128xf32>
    %slice3A_1660 = vector.extract_strided_slice %slice3A_1405 {offsets = [0, 2688], sizes = [128, 128], strides = [1, 1]} : vector<128x2816xf32> to vector<128x128xf32>
    %add3A_1661 = vector.broadcast %slice3A_1404 : vector<128x1xf32> to vector<128x128xf32>
    %add3A_1662 = vector.broadcast %slice3A_1659 : vector<1x128xf32> to vector<128x128xf32>
    %add3A_1663 = arith.addf %add3A_1661, %add3A_1662 : vector<128x128xf32>
    %add3A_1664 = arith.addf %add3A_1663, %slice3A_1660 : vector<128x128xf32>
    %add3A_1665 = arith.constant 2688 : i32
    %add3A_1666 = vector.broadcast %add3A_1665 : i32 to vector<128x128xi32>
    %add3A_1667 = arith.addi %add3A_1409, %add3A_1666 : vector<128x128xi32>
    %lt3A_1668 = arith.cmpf olt, %add3A_1664, %select_n3A_1657 : vector<128x128xf32>
    %select_n3A_1669 = arith.select %lt3A_1668, %add3A_1664, %select_n3A_1657 : vector<128x128xi1>, vector<128x128xf32>
    %select_n3A_1670 = arith.select %lt3A_1668, %add3A_1667, %select_n3A_1658 : vector<128x128xi1>, vector<128x128xi32>
    %reduce_min3A_1671 = arith.constant dense<0x7F800000> : vector<128xf32>
    %reduce_min3A_1672 = vector.multi_reduction <minimumf>, %select_n3A_1669, %reduce_min3A_1671 [1] : vector<128x128xf32> to vector<128xf32>
    %broadcast_in_dim3A_1673 = vector.shape_cast %reduce_min3A_1672 : vector<128xf32> to vector<128x1xf32>
    %eq3A_1674 = vector.broadcast %broadcast_in_dim3A_1673 : vector<128x1xf32> to vector<128x128xf32>
    %eq3A_1675 = arith.cmpf oeq, %select_n3A_1669, %eq3A_1674 : vector<128x128xf32>
    %jit3A_1676 = arith.constant 8192 : i32
    %broadcast_in_dim3A_1677 = vector.broadcast %jit3A_1676 : i32 to vector<128x128xi32>
    %select_n3A_1678 = arith.select %eq3A_1675, %select_n3A_1670, %broadcast_in_dim3A_1677 : vector<128x128xi1>, vector<128x128xi32>
    %reduce_min3A_1679 = arith.constant dense<2147483647> : vector<128xi32>
    %reduce_min3A_1680 = vector.multi_reduction <minsi>, %select_n3A_1678, %reduce_min3A_1679 [1] : vector<128x128xi32> to vector<128xi32>
    %broadcast_in_dim3A_1681 = vector.shape_cast %reduce_min3A_1680 : vector<128xi32> to vector<128x1xi32>
    %slice3A_1682 = vector.extract_strided_slice %broadcast_in_dim3A {offsets = [256, 0], sizes = [128, 1], strides = [1, 1]} : vector<512x1xf32> to vector<128x1xf32>
    %slice3A_1683 = vector.extract_strided_slice %dot_general3A_1122 {offsets = [256, 0], sizes = [128, 2816], strides = [1, 1]} : vector<512x2816xf32> to vector<128x2816xf32>
    %iota3A_1684 = tpu.iota {dimensions = array<i32: 1>} : vector<128x128xi32>
    %add3A_1685 = arith.constant 2736 : i32
    %add3A_1686 = vector.broadcast %add3A_1685 : i32 to vector<128x128xi32>
    %add3A_1687 = arith.addi %iota3A_1684, %add3A_1686 : vector<128x128xi32>
    %slice3A_1688 = vector.extract_strided_slice %get3A_1125 {offsets = [0, 0], sizes = [1, 128], strides = [1, 1]} : vector<1x2816xf32> to vector<1x128xf32>
    %slice3A_1689 = vector.extract_strided_slice %slice3A_1683 {offsets = [0, 0], sizes = [128, 128], strides = [1, 1]} : vector<128x2816xf32> to vector<128x128xf32>
    %add3A_1690 = vector.broadcast %slice3A_1682 : vector<128x1xf32> to vector<128x128xf32>
    %add3A_1691 = vector.broadcast %slice3A_1688 : vector<1x128xf32> to vector<128x128xf32>
    %add3A_1692 = arith.addf %add3A_1690, %add3A_1691 : vector<128x128xf32>
    %add3A_1693 = arith.addf %add3A_1692, %slice3A_1689 : vector<128x128xf32>
    %add3A_1694 = arith.constant 0 : i32
    %add3A_1695 = vector.broadcast %add3A_1694 : i32 to vector<128x128xi32>
    %add3A_1696 = arith.addi %add3A_1687, %add3A_1695 : vector<128x128xi32>
    %slice3A_1697 = vector.extract_strided_slice %get3A_1125 {offsets = [0, 128], sizes = [1, 128], strides = [1, 1]} : vector<1x2816xf32> to vector<1x128xf32>
    %slice3A_1698 = vector.extract_strided_slice %slice3A_1683 {offsets = [0, 128], sizes = [128, 128], strides = [1, 1]} : vector<128x2816xf32> to vector<128x128xf32>
    %add3A_1699 = vector.broadcast %slice3A_1682 : vector<128x1xf32> to vector<128x128xf32>
    %add3A_1700 = vector.broadcast %slice3A_1697 : vector<1x128xf32> to vector<128x128xf32>
    %add3A_1701 = arith.addf %add3A_1699, %add3A_1700 : vector<128x128xf32>
    %add3A_1702 = arith.addf %add3A_1701, %slice3A_1698 : vector<128x128xf32>
    %add3A_1703 = arith.constant 128 : i32
    %add3A_1704 = vector.broadcast %add3A_1703 : i32 to vector<128x128xi32>
    %add3A_1705 = arith.addi %add3A_1687, %add3A_1704 : vector<128x128xi32>
    %lt3A_1706 = arith.cmpf olt, %add3A_1702, %add3A_1693 : vector<128x128xf32>
    %select_n3A_1707 = arith.select %lt3A_1706, %add3A_1702, %add3A_1693 : vector<128x128xi1>, vector<128x128xf32>
    %select_n3A_1708 = arith.select %lt3A_1706, %add3A_1705, %add3A_1696 : vector<128x128xi1>, vector<128x128xi32>
    %slice3A_1709 = vector.extract_strided_slice %get3A_1125 {offsets = [0, 256], sizes = [1, 128], strides = [1, 1]} : vector<1x2816xf32> to vector<1x128xf32>
    %slice3A_1710 = vector.extract_strided_slice %slice3A_1683 {offsets = [0, 256], sizes = [128, 128], strides = [1, 1]} : vector<128x2816xf32> to vector<128x128xf32>
    %add3A_1711 = vector.broadcast %slice3A_1682 : vector<128x1xf32> to vector<128x128xf32>
    %add3A_1712 = vector.broadcast %slice3A_1709 : vector<1x128xf32> to vector<128x128xf32>
    %add3A_1713 = arith.addf %add3A_1711, %add3A_1712 : vector<128x128xf32>
    %add3A_1714 = arith.addf %add3A_1713, %slice3A_1710 : vector<128x128xf32>
    %add3A_1715 = arith.constant 256 : i32
    %add3A_1716 = vector.broadcast %add3A_1715 : i32 to vector<128x128xi32>
    %add3A_1717 = arith.addi %add3A_1687, %add3A_1716 : vector<128x128xi32>
    %lt3A_1718 = arith.cmpf olt, %add3A_1714, %select_n3A_1707 : vector<128x128xf32>
    %select_n3A_1719 = arith.select %lt3A_1718, %add3A_1714, %select_n3A_1707 : vector<128x128xi1>, vector<128x128xf32>
    %select_n3A_1720 = arith.select %lt3A_1718, %add3A_1717, %select_n3A_1708 : vector<128x128xi1>, vector<128x128xi32>
    %slice3A_1721 = vector.extract_strided_slice %get3A_1125 {offsets = [0, 384], sizes = [1, 128], strides = [1, 1]} : vector<1x2816xf32> to vector<1x128xf32>
    %slice3A_1722 = vector.extract_strided_slice %slice3A_1683 {offsets = [0, 384], sizes = [128, 128], strides = [1, 1]} : vector<128x2816xf32> to vector<128x128xf32>
    %add3A_1723 = vector.broadcast %slice3A_1682 : vector<128x1xf32> to vector<128x128xf32>
    %add3A_1724 = vector.broadcast %slice3A_1721 : vector<1x128xf32> to vector<128x128xf32>
    %add3A_1725 = arith.addf %add3A_1723, %add3A_1724 : vector<128x128xf32>
    %add3A_1726 = arith.addf %add3A_1725, %slice3A_1722 : vector<128x128xf32>
    %add3A_1727 = arith.constant 384 : i32
    %add3A_1728 = vector.broadcast %add3A_1727 : i32 to vector<128x128xi32>
    %add3A_1729 = arith.addi %add3A_1687, %add3A_1728 : vector<128x128xi32>
    %lt3A_1730 = arith.cmpf olt, %add3A_1726, %select_n3A_1719 : vector<128x128xf32>
    %select_n3A_1731 = arith.select %lt3A_1730, %add3A_1726, %select_n3A_1719 : vector<128x128xi1>, vector<128x128xf32>
    %select_n3A_1732 = arith.select %lt3A_1730, %add3A_1729, %select_n3A_1720 : vector<128x128xi1>, vector<128x128xi32>
    %slice3A_1733 = vector.extract_strided_slice %get3A_1125 {offsets = [0, 512], sizes = [1, 128], strides = [1, 1]} : vector<1x2816xf32> to vector<1x128xf32>
    %slice3A_1734 = vector.extract_strided_slice %slice3A_1683 {offsets = [0, 512], sizes = [128, 128], strides = [1, 1]} : vector<128x2816xf32> to vector<128x128xf32>
    %add3A_1735 = vector.broadcast %slice3A_1682 : vector<128x1xf32> to vector<128x128xf32>
    %add3A_1736 = vector.broadcast %slice3A_1733 : vector<1x128xf32> to vector<128x128xf32>
    %add3A_1737 = arith.addf %add3A_1735, %add3A_1736 : vector<128x128xf32>
    %add3A_1738 = arith.addf %add3A_1737, %slice3A_1734 : vector<128x128xf32>
    %add3A_1739 = arith.constant 512 : i32
    %add3A_1740 = vector.broadcast %add3A_1739 : i32 to vector<128x128xi32>
    %add3A_1741 = arith.addi %add3A_1687, %add3A_1740 : vector<128x128xi32>
    %lt3A_1742 = arith.cmpf olt, %add3A_1738, %select_n3A_1731 : vector<128x128xf32>
    %select_n3A_1743 = arith.select %lt3A_1742, %add3A_1738, %select_n3A_1731 : vector<128x128xi1>, vector<128x128xf32>
    %select_n3A_1744 = arith.select %lt3A_1742, %add3A_1741, %select_n3A_1732 : vector<128x128xi1>, vector<128x128xi32>
    %slice3A_1745 = vector.extract_strided_slice %get3A_1125 {offsets = [0, 640], sizes = [1, 128], strides = [1, 1]} : vector<1x2816xf32> to vector<1x128xf32>
    %slice3A_1746 = vector.extract_strided_slice %slice3A_1683 {offsets = [0, 640], sizes = [128, 128], strides = [1, 1]} : vector<128x2816xf32> to vector<128x128xf32>
    %add3A_1747 = vector.broadcast %slice3A_1682 : vector<128x1xf32> to vector<128x128xf32>
    %add3A_1748 = vector.broadcast %slice3A_1745 : vector<1x128xf32> to vector<128x128xf32>
    %add3A_1749 = arith.addf %add3A_1747, %add3A_1748 : vector<128x128xf32>
    %add3A_1750 = arith.addf %add3A_1749, %slice3A_1746 : vector<128x128xf32>
    %add3A_1751 = arith.constant 640 : i32
    %add3A_1752 = vector.broadcast %add3A_1751 : i32 to vector<128x128xi32>
    %add3A_1753 = arith.addi %add3A_1687, %add3A_1752 : vector<128x128xi32>
    %lt3A_1754 = arith.cmpf olt, %add3A_1750, %select_n3A_1743 : vector<128x128xf32>
    %select_n3A_1755 = arith.select %lt3A_1754, %add3A_1750, %select_n3A_1743 : vector<128x128xi1>, vector<128x128xf32>
    %select_n3A_1756 = arith.select %lt3A_1754, %add3A_1753, %select_n3A_1744 : vector<128x128xi1>, vector<128x128xi32>
    %slice3A_1757 = vector.extract_strided_slice %get3A_1125 {offsets = [0, 768], sizes = [1, 128], strides = [1, 1]} : vector<1x2816xf32> to vector<1x128xf32>
    %slice3A_1758 = vector.extract_strided_slice %slice3A_1683 {offsets = [0, 768], sizes = [128, 128], strides = [1, 1]} : vector<128x2816xf32> to vector<128x128xf32>
    %add3A_1759 = vector.broadcast %slice3A_1682 : vector<128x1xf32> to vector<128x128xf32>
    %add3A_1760 = vector.broadcast %slice3A_1757 : vector<1x128xf32> to vector<128x128xf32>
    %add3A_1761 = arith.addf %add3A_1759, %add3A_1760 : vector<128x128xf32>
    %add3A_1762 = arith.addf %add3A_1761, %slice3A_1758 : vector<128x128xf32>
    %add3A_1763 = arith.constant 768 : i32
    %add3A_1764 = vector.broadcast %add3A_1763 : i32 to vector<128x128xi32>
    %add3A_1765 = arith.addi %add3A_1687, %add3A_1764 : vector<128x128xi32>
    %lt3A_1766 = arith.cmpf olt, %add3A_1762, %select_n3A_1755 : vector<128x128xf32>
    %select_n3A_1767 = arith.select %lt3A_1766, %add3A_1762, %select_n3A_1755 : vector<128x128xi1>, vector<128x128xf32>
    %select_n3A_1768 = arith.select %lt3A_1766, %add3A_1765, %select_n3A_1756 : vector<128x128xi1>, vector<128x128xi32>
    %slice3A_1769 = vector.extract_strided_slice %get3A_1125 {offsets = [0, 896], sizes = [1, 128], strides = [1, 1]} : vector<1x2816xf32> to vector<1x128xf32>
    %slice3A_1770 = vector.extract_strided_slice %slice3A_1683 {offsets = [0, 896], sizes = [128, 128], strides = [1, 1]} : vector<128x2816xf32> to vector<128x128xf32>
    %add3A_1771 = vector.broadcast %slice3A_1682 : vector<128x1xf32> to vector<128x128xf32>
    %add3A_1772 = vector.broadcast %slice3A_1769 : vector<1x128xf32> to vector<128x128xf32>
    %add3A_1773 = arith.addf %add3A_1771, %add3A_1772 : vector<128x128xf32>
    %add3A_1774 = arith.addf %add3A_1773, %slice3A_1770 : vector<128x128xf32>
    %add3A_1775 = arith.constant 896 : i32
    %add3A_1776 = vector.broadcast %add3A_1775 : i32 to vector<128x128xi32>
    %add3A_1777 = arith.addi %add3A_1687, %add3A_1776 : vector<128x128xi32>
    %lt3A_1778 = arith.cmpf olt, %add3A_1774, %select_n3A_1767 : vector<128x128xf32>
    %select_n3A_1779 = arith.select %lt3A_1778, %add3A_1774, %select_n3A_1767 : vector<128x128xi1>, vector<128x128xf32>
    %select_n3A_1780 = arith.select %lt3A_1778, %add3A_1777, %select_n3A_1768 : vector<128x128xi1>, vector<128x128xi32>
    %slice3A_1781 = vector.extract_strided_slice %get3A_1125 {offsets = [0, 1024], sizes = [1, 128], strides = [1, 1]} : vector<1x2816xf32> to vector<1x128xf32>
    %slice3A_1782 = vector.extract_strided_slice %slice3A_1683 {offsets = [0, 1024], sizes = [128, 128], strides = [1, 1]} : vector<128x2816xf32> to vector<128x128xf32>
    %add3A_1783 = vector.broadcast %slice3A_1682 : vector<128x1xf32> to vector<128x128xf32>
    %add3A_1784 = vector.broadcast %slice3A_1781 : vector<1x128xf32> to vector<128x128xf32>
    %add3A_1785 = arith.addf %add3A_1783, %add3A_1784 : vector<128x128xf32>
    %add3A_1786 = arith.addf %add3A_1785, %slice3A_1782 : vector<128x128xf32>
    %add3A_1787 = arith.constant 1024 : i32
    %add3A_1788 = vector.broadcast %add3A_1787 : i32 to vector<128x128xi32>
    %add3A_1789 = arith.addi %add3A_1687, %add3A_1788 : vector<128x128xi32>
    %lt3A_1790 = arith.cmpf olt, %add3A_1786, %select_n3A_1779 : vector<128x128xf32>
    %select_n3A_1791 = arith.select %lt3A_1790, %add3A_1786, %select_n3A_1779 : vector<128x128xi1>, vector<128x128xf32>
    %select_n3A_1792 = arith.select %lt3A_1790, %add3A_1789, %select_n3A_1780 : vector<128x128xi1>, vector<128x128xi32>
    %slice3A_1793 = vector.extract_strided_slice %get3A_1125 {offsets = [0, 1152], sizes = [1, 128], strides = [1, 1]} : vector<1x2816xf32> to vector<1x128xf32>
    %slice3A_1794 = vector.extract_strided_slice %slice3A_1683 {offsets = [0, 1152], sizes = [128, 128], strides = [1, 1]} : vector<128x2816xf32> to vector<128x128xf32>
    %add3A_1795 = vector.broadcast %slice3A_1682 : vector<128x1xf32> to vector<128x128xf32>
    %add3A_1796 = vector.broadcast %slice3A_1793 : vector<1x128xf32> to vector<128x128xf32>
    %add3A_1797 = arith.addf %add3A_1795, %add3A_1796 : vector<128x128xf32>
    %add3A_1798 = arith.addf %add3A_1797, %slice3A_1794 : vector<128x128xf32>
    %add3A_1799 = arith.constant 1152 : i32
    %add3A_1800 = vector.broadcast %add3A_1799 : i32 to vector<128x128xi32>
    %add3A_1801 = arith.addi %add3A_1687, %add3A_1800 : vector<128x128xi32>
    %lt3A_1802 = arith.cmpf olt, %add3A_1798, %select_n3A_1791 : vector<128x128xf32>
    %select_n3A_1803 = arith.select %lt3A_1802, %add3A_1798, %select_n3A_1791 : vector<128x128xi1>, vector<128x128xf32>
    %select_n3A_1804 = arith.select %lt3A_1802, %add3A_1801, %select_n3A_1792 : vector<128x128xi1>, vector<128x128xi32>
    %slice3A_1805 = vector.extract_strided_slice %get3A_1125 {offsets = [0, 1280], sizes = [1, 128], strides = [1, 1]} : vector<1x2816xf32> to vector<1x128xf32>
    %slice3A_1806 = vector.extract_strided_slice %slice3A_1683 {offsets = [0, 1280], sizes = [128, 128], strides = [1, 1]} : vector<128x2816xf32> to vector<128x128xf32>
    %add3A_1807 = vector.broadcast %slice3A_1682 : vector<128x1xf32> to vector<128x128xf32>
    %add3A_1808 = vector.broadcast %slice3A_1805 : vector<1x128xf32> to vector<128x128xf32>
    %add3A_1809 = arith.addf %add3A_1807, %add3A_1808 : vector<128x128xf32>
    %add3A_1810 = arith.addf %add3A_1809, %slice3A_1806 : vector<128x128xf32>
    %add3A_1811 = arith.constant 1280 : i32
    %add3A_1812 = vector.broadcast %add3A_1811 : i32 to vector<128x128xi32>
    %add3A_1813 = arith.addi %add3A_1687, %add3A_1812 : vector<128x128xi32>
    %lt3A_1814 = arith.cmpf olt, %add3A_1810, %select_n3A_1803 : vector<128x128xf32>
    %select_n3A_1815 = arith.select %lt3A_1814, %add3A_1810, %select_n3A_1803 : vector<128x128xi1>, vector<128x128xf32>
    %select_n3A_1816 = arith.select %lt3A_1814, %add3A_1813, %select_n3A_1804 : vector<128x128xi1>, vector<128x128xi32>
    %slice3A_1817 = vector.extract_strided_slice %get3A_1125 {offsets = [0, 1408], sizes = [1, 128], strides = [1, 1]} : vector<1x2816xf32> to vector<1x128xf32>
    %slice3A_1818 = vector.extract_strided_slice %slice3A_1683 {offsets = [0, 1408], sizes = [128, 128], strides = [1, 1]} : vector<128x2816xf32> to vector<128x128xf32>
    %add3A_1819 = vector.broadcast %slice3A_1682 : vector<128x1xf32> to vector<128x128xf32>
    %add3A_1820 = vector.broadcast %slice3A_1817 : vector<1x128xf32> to vector<128x128xf32>
    %add3A_1821 = arith.addf %add3A_1819, %add3A_1820 : vector<128x128xf32>
    %add3A_1822 = arith.addf %add3A_1821, %slice3A_1818 : vector<128x128xf32>
    %add3A_1823 = arith.constant 1408 : i32
    %add3A_1824 = vector.broadcast %add3A_1823 : i32 to vector<128x128xi32>
    %add3A_1825 = arith.addi %add3A_1687, %add3A_1824 : vector<128x128xi32>
    %lt3A_1826 = arith.cmpf olt, %add3A_1822, %select_n3A_1815 : vector<128x128xf32>
    %select_n3A_1827 = arith.select %lt3A_1826, %add3A_1822, %select_n3A_1815 : vector<128x128xi1>, vector<128x128xf32>
    %select_n3A_1828 = arith.select %lt3A_1826, %add3A_1825, %select_n3A_1816 : vector<128x128xi1>, vector<128x128xi32>
    %slice3A_1829 = vector.extract_strided_slice %get3A_1125 {offsets = [0, 1536], sizes = [1, 128], strides = [1, 1]} : vector<1x2816xf32> to vector<1x128xf32>
    %slice3A_1830 = vector.extract_strided_slice %slice3A_1683 {offsets = [0, 1536], sizes = [128, 128], strides = [1, 1]} : vector<128x2816xf32> to vector<128x128xf32>
    %add3A_1831 = vector.broadcast %slice3A_1682 : vector<128x1xf32> to vector<128x128xf32>
    %add3A_1832 = vector.broadcast %slice3A_1829 : vector<1x128xf32> to vector<128x128xf32>
    %add3A_1833 = arith.addf %add3A_1831, %add3A_1832 : vector<128x128xf32>
    %add3A_1834 = arith.addf %add3A_1833, %slice3A_1830 : vector<128x128xf32>
    %add3A_1835 = arith.constant 1536 : i32
    %add3A_1836 = vector.broadcast %add3A_1835 : i32 to vector<128x128xi32>
    %add3A_1837 = arith.addi %add3A_1687, %add3A_1836 : vector<128x128xi32>
    %lt3A_1838 = arith.cmpf olt, %add3A_1834, %select_n3A_1827 : vector<128x128xf32>
    %select_n3A_1839 = arith.select %lt3A_1838, %add3A_1834, %select_n3A_1827 : vector<128x128xi1>, vector<128x128xf32>
    %select_n3A_1840 = arith.select %lt3A_1838, %add3A_1837, %select_n3A_1828 : vector<128x128xi1>, vector<128x128xi32>
    %slice3A_1841 = vector.extract_strided_slice %get3A_1125 {offsets = [0, 1664], sizes = [1, 128], strides = [1, 1]} : vector<1x2816xf32> to vector<1x128xf32>
    %slice3A_1842 = vector.extract_strided_slice %slice3A_1683 {offsets = [0, 1664], sizes = [128, 128], strides = [1, 1]} : vector<128x2816xf32> to vector<128x128xf32>
    %add3A_1843 = vector.broadcast %slice3A_1682 : vector<128x1xf32> to vector<128x128xf32>
    %add3A_1844 = vector.broadcast %slice3A_1841 : vector<1x128xf32> to vector<128x128xf32>
    %add3A_1845 = arith.addf %add3A_1843, %add3A_1844 : vector<128x128xf32>
    %add3A_1846 = arith.addf %add3A_1845, %slice3A_1842 : vector<128x128xf32>
    %add3A_1847 = arith.constant 1664 : i32
    %add3A_1848 = vector.broadcast %add3A_1847 : i32 to vector<128x128xi32>
    %add3A_1849 = arith.addi %add3A_1687, %add3A_1848 : vector<128x128xi32>
    %lt3A_1850 = arith.cmpf olt, %add3A_1846, %select_n3A_1839 : vector<128x128xf32>
    %select_n3A_1851 = arith.select %lt3A_1850, %add3A_1846, %select_n3A_1839 : vector<128x128xi1>, vector<128x128xf32>
    %select_n3A_1852 = arith.select %lt3A_1850, %add3A_1849, %select_n3A_1840 : vector<128x128xi1>, vector<128x128xi32>
    %slice3A_1853 = vector.extract_strided_slice %get3A_1125 {offsets = [0, 1792], sizes = [1, 128], strides = [1, 1]} : vector<1x2816xf32> to vector<1x128xf32>
    %slice3A_1854 = vector.extract_strided_slice %slice3A_1683 {offsets = [0, 1792], sizes = [128, 128], strides = [1, 1]} : vector<128x2816xf32> to vector<128x128xf32>
    %add3A_1855 = vector.broadcast %slice3A_1682 : vector<128x1xf32> to vector<128x128xf32>
    %add3A_1856 = vector.broadcast %slice3A_1853 : vector<1x128xf32> to vector<128x128xf32>
    %add3A_1857 = arith.addf %add3A_1855, %add3A_1856 : vector<128x128xf32>
    %add3A_1858 = arith.addf %add3A_1857, %slice3A_1854 : vector<128x128xf32>
    %add3A_1859 = arith.constant 1792 : i32
    %add3A_1860 = vector.broadcast %add3A_1859 : i32 to vector<128x128xi32>
    %add3A_1861 = arith.addi %add3A_1687, %add3A_1860 : vector<128x128xi32>
    %lt3A_1862 = arith.cmpf olt, %add3A_1858, %select_n3A_1851 : vector<128x128xf32>
    %select_n3A_1863 = arith.select %lt3A_1862, %add3A_1858, %select_n3A_1851 : vector<128x128xi1>, vector<128x128xf32>
    %select_n3A_1864 = arith.select %lt3A_1862, %add3A_1861, %select_n3A_1852 : vector<128x128xi1>, vector<128x128xi32>
    %slice3A_1865 = vector.extract_strided_slice %get3A_1125 {offsets = [0, 1920], sizes = [1, 128], strides = [1, 1]} : vector<1x2816xf32> to vector<1x128xf32>
    %slice3A_1866 = vector.extract_strided_slice %slice3A_1683 {offsets = [0, 1920], sizes = [128, 128], strides = [1, 1]} : vector<128x2816xf32> to vector<128x128xf32>
    %add3A_1867 = vector.broadcast %slice3A_1682 : vector<128x1xf32> to vector<128x128xf32>
    %add3A_1868 = vector.broadcast %slice3A_1865 : vector<1x128xf32> to vector<128x128xf32>
    %add3A_1869 = arith.addf %add3A_1867, %add3A_1868 : vector<128x128xf32>
    %add3A_1870 = arith.addf %add3A_1869, %slice3A_1866 : vector<128x128xf32>
    %add3A_1871 = arith.constant 1920 : i32
    %add3A_1872 = vector.broadcast %add3A_1871 : i32 to vector<128x128xi32>
    %add3A_1873 = arith.addi %add3A_1687, %add3A_1872 : vector<128x128xi32>
    %lt3A_1874 = arith.cmpf olt, %add3A_1870, %select_n3A_1863 : vector<128x128xf32>
    %select_n3A_1875 = arith.select %lt3A_1874, %add3A_1870, %select_n3A_1863 : vector<128x128xi1>, vector<128x128xf32>
    %select_n3A_1876 = arith.select %lt3A_1874, %add3A_1873, %select_n3A_1864 : vector<128x128xi1>, vector<128x128xi32>
    %slice3A_1877 = vector.extract_strided_slice %get3A_1125 {offsets = [0, 2048], sizes = [1, 128], strides = [1, 1]} : vector<1x2816xf32> to vector<1x128xf32>
    %slice3A_1878 = vector.extract_strided_slice %slice3A_1683 {offsets = [0, 2048], sizes = [128, 128], strides = [1, 1]} : vector<128x2816xf32> to vector<128x128xf32>
    %add3A_1879 = vector.broadcast %slice3A_1682 : vector<128x1xf32> to vector<128x128xf32>
    %add3A_1880 = vector.broadcast %slice3A_1877 : vector<1x128xf32> to vector<128x128xf32>
    %add3A_1881 = arith.addf %add3A_1879, %add3A_1880 : vector<128x128xf32>
    %add3A_1882 = arith.addf %add3A_1881, %slice3A_1878 : vector<128x128xf32>
    %add3A_1883 = arith.constant 2048 : i32
    %add3A_1884 = vector.broadcast %add3A_1883 : i32 to vector<128x128xi32>
    %add3A_1885 = arith.addi %add3A_1687, %add3A_1884 : vector<128x128xi32>
    %lt3A_1886 = arith.cmpf olt, %add3A_1882, %select_n3A_1875 : vector<128x128xf32>
    %select_n3A_1887 = arith.select %lt3A_1886, %add3A_1882, %select_n3A_1875 : vector<128x128xi1>, vector<128x128xf32>
    %select_n3A_1888 = arith.select %lt3A_1886, %add3A_1885, %select_n3A_1876 : vector<128x128xi1>, vector<128x128xi32>
    %slice3A_1889 = vector.extract_strided_slice %get3A_1125 {offsets = [0, 2176], sizes = [1, 128], strides = [1, 1]} : vector<1x2816xf32> to vector<1x128xf32>
    %slice3A_1890 = vector.extract_strided_slice %slice3A_1683 {offsets = [0, 2176], sizes = [128, 128], strides = [1, 1]} : vector<128x2816xf32> to vector<128x128xf32>
    %add3A_1891 = vector.broadcast %slice3A_1682 : vector<128x1xf32> to vector<128x128xf32>
    %add3A_1892 = vector.broadcast %slice3A_1889 : vector<1x128xf32> to vector<128x128xf32>
    %add3A_1893 = arith.addf %add3A_1891, %add3A_1892 : vector<128x128xf32>
    %add3A_1894 = arith.addf %add3A_1893, %slice3A_1890 : vector<128x128xf32>
    %add3A_1895 = arith.constant 2176 : i32
    %add3A_1896 = vector.broadcast %add3A_1895 : i32 to vector<128x128xi32>
    %add3A_1897 = arith.addi %add3A_1687, %add3A_1896 : vector<128x128xi32>
    %lt3A_1898 = arith.cmpf olt, %add3A_1894, %select_n3A_1887 : vector<128x128xf32>
    %select_n3A_1899 = arith.select %lt3A_1898, %add3A_1894, %select_n3A_1887 : vector<128x128xi1>, vector<128x128xf32>
    %select_n3A_1900 = arith.select %lt3A_1898, %add3A_1897, %select_n3A_1888 : vector<128x128xi1>, vector<128x128xi32>
    %slice3A_1901 = vector.extract_strided_slice %get3A_1125 {offsets = [0, 2304], sizes = [1, 128], strides = [1, 1]} : vector<1x2816xf32> to vector<1x128xf32>
    %slice3A_1902 = vector.extract_strided_slice %slice3A_1683 {offsets = [0, 2304], sizes = [128, 128], strides = [1, 1]} : vector<128x2816xf32> to vector<128x128xf32>
    %add3A_1903 = vector.broadcast %slice3A_1682 : vector<128x1xf32> to vector<128x128xf32>
    %add3A_1904 = vector.broadcast %slice3A_1901 : vector<1x128xf32> to vector<128x128xf32>
    %add3A_1905 = arith.addf %add3A_1903, %add3A_1904 : vector<128x128xf32>
    %add3A_1906 = arith.addf %add3A_1905, %slice3A_1902 : vector<128x128xf32>
    %add3A_1907 = arith.constant 2304 : i32
    %add3A_1908 = vector.broadcast %add3A_1907 : i32 to vector<128x128xi32>
    %add3A_1909 = arith.addi %add3A_1687, %add3A_1908 : vector<128x128xi32>
    %lt3A_1910 = arith.cmpf olt, %add3A_1906, %select_n3A_1899 : vector<128x128xf32>
    %select_n3A_1911 = arith.select %lt3A_1910, %add3A_1906, %select_n3A_1899 : vector<128x128xi1>, vector<128x128xf32>
    %select_n3A_1912 = arith.select %lt3A_1910, %add3A_1909, %select_n3A_1900 : vector<128x128xi1>, vector<128x128xi32>
    %slice3A_1913 = vector.extract_strided_slice %get3A_1125 {offsets = [0, 2432], sizes = [1, 128], strides = [1, 1]} : vector<1x2816xf32> to vector<1x128xf32>
    %slice3A_1914 = vector.extract_strided_slice %slice3A_1683 {offsets = [0, 2432], sizes = [128, 128], strides = [1, 1]} : vector<128x2816xf32> to vector<128x128xf32>
    %add3A_1915 = vector.broadcast %slice3A_1682 : vector<128x1xf32> to vector<128x128xf32>
    %add3A_1916 = vector.broadcast %slice3A_1913 : vector<1x128xf32> to vector<128x128xf32>
    %add3A_1917 = arith.addf %add3A_1915, %add3A_1916 : vector<128x128xf32>
    %add3A_1918 = arith.addf %add3A_1917, %slice3A_1914 : vector<128x128xf32>
    %add3A_1919 = arith.constant 2432 : i32
    %add3A_1920 = vector.broadcast %add3A_1919 : i32 to vector<128x128xi32>
    %add3A_1921 = arith.addi %add3A_1687, %add3A_1920 : vector<128x128xi32>
    %lt3A_1922 = arith.cmpf olt, %add3A_1918, %select_n3A_1911 : vector<128x128xf32>
    %select_n3A_1923 = arith.select %lt3A_1922, %add3A_1918, %select_n3A_1911 : vector<128x128xi1>, vector<128x128xf32>
    %select_n3A_1924 = arith.select %lt3A_1922, %add3A_1921, %select_n3A_1912 : vector<128x128xi1>, vector<128x128xi32>
    %slice3A_1925 = vector.extract_strided_slice %get3A_1125 {offsets = [0, 2560], sizes = [1, 128], strides = [1, 1]} : vector<1x2816xf32> to vector<1x128xf32>
    %slice3A_1926 = vector.extract_strided_slice %slice3A_1683 {offsets = [0, 2560], sizes = [128, 128], strides = [1, 1]} : vector<128x2816xf32> to vector<128x128xf32>
    %add3A_1927 = vector.broadcast %slice3A_1682 : vector<128x1xf32> to vector<128x128xf32>
    %add3A_1928 = vector.broadcast %slice3A_1925 : vector<1x128xf32> to vector<128x128xf32>
    %add3A_1929 = arith.addf %add3A_1927, %add3A_1928 : vector<128x128xf32>
    %add3A_1930 = arith.addf %add3A_1929, %slice3A_1926 : vector<128x128xf32>
    %add3A_1931 = arith.constant 2560 : i32
    %add3A_1932 = vector.broadcast %add3A_1931 : i32 to vector<128x128xi32>
    %add3A_1933 = arith.addi %add3A_1687, %add3A_1932 : vector<128x128xi32>
    %lt3A_1934 = arith.cmpf olt, %add3A_1930, %select_n3A_1923 : vector<128x128xf32>
    %select_n3A_1935 = arith.select %lt3A_1934, %add3A_1930, %select_n3A_1923 : vector<128x128xi1>, vector<128x128xf32>
    %select_n3A_1936 = arith.select %lt3A_1934, %add3A_1933, %select_n3A_1924 : vector<128x128xi1>, vector<128x128xi32>
    %slice3A_1937 = vector.extract_strided_slice %get3A_1125 {offsets = [0, 2688], sizes = [1, 128], strides = [1, 1]} : vector<1x2816xf32> to vector<1x128xf32>
    %slice3A_1938 = vector.extract_strided_slice %slice3A_1683 {offsets = [0, 2688], sizes = [128, 128], strides = [1, 1]} : vector<128x2816xf32> to vector<128x128xf32>
    %add3A_1939 = vector.broadcast %slice3A_1682 : vector<128x1xf32> to vector<128x128xf32>
    %add3A_1940 = vector.broadcast %slice3A_1937 : vector<1x128xf32> to vector<128x128xf32>
    %add3A_1941 = arith.addf %add3A_1939, %add3A_1940 : vector<128x128xf32>
    %add3A_1942 = arith.addf %add3A_1941, %slice3A_1938 : vector<128x128xf32>
    %add3A_1943 = arith.constant 2688 : i32
    %add3A_1944 = vector.broadcast %add3A_1943 : i32 to vector<128x128xi32>
    %add3A_1945 = arith.addi %add3A_1687, %add3A_1944 : vector<128x128xi32>
    %lt3A_1946 = arith.cmpf olt, %add3A_1942, %select_n3A_1935 : vector<128x128xf32>
    %select_n3A_1947 = arith.select %lt3A_1946, %add3A_1942, %select_n3A_1935 : vector<128x128xi1>, vector<128x128xf32>
    %select_n3A_1948 = arith.select %lt3A_1946, %add3A_1945, %select_n3A_1936 : vector<128x128xi1>, vector<128x128xi32>
    %reduce_min3A_1949 = arith.constant dense<0x7F800000> : vector<128xf32>
    %reduce_min3A_1950 = vector.multi_reduction <minimumf>, %select_n3A_1947, %reduce_min3A_1949 [1] : vector<128x128xf32> to vector<128xf32>
    %broadcast_in_dim3A_1951 = vector.shape_cast %reduce_min3A_1950 : vector<128xf32> to vector<128x1xf32>
    %eq3A_1952 = vector.broadcast %broadcast_in_dim3A_1951 : vector<128x1xf32> to vector<128x128xf32>
    %eq3A_1953 = arith.cmpf oeq, %select_n3A_1947, %eq3A_1952 : vector<128x128xf32>
    %jit3A_1954 = arith.constant 8192 : i32
    %broadcast_in_dim3A_1955 = vector.broadcast %jit3A_1954 : i32 to vector<128x128xi32>
    %select_n3A_1956 = arith.select %eq3A_1953, %select_n3A_1948, %broadcast_in_dim3A_1955 : vector<128x128xi1>, vector<128x128xi32>
    %reduce_min3A_1957 = arith.constant dense<2147483647> : vector<128xi32>
    %reduce_min3A_1958 = vector.multi_reduction <minsi>, %select_n3A_1956, %reduce_min3A_1957 [1] : vector<128x128xi32> to vector<128xi32>
    %broadcast_in_dim3A_1959 = vector.shape_cast %reduce_min3A_1958 : vector<128xi32> to vector<128x1xi32>
    %slice3A_1960 = vector.extract_strided_slice %broadcast_in_dim3A {offsets = [384, 0], sizes = [128, 1], strides = [1, 1]} : vector<512x1xf32> to vector<128x1xf32>
    %slice3A_1961 = vector.extract_strided_slice %dot_general3A_1122 {offsets = [384, 0], sizes = [128, 2816], strides = [1, 1]} : vector<512x2816xf32> to vector<128x2816xf32>
    %iota3A_1962 = tpu.iota {dimensions = array<i32: 1>} : vector<128x128xi32>
    %add3A_1963 = arith.constant 2736 : i32
    %add3A_1964 = vector.broadcast %add3A_1963 : i32 to vector<128x128xi32>
    %add3A_1965 = arith.addi %iota3A_1962, %add3A_1964 : vector<128x128xi32>
    %slice3A_1966 = vector.extract_strided_slice %get3A_1125 {offsets = [0, 0], sizes = [1, 128], strides = [1, 1]} : vector<1x2816xf32> to vector<1x128xf32>
    %slice3A_1967 = vector.extract_strided_slice %slice3A_1961 {offsets = [0, 0], sizes = [128, 128], strides = [1, 1]} : vector<128x2816xf32> to vector<128x128xf32>
    %add3A_1968 = vector.broadcast %slice3A_1960 : vector<128x1xf32> to vector<128x128xf32>
    %add3A_1969 = vector.broadcast %slice3A_1966 : vector<1x128xf32> to vector<128x128xf32>
    %add3A_1970 = arith.addf %add3A_1968, %add3A_1969 : vector<128x128xf32>
    %add3A_1971 = arith.addf %add3A_1970, %slice3A_1967 : vector<128x128xf32>
    %add3A_1972 = arith.constant 0 : i32
    %add3A_1973 = vector.broadcast %add3A_1972 : i32 to vector<128x128xi32>
    %add3A_1974 = arith.addi %add3A_1965, %add3A_1973 : vector<128x128xi32>
    %slice3A_1975 = vector.extract_strided_slice %get3A_1125 {offsets = [0, 128], sizes = [1, 128], strides = [1, 1]} : vector<1x2816xf32> to vector<1x128xf32>
    %slice3A_1976 = vector.extract_strided_slice %slice3A_1961 {offsets = [0, 128], sizes = [128, 128], strides = [1, 1]} : vector<128x2816xf32> to vector<128x128xf32>
    %add3A_1977 = vector.broadcast %slice3A_1960 : vector<128x1xf32> to vector<128x128xf32>
    %add3A_1978 = vector.broadcast %slice3A_1975 : vector<1x128xf32> to vector<128x128xf32>
    %add3A_1979 = arith.addf %add3A_1977, %add3A_1978 : vector<128x128xf32>
    %add3A_1980 = arith.addf %add3A_1979, %slice3A_1976 : vector<128x128xf32>
    %add3A_1981 = arith.constant 128 : i32
    %add3A_1982 = vector.broadcast %add3A_1981 : i32 to vector<128x128xi32>
    %add3A_1983 = arith.addi %add3A_1965, %add3A_1982 : vector<128x128xi32>
    %lt3A_1984 = arith.cmpf olt, %add3A_1980, %add3A_1971 : vector<128x128xf32>
    %select_n3A_1985 = arith.select %lt3A_1984, %add3A_1980, %add3A_1971 : vector<128x128xi1>, vector<128x128xf32>
    %select_n3A_1986 = arith.select %lt3A_1984, %add3A_1983, %add3A_1974 : vector<128x128xi1>, vector<128x128xi32>
    %slice3A_1987 = vector.extract_strided_slice %get3A_1125 {offsets = [0, 256], sizes = [1, 128], strides = [1, 1]} : vector<1x2816xf32> to vector<1x128xf32>
    %slice3A_1988 = vector.extract_strided_slice %slice3A_1961 {offsets = [0, 256], sizes = [128, 128], strides = [1, 1]} : vector<128x2816xf32> to vector<128x128xf32>
    %add3A_1989 = vector.broadcast %slice3A_1960 : vector<128x1xf32> to vector<128x128xf32>
    %add3A_1990 = vector.broadcast %slice3A_1987 : vector<1x128xf32> to vector<128x128xf32>
    %add3A_1991 = arith.addf %add3A_1989, %add3A_1990 : vector<128x128xf32>
    %add3A_1992 = arith.addf %add3A_1991, %slice3A_1988 : vector<128x128xf32>
    %add3A_1993 = arith.constant 256 : i32
    %add3A_1994 = vector.broadcast %add3A_1993 : i32 to vector<128x128xi32>
    %add3A_1995 = arith.addi %add3A_1965, %add3A_1994 : vector<128x128xi32>
    %lt3A_1996 = arith.cmpf olt, %add3A_1992, %select_n3A_1985 : vector<128x128xf32>
    %select_n3A_1997 = arith.select %lt3A_1996, %add3A_1992, %select_n3A_1985 : vector<128x128xi1>, vector<128x128xf32>
    %select_n3A_1998 = arith.select %lt3A_1996, %add3A_1995, %select_n3A_1986 : vector<128x128xi1>, vector<128x128xi32>
    %slice3A_1999 = vector.extract_strided_slice %get3A_1125 {offsets = [0, 384], sizes = [1, 128], strides = [1, 1]} : vector<1x2816xf32> to vector<1x128xf32>
    %slice3A_2000 = vector.extract_strided_slice %slice3A_1961 {offsets = [0, 384], sizes = [128, 128], strides = [1, 1]} : vector<128x2816xf32> to vector<128x128xf32>
    %add3A_2001 = vector.broadcast %slice3A_1960 : vector<128x1xf32> to vector<128x128xf32>
    %add3A_2002 = vector.broadcast %slice3A_1999 : vector<1x128xf32> to vector<128x128xf32>
    %add3A_2003 = arith.addf %add3A_2001, %add3A_2002 : vector<128x128xf32>
    %add3A_2004 = arith.addf %add3A_2003, %slice3A_2000 : vector<128x128xf32>
    %add3A_2005 = arith.constant 384 : i32
    %add3A_2006 = vector.broadcast %add3A_2005 : i32 to vector<128x128xi32>
    %add3A_2007 = arith.addi %add3A_1965, %add3A_2006 : vector<128x128xi32>
    %lt3A_2008 = arith.cmpf olt, %add3A_2004, %select_n3A_1997 : vector<128x128xf32>
    %select_n3A_2009 = arith.select %lt3A_2008, %add3A_2004, %select_n3A_1997 : vector<128x128xi1>, vector<128x128xf32>
    %select_n3A_2010 = arith.select %lt3A_2008, %add3A_2007, %select_n3A_1998 : vector<128x128xi1>, vector<128x128xi32>
    %slice3A_2011 = vector.extract_strided_slice %get3A_1125 {offsets = [0, 512], sizes = [1, 128], strides = [1, 1]} : vector<1x2816xf32> to vector<1x128xf32>
    %slice3A_2012 = vector.extract_strided_slice %slice3A_1961 {offsets = [0, 512], sizes = [128, 128], strides = [1, 1]} : vector<128x2816xf32> to vector<128x128xf32>
    %add3A_2013 = vector.broadcast %slice3A_1960 : vector<128x1xf32> to vector<128x128xf32>
    %add3A_2014 = vector.broadcast %slice3A_2011 : vector<1x128xf32> to vector<128x128xf32>
    %add3A_2015 = arith.addf %add3A_2013, %add3A_2014 : vector<128x128xf32>
    %add3A_2016 = arith.addf %add3A_2015, %slice3A_2012 : vector<128x128xf32>
    %add3A_2017 = arith.constant 512 : i32
    %add3A_2018 = vector.broadcast %add3A_2017 : i32 to vector<128x128xi32>
    %add3A_2019 = arith.addi %add3A_1965, %add3A_2018 : vector<128x128xi32>
    %lt3A_2020 = arith.cmpf olt, %add3A_2016, %select_n3A_2009 : vector<128x128xf32>
    %select_n3A_2021 = arith.select %lt3A_2020, %add3A_2016, %select_n3A_2009 : vector<128x128xi1>, vector<128x128xf32>
    %select_n3A_2022 = arith.select %lt3A_2020, %add3A_2019, %select_n3A_2010 : vector<128x128xi1>, vector<128x128xi32>
    %slice3A_2023 = vector.extract_strided_slice %get3A_1125 {offsets = [0, 640], sizes = [1, 128], strides = [1, 1]} : vector<1x2816xf32> to vector<1x128xf32>
    %slice3A_2024 = vector.extract_strided_slice %slice3A_1961 {offsets = [0, 640], sizes = [128, 128], strides = [1, 1]} : vector<128x2816xf32> to vector<128x128xf32>
    %add3A_2025 = vector.broadcast %slice3A_1960 : vector<128x1xf32> to vector<128x128xf32>
    %add3A_2026 = vector.broadcast %slice3A_2023 : vector<1x128xf32> to vector<128x128xf32>
    %add3A_2027 = arith.addf %add3A_2025, %add3A_2026 : vector<128x128xf32>
    %add3A_2028 = arith.addf %add3A_2027, %slice3A_2024 : vector<128x128xf32>
    %add3A_2029 = arith.constant 640 : i32
    %add3A_2030 = vector.broadcast %add3A_2029 : i32 to vector<128x128xi32>
    %add3A_2031 = arith.addi %add3A_1965, %add3A_2030 : vector<128x128xi32>
    %lt3A_2032 = arith.cmpf olt, %add3A_2028, %select_n3A_2021 : vector<128x128xf32>
    %select_n3A_2033 = arith.select %lt3A_2032, %add3A_2028, %select_n3A_2021 : vector<128x128xi1>, vector<128x128xf32>
    %select_n3A_2034 = arith.select %lt3A_2032, %add3A_2031, %select_n3A_2022 : vector<128x128xi1>, vector<128x128xi32>
    %slice3A_2035 = vector.extract_strided_slice %get3A_1125 {offsets = [0, 768], sizes = [1, 128], strides = [1, 1]} : vector<1x2816xf32> to vector<1x128xf32>
    %slice3A_2036 = vector.extract_strided_slice %slice3A_1961 {offsets = [0, 768], sizes = [128, 128], strides = [1, 1]} : vector<128x2816xf32> to vector<128x128xf32>
    %add3A_2037 = vector.broadcast %slice3A_1960 : vector<128x1xf32> to vector<128x128xf32>
    %add3A_2038 = vector.broadcast %slice3A_2035 : vector<1x128xf32> to vector<128x128xf32>
    %add3A_2039 = arith.addf %add3A_2037, %add3A_2038 : vector<128x128xf32>
    %add3A_2040 = arith.addf %add3A_2039, %slice3A_2036 : vector<128x128xf32>
    %add3A_2041 = arith.constant 768 : i32
    %add3A_2042 = vector.broadcast %add3A_2041 : i32 to vector<128x128xi32>
    %add3A_2043 = arith.addi %add3A_1965, %add3A_2042 : vector<128x128xi32>
    %lt3A_2044 = arith.cmpf olt, %add3A_2040, %select_n3A_2033 : vector<128x128xf32>
    %select_n3A_2045 = arith.select %lt3A_2044, %add3A_2040, %select_n3A_2033 : vector<128x128xi1>, vector<128x128xf32>
    %select_n3A_2046 = arith.select %lt3A_2044, %add3A_2043, %select_n3A_2034 : vector<128x128xi1>, vector<128x128xi32>
    %slice3A_2047 = vector.extract_strided_slice %get3A_1125 {offsets = [0, 896], sizes = [1, 128], strides = [1, 1]} : vector<1x2816xf32> to vector<1x128xf32>
    %slice3A_2048 = vector.extract_strided_slice %slice3A_1961 {offsets = [0, 896], sizes = [128, 128], strides = [1, 1]} : vector<128x2816xf32> to vector<128x128xf32>
    %add3A_2049 = vector.broadcast %slice3A_1960 : vector<128x1xf32> to vector<128x128xf32>
    %add3A_2050 = vector.broadcast %slice3A_2047 : vector<1x128xf32> to vector<128x128xf32>
    %add3A_2051 = arith.addf %add3A_2049, %add3A_2050 : vector<128x128xf32>
    %add3A_2052 = arith.addf %add3A_2051, %slice3A_2048 : vector<128x128xf32>
    %add3A_2053 = arith.constant 896 : i32
    %add3A_2054 = vector.broadcast %add3A_2053 : i32 to vector<128x128xi32>
    %add3A_2055 = arith.addi %add3A_1965, %add3A_2054 : vector<128x128xi32>
    %lt3A_2056 = arith.cmpf olt, %add3A_2052, %select_n3A_2045 : vector<128x128xf32>
    %select_n3A_2057 = arith.select %lt3A_2056, %add3A_2052, %select_n3A_2045 : vector<128x128xi1>, vector<128x128xf32>
    %select_n3A_2058 = arith.select %lt3A_2056, %add3A_2055, %select_n3A_2046 : vector<128x128xi1>, vector<128x128xi32>
    %slice3A_2059 = vector.extract_strided_slice %get3A_1125 {offsets = [0, 1024], sizes = [1, 128], strides = [1, 1]} : vector<1x2816xf32> to vector<1x128xf32>
    %slice3A_2060 = vector.extract_strided_slice %slice3A_1961 {offsets = [0, 1024], sizes = [128, 128], strides = [1, 1]} : vector<128x2816xf32> to vector<128x128xf32>
    %add3A_2061 = vector.broadcast %slice3A_1960 : vector<128x1xf32> to vector<128x128xf32>
    %add3A_2062 = vector.broadcast %slice3A_2059 : vector<1x128xf32> to vector<128x128xf32>
    %add3A_2063 = arith.addf %add3A_2061, %add3A_2062 : vector<128x128xf32>
    %add3A_2064 = arith.addf %add3A_2063, %slice3A_2060 : vector<128x128xf32>
    %add3A_2065 = arith.constant 1024 : i32
    %add3A_2066 = vector.broadcast %add3A_2065 : i32 to vector<128x128xi32>
    %add3A_2067 = arith.addi %add3A_1965, %add3A_2066 : vector<128x128xi32>
    %lt3A_2068 = arith.cmpf olt, %add3A_2064, %select_n3A_2057 : vector<128x128xf32>
    %select_n3A_2069 = arith.select %lt3A_2068, %add3A_2064, %select_n3A_2057 : vector<128x128xi1>, vector<128x128xf32>
    %select_n3A_2070 = arith.select %lt3A_2068, %add3A_2067, %select_n3A_2058 : vector<128x128xi1>, vector<128x128xi32>
    %slice3A_2071 = vector.extract_strided_slice %get3A_1125 {offsets = [0, 1152], sizes = [1, 128], strides = [1, 1]} : vector<1x2816xf32> to vector<1x128xf32>
    %slice3A_2072 = vector.extract_strided_slice %slice3A_1961 {offsets = [0, 1152], sizes = [128, 128], strides = [1, 1]} : vector<128x2816xf32> to vector<128x128xf32>
    %add3A_2073 = vector.broadcast %slice3A_1960 : vector<128x1xf32> to vector<128x128xf32>
    %add3A_2074 = vector.broadcast %slice3A_2071 : vector<1x128xf32> to vector<128x128xf32>
    %add3A_2075 = arith.addf %add3A_2073, %add3A_2074 : vector<128x128xf32>
    %add3A_2076 = arith.addf %add3A_2075, %slice3A_2072 : vector<128x128xf32>
    %add3A_2077 = arith.constant 1152 : i32
    %add3A_2078 = vector.broadcast %add3A_2077 : i32 to vector<128x128xi32>
    %add3A_2079 = arith.addi %add3A_1965, %add3A_2078 : vector<128x128xi32>
    %lt3A_2080 = arith.cmpf olt, %add3A_2076, %select_n3A_2069 : vector<128x128xf32>
    %select_n3A_2081 = arith.select %lt3A_2080, %add3A_2076, %select_n3A_2069 : vector<128x128xi1>, vector<128x128xf32>
    %select_n3A_2082 = arith.select %lt3A_2080, %add3A_2079, %select_n3A_2070 : vector<128x128xi1>, vector<128x128xi32>
    %slice3A_2083 = vector.extract_strided_slice %get3A_1125 {offsets = [0, 1280], sizes = [1, 128], strides = [1, 1]} : vector<1x2816xf32> to vector<1x128xf32>
    %slice3A_2084 = vector.extract_strided_slice %slice3A_1961 {offsets = [0, 1280], sizes = [128, 128], strides = [1, 1]} : vector<128x2816xf32> to vector<128x128xf32>
    %add3A_2085 = vector.broadcast %slice3A_1960 : vector<128x1xf32> to vector<128x128xf32>
    %add3A_2086 = vector.broadcast %slice3A_2083 : vector<1x128xf32> to vector<128x128xf32>
    %add3A_2087 = arith.addf %add3A_2085, %add3A_2086 : vector<128x128xf32>
    %add3A_2088 = arith.addf %add3A_2087, %slice3A_2084 : vector<128x128xf32>
    %add3A_2089 = arith.constant 1280 : i32
    %add3A_2090 = vector.broadcast %add3A_2089 : i32 to vector<128x128xi32>
    %add3A_2091 = arith.addi %add3A_1965, %add3A_2090 : vector<128x128xi32>
    %lt3A_2092 = arith.cmpf olt, %add3A_2088, %select_n3A_2081 : vector<128x128xf32>
    %select_n3A_2093 = arith.select %lt3A_2092, %add3A_2088, %select_n3A_2081 : vector<128x128xi1>, vector<128x128xf32>
    %select_n3A_2094 = arith.select %lt3A_2092, %add3A_2091, %select_n3A_2082 : vector<128x128xi1>, vector<128x128xi32>
    %slice3A_2095 = vector.extract_strided_slice %get3A_1125 {offsets = [0, 1408], sizes = [1, 128], strides = [1, 1]} : vector<1x2816xf32> to vector<1x128xf32>
    %slice3A_2096 = vector.extract_strided_slice %slice3A_1961 {offsets = [0, 1408], sizes = [128, 128], strides = [1, 1]} : vector<128x2816xf32> to vector<128x128xf32>
    %add3A_2097 = vector.broadcast %slice3A_1960 : vector<128x1xf32> to vector<128x128xf32>
    %add3A_2098 = vector.broadcast %slice3A_2095 : vector<1x128xf32> to vector<128x128xf32>
    %add3A_2099 = arith.addf %add3A_2097, %add3A_2098 : vector<128x128xf32>
    %add3A_2100 = arith.addf %add3A_2099, %slice3A_2096 : vector<128x128xf32>
    %add3A_2101 = arith.constant 1408 : i32
    %add3A_2102 = vector.broadcast %add3A_2101 : i32 to vector<128x128xi32>
    %add3A_2103 = arith.addi %add3A_1965, %add3A_2102 : vector<128x128xi32>
    %lt3A_2104 = arith.cmpf olt, %add3A_2100, %select_n3A_2093 : vector<128x128xf32>
    %select_n3A_2105 = arith.select %lt3A_2104, %add3A_2100, %select_n3A_2093 : vector<128x128xi1>, vector<128x128xf32>
    %select_n3A_2106 = arith.select %lt3A_2104, %add3A_2103, %select_n3A_2094 : vector<128x128xi1>, vector<128x128xi32>
    %slice3A_2107 = vector.extract_strided_slice %get3A_1125 {offsets = [0, 1536], sizes = [1, 128], strides = [1, 1]} : vector<1x2816xf32> to vector<1x128xf32>
    %slice3A_2108 = vector.extract_strided_slice %slice3A_1961 {offsets = [0, 1536], sizes = [128, 128], strides = [1, 1]} : vector<128x2816xf32> to vector<128x128xf32>
    %add3A_2109 = vector.broadcast %slice3A_1960 : vector<128x1xf32> to vector<128x128xf32>
    %add3A_2110 = vector.broadcast %slice3A_2107 : vector<1x128xf32> to vector<128x128xf32>
    %add3A_2111 = arith.addf %add3A_2109, %add3A_2110 : vector<128x128xf32>
    %add3A_2112 = arith.addf %add3A_2111, %slice3A_2108 : vector<128x128xf32>
    %add3A_2113 = arith.constant 1536 : i32
    %add3A_2114 = vector.broadcast %add3A_2113 : i32 to vector<128x128xi32>
    %add3A_2115 = arith.addi %add3A_1965, %add3A_2114 : vector<128x128xi32>
    %lt3A_2116 = arith.cmpf olt, %add3A_2112, %select_n3A_2105 : vector<128x128xf32>
    %select_n3A_2117 = arith.select %lt3A_2116, %add3A_2112, %select_n3A_2105 : vector<128x128xi1>, vector<128x128xf32>
    %select_n3A_2118 = arith.select %lt3A_2116, %add3A_2115, %select_n3A_2106 : vector<128x128xi1>, vector<128x128xi32>
    %slice3A_2119 = vector.extract_strided_slice %get3A_1125 {offsets = [0, 1664], sizes = [1, 128], strides = [1, 1]} : vector<1x2816xf32> to vector<1x128xf32>
    %slice3A_2120 = vector.extract_strided_slice %slice3A_1961 {offsets = [0, 1664], sizes = [128, 128], strides = [1, 1]} : vector<128x2816xf32> to vector<128x128xf32>
    %add3A_2121 = vector.broadcast %slice3A_1960 : vector<128x1xf32> to vector<128x128xf32>
    %add3A_2122 = vector.broadcast %slice3A_2119 : vector<1x128xf32> to vector<128x128xf32>
    %add3A_2123 = arith.addf %add3A_2121, %add3A_2122 : vector<128x128xf32>
    %add3A_2124 = arith.addf %add3A_2123, %slice3A_2120 : vector<128x128xf32>
    %add3A_2125 = arith.constant 1664 : i32
    %add3A_2126 = vector.broadcast %add3A_2125 : i32 to vector<128x128xi32>
    %add3A_2127 = arith.addi %add3A_1965, %add3A_2126 : vector<128x128xi32>
    %lt3A_2128 = arith.cmpf olt, %add3A_2124, %select_n3A_2117 : vector<128x128xf32>
    %select_n3A_2129 = arith.select %lt3A_2128, %add3A_2124, %select_n3A_2117 : vector<128x128xi1>, vector<128x128xf32>
    %select_n3A_2130 = arith.select %lt3A_2128, %add3A_2127, %select_n3A_2118 : vector<128x128xi1>, vector<128x128xi32>
    %slice3A_2131 = vector.extract_strided_slice %get3A_1125 {offsets = [0, 1792], sizes = [1, 128], strides = [1, 1]} : vector<1x2816xf32> to vector<1x128xf32>
    %slice3A_2132 = vector.extract_strided_slice %slice3A_1961 {offsets = [0, 1792], sizes = [128, 128], strides = [1, 1]} : vector<128x2816xf32> to vector<128x128xf32>
    %add3A_2133 = vector.broadcast %slice3A_1960 : vector<128x1xf32> to vector<128x128xf32>
    %add3A_2134 = vector.broadcast %slice3A_2131 : vector<1x128xf32> to vector<128x128xf32>
    %add3A_2135 = arith.addf %add3A_2133, %add3A_2134 : vector<128x128xf32>
    %add3A_2136 = arith.addf %add3A_2135, %slice3A_2132 : vector<128x128xf32>
    %add3A_2137 = arith.constant 1792 : i32
    %add3A_2138 = vector.broadcast %add3A_2137 : i32 to vector<128x128xi32>
    %add3A_2139 = arith.addi %add3A_1965, %add3A_2138 : vector<128x128xi32>
    %lt3A_2140 = arith.cmpf olt, %add3A_2136, %select_n3A_2129 : vector<128x128xf32>
    %select_n3A_2141 = arith.select %lt3A_2140, %add3A_2136, %select_n3A_2129 : vector<128x128xi1>, vector<128x128xf32>
    %select_n3A_2142 = arith.select %lt3A_2140, %add3A_2139, %select_n3A_2130 : vector<128x128xi1>, vector<128x128xi32>
    %slice3A_2143 = vector.extract_strided_slice %get3A_1125 {offsets = [0, 1920], sizes = [1, 128], strides = [1, 1]} : vector<1x2816xf32> to vector<1x128xf32>
    %slice3A_2144 = vector.extract_strided_slice %slice3A_1961 {offsets = [0, 1920], sizes = [128, 128], strides = [1, 1]} : vector<128x2816xf32> to vector<128x128xf32>
    %add3A_2145 = vector.broadcast %slice3A_1960 : vector<128x1xf32> to vector<128x128xf32>
    %add3A_2146 = vector.broadcast %slice3A_2143 : vector<1x128xf32> to vector<128x128xf32>
    %add3A_2147 = arith.addf %add3A_2145, %add3A_2146 : vector<128x128xf32>
    %add3A_2148 = arith.addf %add3A_2147, %slice3A_2144 : vector<128x128xf32>
    %add3A_2149 = arith.constant 1920 : i32
    %add3A_2150 = vector.broadcast %add3A_2149 : i32 to vector<128x128xi32>
    %add3A_2151 = arith.addi %add3A_1965, %add3A_2150 : vector<128x128xi32>
    %lt3A_2152 = arith.cmpf olt, %add3A_2148, %select_n3A_2141 : vector<128x128xf32>
    %select_n3A_2153 = arith.select %lt3A_2152, %add3A_2148, %select_n3A_2141 : vector<128x128xi1>, vector<128x128xf32>
    %select_n3A_2154 = arith.select %lt3A_2152, %add3A_2151, %select_n3A_2142 : vector<128x128xi1>, vector<128x128xi32>
    %slice3A_2155 = vector.extract_strided_slice %get3A_1125 {offsets = [0, 2048], sizes = [1, 128], strides = [1, 1]} : vector<1x2816xf32> to vector<1x128xf32>
    %slice3A_2156 = vector.extract_strided_slice %slice3A_1961 {offsets = [0, 2048], sizes = [128, 128], strides = [1, 1]} : vector<128x2816xf32> to vector<128x128xf32>
    %add3A_2157 = vector.broadcast %slice3A_1960 : vector<128x1xf32> to vector<128x128xf32>
    %add3A_2158 = vector.broadcast %slice3A_2155 : vector<1x128xf32> to vector<128x128xf32>
    %add3A_2159 = arith.addf %add3A_2157, %add3A_2158 : vector<128x128xf32>
    %add3A_2160 = arith.addf %add3A_2159, %slice3A_2156 : vector<128x128xf32>
    %add3A_2161 = arith.constant 2048 : i32
    %add3A_2162 = vector.broadcast %add3A_2161 : i32 to vector<128x128xi32>
    %add3A_2163 = arith.addi %add3A_1965, %add3A_2162 : vector<128x128xi32>
    %lt3A_2164 = arith.cmpf olt, %add3A_2160, %select_n3A_2153 : vector<128x128xf32>
    %select_n3A_2165 = arith.select %lt3A_2164, %add3A_2160, %select_n3A_2153 : vector<128x128xi1>, vector<128x128xf32>
    %select_n3A_2166 = arith.select %lt3A_2164, %add3A_2163, %select_n3A_2154 : vector<128x128xi1>, vector<128x128xi32>
    %slice3A_2167 = vector.extract_strided_slice %get3A_1125 {offsets = [0, 2176], sizes = [1, 128], strides = [1, 1]} : vector<1x2816xf32> to vector<1x128xf32>
    %slice3A_2168 = vector.extract_strided_slice %slice3A_1961 {offsets = [0, 2176], sizes = [128, 128], strides = [1, 1]} : vector<128x2816xf32> to vector<128x128xf32>
    %add3A_2169 = vector.broadcast %slice3A_1960 : vector<128x1xf32> to vector<128x128xf32>
    %add3A_2170 = vector.broadcast %slice3A_2167 : vector<1x128xf32> to vector<128x128xf32>
    %add3A_2171 = arith.addf %add3A_2169, %add3A_2170 : vector<128x128xf32>
    %add3A_2172 = arith.addf %add3A_2171, %slice3A_2168 : vector<128x128xf32>
    %add3A_2173 = arith.constant 2176 : i32
    %add3A_2174 = vector.broadcast %add3A_2173 : i32 to vector<128x128xi32>
    %add3A_2175 = arith.addi %add3A_1965, %add3A_2174 : vector<128x128xi32>
    %lt3A_2176 = arith.cmpf olt, %add3A_2172, %select_n3A_2165 : vector<128x128xf32>
    %select_n3A_2177 = arith.select %lt3A_2176, %add3A_2172, %select_n3A_2165 : vector<128x128xi1>, vector<128x128xf32>
    %select_n3A_2178 = arith.select %lt3A_2176, %add3A_2175, %select_n3A_2166 : vector<128x128xi1>, vector<128x128xi32>
    %slice3A_2179 = vector.extract_strided_slice %get3A_1125 {offsets = [0, 2304], sizes = [1, 128], strides = [1, 1]} : vector<1x2816xf32> to vector<1x128xf32>
    %slice3A_2180 = vector.extract_strided_slice %slice3A_1961 {offsets = [0, 2304], sizes = [128, 128], strides = [1, 1]} : vector<128x2816xf32> to vector<128x128xf32>
    %add3A_2181 = vector.broadcast %slice3A_1960 : vector<128x1xf32> to vector<128x128xf32>
    %add3A_2182 = vector.broadcast %slice3A_2179 : vector<1x128xf32> to vector<128x128xf32>
    %add3A_2183 = arith.addf %add3A_2181, %add3A_2182 : vector<128x128xf32>
    %add3A_2184 = arith.addf %add3A_2183, %slice3A_2180 : vector<128x128xf32>
    %add3A_2185 = arith.constant 2304 : i32
    %add3A_2186 = vector.broadcast %add3A_2185 : i32 to vector<128x128xi32>
    %add3A_2187 = arith.addi %add3A_1965, %add3A_2186 : vector<128x128xi32>
    %lt3A_2188 = arith.cmpf olt, %add3A_2184, %select_n3A_2177 : vector<128x128xf32>
    %select_n3A_2189 = arith.select %lt3A_2188, %add3A_2184, %select_n3A_2177 : vector<128x128xi1>, vector<128x128xf32>
    %select_n3A_2190 = arith.select %lt3A_2188, %add3A_2187, %select_n3A_2178 : vector<128x128xi1>, vector<128x128xi32>
    %slice3A_2191 = vector.extract_strided_slice %get3A_1125 {offsets = [0, 2432], sizes = [1, 128], strides = [1, 1]} : vector<1x2816xf32> to vector<1x128xf32>
    %slice3A_2192 = vector.extract_strided_slice %slice3A_1961 {offsets = [0, 2432], sizes = [128, 128], strides = [1, 1]} : vector<128x2816xf32> to vector<128x128xf32>
    %add3A_2193 = vector.broadcast %slice3A_1960 : vector<128x1xf32> to vector<128x128xf32>
    %add3A_2194 = vector.broadcast %slice3A_2191 : vector<1x128xf32> to vector<128x128xf32>
    %add3A_2195 = arith.addf %add3A_2193, %add3A_2194 : vector<128x128xf32>
    %add3A_2196 = arith.addf %add3A_2195, %slice3A_2192 : vector<128x128xf32>
    %add3A_2197 = arith.constant 2432 : i32
    %add3A_2198 = vector.broadcast %add3A_2197 : i32 to vector<128x128xi32>
    %add3A_2199 = arith.addi %add3A_1965, %add3A_2198 : vector<128x128xi32>
    %lt3A_2200 = arith.cmpf olt, %add3A_2196, %select_n3A_2189 : vector<128x128xf32>
    %select_n3A_2201 = arith.select %lt3A_2200, %add3A_2196, %select_n3A_2189 : vector<128x128xi1>, vector<128x128xf32>
    %select_n3A_2202 = arith.select %lt3A_2200, %add3A_2199, %select_n3A_2190 : vector<128x128xi1>, vector<128x128xi32>
    %slice3A_2203 = vector.extract_strided_slice %get3A_1125 {offsets = [0, 2560], sizes = [1, 128], strides = [1, 1]} : vector<1x2816xf32> to vector<1x128xf32>
    %slice3A_2204 = vector.extract_strided_slice %slice3A_1961 {offsets = [0, 2560], sizes = [128, 128], strides = [1, 1]} : vector<128x2816xf32> to vector<128x128xf32>
    %add3A_2205 = vector.broadcast %slice3A_1960 : vector<128x1xf32> to vector<128x128xf32>
    %add3A_2206 = vector.broadcast %slice3A_2203 : vector<1x128xf32> to vector<128x128xf32>
    %add3A_2207 = arith.addf %add3A_2205, %add3A_2206 : vector<128x128xf32>
    %add3A_2208 = arith.addf %add3A_2207, %slice3A_2204 : vector<128x128xf32>
    %add3A_2209 = arith.constant 2560 : i32
    %add3A_2210 = vector.broadcast %add3A_2209 : i32 to vector<128x128xi32>
    %add3A_2211 = arith.addi %add3A_1965, %add3A_2210 : vector<128x128xi32>
    %lt3A_2212 = arith.cmpf olt, %add3A_2208, %select_n3A_2201 : vector<128x128xf32>
    %select_n3A_2213 = arith.select %lt3A_2212, %add3A_2208, %select_n3A_2201 : vector<128x128xi1>, vector<128x128xf32>
    %select_n3A_2214 = arith.select %lt3A_2212, %add3A_2211, %select_n3A_2202 : vector<128x128xi1>, vector<128x128xi32>
    %slice3A_2215 = vector.extract_strided_slice %get3A_1125 {offsets = [0, 2688], sizes = [1, 128], strides = [1, 1]} : vector<1x2816xf32> to vector<1x128xf32>
    %slice3A_2216 = vector.extract_strided_slice %slice3A_1961 {offsets = [0, 2688], sizes = [128, 128], strides = [1, 1]} : vector<128x2816xf32> to vector<128x128xf32>
    %add3A_2217 = vector.broadcast %slice3A_1960 : vector<128x1xf32> to vector<128x128xf32>
    %add3A_2218 = vector.broadcast %slice3A_2215 : vector<1x128xf32> to vector<128x128xf32>
    %add3A_2219 = arith.addf %add3A_2217, %add3A_2218 : vector<128x128xf32>
    %add3A_2220 = arith.addf %add3A_2219, %slice3A_2216 : vector<128x128xf32>
    %add3A_2221 = arith.constant 2688 : i32
    %add3A_2222 = vector.broadcast %add3A_2221 : i32 to vector<128x128xi32>
    %add3A_2223 = arith.addi %add3A_1965, %add3A_2222 : vector<128x128xi32>
    %lt3A_2224 = arith.cmpf olt, %add3A_2220, %select_n3A_2213 : vector<128x128xf32>
    %select_n3A_2225 = arith.select %lt3A_2224, %add3A_2220, %select_n3A_2213 : vector<128x128xi1>, vector<128x128xf32>
    %select_n3A_2226 = arith.select %lt3A_2224, %add3A_2223, %select_n3A_2214 : vector<128x128xi1>, vector<128x128xi32>
    %reduce_min3A_2227 = arith.constant dense<0x7F800000> : vector<128xf32>
    %reduce_min3A_2228 = vector.multi_reduction <minimumf>, %select_n3A_2225, %reduce_min3A_2227 [1] : vector<128x128xf32> to vector<128xf32>
    %broadcast_in_dim3A_2229 = vector.shape_cast %reduce_min3A_2228 : vector<128xf32> to vector<128x1xf32>
    %eq3A_2230 = vector.broadcast %broadcast_in_dim3A_2229 : vector<128x1xf32> to vector<128x128xf32>
    %eq3A_2231 = arith.cmpf oeq, %select_n3A_2225, %eq3A_2230 : vector<128x128xf32>
    %jit3A_2232 = arith.constant 8192 : i32
    %broadcast_in_dim3A_2233 = vector.broadcast %jit3A_2232 : i32 to vector<128x128xi32>
    %select_n3A_2234 = arith.select %eq3A_2231, %select_n3A_2226, %broadcast_in_dim3A_2233 : vector<128x128xi1>, vector<128x128xi32>
    %reduce_min3A_2235 = arith.constant dense<2147483647> : vector<128xi32>
    %reduce_min3A_2236 = vector.multi_reduction <minsi>, %select_n3A_2234, %reduce_min3A_2235 [1] : vector<128x128xi32> to vector<128xi32>
    %broadcast_in_dim3A_2237 = vector.shape_cast %reduce_min3A_2236 : vector<128xi32> to vector<128x1xi32>
    %concatenate3A_2238 = tpu.concatenate %broadcast_in_dim3A_1395, %broadcast_in_dim3A_1673, %broadcast_in_dim3A_1951, %broadcast_in_dim3A_2229 in 0 : vector<128x1xf32>, vector<128x1xf32>, vector<128x1xf32>, vector<128x1xf32> -> vector<512x1xf32>
    %concatenate3A_2239 = tpu.concatenate %broadcast_in_dim3A_1403, %broadcast_in_dim3A_1681, %broadcast_in_dim3A_1959, %broadcast_in_dim3A_2237 in 0 : vector<128x1xi32>, vector<128x1xi32>, vector<128x1xi32>, vector<128x1xi32> -> vector<512x1xi32>
    %get3A_2240 = arith.constant 5472 : index
    %get3A_2241 = arith.constant 0 : index
    %get3A_2242 = vector.load %arg5[%get3A_2240, %get3A_2241] : memref<8288x256xf32, #tpu.memory_space<vmem>>, vector<2816x256xf32>
    %dot_general3A_2243 = arith.constant dense<0.000000e+00> : vector<512x2816xf32>
    %dot_general3A_2244 = tpu.matmul %get3A_3, %get3A_2242, %dot_general3A_2243 {dimension_numbers = #tpu.dot_dimension_numbers<[1], [1], [0], [0], [0, 0, 1, 0], [], []>, transpose_lhs_hint = false} : vector<512x256xf32>, vector<2816x256xf32>, vector<512x2816xf32> -> vector<512x2816xf32>
    %get3A_2245 = arith.constant 2 : index
    %get3A_2246 = arith.constant 0 : index
    %get3A_2247 = vector.load %arg6[%get3A_2245, %get3A_2246] : memref<3x2816xf32, #tpu.memory_space<vmem>>, vector<1x2816xf32>
    %slice3A_2248 = vector.extract_strided_slice %broadcast_in_dim3A {offsets = [0, 0], sizes = [128, 1], strides = [1, 1]} : vector<512x1xf32> to vector<128x1xf32>
    %slice3A_2249 = vector.extract_strided_slice %dot_general3A_2244 {offsets = [0, 0], sizes = [128, 2816], strides = [1, 1]} : vector<512x2816xf32> to vector<128x2816xf32>
    %iota3A_2250 = tpu.iota {dimensions = array<i32: 1>} : vector<128x128xi32>
    %add3A_2251 = arith.constant 5472 : i32
    %add3A_2252 = vector.broadcast %add3A_2251 : i32 to vector<128x128xi32>
    %add3A_2253 = arith.addi %iota3A_2250, %add3A_2252 : vector<128x128xi32>
    %slice3A_2254 = vector.extract_strided_slice %get3A_2247 {offsets = [0, 0], sizes = [1, 128], strides = [1, 1]} : vector<1x2816xf32> to vector<1x128xf32>
    %slice3A_2255 = vector.extract_strided_slice %slice3A_2249 {offsets = [0, 0], sizes = [128, 128], strides = [1, 1]} : vector<128x2816xf32> to vector<128x128xf32>
    %add3A_2256 = vector.broadcast %slice3A_2248 : vector<128x1xf32> to vector<128x128xf32>
    %add3A_2257 = vector.broadcast %slice3A_2254 : vector<1x128xf32> to vector<128x128xf32>
    %add3A_2258 = arith.addf %add3A_2256, %add3A_2257 : vector<128x128xf32>
    %add3A_2259 = arith.addf %add3A_2258, %slice3A_2255 : vector<128x128xf32>
    %add3A_2260 = arith.constant 0 : i32
    %add3A_2261 = vector.broadcast %add3A_2260 : i32 to vector<128x128xi32>
    %add3A_2262 = arith.addi %add3A_2253, %add3A_2261 : vector<128x128xi32>
    %slice3A_2263 = vector.extract_strided_slice %get3A_2247 {offsets = [0, 128], sizes = [1, 128], strides = [1, 1]} : vector<1x2816xf32> to vector<1x128xf32>
    %slice3A_2264 = vector.extract_strided_slice %slice3A_2249 {offsets = [0, 128], sizes = [128, 128], strides = [1, 1]} : vector<128x2816xf32> to vector<128x128xf32>
    %add3A_2265 = vector.broadcast %slice3A_2248 : vector<128x1xf32> to vector<128x128xf32>
    %add3A_2266 = vector.broadcast %slice3A_2263 : vector<1x128xf32> to vector<128x128xf32>
    %add3A_2267 = arith.addf %add3A_2265, %add3A_2266 : vector<128x128xf32>
    %add3A_2268 = arith.addf %add3A_2267, %slice3A_2264 : vector<128x128xf32>
    %add3A_2269 = arith.constant 128 : i32
    %add3A_2270 = vector.broadcast %add3A_2269 : i32 to vector<128x128xi32>
    %add3A_2271 = arith.addi %add3A_2253, %add3A_2270 : vector<128x128xi32>
    %lt3A_2272 = arith.cmpf olt, %add3A_2268, %add3A_2259 : vector<128x128xf32>
    %select_n3A_2273 = arith.select %lt3A_2272, %add3A_2268, %add3A_2259 : vector<128x128xi1>, vector<128x128xf32>
    %select_n3A_2274 = arith.select %lt3A_2272, %add3A_2271, %add3A_2262 : vector<128x128xi1>, vector<128x128xi32>
    %slice3A_2275 = vector.extract_strided_slice %get3A_2247 {offsets = [0, 256], sizes = [1, 128], strides = [1, 1]} : vector<1x2816xf32> to vector<1x128xf32>
    %slice3A_2276 = vector.extract_strided_slice %slice3A_2249 {offsets = [0, 256], sizes = [128, 128], strides = [1, 1]} : vector<128x2816xf32> to vector<128x128xf32>
    %add3A_2277 = vector.broadcast %slice3A_2248 : vector<128x1xf32> to vector<128x128xf32>
    %add3A_2278 = vector.broadcast %slice3A_2275 : vector<1x128xf32> to vector<128x128xf32>
    %add3A_2279 = arith.addf %add3A_2277, %add3A_2278 : vector<128x128xf32>
    %add3A_2280 = arith.addf %add3A_2279, %slice3A_2276 : vector<128x128xf32>
    %add3A_2281 = arith.constant 256 : i32
    %add3A_2282 = vector.broadcast %add3A_2281 : i32 to vector<128x128xi32>
    %add3A_2283 = arith.addi %add3A_2253, %add3A_2282 : vector<128x128xi32>
    %lt3A_2284 = arith.cmpf olt, %add3A_2280, %select_n3A_2273 : vector<128x128xf32>
    %select_n3A_2285 = arith.select %lt3A_2284, %add3A_2280, %select_n3A_2273 : vector<128x128xi1>, vector<128x128xf32>
    %select_n3A_2286 = arith.select %lt3A_2284, %add3A_2283, %select_n3A_2274 : vector<128x128xi1>, vector<128x128xi32>
    %slice3A_2287 = vector.extract_strided_slice %get3A_2247 {offsets = [0, 384], sizes = [1, 128], strides = [1, 1]} : vector<1x2816xf32> to vector<1x128xf32>
    %slice3A_2288 = vector.extract_strided_slice %slice3A_2249 {offsets = [0, 384], sizes = [128, 128], strides = [1, 1]} : vector<128x2816xf32> to vector<128x128xf32>
    %add3A_2289 = vector.broadcast %slice3A_2248 : vector<128x1xf32> to vector<128x128xf32>
    %add3A_2290 = vector.broadcast %slice3A_2287 : vector<1x128xf32> to vector<128x128xf32>
    %add3A_2291 = arith.addf %add3A_2289, %add3A_2290 : vector<128x128xf32>
    %add3A_2292 = arith.addf %add3A_2291, %slice3A_2288 : vector<128x128xf32>
    %add3A_2293 = arith.constant 384 : i32
    %add3A_2294 = vector.broadcast %add3A_2293 : i32 to vector<128x128xi32>
    %add3A_2295 = arith.addi %add3A_2253, %add3A_2294 : vector<128x128xi32>
    %lt3A_2296 = arith.cmpf olt, %add3A_2292, %select_n3A_2285 : vector<128x128xf32>
    %select_n3A_2297 = arith.select %lt3A_2296, %add3A_2292, %select_n3A_2285 : vector<128x128xi1>, vector<128x128xf32>
    %select_n3A_2298 = arith.select %lt3A_2296, %add3A_2295, %select_n3A_2286 : vector<128x128xi1>, vector<128x128xi32>
    %slice3A_2299 = vector.extract_strided_slice %get3A_2247 {offsets = [0, 512], sizes = [1, 128], strides = [1, 1]} : vector<1x2816xf32> to vector<1x128xf32>
    %slice3A_2300 = vector.extract_strided_slice %slice3A_2249 {offsets = [0, 512], sizes = [128, 128], strides = [1, 1]} : vector<128x2816xf32> to vector<128x128xf32>
    %add3A_2301 = vector.broadcast %slice3A_2248 : vector<128x1xf32> to vector<128x128xf32>
    %add3A_2302 = vector.broadcast %slice3A_2299 : vector<1x128xf32> to vector<128x128xf32>
    %add3A_2303 = arith.addf %add3A_2301, %add3A_2302 : vector<128x128xf32>
    %add3A_2304 = arith.addf %add3A_2303, %slice3A_2300 : vector<128x128xf32>
    %add3A_2305 = arith.constant 512 : i32
    %add3A_2306 = vector.broadcast %add3A_2305 : i32 to vector<128x128xi32>
    %add3A_2307 = arith.addi %add3A_2253, %add3A_2306 : vector<128x128xi32>
    %lt3A_2308 = arith.cmpf olt, %add3A_2304, %select_n3A_2297 : vector<128x128xf32>
    %select_n3A_2309 = arith.select %lt3A_2308, %add3A_2304, %select_n3A_2297 : vector<128x128xi1>, vector<128x128xf32>
    %select_n3A_2310 = arith.select %lt3A_2308, %add3A_2307, %select_n3A_2298 : vector<128x128xi1>, vector<128x128xi32>
    %slice3A_2311 = vector.extract_strided_slice %get3A_2247 {offsets = [0, 640], sizes = [1, 128], strides = [1, 1]} : vector<1x2816xf32> to vector<1x128xf32>
    %slice3A_2312 = vector.extract_strided_slice %slice3A_2249 {offsets = [0, 640], sizes = [128, 128], strides = [1, 1]} : vector<128x2816xf32> to vector<128x128xf32>
    %add3A_2313 = vector.broadcast %slice3A_2248 : vector<128x1xf32> to vector<128x128xf32>
    %add3A_2314 = vector.broadcast %slice3A_2311 : vector<1x128xf32> to vector<128x128xf32>
    %add3A_2315 = arith.addf %add3A_2313, %add3A_2314 : vector<128x128xf32>
    %add3A_2316 = arith.addf %add3A_2315, %slice3A_2312 : vector<128x128xf32>
    %add3A_2317 = arith.constant 640 : i32
    %add3A_2318 = vector.broadcast %add3A_2317 : i32 to vector<128x128xi32>
    %add3A_2319 = arith.addi %add3A_2253, %add3A_2318 : vector<128x128xi32>
    %lt3A_2320 = arith.cmpf olt, %add3A_2316, %select_n3A_2309 : vector<128x128xf32>
    %select_n3A_2321 = arith.select %lt3A_2320, %add3A_2316, %select_n3A_2309 : vector<128x128xi1>, vector<128x128xf32>
    %select_n3A_2322 = arith.select %lt3A_2320, %add3A_2319, %select_n3A_2310 : vector<128x128xi1>, vector<128x128xi32>
    %slice3A_2323 = vector.extract_strided_slice %get3A_2247 {offsets = [0, 768], sizes = [1, 128], strides = [1, 1]} : vector<1x2816xf32> to vector<1x128xf32>
    %slice3A_2324 = vector.extract_strided_slice %slice3A_2249 {offsets = [0, 768], sizes = [128, 128], strides = [1, 1]} : vector<128x2816xf32> to vector<128x128xf32>
    %add3A_2325 = vector.broadcast %slice3A_2248 : vector<128x1xf32> to vector<128x128xf32>
    %add3A_2326 = vector.broadcast %slice3A_2323 : vector<1x128xf32> to vector<128x128xf32>
    %add3A_2327 = arith.addf %add3A_2325, %add3A_2326 : vector<128x128xf32>
    %add3A_2328 = arith.addf %add3A_2327, %slice3A_2324 : vector<128x128xf32>
    %add3A_2329 = arith.constant 768 : i32
    %add3A_2330 = vector.broadcast %add3A_2329 : i32 to vector<128x128xi32>
    %add3A_2331 = arith.addi %add3A_2253, %add3A_2330 : vector<128x128xi32>
    %lt3A_2332 = arith.cmpf olt, %add3A_2328, %select_n3A_2321 : vector<128x128xf32>
    %select_n3A_2333 = arith.select %lt3A_2332, %add3A_2328, %select_n3A_2321 : vector<128x128xi1>, vector<128x128xf32>
    %select_n3A_2334 = arith.select %lt3A_2332, %add3A_2331, %select_n3A_2322 : vector<128x128xi1>, vector<128x128xi32>
    %slice3A_2335 = vector.extract_strided_slice %get3A_2247 {offsets = [0, 896], sizes = [1, 128], strides = [1, 1]} : vector<1x2816xf32> to vector<1x128xf32>
    %slice3A_2336 = vector.extract_strided_slice %slice3A_2249 {offsets = [0, 896], sizes = [128, 128], strides = [1, 1]} : vector<128x2816xf32> to vector<128x128xf32>
    %add3A_2337 = vector.broadcast %slice3A_2248 : vector<128x1xf32> to vector<128x128xf32>
    %add3A_2338 = vector.broadcast %slice3A_2335 : vector<1x128xf32> to vector<128x128xf32>
    %add3A_2339 = arith.addf %add3A_2337, %add3A_2338 : vector<128x128xf32>
    %add3A_2340 = arith.addf %add3A_2339, %slice3A_2336 : vector<128x128xf32>
    %add3A_2341 = arith.constant 896 : i32
    %add3A_2342 = vector.broadcast %add3A_2341 : i32 to vector<128x128xi32>
    %add3A_2343 = arith.addi %add3A_2253, %add3A_2342 : vector<128x128xi32>
    %lt3A_2344 = arith.cmpf olt, %add3A_2340, %select_n3A_2333 : vector<128x128xf32>
    %select_n3A_2345 = arith.select %lt3A_2344, %add3A_2340, %select_n3A_2333 : vector<128x128xi1>, vector<128x128xf32>
    %select_n3A_2346 = arith.select %lt3A_2344, %add3A_2343, %select_n3A_2334 : vector<128x128xi1>, vector<128x128xi32>
    %slice3A_2347 = vector.extract_strided_slice %get3A_2247 {offsets = [0, 1024], sizes = [1, 128], strides = [1, 1]} : vector<1x2816xf32> to vector<1x128xf32>
    %slice3A_2348 = vector.extract_strided_slice %slice3A_2249 {offsets = [0, 1024], sizes = [128, 128], strides = [1, 1]} : vector<128x2816xf32> to vector<128x128xf32>
    %add3A_2349 = vector.broadcast %slice3A_2248 : vector<128x1xf32> to vector<128x128xf32>
    %add3A_2350 = vector.broadcast %slice3A_2347 : vector<1x128xf32> to vector<128x128xf32>
    %add3A_2351 = arith.addf %add3A_2349, %add3A_2350 : vector<128x128xf32>
    %add3A_2352 = arith.addf %add3A_2351, %slice3A_2348 : vector<128x128xf32>
    %add3A_2353 = arith.constant 1024 : i32
    %add3A_2354 = vector.broadcast %add3A_2353 : i32 to vector<128x128xi32>
    %add3A_2355 = arith.addi %add3A_2253, %add3A_2354 : vector<128x128xi32>
    %lt3A_2356 = arith.cmpf olt, %add3A_2352, %select_n3A_2345 : vector<128x128xf32>
    %select_n3A_2357 = arith.select %lt3A_2356, %add3A_2352, %select_n3A_2345 : vector<128x128xi1>, vector<128x128xf32>
    %select_n3A_2358 = arith.select %lt3A_2356, %add3A_2355, %select_n3A_2346 : vector<128x128xi1>, vector<128x128xi32>
    %slice3A_2359 = vector.extract_strided_slice %get3A_2247 {offsets = [0, 1152], sizes = [1, 128], strides = [1, 1]} : vector<1x2816xf32> to vector<1x128xf32>
    %slice3A_2360 = vector.extract_strided_slice %slice3A_2249 {offsets = [0, 1152], sizes = [128, 128], strides = [1, 1]} : vector<128x2816xf32> to vector<128x128xf32>
    %add3A_2361 = vector.broadcast %slice3A_2248 : vector<128x1xf32> to vector<128x128xf32>
    %add3A_2362 = vector.broadcast %slice3A_2359 : vector<1x128xf32> to vector<128x128xf32>
    %add3A_2363 = arith.addf %add3A_2361, %add3A_2362 : vector<128x128xf32>
    %add3A_2364 = arith.addf %add3A_2363, %slice3A_2360 : vector<128x128xf32>
    %add3A_2365 = arith.constant 1152 : i32
    %add3A_2366 = vector.broadcast %add3A_2365 : i32 to vector<128x128xi32>
    %add3A_2367 = arith.addi %add3A_2253, %add3A_2366 : vector<128x128xi32>
    %lt3A_2368 = arith.cmpf olt, %add3A_2364, %select_n3A_2357 : vector<128x128xf32>
    %select_n3A_2369 = arith.select %lt3A_2368, %add3A_2364, %select_n3A_2357 : vector<128x128xi1>, vector<128x128xf32>
    %select_n3A_2370 = arith.select %lt3A_2368, %add3A_2367, %select_n3A_2358 : vector<128x128xi1>, vector<128x128xi32>
    %slice3A_2371 = vector.extract_strided_slice %get3A_2247 {offsets = [0, 1280], sizes = [1, 128], strides = [1, 1]} : vector<1x2816xf32> to vector<1x128xf32>
    %slice3A_2372 = vector.extract_strided_slice %slice3A_2249 {offsets = [0, 1280], sizes = [128, 128], strides = [1, 1]} : vector<128x2816xf32> to vector<128x128xf32>
    %add3A_2373 = vector.broadcast %slice3A_2248 : vector<128x1xf32> to vector<128x128xf32>
    %add3A_2374 = vector.broadcast %slice3A_2371 : vector<1x128xf32> to vector<128x128xf32>
    %add3A_2375 = arith.addf %add3A_2373, %add3A_2374 : vector<128x128xf32>
    %add3A_2376 = arith.addf %add3A_2375, %slice3A_2372 : vector<128x128xf32>
    %add3A_2377 = arith.constant 1280 : i32
    %add3A_2378 = vector.broadcast %add3A_2377 : i32 to vector<128x128xi32>
    %add3A_2379 = arith.addi %add3A_2253, %add3A_2378 : vector<128x128xi32>
    %lt3A_2380 = arith.cmpf olt, %add3A_2376, %select_n3A_2369 : vector<128x128xf32>
    %select_n3A_2381 = arith.select %lt3A_2380, %add3A_2376, %select_n3A_2369 : vector<128x128xi1>, vector<128x128xf32>
    %select_n3A_2382 = arith.select %lt3A_2380, %add3A_2379, %select_n3A_2370 : vector<128x128xi1>, vector<128x128xi32>
    %slice3A_2383 = vector.extract_strided_slice %get3A_2247 {offsets = [0, 1408], sizes = [1, 128], strides = [1, 1]} : vector<1x2816xf32> to vector<1x128xf32>
    %slice3A_2384 = vector.extract_strided_slice %slice3A_2249 {offsets = [0, 1408], sizes = [128, 128], strides = [1, 1]} : vector<128x2816xf32> to vector<128x128xf32>
    %add3A_2385 = vector.broadcast %slice3A_2248 : vector<128x1xf32> to vector<128x128xf32>
    %add3A_2386 = vector.broadcast %slice3A_2383 : vector<1x128xf32> to vector<128x128xf32>
    %add3A_2387 = arith.addf %add3A_2385, %add3A_2386 : vector<128x128xf32>
    %add3A_2388 = arith.addf %add3A_2387, %slice3A_2384 : vector<128x128xf32>
    %add3A_2389 = arith.constant 1408 : i32
    %add3A_2390 = vector.broadcast %add3A_2389 : i32 to vector<128x128xi32>
    %add3A_2391 = arith.addi %add3A_2253, %add3A_2390 : vector<128x128xi32>
    %lt3A_2392 = arith.cmpf olt, %add3A_2388, %select_n3A_2381 : vector<128x128xf32>
    %select_n3A_2393 = arith.select %lt3A_2392, %add3A_2388, %select_n3A_2381 : vector<128x128xi1>, vector<128x128xf32>
    %select_n3A_2394 = arith.select %lt3A_2392, %add3A_2391, %select_n3A_2382 : vector<128x128xi1>, vector<128x128xi32>
    %slice3A_2395 = vector.extract_strided_slice %get3A_2247 {offsets = [0, 1536], sizes = [1, 128], strides = [1, 1]} : vector<1x2816xf32> to vector<1x128xf32>
    %slice3A_2396 = vector.extract_strided_slice %slice3A_2249 {offsets = [0, 1536], sizes = [128, 128], strides = [1, 1]} : vector<128x2816xf32> to vector<128x128xf32>
    %add3A_2397 = vector.broadcast %slice3A_2248 : vector<128x1xf32> to vector<128x128xf32>
    %add3A_2398 = vector.broadcast %slice3A_2395 : vector<1x128xf32> to vector<128x128xf32>
    %add3A_2399 = arith.addf %add3A_2397, %add3A_2398 : vector<128x128xf32>
    %add3A_2400 = arith.addf %add3A_2399, %slice3A_2396 : vector<128x128xf32>
    %add3A_2401 = arith.constant 1536 : i32
    %add3A_2402 = vector.broadcast %add3A_2401 : i32 to vector<128x128xi32>
    %add3A_2403 = arith.addi %add3A_2253, %add3A_2402 : vector<128x128xi32>
    %lt3A_2404 = arith.cmpf olt, %add3A_2400, %select_n3A_2393 : vector<128x128xf32>
    %select_n3A_2405 = arith.select %lt3A_2404, %add3A_2400, %select_n3A_2393 : vector<128x128xi1>, vector<128x128xf32>
    %select_n3A_2406 = arith.select %lt3A_2404, %add3A_2403, %select_n3A_2394 : vector<128x128xi1>, vector<128x128xi32>
    %slice3A_2407 = vector.extract_strided_slice %get3A_2247 {offsets = [0, 1664], sizes = [1, 128], strides = [1, 1]} : vector<1x2816xf32> to vector<1x128xf32>
    %slice3A_2408 = vector.extract_strided_slice %slice3A_2249 {offsets = [0, 1664], sizes = [128, 128], strides = [1, 1]} : vector<128x2816xf32> to vector<128x128xf32>
    %add3A_2409 = vector.broadcast %slice3A_2248 : vector<128x1xf32> to vector<128x128xf32>
    %add3A_2410 = vector.broadcast %slice3A_2407 : vector<1x128xf32> to vector<128x128xf32>
    %add3A_2411 = arith.addf %add3A_2409, %add3A_2410 : vector<128x128xf32>
    %add3A_2412 = arith.addf %add3A_2411, %slice3A_2408 : vector<128x128xf32>
    %add3A_2413 = arith.constant 1664 : i32
    %add3A_2414 = vector.broadcast %add3A_2413 : i32 to vector<128x128xi32>
    %add3A_2415 = arith.addi %add3A_2253, %add3A_2414 : vector<128x128xi32>
    %lt3A_2416 = arith.cmpf olt, %add3A_2412, %select_n3A_2405 : vector<128x128xf32>
    %select_n3A_2417 = arith.select %lt3A_2416, %add3A_2412, %select_n3A_2405 : vector<128x128xi1>, vector<128x128xf32>
    %select_n3A_2418 = arith.select %lt3A_2416, %add3A_2415, %select_n3A_2406 : vector<128x128xi1>, vector<128x128xi32>
    %slice3A_2419 = vector.extract_strided_slice %get3A_2247 {offsets = [0, 1792], sizes = [1, 128], strides = [1, 1]} : vector<1x2816xf32> to vector<1x128xf32>
    %slice3A_2420 = vector.extract_strided_slice %slice3A_2249 {offsets = [0, 1792], sizes = [128, 128], strides = [1, 1]} : vector<128x2816xf32> to vector<128x128xf32>
    %add3A_2421 = vector.broadcast %slice3A_2248 : vector<128x1xf32> to vector<128x128xf32>
    %add3A_2422 = vector.broadcast %slice3A_2419 : vector<1x128xf32> to vector<128x128xf32>
    %add3A_2423 = arith.addf %add3A_2421, %add3A_2422 : vector<128x128xf32>
    %add3A_2424 = arith.addf %add3A_2423, %slice3A_2420 : vector<128x128xf32>
    %add3A_2425 = arith.constant 1792 : i32
    %add3A_2426 = vector.broadcast %add3A_2425 : i32 to vector<128x128xi32>
    %add3A_2427 = arith.addi %add3A_2253, %add3A_2426 : vector<128x128xi32>
    %lt3A_2428 = arith.cmpf olt, %add3A_2424, %select_n3A_2417 : vector<128x128xf32>
    %select_n3A_2429 = arith.select %lt3A_2428, %add3A_2424, %select_n3A_2417 : vector<128x128xi1>, vector<128x128xf32>
    %select_n3A_2430 = arith.select %lt3A_2428, %add3A_2427, %select_n3A_2418 : vector<128x128xi1>, vector<128x128xi32>
    %slice3A_2431 = vector.extract_strided_slice %get3A_2247 {offsets = [0, 1920], sizes = [1, 128], strides = [1, 1]} : vector<1x2816xf32> to vector<1x128xf32>
    %slice3A_2432 = vector.extract_strided_slice %slice3A_2249 {offsets = [0, 1920], sizes = [128, 128], strides = [1, 1]} : vector<128x2816xf32> to vector<128x128xf32>
    %add3A_2433 = vector.broadcast %slice3A_2248 : vector<128x1xf32> to vector<128x128xf32>
    %add3A_2434 = vector.broadcast %slice3A_2431 : vector<1x128xf32> to vector<128x128xf32>
    %add3A_2435 = arith.addf %add3A_2433, %add3A_2434 : vector<128x128xf32>
    %add3A_2436 = arith.addf %add3A_2435, %slice3A_2432 : vector<128x128xf32>
    %add3A_2437 = arith.constant 1920 : i32
    %add3A_2438 = vector.broadcast %add3A_2437 : i32 to vector<128x128xi32>
    %add3A_2439 = arith.addi %add3A_2253, %add3A_2438 : vector<128x128xi32>
    %lt3A_2440 = arith.cmpf olt, %add3A_2436, %select_n3A_2429 : vector<128x128xf32>
    %select_n3A_2441 = arith.select %lt3A_2440, %add3A_2436, %select_n3A_2429 : vector<128x128xi1>, vector<128x128xf32>
    %select_n3A_2442 = arith.select %lt3A_2440, %add3A_2439, %select_n3A_2430 : vector<128x128xi1>, vector<128x128xi32>
    %slice3A_2443 = vector.extract_strided_slice %get3A_2247 {offsets = [0, 2048], sizes = [1, 128], strides = [1, 1]} : vector<1x2816xf32> to vector<1x128xf32>
    %slice3A_2444 = vector.extract_strided_slice %slice3A_2249 {offsets = [0, 2048], sizes = [128, 128], strides = [1, 1]} : vector<128x2816xf32> to vector<128x128xf32>
    %add3A_2445 = vector.broadcast %slice3A_2248 : vector<128x1xf32> to vector<128x128xf32>
    %add3A_2446 = vector.broadcast %slice3A_2443 : vector<1x128xf32> to vector<128x128xf32>
    %add3A_2447 = arith.addf %add3A_2445, %add3A_2446 : vector<128x128xf32>
    %add3A_2448 = arith.addf %add3A_2447, %slice3A_2444 : vector<128x128xf32>
    %add3A_2449 = arith.constant 2048 : i32
    %add3A_2450 = vector.broadcast %add3A_2449 : i32 to vector<128x128xi32>
    %add3A_2451 = arith.addi %add3A_2253, %add3A_2450 : vector<128x128xi32>
    %lt3A_2452 = arith.cmpf olt, %add3A_2448, %select_n3A_2441 : vector<128x128xf32>
    %select_n3A_2453 = arith.select %lt3A_2452, %add3A_2448, %select_n3A_2441 : vector<128x128xi1>, vector<128x128xf32>
    %select_n3A_2454 = arith.select %lt3A_2452, %add3A_2451, %select_n3A_2442 : vector<128x128xi1>, vector<128x128xi32>
    %slice3A_2455 = vector.extract_strided_slice %get3A_2247 {offsets = [0, 2176], sizes = [1, 128], strides = [1, 1]} : vector<1x2816xf32> to vector<1x128xf32>
    %slice3A_2456 = vector.extract_strided_slice %slice3A_2249 {offsets = [0, 2176], sizes = [128, 128], strides = [1, 1]} : vector<128x2816xf32> to vector<128x128xf32>
    %add3A_2457 = vector.broadcast %slice3A_2248 : vector<128x1xf32> to vector<128x128xf32>
    %add3A_2458 = vector.broadcast %slice3A_2455 : vector<1x128xf32> to vector<128x128xf32>
    %add3A_2459 = arith.addf %add3A_2457, %add3A_2458 : vector<128x128xf32>
    %add3A_2460 = arith.addf %add3A_2459, %slice3A_2456 : vector<128x128xf32>
    %add3A_2461 = arith.constant 2176 : i32
    %add3A_2462 = vector.broadcast %add3A_2461 : i32 to vector<128x128xi32>
    %add3A_2463 = arith.addi %add3A_2253, %add3A_2462 : vector<128x128xi32>
    %lt3A_2464 = arith.cmpf olt, %add3A_2460, %select_n3A_2453 : vector<128x128xf32>
    %select_n3A_2465 = arith.select %lt3A_2464, %add3A_2460, %select_n3A_2453 : vector<128x128xi1>, vector<128x128xf32>
    %select_n3A_2466 = arith.select %lt3A_2464, %add3A_2463, %select_n3A_2454 : vector<128x128xi1>, vector<128x128xi32>
    %slice3A_2467 = vector.extract_strided_slice %get3A_2247 {offsets = [0, 2304], sizes = [1, 128], strides = [1, 1]} : vector<1x2816xf32> to vector<1x128xf32>
    %slice3A_2468 = vector.extract_strided_slice %slice3A_2249 {offsets = [0, 2304], sizes = [128, 128], strides = [1, 1]} : vector<128x2816xf32> to vector<128x128xf32>
    %add3A_2469 = vector.broadcast %slice3A_2248 : vector<128x1xf32> to vector<128x128xf32>
    %add3A_2470 = vector.broadcast %slice3A_2467 : vector<1x128xf32> to vector<128x128xf32>
    %add3A_2471 = arith.addf %add3A_2469, %add3A_2470 : vector<128x128xf32>
    %add3A_2472 = arith.addf %add3A_2471, %slice3A_2468 : vector<128x128xf32>
    %add3A_2473 = arith.constant 2304 : i32
    %add3A_2474 = vector.broadcast %add3A_2473 : i32 to vector<128x128xi32>
    %add3A_2475 = arith.addi %add3A_2253, %add3A_2474 : vector<128x128xi32>
    %lt3A_2476 = arith.cmpf olt, %add3A_2472, %select_n3A_2465 : vector<128x128xf32>
    %select_n3A_2477 = arith.select %lt3A_2476, %add3A_2472, %select_n3A_2465 : vector<128x128xi1>, vector<128x128xf32>
    %select_n3A_2478 = arith.select %lt3A_2476, %add3A_2475, %select_n3A_2466 : vector<128x128xi1>, vector<128x128xi32>
    %slice3A_2479 = vector.extract_strided_slice %get3A_2247 {offsets = [0, 2432], sizes = [1, 128], strides = [1, 1]} : vector<1x2816xf32> to vector<1x128xf32>
    %slice3A_2480 = vector.extract_strided_slice %slice3A_2249 {offsets = [0, 2432], sizes = [128, 128], strides = [1, 1]} : vector<128x2816xf32> to vector<128x128xf32>
    %add3A_2481 = vector.broadcast %slice3A_2248 : vector<128x1xf32> to vector<128x128xf32>
    %add3A_2482 = vector.broadcast %slice3A_2479 : vector<1x128xf32> to vector<128x128xf32>
    %add3A_2483 = arith.addf %add3A_2481, %add3A_2482 : vector<128x128xf32>
    %add3A_2484 = arith.addf %add3A_2483, %slice3A_2480 : vector<128x128xf32>
    %add3A_2485 = arith.constant 2432 : i32
    %add3A_2486 = vector.broadcast %add3A_2485 : i32 to vector<128x128xi32>
    %add3A_2487 = arith.addi %add3A_2253, %add3A_2486 : vector<128x128xi32>
    %lt3A_2488 = arith.cmpf olt, %add3A_2484, %select_n3A_2477 : vector<128x128xf32>
    %select_n3A_2489 = arith.select %lt3A_2488, %add3A_2484, %select_n3A_2477 : vector<128x128xi1>, vector<128x128xf32>
    %select_n3A_2490 = arith.select %lt3A_2488, %add3A_2487, %select_n3A_2478 : vector<128x128xi1>, vector<128x128xi32>
    %slice3A_2491 = vector.extract_strided_slice %get3A_2247 {offsets = [0, 2560], sizes = [1, 128], strides = [1, 1]} : vector<1x2816xf32> to vector<1x128xf32>
    %slice3A_2492 = vector.extract_strided_slice %slice3A_2249 {offsets = [0, 2560], sizes = [128, 128], strides = [1, 1]} : vector<128x2816xf32> to vector<128x128xf32>
    %add3A_2493 = vector.broadcast %slice3A_2248 : vector<128x1xf32> to vector<128x128xf32>
    %add3A_2494 = vector.broadcast %slice3A_2491 : vector<1x128xf32> to vector<128x128xf32>
    %add3A_2495 = arith.addf %add3A_2493, %add3A_2494 : vector<128x128xf32>
    %add3A_2496 = arith.addf %add3A_2495, %slice3A_2492 : vector<128x128xf32>
    %add3A_2497 = arith.constant 2560 : i32
    %add3A_2498 = vector.broadcast %add3A_2497 : i32 to vector<128x128xi32>
    %add3A_2499 = arith.addi %add3A_2253, %add3A_2498 : vector<128x128xi32>
    %lt3A_2500 = arith.cmpf olt, %add3A_2496, %select_n3A_2489 : vector<128x128xf32>
    %select_n3A_2501 = arith.select %lt3A_2500, %add3A_2496, %select_n3A_2489 : vector<128x128xi1>, vector<128x128xf32>
    %select_n3A_2502 = arith.select %lt3A_2500, %add3A_2499, %select_n3A_2490 : vector<128x128xi1>, vector<128x128xi32>
    %slice3A_2503 = vector.extract_strided_slice %get3A_2247 {offsets = [0, 2688], sizes = [1, 128], strides = [1, 1]} : vector<1x2816xf32> to vector<1x128xf32>
    %slice3A_2504 = vector.extract_strided_slice %slice3A_2249 {offsets = [0, 2688], sizes = [128, 128], strides = [1, 1]} : vector<128x2816xf32> to vector<128x128xf32>
    %add3A_2505 = vector.broadcast %slice3A_2248 : vector<128x1xf32> to vector<128x128xf32>
    %add3A_2506 = vector.broadcast %slice3A_2503 : vector<1x128xf32> to vector<128x128xf32>
    %add3A_2507 = arith.addf %add3A_2505, %add3A_2506 : vector<128x128xf32>
    %add3A_2508 = arith.addf %add3A_2507, %slice3A_2504 : vector<128x128xf32>
    %add3A_2509 = arith.constant 2688 : i32
    %add3A_2510 = vector.broadcast %add3A_2509 : i32 to vector<128x128xi32>
    %add3A_2511 = arith.addi %add3A_2253, %add3A_2510 : vector<128x128xi32>
    %lt3A_2512 = arith.cmpf olt, %add3A_2508, %select_n3A_2501 : vector<128x128xf32>
    %select_n3A_2513 = arith.select %lt3A_2512, %add3A_2508, %select_n3A_2501 : vector<128x128xi1>, vector<128x128xf32>
    %select_n3A_2514 = arith.select %lt3A_2512, %add3A_2511, %select_n3A_2502 : vector<128x128xi1>, vector<128x128xi32>
    %reduce_min3A_2515 = arith.constant dense<0x7F800000> : vector<128xf32>
    %reduce_min3A_2516 = vector.multi_reduction <minimumf>, %select_n3A_2513, %reduce_min3A_2515 [1] : vector<128x128xf32> to vector<128xf32>
    %broadcast_in_dim3A_2517 = vector.shape_cast %reduce_min3A_2516 : vector<128xf32> to vector<128x1xf32>
    %eq3A_2518 = vector.broadcast %broadcast_in_dim3A_2517 : vector<128x1xf32> to vector<128x128xf32>
    %eq3A_2519 = arith.cmpf oeq, %select_n3A_2513, %eq3A_2518 : vector<128x128xf32>
    %jit3A_2520 = arith.constant 8192 : i32
    %broadcast_in_dim3A_2521 = vector.broadcast %jit3A_2520 : i32 to vector<128x128xi32>
    %select_n3A_2522 = arith.select %eq3A_2519, %select_n3A_2514, %broadcast_in_dim3A_2521 : vector<128x128xi1>, vector<128x128xi32>
    %reduce_min3A_2523 = arith.constant dense<2147483647> : vector<128xi32>
    %reduce_min3A_2524 = vector.multi_reduction <minsi>, %select_n3A_2522, %reduce_min3A_2523 [1] : vector<128x128xi32> to vector<128xi32>
    %broadcast_in_dim3A_2525 = vector.shape_cast %reduce_min3A_2524 : vector<128xi32> to vector<128x1xi32>
    %slice3A_2526 = vector.extract_strided_slice %broadcast_in_dim3A {offsets = [128, 0], sizes = [128, 1], strides = [1, 1]} : vector<512x1xf32> to vector<128x1xf32>
    %slice3A_2527 = vector.extract_strided_slice %dot_general3A_2244 {offsets = [128, 0], sizes = [128, 2816], strides = [1, 1]} : vector<512x2816xf32> to vector<128x2816xf32>
    %iota3A_2528 = tpu.iota {dimensions = array<i32: 1>} : vector<128x128xi32>
    %add3A_2529 = arith.constant 5472 : i32
    %add3A_2530 = vector.broadcast %add3A_2529 : i32 to vector<128x128xi32>
    %add3A_2531 = arith.addi %iota3A_2528, %add3A_2530 : vector<128x128xi32>
    %slice3A_2532 = vector.extract_strided_slice %get3A_2247 {offsets = [0, 0], sizes = [1, 128], strides = [1, 1]} : vector<1x2816xf32> to vector<1x128xf32>
    %slice3A_2533 = vector.extract_strided_slice %slice3A_2527 {offsets = [0, 0], sizes = [128, 128], strides = [1, 1]} : vector<128x2816xf32> to vector<128x128xf32>
    %add3A_2534 = vector.broadcast %slice3A_2526 : vector<128x1xf32> to vector<128x128xf32>
    %add3A_2535 = vector.broadcast %slice3A_2532 : vector<1x128xf32> to vector<128x128xf32>
    %add3A_2536 = arith.addf %add3A_2534, %add3A_2535 : vector<128x128xf32>
    %add3A_2537 = arith.addf %add3A_2536, %slice3A_2533 : vector<128x128xf32>
    %add3A_2538 = arith.constant 0 : i32
    %add3A_2539 = vector.broadcast %add3A_2538 : i32 to vector<128x128xi32>
    %add3A_2540 = arith.addi %add3A_2531, %add3A_2539 : vector<128x128xi32>
    %slice3A_2541 = vector.extract_strided_slice %get3A_2247 {offsets = [0, 128], sizes = [1, 128], strides = [1, 1]} : vector<1x2816xf32> to vector<1x128xf32>
    %slice3A_2542 = vector.extract_strided_slice %slice3A_2527 {offsets = [0, 128], sizes = [128, 128], strides = [1, 1]} : vector<128x2816xf32> to vector<128x128xf32>
    %add3A_2543 = vector.broadcast %slice3A_2526 : vector<128x1xf32> to vector<128x128xf32>
    %add3A_2544 = vector.broadcast %slice3A_2541 : vector<1x128xf32> to vector<128x128xf32>
    %add3A_2545 = arith.addf %add3A_2543, %add3A_2544 : vector<128x128xf32>
    %add3A_2546 = arith.addf %add3A_2545, %slice3A_2542 : vector<128x128xf32>
    %add3A_2547 = arith.constant 128 : i32
    %add3A_2548 = vector.broadcast %add3A_2547 : i32 to vector<128x128xi32>
    %add3A_2549 = arith.addi %add3A_2531, %add3A_2548 : vector<128x128xi32>
    %lt3A_2550 = arith.cmpf olt, %add3A_2546, %add3A_2537 : vector<128x128xf32>
    %select_n3A_2551 = arith.select %lt3A_2550, %add3A_2546, %add3A_2537 : vector<128x128xi1>, vector<128x128xf32>
    %select_n3A_2552 = arith.select %lt3A_2550, %add3A_2549, %add3A_2540 : vector<128x128xi1>, vector<128x128xi32>
    %slice3A_2553 = vector.extract_strided_slice %get3A_2247 {offsets = [0, 256], sizes = [1, 128], strides = [1, 1]} : vector<1x2816xf32> to vector<1x128xf32>
    %slice3A_2554 = vector.extract_strided_slice %slice3A_2527 {offsets = [0, 256], sizes = [128, 128], strides = [1, 1]} : vector<128x2816xf32> to vector<128x128xf32>
    %add3A_2555 = vector.broadcast %slice3A_2526 : vector<128x1xf32> to vector<128x128xf32>
    %add3A_2556 = vector.broadcast %slice3A_2553 : vector<1x128xf32> to vector<128x128xf32>
    %add3A_2557 = arith.addf %add3A_2555, %add3A_2556 : vector<128x128xf32>
    %add3A_2558 = arith.addf %add3A_2557, %slice3A_2554 : vector<128x128xf32>
    %add3A_2559 = arith.constant 256 : i32
    %add3A_2560 = vector.broadcast %add3A_2559 : i32 to vector<128x128xi32>
    %add3A_2561 = arith.addi %add3A_2531, %add3A_2560 : vector<128x128xi32>
    %lt3A_2562 = arith.cmpf olt, %add3A_2558, %select_n3A_2551 : vector<128x128xf32>
    %select_n3A_2563 = arith.select %lt3A_2562, %add3A_2558, %select_n3A_2551 : vector<128x128xi1>, vector<128x128xf32>
    %select_n3A_2564 = arith.select %lt3A_2562, %add3A_2561, %select_n3A_2552 : vector<128x128xi1>, vector<128x128xi32>
    %slice3A_2565 = vector.extract_strided_slice %get3A_2247 {offsets = [0, 384], sizes = [1, 128], strides = [1, 1]} : vector<1x2816xf32> to vector<1x128xf32>
    %slice3A_2566 = vector.extract_strided_slice %slice3A_2527 {offsets = [0, 384], sizes = [128, 128], strides = [1, 1]} : vector<128x2816xf32> to vector<128x128xf32>
    %add3A_2567 = vector.broadcast %slice3A_2526 : vector<128x1xf32> to vector<128x128xf32>
    %add3A_2568 = vector.broadcast %slice3A_2565 : vector<1x128xf32> to vector<128x128xf32>
    %add3A_2569 = arith.addf %add3A_2567, %add3A_2568 : vector<128x128xf32>
    %add3A_2570 = arith.addf %add3A_2569, %slice3A_2566 : vector<128x128xf32>
    %add3A_2571 = arith.constant 384 : i32
    %add3A_2572 = vector.broadcast %add3A_2571 : i32 to vector<128x128xi32>
    %add3A_2573 = arith.addi %add3A_2531, %add3A_2572 : vector<128x128xi32>
    %lt3A_2574 = arith.cmpf olt, %add3A_2570, %select_n3A_2563 : vector<128x128xf32>
    %select_n3A_2575 = arith.select %lt3A_2574, %add3A_2570, %select_n3A_2563 : vector<128x128xi1>, vector<128x128xf32>
    %select_n3A_2576 = arith.select %lt3A_2574, %add3A_2573, %select_n3A_2564 : vector<128x128xi1>, vector<128x128xi32>
    %slice3A_2577 = vector.extract_strided_slice %get3A_2247 {offsets = [0, 512], sizes = [1, 128], strides = [1, 1]} : vector<1x2816xf32> to vector<1x128xf32>
    %slice3A_2578 = vector.extract_strided_slice %slice3A_2527 {offsets = [0, 512], sizes = [128, 128], strides = [1, 1]} : vector<128x2816xf32> to vector<128x128xf32>
    %add3A_2579 = vector.broadcast %slice3A_2526 : vector<128x1xf32> to vector<128x128xf32>
    %add3A_2580 = vector.broadcast %slice3A_2577 : vector<1x128xf32> to vector<128x128xf32>
    %add3A_2581 = arith.addf %add3A_2579, %add3A_2580 : vector<128x128xf32>
    %add3A_2582 = arith.addf %add3A_2581, %slice3A_2578 : vector<128x128xf32>
    %add3A_2583 = arith.constant 512 : i32
    %add3A_2584 = vector.broadcast %add3A_2583 : i32 to vector<128x128xi32>
    %add3A_2585 = arith.addi %add3A_2531, %add3A_2584 : vector<128x128xi32>
    %lt3A_2586 = arith.cmpf olt, %add3A_2582, %select_n3A_2575 : vector<128x128xf32>
    %select_n3A_2587 = arith.select %lt3A_2586, %add3A_2582, %select_n3A_2575 : vector<128x128xi1>, vector<128x128xf32>
    %select_n3A_2588 = arith.select %lt3A_2586, %add3A_2585, %select_n3A_2576 : vector<128x128xi1>, vector<128x128xi32>
    %slice3A_2589 = vector.extract_strided_slice %get3A_2247 {offsets = [0, 640], sizes = [1, 128], strides = [1, 1]} : vector<1x2816xf32> to vector<1x128xf32>
    %slice3A_2590 = vector.extract_strided_slice %slice3A_2527 {offsets = [0, 640], sizes = [128, 128], strides = [1, 1]} : vector<128x2816xf32> to vector<128x128xf32>
    %add3A_2591 = vector.broadcast %slice3A_2526 : vector<128x1xf32> to vector<128x128xf32>
    %add3A_2592 = vector.broadcast %slice3A_2589 : vector<1x128xf32> to vector<128x128xf32>
    %add3A_2593 = arith.addf %add3A_2591, %add3A_2592 : vector<128x128xf32>
    %add3A_2594 = arith.addf %add3A_2593, %slice3A_2590 : vector<128x128xf32>
    %add3A_2595 = arith.constant 640 : i32
    %add3A_2596 = vector.broadcast %add3A_2595 : i32 to vector<128x128xi32>
    %add3A_2597 = arith.addi %add3A_2531, %add3A_2596 : vector<128x128xi32>
    %lt3A_2598 = arith.cmpf olt, %add3A_2594, %select_n3A_2587 : vector<128x128xf32>
    %select_n3A_2599 = arith.select %lt3A_2598, %add3A_2594, %select_n3A_2587 : vector<128x128xi1>, vector<128x128xf32>
    %select_n3A_2600 = arith.select %lt3A_2598, %add3A_2597, %select_n3A_2588 : vector<128x128xi1>, vector<128x128xi32>
    %slice3A_2601 = vector.extract_strided_slice %get3A_2247 {offsets = [0, 768], sizes = [1, 128], strides = [1, 1]} : vector<1x2816xf32> to vector<1x128xf32>
    %slice3A_2602 = vector.extract_strided_slice %slice3A_2527 {offsets = [0, 768], sizes = [128, 128], strides = [1, 1]} : vector<128x2816xf32> to vector<128x128xf32>
    %add3A_2603 = vector.broadcast %slice3A_2526 : vector<128x1xf32> to vector<128x128xf32>
    %add3A_2604 = vector.broadcast %slice3A_2601 : vector<1x128xf32> to vector<128x128xf32>
    %add3A_2605 = arith.addf %add3A_2603, %add3A_2604 : vector<128x128xf32>
    %add3A_2606 = arith.addf %add3A_2605, %slice3A_2602 : vector<128x128xf32>
    %add3A_2607 = arith.constant 768 : i32
    %add3A_2608 = vector.broadcast %add3A_2607 : i32 to vector<128x128xi32>
    %add3A_2609 = arith.addi %add3A_2531, %add3A_2608 : vector<128x128xi32>
    %lt3A_2610 = arith.cmpf olt, %add3A_2606, %select_n3A_2599 : vector<128x128xf32>
    %select_n3A_2611 = arith.select %lt3A_2610, %add3A_2606, %select_n3A_2599 : vector<128x128xi1>, vector<128x128xf32>
    %select_n3A_2612 = arith.select %lt3A_2610, %add3A_2609, %select_n3A_2600 : vector<128x128xi1>, vector<128x128xi32>
    %slice3A_2613 = vector.extract_strided_slice %get3A_2247 {offsets = [0, 896], sizes = [1, 128], strides = [1, 1]} : vector<1x2816xf32> to vector<1x128xf32>
    %slice3A_2614 = vector.extract_strided_slice %slice3A_2527 {offsets = [0, 896], sizes = [128, 128], strides = [1, 1]} : vector<128x2816xf32> to vector<128x128xf32>
    %add3A_2615 = vector.broadcast %slice3A_2526 : vector<128x1xf32> to vector<128x128xf32>
    %add3A_2616 = vector.broadcast %slice3A_2613 : vector<1x128xf32> to vector<128x128xf32>
    %add3A_2617 = arith.addf %add3A_2615, %add3A_2616 : vector<128x128xf32>
    %add3A_2618 = arith.addf %add3A_2617, %slice3A_2614 : vector<128x128xf32>
    %add3A_2619 = arith.constant 896 : i32
    %add3A_2620 = vector.broadcast %add3A_2619 : i32 to vector<128x128xi32>
    %add3A_2621 = arith.addi %add3A_2531, %add3A_2620 : vector<128x128xi32>
    %lt3A_2622 = arith.cmpf olt, %add3A_2618, %select_n3A_2611 : vector<128x128xf32>
    %select_n3A_2623 = arith.select %lt3A_2622, %add3A_2618, %select_n3A_2611 : vector<128x128xi1>, vector<128x128xf32>
    %select_n3A_2624 = arith.select %lt3A_2622, %add3A_2621, %select_n3A_2612 : vector<128x128xi1>, vector<128x128xi32>
    %slice3A_2625 = vector.extract_strided_slice %get3A_2247 {offsets = [0, 1024], sizes = [1, 128], strides = [1, 1]} : vector<1x2816xf32> to vector<1x128xf32>
    %slice3A_2626 = vector.extract_strided_slice %slice3A_2527 {offsets = [0, 1024], sizes = [128, 128], strides = [1, 1]} : vector<128x2816xf32> to vector<128x128xf32>
    %add3A_2627 = vector.broadcast %slice3A_2526 : vector<128x1xf32> to vector<128x128xf32>
    %add3A_2628 = vector.broadcast %slice3A_2625 : vector<1x128xf32> to vector<128x128xf32>
    %add3A_2629 = arith.addf %add3A_2627, %add3A_2628 : vector<128x128xf32>
    %add3A_2630 = arith.addf %add3A_2629, %slice3A_2626 : vector<128x128xf32>
    %add3A_2631 = arith.constant 1024 : i32
    %add3A_2632 = vector.broadcast %add3A_2631 : i32 to vector<128x128xi32>
    %add3A_2633 = arith.addi %add3A_2531, %add3A_2632 : vector<128x128xi32>
    %lt3A_2634 = arith.cmpf olt, %add3A_2630, %select_n3A_2623 : vector<128x128xf32>
    %select_n3A_2635 = arith.select %lt3A_2634, %add3A_2630, %select_n3A_2623 : vector<128x128xi1>, vector<128x128xf32>
    %select_n3A_2636 = arith.select %lt3A_2634, %add3A_2633, %select_n3A_2624 : vector<128x128xi1>, vector<128x128xi32>
    %slice3A_2637 = vector.extract_strided_slice %get3A_2247 {offsets = [0, 1152], sizes = [1, 128], strides = [1, 1]} : vector<1x2816xf32> to vector<1x128xf32>
    %slice3A_2638 = vector.extract_strided_slice %slice3A_2527 {offsets = [0, 1152], sizes = [128, 128], strides = [1, 1]} : vector<128x2816xf32> to vector<128x128xf32>
    %add3A_2639 = vector.broadcast %slice3A_2526 : vector<128x1xf32> to vector<128x128xf32>
    %add3A_2640 = vector.broadcast %slice3A_2637 : vector<1x128xf32> to vector<128x128xf32>
    %add3A_2641 = arith.addf %add3A_2639, %add3A_2640 : vector<128x128xf32>
    %add3A_2642 = arith.addf %add3A_2641, %slice3A_2638 : vector<128x128xf32>
    %add3A_2643 = arith.constant 1152 : i32
    %add3A_2644 = vector.broadcast %add3A_2643 : i32 to vector<128x128xi32>
    %add3A_2645 = arith.addi %add3A_2531, %add3A_2644 : vector<128x128xi32>
    %lt3A_2646 = arith.cmpf olt, %add3A_2642, %select_n3A_2635 : vector<128x128xf32>
    %select_n3A_2647 = arith.select %lt3A_2646, %add3A_2642, %select_n3A_2635 : vector<128x128xi1>, vector<128x128xf32>
    %select_n3A_2648 = arith.select %lt3A_2646, %add3A_2645, %select_n3A_2636 : vector<128x128xi1>, vector<128x128xi32>
    %slice3A_2649 = vector.extract_strided_slice %get3A_2247 {offsets = [0, 1280], sizes = [1, 128], strides = [1, 1]} : vector<1x2816xf32> to vector<1x128xf32>
    %slice3A_2650 = vector.extract_strided_slice %slice3A_2527 {offsets = [0, 1280], sizes = [128, 128], strides = [1, 1]} : vector<128x2816xf32> to vector<128x128xf32>
    %add3A_2651 = vector.broadcast %slice3A_2526 : vector<128x1xf32> to vector<128x128xf32>
    %add3A_2652 = vector.broadcast %slice3A_2649 : vector<1x128xf32> to vector<128x128xf32>
    %add3A_2653 = arith.addf %add3A_2651, %add3A_2652 : vector<128x128xf32>
    %add3A_2654 = arith.addf %add3A_2653, %slice3A_2650 : vector<128x128xf32>
    %add3A_2655 = arith.constant 1280 : i32
    %add3A_2656 = vector.broadcast %add3A_2655 : i32 to vector<128x128xi32>
    %add3A_2657 = arith.addi %add3A_2531, %add3A_2656 : vector<128x128xi32>
    %lt3A_2658 = arith.cmpf olt, %add3A_2654, %select_n3A_2647 : vector<128x128xf32>
    %select_n3A_2659 = arith.select %lt3A_2658, %add3A_2654, %select_n3A_2647 : vector<128x128xi1>, vector<128x128xf32>
    %select_n3A_2660 = arith.select %lt3A_2658, %add3A_2657, %select_n3A_2648 : vector<128x128xi1>, vector<128x128xi32>
    %slice3A_2661 = vector.extract_strided_slice %get3A_2247 {offsets = [0, 1408], sizes = [1, 128], strides = [1, 1]} : vector<1x2816xf32> to vector<1x128xf32>
    %slice3A_2662 = vector.extract_strided_slice %slice3A_2527 {offsets = [0, 1408], sizes = [128, 128], strides = [1, 1]} : vector<128x2816xf32> to vector<128x128xf32>
    %add3A_2663 = vector.broadcast %slice3A_2526 : vector<128x1xf32> to vector<128x128xf32>
    %add3A_2664 = vector.broadcast %slice3A_2661 : vector<1x128xf32> to vector<128x128xf32>
    %add3A_2665 = arith.addf %add3A_2663, %add3A_2664 : vector<128x128xf32>
    %add3A_2666 = arith.addf %add3A_2665, %slice3A_2662 : vector<128x128xf32>
    %add3A_2667 = arith.constant 1408 : i32
    %add3A_2668 = vector.broadcast %add3A_2667 : i32 to vector<128x128xi32>
    %add3A_2669 = arith.addi %add3A_2531, %add3A_2668 : vector<128x128xi32>
    %lt3A_2670 = arith.cmpf olt, %add3A_2666, %select_n3A_2659 : vector<128x128xf32>
    %select_n3A_2671 = arith.select %lt3A_2670, %add3A_2666, %select_n3A_2659 : vector<128x128xi1>, vector<128x128xf32>
    %select_n3A_2672 = arith.select %lt3A_2670, %add3A_2669, %select_n3A_2660 : vector<128x128xi1>, vector<128x128xi32>
    %slice3A_2673 = vector.extract_strided_slice %get3A_2247 {offsets = [0, 1536], sizes = [1, 128], strides = [1, 1]} : vector<1x2816xf32> to vector<1x128xf32>
    %slice3A_2674 = vector.extract_strided_slice %slice3A_2527 {offsets = [0, 1536], sizes = [128, 128], strides = [1, 1]} : vector<128x2816xf32> to vector<128x128xf32>
    %add3A_2675 = vector.broadcast %slice3A_2526 : vector<128x1xf32> to vector<128x128xf32>
    %add3A_2676 = vector.broadcast %slice3A_2673 : vector<1x128xf32> to vector<128x128xf32>
    %add3A_2677 = arith.addf %add3A_2675, %add3A_2676 : vector<128x128xf32>
    %add3A_2678 = arith.addf %add3A_2677, %slice3A_2674 : vector<128x128xf32>
    %add3A_2679 = arith.constant 1536 : i32
    %add3A_2680 = vector.broadcast %add3A_2679 : i32 to vector<128x128xi32>
    %add3A_2681 = arith.addi %add3A_2531, %add3A_2680 : vector<128x128xi32>
    %lt3A_2682 = arith.cmpf olt, %add3A_2678, %select_n3A_2671 : vector<128x128xf32>
    %select_n3A_2683 = arith.select %lt3A_2682, %add3A_2678, %select_n3A_2671 : vector<128x128xi1>, vector<128x128xf32>
    %select_n3A_2684 = arith.select %lt3A_2682, %add3A_2681, %select_n3A_2672 : vector<128x128xi1>, vector<128x128xi32>
    %slice3A_2685 = vector.extract_strided_slice %get3A_2247 {offsets = [0, 1664], sizes = [1, 128], strides = [1, 1]} : vector<1x2816xf32> to vector<1x128xf32>
    %slice3A_2686 = vector.extract_strided_slice %slice3A_2527 {offsets = [0, 1664], sizes = [128, 128], strides = [1, 1]} : vector<128x2816xf32> to vector<128x128xf32>
    %add3A_2687 = vector.broadcast %slice3A_2526 : vector<128x1xf32> to vector<128x128xf32>
    %add3A_2688 = vector.broadcast %slice3A_2685 : vector<1x128xf32> to vector<128x128xf32>
    %add3A_2689 = arith.addf %add3A_2687, %add3A_2688 : vector<128x128xf32>
    %add3A_2690 = arith.addf %add3A_2689, %slice3A_2686 : vector<128x128xf32>
    %add3A_2691 = arith.constant 1664 : i32
    %add3A_2692 = vector.broadcast %add3A_2691 : i32 to vector<128x128xi32>
    %add3A_2693 = arith.addi %add3A_2531, %add3A_2692 : vector<128x128xi32>
    %lt3A_2694 = arith.cmpf olt, %add3A_2690, %select_n3A_2683 : vector<128x128xf32>
    %select_n3A_2695 = arith.select %lt3A_2694, %add3A_2690, %select_n3A_2683 : vector<128x128xi1>, vector<128x128xf32>
    %select_n3A_2696 = arith.select %lt3A_2694, %add3A_2693, %select_n3A_2684 : vector<128x128xi1>, vector<128x128xi32>
    %slice3A_2697 = vector.extract_strided_slice %get3A_2247 {offsets = [0, 1792], sizes = [1, 128], strides = [1, 1]} : vector<1x2816xf32> to vector<1x128xf32>
    %slice3A_2698 = vector.extract_strided_slice %slice3A_2527 {offsets = [0, 1792], sizes = [128, 128], strides = [1, 1]} : vector<128x2816xf32> to vector<128x128xf32>
    %add3A_2699 = vector.broadcast %slice3A_2526 : vector<128x1xf32> to vector<128x128xf32>
    %add3A_2700 = vector.broadcast %slice3A_2697 : vector<1x128xf32> to vector<128x128xf32>
    %add3A_2701 = arith.addf %add3A_2699, %add3A_2700 : vector<128x128xf32>
    %add3A_2702 = arith.addf %add3A_2701, %slice3A_2698 : vector<128x128xf32>
    %add3A_2703 = arith.constant 1792 : i32
    %add3A_2704 = vector.broadcast %add3A_2703 : i32 to vector<128x128xi32>
    %add3A_2705 = arith.addi %add3A_2531, %add3A_2704 : vector<128x128xi32>
    %lt3A_2706 = arith.cmpf olt, %add3A_2702, %select_n3A_2695 : vector<128x128xf32>
    %select_n3A_2707 = arith.select %lt3A_2706, %add3A_2702, %select_n3A_2695 : vector<128x128xi1>, vector<128x128xf32>
    %select_n3A_2708 = arith.select %lt3A_2706, %add3A_2705, %select_n3A_2696 : vector<128x128xi1>, vector<128x128xi32>
    %slice3A_2709 = vector.extract_strided_slice %get3A_2247 {offsets = [0, 1920], sizes = [1, 128], strides = [1, 1]} : vector<1x2816xf32> to vector<1x128xf32>
    %slice3A_2710 = vector.extract_strided_slice %slice3A_2527 {offsets = [0, 1920], sizes = [128, 128], strides = [1, 1]} : vector<128x2816xf32> to vector<128x128xf32>
    %add3A_2711 = vector.broadcast %slice3A_2526 : vector<128x1xf32> to vector<128x128xf32>
    %add3A_2712 = vector.broadcast %slice3A_2709 : vector<1x128xf32> to vector<128x128xf32>
    %add3A_2713 = arith.addf %add3A_2711, %add3A_2712 : vector<128x128xf32>
    %add3A_2714 = arith.addf %add3A_2713, %slice3A_2710 : vector<128x128xf32>
    %add3A_2715 = arith.constant 1920 : i32
    %add3A_2716 = vector.broadcast %add3A_2715 : i32 to vector<128x128xi32>
    %add3A_2717 = arith.addi %add3A_2531, %add3A_2716 : vector<128x128xi32>
    %lt3A_2718 = arith.cmpf olt, %add3A_2714, %select_n3A_2707 : vector<128x128xf32>
    %select_n3A_2719 = arith.select %lt3A_2718, %add3A_2714, %select_n3A_2707 : vector<128x128xi1>, vector<128x128xf32>
    %select_n3A_2720 = arith.select %lt3A_2718, %add3A_2717, %select_n3A_2708 : vector<128x128xi1>, vector<128x128xi32>
    %slice3A_2721 = vector.extract_strided_slice %get3A_2247 {offsets = [0, 2048], sizes = [1, 128], strides = [1, 1]} : vector<1x2816xf32> to vector<1x128xf32>
    %slice3A_2722 = vector.extract_strided_slice %slice3A_2527 {offsets = [0, 2048], sizes = [128, 128], strides = [1, 1]} : vector<128x2816xf32> to vector<128x128xf32>
    %add3A_2723 = vector.broadcast %slice3A_2526 : vector<128x1xf32> to vector<128x128xf32>
    %add3A_2724 = vector.broadcast %slice3A_2721 : vector<1x128xf32> to vector<128x128xf32>
    %add3A_2725 = arith.addf %add3A_2723, %add3A_2724 : vector<128x128xf32>
    %add3A_2726 = arith.addf %add3A_2725, %slice3A_2722 : vector<128x128xf32>
    %add3A_2727 = arith.constant 2048 : i32
    %add3A_2728 = vector.broadcast %add3A_2727 : i32 to vector<128x128xi32>
    %add3A_2729 = arith.addi %add3A_2531, %add3A_2728 : vector<128x128xi32>
    %lt3A_2730 = arith.cmpf olt, %add3A_2726, %select_n3A_2719 : vector<128x128xf32>
    %select_n3A_2731 = arith.select %lt3A_2730, %add3A_2726, %select_n3A_2719 : vector<128x128xi1>, vector<128x128xf32>
    %select_n3A_2732 = arith.select %lt3A_2730, %add3A_2729, %select_n3A_2720 : vector<128x128xi1>, vector<128x128xi32>
    %slice3A_2733 = vector.extract_strided_slice %get3A_2247 {offsets = [0, 2176], sizes = [1, 128], strides = [1, 1]} : vector<1x2816xf32> to vector<1x128xf32>
    %slice3A_2734 = vector.extract_strided_slice %slice3A_2527 {offsets = [0, 2176], sizes = [128, 128], strides = [1, 1]} : vector<128x2816xf32> to vector<128x128xf32>
    %add3A_2735 = vector.broadcast %slice3A_2526 : vector<128x1xf32> to vector<128x128xf32>
    %add3A_2736 = vector.broadcast %slice3A_2733 : vector<1x128xf32> to vector<128x128xf32>
    %add3A_2737 = arith.addf %add3A_2735, %add3A_2736 : vector<128x128xf32>
    %add3A_2738 = arith.addf %add3A_2737, %slice3A_2734 : vector<128x128xf32>
    %add3A_2739 = arith.constant 2176 : i32
    %add3A_2740 = vector.broadcast %add3A_2739 : i32 to vector<128x128xi32>
    %add3A_2741 = arith.addi %add3A_2531, %add3A_2740 : vector<128x128xi32>
    %lt3A_2742 = arith.cmpf olt, %add3A_2738, %select_n3A_2731 : vector<128x128xf32>
    %select_n3A_2743 = arith.select %lt3A_2742, %add3A_2738, %select_n3A_2731 : vector<128x128xi1>, vector<128x128xf32>
    %select_n3A_2744 = arith.select %lt3A_2742, %add3A_2741, %select_n3A_2732 : vector<128x128xi1>, vector<128x128xi32>
    %slice3A_2745 = vector.extract_strided_slice %get3A_2247 {offsets = [0, 2304], sizes = [1, 128], strides = [1, 1]} : vector<1x2816xf32> to vector<1x128xf32>
    %slice3A_2746 = vector.extract_strided_slice %slice3A_2527 {offsets = [0, 2304], sizes = [128, 128], strides = [1, 1]} : vector<128x2816xf32> to vector<128x128xf32>
    %add3A_2747 = vector.broadcast %slice3A_2526 : vector<128x1xf32> to vector<128x128xf32>
    %add3A_2748 = vector.broadcast %slice3A_2745 : vector<1x128xf32> to vector<128x128xf32>
    %add3A_2749 = arith.addf %add3A_2747, %add3A_2748 : vector<128x128xf32>
    %add3A_2750 = arith.addf %add3A_2749, %slice3A_2746 : vector<128x128xf32>
    %add3A_2751 = arith.constant 2304 : i32
    %add3A_2752 = vector.broadcast %add3A_2751 : i32 to vector<128x128xi32>
    %add3A_2753 = arith.addi %add3A_2531, %add3A_2752 : vector<128x128xi32>
    %lt3A_2754 = arith.cmpf olt, %add3A_2750, %select_n3A_2743 : vector<128x128xf32>
    %select_n3A_2755 = arith.select %lt3A_2754, %add3A_2750, %select_n3A_2743 : vector<128x128xi1>, vector<128x128xf32>
    %select_n3A_2756 = arith.select %lt3A_2754, %add3A_2753, %select_n3A_2744 : vector<128x128xi1>, vector<128x128xi32>
    %slice3A_2757 = vector.extract_strided_slice %get3A_2247 {offsets = [0, 2432], sizes = [1, 128], strides = [1, 1]} : vector<1x2816xf32> to vector<1x128xf32>
    %slice3A_2758 = vector.extract_strided_slice %slice3A_2527 {offsets = [0, 2432], sizes = [128, 128], strides = [1, 1]} : vector<128x2816xf32> to vector<128x128xf32>
    %add3A_2759 = vector.broadcast %slice3A_2526 : vector<128x1xf32> to vector<128x128xf32>
    %add3A_2760 = vector.broadcast %slice3A_2757 : vector<1x128xf32> to vector<128x128xf32>
    %add3A_2761 = arith.addf %add3A_2759, %add3A_2760 : vector<128x128xf32>
    %add3A_2762 = arith.addf %add3A_2761, %slice3A_2758 : vector<128x128xf32>
    %add3A_2763 = arith.constant 2432 : i32
    %add3A_2764 = vector.broadcast %add3A_2763 : i32 to vector<128x128xi32>
    %add3A_2765 = arith.addi %add3A_2531, %add3A_2764 : vector<128x128xi32>
    %lt3A_2766 = arith.cmpf olt, %add3A_2762, %select_n3A_2755 : vector<128x128xf32>
    %select_n3A_2767 = arith.select %lt3A_2766, %add3A_2762, %select_n3A_2755 : vector<128x128xi1>, vector<128x128xf32>
    %select_n3A_2768 = arith.select %lt3A_2766, %add3A_2765, %select_n3A_2756 : vector<128x128xi1>, vector<128x128xi32>
    %slice3A_2769 = vector.extract_strided_slice %get3A_2247 {offsets = [0, 2560], sizes = [1, 128], strides = [1, 1]} : vector<1x2816xf32> to vector<1x128xf32>
    %slice3A_2770 = vector.extract_strided_slice %slice3A_2527 {offsets = [0, 2560], sizes = [128, 128], strides = [1, 1]} : vector<128x2816xf32> to vector<128x128xf32>
    %add3A_2771 = vector.broadcast %slice3A_2526 : vector<128x1xf32> to vector<128x128xf32>
    %add3A_2772 = vector.broadcast %slice3A_2769 : vector<1x128xf32> to vector<128x128xf32>
    %add3A_2773 = arith.addf %add3A_2771, %add3A_2772 : vector<128x128xf32>
    %add3A_2774 = arith.addf %add3A_2773, %slice3A_2770 : vector<128x128xf32>
    %add3A_2775 = arith.constant 2560 : i32
    %add3A_2776 = vector.broadcast %add3A_2775 : i32 to vector<128x128xi32>
    %add3A_2777 = arith.addi %add3A_2531, %add3A_2776 : vector<128x128xi32>
    %lt3A_2778 = arith.cmpf olt, %add3A_2774, %select_n3A_2767 : vector<128x128xf32>
    %select_n3A_2779 = arith.select %lt3A_2778, %add3A_2774, %select_n3A_2767 : vector<128x128xi1>, vector<128x128xf32>
    %select_n3A_2780 = arith.select %lt3A_2778, %add3A_2777, %select_n3A_2768 : vector<128x128xi1>, vector<128x128xi32>
    %slice3A_2781 = vector.extract_strided_slice %get3A_2247 {offsets = [0, 2688], sizes = [1, 128], strides = [1, 1]} : vector<1x2816xf32> to vector<1x128xf32>
    %slice3A_2782 = vector.extract_strided_slice %slice3A_2527 {offsets = [0, 2688], sizes = [128, 128], strides = [1, 1]} : vector<128x2816xf32> to vector<128x128xf32>
    %add3A_2783 = vector.broadcast %slice3A_2526 : vector<128x1xf32> to vector<128x128xf32>
    %add3A_2784 = vector.broadcast %slice3A_2781 : vector<1x128xf32> to vector<128x128xf32>
    %add3A_2785 = arith.addf %add3A_2783, %add3A_2784 : vector<128x128xf32>
    %add3A_2786 = arith.addf %add3A_2785, %slice3A_2782 : vector<128x128xf32>
    %add3A_2787 = arith.constant 2688 : i32
    %add3A_2788 = vector.broadcast %add3A_2787 : i32 to vector<128x128xi32>
    %add3A_2789 = arith.addi %add3A_2531, %add3A_2788 : vector<128x128xi32>
    %lt3A_2790 = arith.cmpf olt, %add3A_2786, %select_n3A_2779 : vector<128x128xf32>
    %select_n3A_2791 = arith.select %lt3A_2790, %add3A_2786, %select_n3A_2779 : vector<128x128xi1>, vector<128x128xf32>
    %select_n3A_2792 = arith.select %lt3A_2790, %add3A_2789, %select_n3A_2780 : vector<128x128xi1>, vector<128x128xi32>
    %reduce_min3A_2793 = arith.constant dense<0x7F800000> : vector<128xf32>
    %reduce_min3A_2794 = vector.multi_reduction <minimumf>, %select_n3A_2791, %reduce_min3A_2793 [1] : vector<128x128xf32> to vector<128xf32>
    %broadcast_in_dim3A_2795 = vector.shape_cast %reduce_min3A_2794 : vector<128xf32> to vector<128x1xf32>
    %eq3A_2796 = vector.broadcast %broadcast_in_dim3A_2795 : vector<128x1xf32> to vector<128x128xf32>
    %eq3A_2797 = arith.cmpf oeq, %select_n3A_2791, %eq3A_2796 : vector<128x128xf32>
    %jit3A_2798 = arith.constant 8192 : i32
    %broadcast_in_dim3A_2799 = vector.broadcast %jit3A_2798 : i32 to vector<128x128xi32>
    %select_n3A_2800 = arith.select %eq3A_2797, %select_n3A_2792, %broadcast_in_dim3A_2799 : vector<128x128xi1>, vector<128x128xi32>
    %reduce_min3A_2801 = arith.constant dense<2147483647> : vector<128xi32>
    %reduce_min3A_2802 = vector.multi_reduction <minsi>, %select_n3A_2800, %reduce_min3A_2801 [1] : vector<128x128xi32> to vector<128xi32>
    %broadcast_in_dim3A_2803 = vector.shape_cast %reduce_min3A_2802 : vector<128xi32> to vector<128x1xi32>
    %slice3A_2804 = vector.extract_strided_slice %broadcast_in_dim3A {offsets = [256, 0], sizes = [128, 1], strides = [1, 1]} : vector<512x1xf32> to vector<128x1xf32>
    %slice3A_2805 = vector.extract_strided_slice %dot_general3A_2244 {offsets = [256, 0], sizes = [128, 2816], strides = [1, 1]} : vector<512x2816xf32> to vector<128x2816xf32>
    %iota3A_2806 = tpu.iota {dimensions = array<i32: 1>} : vector<128x128xi32>
    %add3A_2807 = arith.constant 5472 : i32
    %add3A_2808 = vector.broadcast %add3A_2807 : i32 to vector<128x128xi32>
    %add3A_2809 = arith.addi %iota3A_2806, %add3A_2808 : vector<128x128xi32>
    %slice3A_2810 = vector.extract_strided_slice %get3A_2247 {offsets = [0, 0], sizes = [1, 128], strides = [1, 1]} : vector<1x2816xf32> to vector<1x128xf32>
    %slice3A_2811 = vector.extract_strided_slice %slice3A_2805 {offsets = [0, 0], sizes = [128, 128], strides = [1, 1]} : vector<128x2816xf32> to vector<128x128xf32>
    %add3A_2812 = vector.broadcast %slice3A_2804 : vector<128x1xf32> to vector<128x128xf32>
    %add3A_2813 = vector.broadcast %slice3A_2810 : vector<1x128xf32> to vector<128x128xf32>
    %add3A_2814 = arith.addf %add3A_2812, %add3A_2813 : vector<128x128xf32>
    %add3A_2815 = arith.addf %add3A_2814, %slice3A_2811 : vector<128x128xf32>
    %add3A_2816 = arith.constant 0 : i32
    %add3A_2817 = vector.broadcast %add3A_2816 : i32 to vector<128x128xi32>
    %add3A_2818 = arith.addi %add3A_2809, %add3A_2817 : vector<128x128xi32>
    %slice3A_2819 = vector.extract_strided_slice %get3A_2247 {offsets = [0, 128], sizes = [1, 128], strides = [1, 1]} : vector<1x2816xf32> to vector<1x128xf32>
    %slice3A_2820 = vector.extract_strided_slice %slice3A_2805 {offsets = [0, 128], sizes = [128, 128], strides = [1, 1]} : vector<128x2816xf32> to vector<128x128xf32>
    %add3A_2821 = vector.broadcast %slice3A_2804 : vector<128x1xf32> to vector<128x128xf32>
    %add3A_2822 = vector.broadcast %slice3A_2819 : vector<1x128xf32> to vector<128x128xf32>
    %add3A_2823 = arith.addf %add3A_2821, %add3A_2822 : vector<128x128xf32>
    %add3A_2824 = arith.addf %add3A_2823, %slice3A_2820 : vector<128x128xf32>
    %add3A_2825 = arith.constant 128 : i32
    %add3A_2826 = vector.broadcast %add3A_2825 : i32 to vector<128x128xi32>
    %add3A_2827 = arith.addi %add3A_2809, %add3A_2826 : vector<128x128xi32>
    %lt3A_2828 = arith.cmpf olt, %add3A_2824, %add3A_2815 : vector<128x128xf32>
    %select_n3A_2829 = arith.select %lt3A_2828, %add3A_2824, %add3A_2815 : vector<128x128xi1>, vector<128x128xf32>
    %select_n3A_2830 = arith.select %lt3A_2828, %add3A_2827, %add3A_2818 : vector<128x128xi1>, vector<128x128xi32>
    %slice3A_2831 = vector.extract_strided_slice %get3A_2247 {offsets = [0, 256], sizes = [1, 128], strides = [1, 1]} : vector<1x2816xf32> to vector<1x128xf32>
    %slice3A_2832 = vector.extract_strided_slice %slice3A_2805 {offsets = [0, 256], sizes = [128, 128], strides = [1, 1]} : vector<128x2816xf32> to vector<128x128xf32>
    %add3A_2833 = vector.broadcast %slice3A_2804 : vector<128x1xf32> to vector<128x128xf32>
    %add3A_2834 = vector.broadcast %slice3A_2831 : vector<1x128xf32> to vector<128x128xf32>
    %add3A_2835 = arith.addf %add3A_2833, %add3A_2834 : vector<128x128xf32>
    %add3A_2836 = arith.addf %add3A_2835, %slice3A_2832 : vector<128x128xf32>
    %add3A_2837 = arith.constant 256 : i32
    %add3A_2838 = vector.broadcast %add3A_2837 : i32 to vector<128x128xi32>
    %add3A_2839 = arith.addi %add3A_2809, %add3A_2838 : vector<128x128xi32>
    %lt3A_2840 = arith.cmpf olt, %add3A_2836, %select_n3A_2829 : vector<128x128xf32>
    %select_n3A_2841 = arith.select %lt3A_2840, %add3A_2836, %select_n3A_2829 : vector<128x128xi1>, vector<128x128xf32>
    %select_n3A_2842 = arith.select %lt3A_2840, %add3A_2839, %select_n3A_2830 : vector<128x128xi1>, vector<128x128xi32>
    %slice3A_2843 = vector.extract_strided_slice %get3A_2247 {offsets = [0, 384], sizes = [1, 128], strides = [1, 1]} : vector<1x2816xf32> to vector<1x128xf32>
    %slice3A_2844 = vector.extract_strided_slice %slice3A_2805 {offsets = [0, 384], sizes = [128, 128], strides = [1, 1]} : vector<128x2816xf32> to vector<128x128xf32>
    %add3A_2845 = vector.broadcast %slice3A_2804 : vector<128x1xf32> to vector<128x128xf32>
    %add3A_2846 = vector.broadcast %slice3A_2843 : vector<1x128xf32> to vector<128x128xf32>
    %add3A_2847 = arith.addf %add3A_2845, %add3A_2846 : vector<128x128xf32>
    %add3A_2848 = arith.addf %add3A_2847, %slice3A_2844 : vector<128x128xf32>
    %add3A_2849 = arith.constant 384 : i32
    %add3A_2850 = vector.broadcast %add3A_2849 : i32 to vector<128x128xi32>
    %add3A_2851 = arith.addi %add3A_2809, %add3A_2850 : vector<128x128xi32>
    %lt3A_2852 = arith.cmpf olt, %add3A_2848, %select_n3A_2841 : vector<128x128xf32>
    %select_n3A_2853 = arith.select %lt3A_2852, %add3A_2848, %select_n3A_2841 : vector<128x128xi1>, vector<128x128xf32>
    %select_n3A_2854 = arith.select %lt3A_2852, %add3A_2851, %select_n3A_2842 : vector<128x128xi1>, vector<128x128xi32>
    %slice3A_2855 = vector.extract_strided_slice %get3A_2247 {offsets = [0, 512], sizes = [1, 128], strides = [1, 1]} : vector<1x2816xf32> to vector<1x128xf32>
    %slice3A_2856 = vector.extract_strided_slice %slice3A_2805 {offsets = [0, 512], sizes = [128, 128], strides = [1, 1]} : vector<128x2816xf32> to vector<128x128xf32>
    %add3A_2857 = vector.broadcast %slice3A_2804 : vector<128x1xf32> to vector<128x128xf32>
    %add3A_2858 = vector.broadcast %slice3A_2855 : vector<1x128xf32> to vector<128x128xf32>
    %add3A_2859 = arith.addf %add3A_2857, %add3A_2858 : vector<128x128xf32>
    %add3A_2860 = arith.addf %add3A_2859, %slice3A_2856 : vector<128x128xf32>
    %add3A_2861 = arith.constant 512 : i32
    %add3A_2862 = vector.broadcast %add3A_2861 : i32 to vector<128x128xi32>
    %add3A_2863 = arith.addi %add3A_2809, %add3A_2862 : vector<128x128xi32>
    %lt3A_2864 = arith.cmpf olt, %add3A_2860, %select_n3A_2853 : vector<128x128xf32>
    %select_n3A_2865 = arith.select %lt3A_2864, %add3A_2860, %select_n3A_2853 : vector<128x128xi1>, vector<128x128xf32>
    %select_n3A_2866 = arith.select %lt3A_2864, %add3A_2863, %select_n3A_2854 : vector<128x128xi1>, vector<128x128xi32>
    %slice3A_2867 = vector.extract_strided_slice %get3A_2247 {offsets = [0, 640], sizes = [1, 128], strides = [1, 1]} : vector<1x2816xf32> to vector<1x128xf32>
    %slice3A_2868 = vector.extract_strided_slice %slice3A_2805 {offsets = [0, 640], sizes = [128, 128], strides = [1, 1]} : vector<128x2816xf32> to vector<128x128xf32>
    %add3A_2869 = vector.broadcast %slice3A_2804 : vector<128x1xf32> to vector<128x128xf32>
    %add3A_2870 = vector.broadcast %slice3A_2867 : vector<1x128xf32> to vector<128x128xf32>
    %add3A_2871 = arith.addf %add3A_2869, %add3A_2870 : vector<128x128xf32>
    %add3A_2872 = arith.addf %add3A_2871, %slice3A_2868 : vector<128x128xf32>
    %add3A_2873 = arith.constant 640 : i32
    %add3A_2874 = vector.broadcast %add3A_2873 : i32 to vector<128x128xi32>
    %add3A_2875 = arith.addi %add3A_2809, %add3A_2874 : vector<128x128xi32>
    %lt3A_2876 = arith.cmpf olt, %add3A_2872, %select_n3A_2865 : vector<128x128xf32>
    %select_n3A_2877 = arith.select %lt3A_2876, %add3A_2872, %select_n3A_2865 : vector<128x128xi1>, vector<128x128xf32>
    %select_n3A_2878 = arith.select %lt3A_2876, %add3A_2875, %select_n3A_2866 : vector<128x128xi1>, vector<128x128xi32>
    %slice3A_2879 = vector.extract_strided_slice %get3A_2247 {offsets = [0, 768], sizes = [1, 128], strides = [1, 1]} : vector<1x2816xf32> to vector<1x128xf32>
    %slice3A_2880 = vector.extract_strided_slice %slice3A_2805 {offsets = [0, 768], sizes = [128, 128], strides = [1, 1]} : vector<128x2816xf32> to vector<128x128xf32>
    %add3A_2881 = vector.broadcast %slice3A_2804 : vector<128x1xf32> to vector<128x128xf32>
    %add3A_2882 = vector.broadcast %slice3A_2879 : vector<1x128xf32> to vector<128x128xf32>
    %add3A_2883 = arith.addf %add3A_2881, %add3A_2882 : vector<128x128xf32>
    %add3A_2884 = arith.addf %add3A_2883, %slice3A_2880 : vector<128x128xf32>
    %add3A_2885 = arith.constant 768 : i32
    %add3A_2886 = vector.broadcast %add3A_2885 : i32 to vector<128x128xi32>
    %add3A_2887 = arith.addi %add3A_2809, %add3A_2886 : vector<128x128xi32>
    %lt3A_2888 = arith.cmpf olt, %add3A_2884, %select_n3A_2877 : vector<128x128xf32>
    %select_n3A_2889 = arith.select %lt3A_2888, %add3A_2884, %select_n3A_2877 : vector<128x128xi1>, vector<128x128xf32>
    %select_n3A_2890 = arith.select %lt3A_2888, %add3A_2887, %select_n3A_2878 : vector<128x128xi1>, vector<128x128xi32>
    %slice3A_2891 = vector.extract_strided_slice %get3A_2247 {offsets = [0, 896], sizes = [1, 128], strides = [1, 1]} : vector<1x2816xf32> to vector<1x128xf32>
    %slice3A_2892 = vector.extract_strided_slice %slice3A_2805 {offsets = [0, 896], sizes = [128, 128], strides = [1, 1]} : vector<128x2816xf32> to vector<128x128xf32>
    %add3A_2893 = vector.broadcast %slice3A_2804 : vector<128x1xf32> to vector<128x128xf32>
    %add3A_2894 = vector.broadcast %slice3A_2891 : vector<1x128xf32> to vector<128x128xf32>
    %add3A_2895 = arith.addf %add3A_2893, %add3A_2894 : vector<128x128xf32>
    %add3A_2896 = arith.addf %add3A_2895, %slice3A_2892 : vector<128x128xf32>
    %add3A_2897 = arith.constant 896 : i32
    %add3A_2898 = vector.broadcast %add3A_2897 : i32 to vector<128x128xi32>
    %add3A_2899 = arith.addi %add3A_2809, %add3A_2898 : vector<128x128xi32>
    %lt3A_2900 = arith.cmpf olt, %add3A_2896, %select_n3A_2889 : vector<128x128xf32>
    %select_n3A_2901 = arith.select %lt3A_2900, %add3A_2896, %select_n3A_2889 : vector<128x128xi1>, vector<128x128xf32>
    %select_n3A_2902 = arith.select %lt3A_2900, %add3A_2899, %select_n3A_2890 : vector<128x128xi1>, vector<128x128xi32>
    %slice3A_2903 = vector.extract_strided_slice %get3A_2247 {offsets = [0, 1024], sizes = [1, 128], strides = [1, 1]} : vector<1x2816xf32> to vector<1x128xf32>
    %slice3A_2904 = vector.extract_strided_slice %slice3A_2805 {offsets = [0, 1024], sizes = [128, 128], strides = [1, 1]} : vector<128x2816xf32> to vector<128x128xf32>
    %add3A_2905 = vector.broadcast %slice3A_2804 : vector<128x1xf32> to vector<128x128xf32>
    %add3A_2906 = vector.broadcast %slice3A_2903 : vector<1x128xf32> to vector<128x128xf32>
    %add3A_2907 = arith.addf %add3A_2905, %add3A_2906 : vector<128x128xf32>
    %add3A_2908 = arith.addf %add3A_2907, %slice3A_2904 : vector<128x128xf32>
    %add3A_2909 = arith.constant 1024 : i32
    %add3A_2910 = vector.broadcast %add3A_2909 : i32 to vector<128x128xi32>
    %add3A_2911 = arith.addi %add3A_2809, %add3A_2910 : vector<128x128xi32>
    %lt3A_2912 = arith.cmpf olt, %add3A_2908, %select_n3A_2901 : vector<128x128xf32>
    %select_n3A_2913 = arith.select %lt3A_2912, %add3A_2908, %select_n3A_2901 : vector<128x128xi1>, vector<128x128xf32>
    %select_n3A_2914 = arith.select %lt3A_2912, %add3A_2911, %select_n3A_2902 : vector<128x128xi1>, vector<128x128xi32>
    %slice3A_2915 = vector.extract_strided_slice %get3A_2247 {offsets = [0, 1152], sizes = [1, 128], strides = [1, 1]} : vector<1x2816xf32> to vector<1x128xf32>
    %slice3A_2916 = vector.extract_strided_slice %slice3A_2805 {offsets = [0, 1152], sizes = [128, 128], strides = [1, 1]} : vector<128x2816xf32> to vector<128x128xf32>
    %add3A_2917 = vector.broadcast %slice3A_2804 : vector<128x1xf32> to vector<128x128xf32>
    %add3A_2918 = vector.broadcast %slice3A_2915 : vector<1x128xf32> to vector<128x128xf32>
    %add3A_2919 = arith.addf %add3A_2917, %add3A_2918 : vector<128x128xf32>
    %add3A_2920 = arith.addf %add3A_2919, %slice3A_2916 : vector<128x128xf32>
    %add3A_2921 = arith.constant 1152 : i32
    %add3A_2922 = vector.broadcast %add3A_2921 : i32 to vector<128x128xi32>
    %add3A_2923 = arith.addi %add3A_2809, %add3A_2922 : vector<128x128xi32>
    %lt3A_2924 = arith.cmpf olt, %add3A_2920, %select_n3A_2913 : vector<128x128xf32>
    %select_n3A_2925 = arith.select %lt3A_2924, %add3A_2920, %select_n3A_2913 : vector<128x128xi1>, vector<128x128xf32>
    %select_n3A_2926 = arith.select %lt3A_2924, %add3A_2923, %select_n3A_2914 : vector<128x128xi1>, vector<128x128xi32>
    %slice3A_2927 = vector.extract_strided_slice %get3A_2247 {offsets = [0, 1280], sizes = [1, 128], strides = [1, 1]} : vector<1x2816xf32> to vector<1x128xf32>
    %slice3A_2928 = vector.extract_strided_slice %slice3A_2805 {offsets = [0, 1280], sizes = [128, 128], strides = [1, 1]} : vector<128x2816xf32> to vector<128x128xf32>
    %add3A_2929 = vector.broadcast %slice3A_2804 : vector<128x1xf32> to vector<128x128xf32>
    %add3A_2930 = vector.broadcast %slice3A_2927 : vector<1x128xf32> to vector<128x128xf32>
    %add3A_2931 = arith.addf %add3A_2929, %add3A_2930 : vector<128x128xf32>
    %add3A_2932 = arith.addf %add3A_2931, %slice3A_2928 : vector<128x128xf32>
    %add3A_2933 = arith.constant 1280 : i32
    %add3A_2934 = vector.broadcast %add3A_2933 : i32 to vector<128x128xi32>
    %add3A_2935 = arith.addi %add3A_2809, %add3A_2934 : vector<128x128xi32>
    %lt3A_2936 = arith.cmpf olt, %add3A_2932, %select_n3A_2925 : vector<128x128xf32>
    %select_n3A_2937 = arith.select %lt3A_2936, %add3A_2932, %select_n3A_2925 : vector<128x128xi1>, vector<128x128xf32>
    %select_n3A_2938 = arith.select %lt3A_2936, %add3A_2935, %select_n3A_2926 : vector<128x128xi1>, vector<128x128xi32>
    %slice3A_2939 = vector.extract_strided_slice %get3A_2247 {offsets = [0, 1408], sizes = [1, 128], strides = [1, 1]} : vector<1x2816xf32> to vector<1x128xf32>
    %slice3A_2940 = vector.extract_strided_slice %slice3A_2805 {offsets = [0, 1408], sizes = [128, 128], strides = [1, 1]} : vector<128x2816xf32> to vector<128x128xf32>
    %add3A_2941 = vector.broadcast %slice3A_2804 : vector<128x1xf32> to vector<128x128xf32>
    %add3A_2942 = vector.broadcast %slice3A_2939 : vector<1x128xf32> to vector<128x128xf32>
    %add3A_2943 = arith.addf %add3A_2941, %add3A_2942 : vector<128x128xf32>
    %add3A_2944 = arith.addf %add3A_2943, %slice3A_2940 : vector<128x128xf32>
    %add3A_2945 = arith.constant 1408 : i32
    %add3A_2946 = vector.broadcast %add3A_2945 : i32 to vector<128x128xi32>
    %add3A_2947 = arith.addi %add3A_2809, %add3A_2946 : vector<128x128xi32>
    %lt3A_2948 = arith.cmpf olt, %add3A_2944, %select_n3A_2937 : vector<128x128xf32>
    %select_n3A_2949 = arith.select %lt3A_2948, %add3A_2944, %select_n3A_2937 : vector<128x128xi1>, vector<128x128xf32>
    %select_n3A_2950 = arith.select %lt3A_2948, %add3A_2947, %select_n3A_2938 : vector<128x128xi1>, vector<128x128xi32>
    %slice3A_2951 = vector.extract_strided_slice %get3A_2247 {offsets = [0, 1536], sizes = [1, 128], strides = [1, 1]} : vector<1x2816xf32> to vector<1x128xf32>
    %slice3A_2952 = vector.extract_strided_slice %slice3A_2805 {offsets = [0, 1536], sizes = [128, 128], strides = [1, 1]} : vector<128x2816xf32> to vector<128x128xf32>
    %add3A_2953 = vector.broadcast %slice3A_2804 : vector<128x1xf32> to vector<128x128xf32>
    %add3A_2954 = vector.broadcast %slice3A_2951 : vector<1x128xf32> to vector<128x128xf32>
    %add3A_2955 = arith.addf %add3A_2953, %add3A_2954 : vector<128x128xf32>
    %add3A_2956 = arith.addf %add3A_2955, %slice3A_2952 : vector<128x128xf32>
    %add3A_2957 = arith.constant 1536 : i32
    %add3A_2958 = vector.broadcast %add3A_2957 : i32 to vector<128x128xi32>
    %add3A_2959 = arith.addi %add3A_2809, %add3A_2958 : vector<128x128xi32>
    %lt3A_2960 = arith.cmpf olt, %add3A_2956, %select_n3A_2949 : vector<128x128xf32>
    %select_n3A_2961 = arith.select %lt3A_2960, %add3A_2956, %select_n3A_2949 : vector<128x128xi1>, vector<128x128xf32>
    %select_n3A_2962 = arith.select %lt3A_2960, %add3A_2959, %select_n3A_2950 : vector<128x128xi1>, vector<128x128xi32>
    %slice3A_2963 = vector.extract_strided_slice %get3A_2247 {offsets = [0, 1664], sizes = [1, 128], strides = [1, 1]} : vector<1x2816xf32> to vector<1x128xf32>
    %slice3A_2964 = vector.extract_strided_slice %slice3A_2805 {offsets = [0, 1664], sizes = [128, 128], strides = [1, 1]} : vector<128x2816xf32> to vector<128x128xf32>
    %add3A_2965 = vector.broadcast %slice3A_2804 : vector<128x1xf32> to vector<128x128xf32>
    %add3A_2966 = vector.broadcast %slice3A_2963 : vector<1x128xf32> to vector<128x128xf32>
    %add3A_2967 = arith.addf %add3A_2965, %add3A_2966 : vector<128x128xf32>
    %add3A_2968 = arith.addf %add3A_2967, %slice3A_2964 : vector<128x128xf32>
    %add3A_2969 = arith.constant 1664 : i32
    %add3A_2970 = vector.broadcast %add3A_2969 : i32 to vector<128x128xi32>
    %add3A_2971 = arith.addi %add3A_2809, %add3A_2970 : vector<128x128xi32>
    %lt3A_2972 = arith.cmpf olt, %add3A_2968, %select_n3A_2961 : vector<128x128xf32>
    %select_n3A_2973 = arith.select %lt3A_2972, %add3A_2968, %select_n3A_2961 : vector<128x128xi1>, vector<128x128xf32>
    %select_n3A_2974 = arith.select %lt3A_2972, %add3A_2971, %select_n3A_2962 : vector<128x128xi1>, vector<128x128xi32>
    %slice3A_2975 = vector.extract_strided_slice %get3A_2247 {offsets = [0, 1792], sizes = [1, 128], strides = [1, 1]} : vector<1x2816xf32> to vector<1x128xf32>
    %slice3A_2976 = vector.extract_strided_slice %slice3A_2805 {offsets = [0, 1792], sizes = [128, 128], strides = [1, 1]} : vector<128x2816xf32> to vector<128x128xf32>
    %add3A_2977 = vector.broadcast %slice3A_2804 : vector<128x1xf32> to vector<128x128xf32>
    %add3A_2978 = vector.broadcast %slice3A_2975 : vector<1x128xf32> to vector<128x128xf32>
    %add3A_2979 = arith.addf %add3A_2977, %add3A_2978 : vector<128x128xf32>
    %add3A_2980 = arith.addf %add3A_2979, %slice3A_2976 : vector<128x128xf32>
    %add3A_2981 = arith.constant 1792 : i32
    %add3A_2982 = vector.broadcast %add3A_2981 : i32 to vector<128x128xi32>
    %add3A_2983 = arith.addi %add3A_2809, %add3A_2982 : vector<128x128xi32>
    %lt3A_2984 = arith.cmpf olt, %add3A_2980, %select_n3A_2973 : vector<128x128xf32>
    %select_n3A_2985 = arith.select %lt3A_2984, %add3A_2980, %select_n3A_2973 : vector<128x128xi1>, vector<128x128xf32>
    %select_n3A_2986 = arith.select %lt3A_2984, %add3A_2983, %select_n3A_2974 : vector<128x128xi1>, vector<128x128xi32>
    %slice3A_2987 = vector.extract_strided_slice %get3A_2247 {offsets = [0, 1920], sizes = [1, 128], strides = [1, 1]} : vector<1x2816xf32> to vector<1x128xf32>
    %slice3A_2988 = vector.extract_strided_slice %slice3A_2805 {offsets = [0, 1920], sizes = [128, 128], strides = [1, 1]} : vector<128x2816xf32> to vector<128x128xf32>
    %add3A_2989 = vector.broadcast %slice3A_2804 : vector<128x1xf32> to vector<128x128xf32>
    %add3A_2990 = vector.broadcast %slice3A_2987 : vector<1x128xf32> to vector<128x128xf32>
    %add3A_2991 = arith.addf %add3A_2989, %add3A_2990 : vector<128x128xf32>
    %add3A_2992 = arith.addf %add3A_2991, %slice3A_2988 : vector<128x128xf32>
    %add3A_2993 = arith.constant 1920 : i32
    %add3A_2994 = vector.broadcast %add3A_2993 : i32 to vector<128x128xi32>
    %add3A_2995 = arith.addi %add3A_2809, %add3A_2994 : vector<128x128xi32>
    %lt3A_2996 = arith.cmpf olt, %add3A_2992, %select_n3A_2985 : vector<128x128xf32>
    %select_n3A_2997 = arith.select %lt3A_2996, %add3A_2992, %select_n3A_2985 : vector<128x128xi1>, vector<128x128xf32>
    %select_n3A_2998 = arith.select %lt3A_2996, %add3A_2995, %select_n3A_2986 : vector<128x128xi1>, vector<128x128xi32>
    %slice3A_2999 = vector.extract_strided_slice %get3A_2247 {offsets = [0, 2048], sizes = [1, 128], strides = [1, 1]} : vector<1x2816xf32> to vector<1x128xf32>
    %slice3A_3000 = vector.extract_strided_slice %slice3A_2805 {offsets = [0, 2048], sizes = [128, 128], strides = [1, 1]} : vector<128x2816xf32> to vector<128x128xf32>
    %add3A_3001 = vector.broadcast %slice3A_2804 : vector<128x1xf32> to vector<128x128xf32>
    %add3A_3002 = vector.broadcast %slice3A_2999 : vector<1x128xf32> to vector<128x128xf32>
    %add3A_3003 = arith.addf %add3A_3001, %add3A_3002 : vector<128x128xf32>
    %add3A_3004 = arith.addf %add3A_3003, %slice3A_3000 : vector<128x128xf32>
    %add3A_3005 = arith.constant 2048 : i32
    %add3A_3006 = vector.broadcast %add3A_3005 : i32 to vector<128x128xi32>
    %add3A_3007 = arith.addi %add3A_2809, %add3A_3006 : vector<128x128xi32>
    %lt3A_3008 = arith.cmpf olt, %add3A_3004, %select_n3A_2997 : vector<128x128xf32>
    %select_n3A_3009 = arith.select %lt3A_3008, %add3A_3004, %select_n3A_2997 : vector<128x128xi1>, vector<128x128xf32>
    %select_n3A_3010 = arith.select %lt3A_3008, %add3A_3007, %select_n3A_2998 : vector<128x128xi1>, vector<128x128xi32>
    %slice3A_3011 = vector.extract_strided_slice %get3A_2247 {offsets = [0, 2176], sizes = [1, 128], strides = [1, 1]} : vector<1x2816xf32> to vector<1x128xf32>
    %slice3A_3012 = vector.extract_strided_slice %slice3A_2805 {offsets = [0, 2176], sizes = [128, 128], strides = [1, 1]} : vector<128x2816xf32> to vector<128x128xf32>
    %add3A_3013 = vector.broadcast %slice3A_2804 : vector<128x1xf32> to vector<128x128xf32>
    %add3A_3014 = vector.broadcast %slice3A_3011 : vector<1x128xf32> to vector<128x128xf32>
    %add3A_3015 = arith.addf %add3A_3013, %add3A_3014 : vector<128x128xf32>
    %add3A_3016 = arith.addf %add3A_3015, %slice3A_3012 : vector<128x128xf32>
    %add3A_3017 = arith.constant 2176 : i32
    %add3A_3018 = vector.broadcast %add3A_3017 : i32 to vector<128x128xi32>
    %add3A_3019 = arith.addi %add3A_2809, %add3A_3018 : vector<128x128xi32>
    %lt3A_3020 = arith.cmpf olt, %add3A_3016, %select_n3A_3009 : vector<128x128xf32>
    %select_n3A_3021 = arith.select %lt3A_3020, %add3A_3016, %select_n3A_3009 : vector<128x128xi1>, vector<128x128xf32>
    %select_n3A_3022 = arith.select %lt3A_3020, %add3A_3019, %select_n3A_3010 : vector<128x128xi1>, vector<128x128xi32>
    %slice3A_3023 = vector.extract_strided_slice %get3A_2247 {offsets = [0, 2304], sizes = [1, 128], strides = [1, 1]} : vector<1x2816xf32> to vector<1x128xf32>
    %slice3A_3024 = vector.extract_strided_slice %slice3A_2805 {offsets = [0, 2304], sizes = [128, 128], strides = [1, 1]} : vector<128x2816xf32> to vector<128x128xf32>
    %add3A_3025 = vector.broadcast %slice3A_2804 : vector<128x1xf32> to vector<128x128xf32>
    %add3A_3026 = vector.broadcast %slice3A_3023 : vector<1x128xf32> to vector<128x128xf32>
    %add3A_3027 = arith.addf %add3A_3025, %add3A_3026 : vector<128x128xf32>
    %add3A_3028 = arith.addf %add3A_3027, %slice3A_3024 : vector<128x128xf32>
    %add3A_3029 = arith.constant 2304 : i32
    %add3A_3030 = vector.broadcast %add3A_3029 : i32 to vector<128x128xi32>
    %add3A_3031 = arith.addi %add3A_2809, %add3A_3030 : vector<128x128xi32>
    %lt3A_3032 = arith.cmpf olt, %add3A_3028, %select_n3A_3021 : vector<128x128xf32>
    %select_n3A_3033 = arith.select %lt3A_3032, %add3A_3028, %select_n3A_3021 : vector<128x128xi1>, vector<128x128xf32>
    %select_n3A_3034 = arith.select %lt3A_3032, %add3A_3031, %select_n3A_3022 : vector<128x128xi1>, vector<128x128xi32>
    %slice3A_3035 = vector.extract_strided_slice %get3A_2247 {offsets = [0, 2432], sizes = [1, 128], strides = [1, 1]} : vector<1x2816xf32> to vector<1x128xf32>
    %slice3A_3036 = vector.extract_strided_slice %slice3A_2805 {offsets = [0, 2432], sizes = [128, 128], strides = [1, 1]} : vector<128x2816xf32> to vector<128x128xf32>
    %add3A_3037 = vector.broadcast %slice3A_2804 : vector<128x1xf32> to vector<128x128xf32>
    %add3A_3038 = vector.broadcast %slice3A_3035 : vector<1x128xf32> to vector<128x128xf32>
    %add3A_3039 = arith.addf %add3A_3037, %add3A_3038 : vector<128x128xf32>
    %add3A_3040 = arith.addf %add3A_3039, %slice3A_3036 : vector<128x128xf32>
    %add3A_3041 = arith.constant 2432 : i32
    %add3A_3042 = vector.broadcast %add3A_3041 : i32 to vector<128x128xi32>
    %add3A_3043 = arith.addi %add3A_2809, %add3A_3042 : vector<128x128xi32>
    %lt3A_3044 = arith.cmpf olt, %add3A_3040, %select_n3A_3033 : vector<128x128xf32>
    %select_n3A_3045 = arith.select %lt3A_3044, %add3A_3040, %select_n3A_3033 : vector<128x128xi1>, vector<128x128xf32>
    %select_n3A_3046 = arith.select %lt3A_3044, %add3A_3043, %select_n3A_3034 : vector<128x128xi1>, vector<128x128xi32>
    %slice3A_3047 = vector.extract_strided_slice %get3A_2247 {offsets = [0, 2560], sizes = [1, 128], strides = [1, 1]} : vector<1x2816xf32> to vector<1x128xf32>
    %slice3A_3048 = vector.extract_strided_slice %slice3A_2805 {offsets = [0, 2560], sizes = [128, 128], strides = [1, 1]} : vector<128x2816xf32> to vector<128x128xf32>
    %add3A_3049 = vector.broadcast %slice3A_2804 : vector<128x1xf32> to vector<128x128xf32>
    %add3A_3050 = vector.broadcast %slice3A_3047 : vector<1x128xf32> to vector<128x128xf32>
    %add3A_3051 = arith.addf %add3A_3049, %add3A_3050 : vector<128x128xf32>
    %add3A_3052 = arith.addf %add3A_3051, %slice3A_3048 : vector<128x128xf32>
    %add3A_3053 = arith.constant 2560 : i32
    %add3A_3054 = vector.broadcast %add3A_3053 : i32 to vector<128x128xi32>
    %add3A_3055 = arith.addi %add3A_2809, %add3A_3054 : vector<128x128xi32>
    %lt3A_3056 = arith.cmpf olt, %add3A_3052, %select_n3A_3045 : vector<128x128xf32>
    %select_n3A_3057 = arith.select %lt3A_3056, %add3A_3052, %select_n3A_3045 : vector<128x128xi1>, vector<128x128xf32>
    %select_n3A_3058 = arith.select %lt3A_3056, %add3A_3055, %select_n3A_3046 : vector<128x128xi1>, vector<128x128xi32>
    %slice3A_3059 = vector.extract_strided_slice %get3A_2247 {offsets = [0, 2688], sizes = [1, 128], strides = [1, 1]} : vector<1x2816xf32> to vector<1x128xf32>
    %slice3A_3060 = vector.extract_strided_slice %slice3A_2805 {offsets = [0, 2688], sizes = [128, 128], strides = [1, 1]} : vector<128x2816xf32> to vector<128x128xf32>
    %add3A_3061 = vector.broadcast %slice3A_2804 : vector<128x1xf32> to vector<128x128xf32>
    %add3A_3062 = vector.broadcast %slice3A_3059 : vector<1x128xf32> to vector<128x128xf32>
    %add3A_3063 = arith.addf %add3A_3061, %add3A_3062 : vector<128x128xf32>
    %add3A_3064 = arith.addf %add3A_3063, %slice3A_3060 : vector<128x128xf32>
    %add3A_3065 = arith.constant 2688 : i32
    %add3A_3066 = vector.broadcast %add3A_3065 : i32 to vector<128x128xi32>
    %add3A_3067 = arith.addi %add3A_2809, %add3A_3066 : vector<128x128xi32>
    %lt3A_3068 = arith.cmpf olt, %add3A_3064, %select_n3A_3057 : vector<128x128xf32>
    %select_n3A_3069 = arith.select %lt3A_3068, %add3A_3064, %select_n3A_3057 : vector<128x128xi1>, vector<128x128xf32>
    %select_n3A_3070 = arith.select %lt3A_3068, %add3A_3067, %select_n3A_3058 : vector<128x128xi1>, vector<128x128xi32>
    %reduce_min3A_3071 = arith.constant dense<0x7F800000> : vector<128xf32>
    %reduce_min3A_3072 = vector.multi_reduction <minimumf>, %select_n3A_3069, %reduce_min3A_3071 [1] : vector<128x128xf32> to vector<128xf32>
    %broadcast_in_dim3A_3073 = vector.shape_cast %reduce_min3A_3072 : vector<128xf32> to vector<128x1xf32>
    %eq3A_3074 = vector.broadcast %broadcast_in_dim3A_3073 : vector<128x1xf32> to vector<128x128xf32>
    %eq3A_3075 = arith.cmpf oeq, %select_n3A_3069, %eq3A_3074 : vector<128x128xf32>
    %jit3A_3076 = arith.constant 8192 : i32
    %broadcast_in_dim3A_3077 = vector.broadcast %jit3A_3076 : i32 to vector<128x128xi32>
    %select_n3A_3078 = arith.select %eq3A_3075, %select_n3A_3070, %broadcast_in_dim3A_3077 : vector<128x128xi1>, vector<128x128xi32>
    %reduce_min3A_3079 = arith.constant dense<2147483647> : vector<128xi32>
    %reduce_min3A_3080 = vector.multi_reduction <minsi>, %select_n3A_3078, %reduce_min3A_3079 [1] : vector<128x128xi32> to vector<128xi32>
    %broadcast_in_dim3A_3081 = vector.shape_cast %reduce_min3A_3080 : vector<128xi32> to vector<128x1xi32>
    %slice3A_3082 = vector.extract_strided_slice %broadcast_in_dim3A {offsets = [384, 0], sizes = [128, 1], strides = [1, 1]} : vector<512x1xf32> to vector<128x1xf32>
    %slice3A_3083 = vector.extract_strided_slice %dot_general3A_2244 {offsets = [384, 0], sizes = [128, 2816], strides = [1, 1]} : vector<512x2816xf32> to vector<128x2816xf32>
    %iota3A_3084 = tpu.iota {dimensions = array<i32: 1>} : vector<128x128xi32>
    %add3A_3085 = arith.constant 5472 : i32
    %add3A_3086 = vector.broadcast %add3A_3085 : i32 to vector<128x128xi32>
    %add3A_3087 = arith.addi %iota3A_3084, %add3A_3086 : vector<128x128xi32>
    %slice3A_3088 = vector.extract_strided_slice %get3A_2247 {offsets = [0, 0], sizes = [1, 128], strides = [1, 1]} : vector<1x2816xf32> to vector<1x128xf32>
    %slice3A_3089 = vector.extract_strided_slice %slice3A_3083 {offsets = [0, 0], sizes = [128, 128], strides = [1, 1]} : vector<128x2816xf32> to vector<128x128xf32>
    %add3A_3090 = vector.broadcast %slice3A_3082 : vector<128x1xf32> to vector<128x128xf32>
    %add3A_3091 = vector.broadcast %slice3A_3088 : vector<1x128xf32> to vector<128x128xf32>
    %add3A_3092 = arith.addf %add3A_3090, %add3A_3091 : vector<128x128xf32>
    %add3A_3093 = arith.addf %add3A_3092, %slice3A_3089 : vector<128x128xf32>
    %add3A_3094 = arith.constant 0 : i32
    %add3A_3095 = vector.broadcast %add3A_3094 : i32 to vector<128x128xi32>
    %add3A_3096 = arith.addi %add3A_3087, %add3A_3095 : vector<128x128xi32>
    %slice3A_3097 = vector.extract_strided_slice %get3A_2247 {offsets = [0, 128], sizes = [1, 128], strides = [1, 1]} : vector<1x2816xf32> to vector<1x128xf32>
    %slice3A_3098 = vector.extract_strided_slice %slice3A_3083 {offsets = [0, 128], sizes = [128, 128], strides = [1, 1]} : vector<128x2816xf32> to vector<128x128xf32>
    %add3A_3099 = vector.broadcast %slice3A_3082 : vector<128x1xf32> to vector<128x128xf32>
    %add3A_3100 = vector.broadcast %slice3A_3097 : vector<1x128xf32> to vector<128x128xf32>
    %add3A_3101 = arith.addf %add3A_3099, %add3A_3100 : vector<128x128xf32>
    %add3A_3102 = arith.addf %add3A_3101, %slice3A_3098 : vector<128x128xf32>
    %add3A_3103 = arith.constant 128 : i32
    %add3A_3104 = vector.broadcast %add3A_3103 : i32 to vector<128x128xi32>
    %add3A_3105 = arith.addi %add3A_3087, %add3A_3104 : vector<128x128xi32>
    %lt3A_3106 = arith.cmpf olt, %add3A_3102, %add3A_3093 : vector<128x128xf32>
    %select_n3A_3107 = arith.select %lt3A_3106, %add3A_3102, %add3A_3093 : vector<128x128xi1>, vector<128x128xf32>
    %select_n3A_3108 = arith.select %lt3A_3106, %add3A_3105, %add3A_3096 : vector<128x128xi1>, vector<128x128xi32>
    %slice3A_3109 = vector.extract_strided_slice %get3A_2247 {offsets = [0, 256], sizes = [1, 128], strides = [1, 1]} : vector<1x2816xf32> to vector<1x128xf32>
    %slice3A_3110 = vector.extract_strided_slice %slice3A_3083 {offsets = [0, 256], sizes = [128, 128], strides = [1, 1]} : vector<128x2816xf32> to vector<128x128xf32>
    %add3A_3111 = vector.broadcast %slice3A_3082 : vector<128x1xf32> to vector<128x128xf32>
    %add3A_3112 = vector.broadcast %slice3A_3109 : vector<1x128xf32> to vector<128x128xf32>
    %add3A_3113 = arith.addf %add3A_3111, %add3A_3112 : vector<128x128xf32>
    %add3A_3114 = arith.addf %add3A_3113, %slice3A_3110 : vector<128x128xf32>
    %add3A_3115 = arith.constant 256 : i32
    %add3A_3116 = vector.broadcast %add3A_3115 : i32 to vector<128x128xi32>
    %add3A_3117 = arith.addi %add3A_3087, %add3A_3116 : vector<128x128xi32>
    %lt3A_3118 = arith.cmpf olt, %add3A_3114, %select_n3A_3107 : vector<128x128xf32>
    %select_n3A_3119 = arith.select %lt3A_3118, %add3A_3114, %select_n3A_3107 : vector<128x128xi1>, vector<128x128xf32>
    %select_n3A_3120 = arith.select %lt3A_3118, %add3A_3117, %select_n3A_3108 : vector<128x128xi1>, vector<128x128xi32>
    %slice3A_3121 = vector.extract_strided_slice %get3A_2247 {offsets = [0, 384], sizes = [1, 128], strides = [1, 1]} : vector<1x2816xf32> to vector<1x128xf32>
    %slice3A_3122 = vector.extract_strided_slice %slice3A_3083 {offsets = [0, 384], sizes = [128, 128], strides = [1, 1]} : vector<128x2816xf32> to vector<128x128xf32>
    %add3A_3123 = vector.broadcast %slice3A_3082 : vector<128x1xf32> to vector<128x128xf32>
    %add3A_3124 = vector.broadcast %slice3A_3121 : vector<1x128xf32> to vector<128x128xf32>
    %add3A_3125 = arith.addf %add3A_3123, %add3A_3124 : vector<128x128xf32>
    %add3A_3126 = arith.addf %add3A_3125, %slice3A_3122 : vector<128x128xf32>
    %add3A_3127 = arith.constant 384 : i32
    %add3A_3128 = vector.broadcast %add3A_3127 : i32 to vector<128x128xi32>
    %add3A_3129 = arith.addi %add3A_3087, %add3A_3128 : vector<128x128xi32>
    %lt3A_3130 = arith.cmpf olt, %add3A_3126, %select_n3A_3119 : vector<128x128xf32>
    %select_n3A_3131 = arith.select %lt3A_3130, %add3A_3126, %select_n3A_3119 : vector<128x128xi1>, vector<128x128xf32>
    %select_n3A_3132 = arith.select %lt3A_3130, %add3A_3129, %select_n3A_3120 : vector<128x128xi1>, vector<128x128xi32>
    %slice3A_3133 = vector.extract_strided_slice %get3A_2247 {offsets = [0, 512], sizes = [1, 128], strides = [1, 1]} : vector<1x2816xf32> to vector<1x128xf32>
    %slice3A_3134 = vector.extract_strided_slice %slice3A_3083 {offsets = [0, 512], sizes = [128, 128], strides = [1, 1]} : vector<128x2816xf32> to vector<128x128xf32>
    %add3A_3135 = vector.broadcast %slice3A_3082 : vector<128x1xf32> to vector<128x128xf32>
    %add3A_3136 = vector.broadcast %slice3A_3133 : vector<1x128xf32> to vector<128x128xf32>
    %add3A_3137 = arith.addf %add3A_3135, %add3A_3136 : vector<128x128xf32>
    %add3A_3138 = arith.addf %add3A_3137, %slice3A_3134 : vector<128x128xf32>
    %add3A_3139 = arith.constant 512 : i32
    %add3A_3140 = vector.broadcast %add3A_3139 : i32 to vector<128x128xi32>
    %add3A_3141 = arith.addi %add3A_3087, %add3A_3140 : vector<128x128xi32>
    %lt3A_3142 = arith.cmpf olt, %add3A_3138, %select_n3A_3131 : vector<128x128xf32>
    %select_n3A_3143 = arith.select %lt3A_3142, %add3A_3138, %select_n3A_3131 : vector<128x128xi1>, vector<128x128xf32>
    %select_n3A_3144 = arith.select %lt3A_3142, %add3A_3141, %select_n3A_3132 : vector<128x128xi1>, vector<128x128xi32>
    %slice3A_3145 = vector.extract_strided_slice %get3A_2247 {offsets = [0, 640], sizes = [1, 128], strides = [1, 1]} : vector<1x2816xf32> to vector<1x128xf32>
    %slice3A_3146 = vector.extract_strided_slice %slice3A_3083 {offsets = [0, 640], sizes = [128, 128], strides = [1, 1]} : vector<128x2816xf32> to vector<128x128xf32>
    %add3A_3147 = vector.broadcast %slice3A_3082 : vector<128x1xf32> to vector<128x128xf32>
    %add3A_3148 = vector.broadcast %slice3A_3145 : vector<1x128xf32> to vector<128x128xf32>
    %add3A_3149 = arith.addf %add3A_3147, %add3A_3148 : vector<128x128xf32>
    %add3A_3150 = arith.addf %add3A_3149, %slice3A_3146 : vector<128x128xf32>
    %add3A_3151 = arith.constant 640 : i32
    %add3A_3152 = vector.broadcast %add3A_3151 : i32 to vector<128x128xi32>
    %add3A_3153 = arith.addi %add3A_3087, %add3A_3152 : vector<128x128xi32>
    %lt3A_3154 = arith.cmpf olt, %add3A_3150, %select_n3A_3143 : vector<128x128xf32>
    %select_n3A_3155 = arith.select %lt3A_3154, %add3A_3150, %select_n3A_3143 : vector<128x128xi1>, vector<128x128xf32>
    %select_n3A_3156 = arith.select %lt3A_3154, %add3A_3153, %select_n3A_3144 : vector<128x128xi1>, vector<128x128xi32>
    %slice3A_3157 = vector.extract_strided_slice %get3A_2247 {offsets = [0, 768], sizes = [1, 128], strides = [1, 1]} : vector<1x2816xf32> to vector<1x128xf32>
    %slice3A_3158 = vector.extract_strided_slice %slice3A_3083 {offsets = [0, 768], sizes = [128, 128], strides = [1, 1]} : vector<128x2816xf32> to vector<128x128xf32>
    %add3A_3159 = vector.broadcast %slice3A_3082 : vector<128x1xf32> to vector<128x128xf32>
    %add3A_3160 = vector.broadcast %slice3A_3157 : vector<1x128xf32> to vector<128x128xf32>
    %add3A_3161 = arith.addf %add3A_3159, %add3A_3160 : vector<128x128xf32>
    %add3A_3162 = arith.addf %add3A_3161, %slice3A_3158 : vector<128x128xf32>
    %add3A_3163 = arith.constant 768 : i32
    %add3A_3164 = vector.broadcast %add3A_3163 : i32 to vector<128x128xi32>
    %add3A_3165 = arith.addi %add3A_3087, %add3A_3164 : vector<128x128xi32>
    %lt3A_3166 = arith.cmpf olt, %add3A_3162, %select_n3A_3155 : vector<128x128xf32>
    %select_n3A_3167 = arith.select %lt3A_3166, %add3A_3162, %select_n3A_3155 : vector<128x128xi1>, vector<128x128xf32>
    %select_n3A_3168 = arith.select %lt3A_3166, %add3A_3165, %select_n3A_3156 : vector<128x128xi1>, vector<128x128xi32>
    %slice3A_3169 = vector.extract_strided_slice %get3A_2247 {offsets = [0, 896], sizes = [1, 128], strides = [1, 1]} : vector<1x2816xf32> to vector<1x128xf32>
    %slice3A_3170 = vector.extract_strided_slice %slice3A_3083 {offsets = [0, 896], sizes = [128, 128], strides = [1, 1]} : vector<128x2816xf32> to vector<128x128xf32>
    %add3A_3171 = vector.broadcast %slice3A_3082 : vector<128x1xf32> to vector<128x128xf32>
    %add3A_3172 = vector.broadcast %slice3A_3169 : vector<1x128xf32> to vector<128x128xf32>
    %add3A_3173 = arith.addf %add3A_3171, %add3A_3172 : vector<128x128xf32>
    %add3A_3174 = arith.addf %add3A_3173, %slice3A_3170 : vector<128x128xf32>
    %add3A_3175 = arith.constant 896 : i32
    %add3A_3176 = vector.broadcast %add3A_3175 : i32 to vector<128x128xi32>
    %add3A_3177 = arith.addi %add3A_3087, %add3A_3176 : vector<128x128xi32>
    %lt3A_3178 = arith.cmpf olt, %add3A_3174, %select_n3A_3167 : vector<128x128xf32>
    %select_n3A_3179 = arith.select %lt3A_3178, %add3A_3174, %select_n3A_3167 : vector<128x128xi1>, vector<128x128xf32>
    %select_n3A_3180 = arith.select %lt3A_3178, %add3A_3177, %select_n3A_3168 : vector<128x128xi1>, vector<128x128xi32>
    %slice3A_3181 = vector.extract_strided_slice %get3A_2247 {offsets = [0, 1024], sizes = [1, 128], strides = [1, 1]} : vector<1x2816xf32> to vector<1x128xf32>
    %slice3A_3182 = vector.extract_strided_slice %slice3A_3083 {offsets = [0, 1024], sizes = [128, 128], strides = [1, 1]} : vector<128x2816xf32> to vector<128x128xf32>
    %add3A_3183 = vector.broadcast %slice3A_3082 : vector<128x1xf32> to vector<128x128xf32>
    %add3A_3184 = vector.broadcast %slice3A_3181 : vector<1x128xf32> to vector<128x128xf32>
    %add3A_3185 = arith.addf %add3A_3183, %add3A_3184 : vector<128x128xf32>
    %add3A_3186 = arith.addf %add3A_3185, %slice3A_3182 : vector<128x128xf32>
    %add3A_3187 = arith.constant 1024 : i32
    %add3A_3188 = vector.broadcast %add3A_3187 : i32 to vector<128x128xi32>
    %add3A_3189 = arith.addi %add3A_3087, %add3A_3188 : vector<128x128xi32>
    %lt3A_3190 = arith.cmpf olt, %add3A_3186, %select_n3A_3179 : vector<128x128xf32>
    %select_n3A_3191 = arith.select %lt3A_3190, %add3A_3186, %select_n3A_3179 : vector<128x128xi1>, vector<128x128xf32>
    %select_n3A_3192 = arith.select %lt3A_3190, %add3A_3189, %select_n3A_3180 : vector<128x128xi1>, vector<128x128xi32>
    %slice3A_3193 = vector.extract_strided_slice %get3A_2247 {offsets = [0, 1152], sizes = [1, 128], strides = [1, 1]} : vector<1x2816xf32> to vector<1x128xf32>
    %slice3A_3194 = vector.extract_strided_slice %slice3A_3083 {offsets = [0, 1152], sizes = [128, 128], strides = [1, 1]} : vector<128x2816xf32> to vector<128x128xf32>
    %add3A_3195 = vector.broadcast %slice3A_3082 : vector<128x1xf32> to vector<128x128xf32>
    %add3A_3196 = vector.broadcast %slice3A_3193 : vector<1x128xf32> to vector<128x128xf32>
    %add3A_3197 = arith.addf %add3A_3195, %add3A_3196 : vector<128x128xf32>
    %add3A_3198 = arith.addf %add3A_3197, %slice3A_3194 : vector<128x128xf32>
    %add3A_3199 = arith.constant 1152 : i32
    %add3A_3200 = vector.broadcast %add3A_3199 : i32 to vector<128x128xi32>
    %add3A_3201 = arith.addi %add3A_3087, %add3A_3200 : vector<128x128xi32>
    %lt3A_3202 = arith.cmpf olt, %add3A_3198, %select_n3A_3191 : vector<128x128xf32>
    %select_n3A_3203 = arith.select %lt3A_3202, %add3A_3198, %select_n3A_3191 : vector<128x128xi1>, vector<128x128xf32>
    %select_n3A_3204 = arith.select %lt3A_3202, %add3A_3201, %select_n3A_3192 : vector<128x128xi1>, vector<128x128xi32>
    %slice3A_3205 = vector.extract_strided_slice %get3A_2247 {offsets = [0, 1280], sizes = [1, 128], strides = [1, 1]} : vector<1x2816xf32> to vector<1x128xf32>
    %slice3A_3206 = vector.extract_strided_slice %slice3A_3083 {offsets = [0, 1280], sizes = [128, 128], strides = [1, 1]} : vector<128x2816xf32> to vector<128x128xf32>
    %add3A_3207 = vector.broadcast %slice3A_3082 : vector<128x1xf32> to vector<128x128xf32>
    %add3A_3208 = vector.broadcast %slice3A_3205 : vector<1x128xf32> to vector<128x128xf32>
    %add3A_3209 = arith.addf %add3A_3207, %add3A_3208 : vector<128x128xf32>
    %add3A_3210 = arith.addf %add3A_3209, %slice3A_3206 : vector<128x128xf32>
    %add3A_3211 = arith.constant 1280 : i32
    %add3A_3212 = vector.broadcast %add3A_3211 : i32 to vector<128x128xi32>
    %add3A_3213 = arith.addi %add3A_3087, %add3A_3212 : vector<128x128xi32>
    %lt3A_3214 = arith.cmpf olt, %add3A_3210, %select_n3A_3203 : vector<128x128xf32>
    %select_n3A_3215 = arith.select %lt3A_3214, %add3A_3210, %select_n3A_3203 : vector<128x128xi1>, vector<128x128xf32>
    %select_n3A_3216 = arith.select %lt3A_3214, %add3A_3213, %select_n3A_3204 : vector<128x128xi1>, vector<128x128xi32>
    %slice3A_3217 = vector.extract_strided_slice %get3A_2247 {offsets = [0, 1408], sizes = [1, 128], strides = [1, 1]} : vector<1x2816xf32> to vector<1x128xf32>
    %slice3A_3218 = vector.extract_strided_slice %slice3A_3083 {offsets = [0, 1408], sizes = [128, 128], strides = [1, 1]} : vector<128x2816xf32> to vector<128x128xf32>
    %add3A_3219 = vector.broadcast %slice3A_3082 : vector<128x1xf32> to vector<128x128xf32>
    %add3A_3220 = vector.broadcast %slice3A_3217 : vector<1x128xf32> to vector<128x128xf32>
    %add3A_3221 = arith.addf %add3A_3219, %add3A_3220 : vector<128x128xf32>
    %add3A_3222 = arith.addf %add3A_3221, %slice3A_3218 : vector<128x128xf32>
    %add3A_3223 = arith.constant 1408 : i32
    %add3A_3224 = vector.broadcast %add3A_3223 : i32 to vector<128x128xi32>
    %add3A_3225 = arith.addi %add3A_3087, %add3A_3224 : vector<128x128xi32>
    %lt3A_3226 = arith.cmpf olt, %add3A_3222, %select_n3A_3215 : vector<128x128xf32>
    %select_n3A_3227 = arith.select %lt3A_3226, %add3A_3222, %select_n3A_3215 : vector<128x128xi1>, vector<128x128xf32>
    %select_n3A_3228 = arith.select %lt3A_3226, %add3A_3225, %select_n3A_3216 : vector<128x128xi1>, vector<128x128xi32>
    %slice3A_3229 = vector.extract_strided_slice %get3A_2247 {offsets = [0, 1536], sizes = [1, 128], strides = [1, 1]} : vector<1x2816xf32> to vector<1x128xf32>
    %slice3A_3230 = vector.extract_strided_slice %slice3A_3083 {offsets = [0, 1536], sizes = [128, 128], strides = [1, 1]} : vector<128x2816xf32> to vector<128x128xf32>
    %add3A_3231 = vector.broadcast %slice3A_3082 : vector<128x1xf32> to vector<128x128xf32>
    %add3A_3232 = vector.broadcast %slice3A_3229 : vector<1x128xf32> to vector<128x128xf32>
    %add3A_3233 = arith.addf %add3A_3231, %add3A_3232 : vector<128x128xf32>
    %add3A_3234 = arith.addf %add3A_3233, %slice3A_3230 : vector<128x128xf32>
    %add3A_3235 = arith.constant 1536 : i32
    %add3A_3236 = vector.broadcast %add3A_3235 : i32 to vector<128x128xi32>
    %add3A_3237 = arith.addi %add3A_3087, %add3A_3236 : vector<128x128xi32>
    %lt3A_3238 = arith.cmpf olt, %add3A_3234, %select_n3A_3227 : vector<128x128xf32>
    %select_n3A_3239 = arith.select %lt3A_3238, %add3A_3234, %select_n3A_3227 : vector<128x128xi1>, vector<128x128xf32>
    %select_n3A_3240 = arith.select %lt3A_3238, %add3A_3237, %select_n3A_3228 : vector<128x128xi1>, vector<128x128xi32>
    %slice3A_3241 = vector.extract_strided_slice %get3A_2247 {offsets = [0, 1664], sizes = [1, 128], strides = [1, 1]} : vector<1x2816xf32> to vector<1x128xf32>
    %slice3A_3242 = vector.extract_strided_slice %slice3A_3083 {offsets = [0, 1664], sizes = [128, 128], strides = [1, 1]} : vector<128x2816xf32> to vector<128x128xf32>
    %add3A_3243 = vector.broadcast %slice3A_3082 : vector<128x1xf32> to vector<128x128xf32>
    %add3A_3244 = vector.broadcast %slice3A_3241 : vector<1x128xf32> to vector<128x128xf32>
    %add3A_3245 = arith.addf %add3A_3243, %add3A_3244 : vector<128x128xf32>
    %add3A_3246 = arith.addf %add3A_3245, %slice3A_3242 : vector<128x128xf32>
    %add3A_3247 = arith.constant 1664 : i32
    %add3A_3248 = vector.broadcast %add3A_3247 : i32 to vector<128x128xi32>
    %add3A_3249 = arith.addi %add3A_3087, %add3A_3248 : vector<128x128xi32>
    %lt3A_3250 = arith.cmpf olt, %add3A_3246, %select_n3A_3239 : vector<128x128xf32>
    %select_n3A_3251 = arith.select %lt3A_3250, %add3A_3246, %select_n3A_3239 : vector<128x128xi1>, vector<128x128xf32>
    %select_n3A_3252 = arith.select %lt3A_3250, %add3A_3249, %select_n3A_3240 : vector<128x128xi1>, vector<128x128xi32>
    %slice3A_3253 = vector.extract_strided_slice %get3A_2247 {offsets = [0, 1792], sizes = [1, 128], strides = [1, 1]} : vector<1x2816xf32> to vector<1x128xf32>
    %slice3A_3254 = vector.extract_strided_slice %slice3A_3083 {offsets = [0, 1792], sizes = [128, 128], strides = [1, 1]} : vector<128x2816xf32> to vector<128x128xf32>
    %add3A_3255 = vector.broadcast %slice3A_3082 : vector<128x1xf32> to vector<128x128xf32>
    %add3A_3256 = vector.broadcast %slice3A_3253 : vector<1x128xf32> to vector<128x128xf32>
    %add3A_3257 = arith.addf %add3A_3255, %add3A_3256 : vector<128x128xf32>
    %add3A_3258 = arith.addf %add3A_3257, %slice3A_3254 : vector<128x128xf32>
    %add3A_3259 = arith.constant 1792 : i32
    %add3A_3260 = vector.broadcast %add3A_3259 : i32 to vector<128x128xi32>
    %add3A_3261 = arith.addi %add3A_3087, %add3A_3260 : vector<128x128xi32>
    %lt3A_3262 = arith.cmpf olt, %add3A_3258, %select_n3A_3251 : vector<128x128xf32>
    %select_n3A_3263 = arith.select %lt3A_3262, %add3A_3258, %select_n3A_3251 : vector<128x128xi1>, vector<128x128xf32>
    %select_n3A_3264 = arith.select %lt3A_3262, %add3A_3261, %select_n3A_3252 : vector<128x128xi1>, vector<128x128xi32>
    %slice3A_3265 = vector.extract_strided_slice %get3A_2247 {offsets = [0, 1920], sizes = [1, 128], strides = [1, 1]} : vector<1x2816xf32> to vector<1x128xf32>
    %slice3A_3266 = vector.extract_strided_slice %slice3A_3083 {offsets = [0, 1920], sizes = [128, 128], strides = [1, 1]} : vector<128x2816xf32> to vector<128x128xf32>
    %add3A_3267 = vector.broadcast %slice3A_3082 : vector<128x1xf32> to vector<128x128xf32>
    %add3A_3268 = vector.broadcast %slice3A_3265 : vector<1x128xf32> to vector<128x128xf32>
    %add3A_3269 = arith.addf %add3A_3267, %add3A_3268 : vector<128x128xf32>
    %add3A_3270 = arith.addf %add3A_3269, %slice3A_3266 : vector<128x128xf32>
    %add3A_3271 = arith.constant 1920 : i32
    %add3A_3272 = vector.broadcast %add3A_3271 : i32 to vector<128x128xi32>
    %add3A_3273 = arith.addi %add3A_3087, %add3A_3272 : vector<128x128xi32>
    %lt3A_3274 = arith.cmpf olt, %add3A_3270, %select_n3A_3263 : vector<128x128xf32>
    %select_n3A_3275 = arith.select %lt3A_3274, %add3A_3270, %select_n3A_3263 : vector<128x128xi1>, vector<128x128xf32>
    %select_n3A_3276 = arith.select %lt3A_3274, %add3A_3273, %select_n3A_3264 : vector<128x128xi1>, vector<128x128xi32>
    %slice3A_3277 = vector.extract_strided_slice %get3A_2247 {offsets = [0, 2048], sizes = [1, 128], strides = [1, 1]} : vector<1x2816xf32> to vector<1x128xf32>
    %slice3A_3278 = vector.extract_strided_slice %slice3A_3083 {offsets = [0, 2048], sizes = [128, 128], strides = [1, 1]} : vector<128x2816xf32> to vector<128x128xf32>
    %add3A_3279 = vector.broadcast %slice3A_3082 : vector<128x1xf32> to vector<128x128xf32>
    %add3A_3280 = vector.broadcast %slice3A_3277 : vector<1x128xf32> to vector<128x128xf32>
    %add3A_3281 = arith.addf %add3A_3279, %add3A_3280 : vector<128x128xf32>
    %add3A_3282 = arith.addf %add3A_3281, %slice3A_3278 : vector<128x128xf32>
    %add3A_3283 = arith.constant 2048 : i32
    %add3A_3284 = vector.broadcast %add3A_3283 : i32 to vector<128x128xi32>
    %add3A_3285 = arith.addi %add3A_3087, %add3A_3284 : vector<128x128xi32>
    %lt3A_3286 = arith.cmpf olt, %add3A_3282, %select_n3A_3275 : vector<128x128xf32>
    %select_n3A_3287 = arith.select %lt3A_3286, %add3A_3282, %select_n3A_3275 : vector<128x128xi1>, vector<128x128xf32>
    %select_n3A_3288 = arith.select %lt3A_3286, %add3A_3285, %select_n3A_3276 : vector<128x128xi1>, vector<128x128xi32>
    %slice3A_3289 = vector.extract_strided_slice %get3A_2247 {offsets = [0, 2176], sizes = [1, 128], strides = [1, 1]} : vector<1x2816xf32> to vector<1x128xf32>
    %slice3A_3290 = vector.extract_strided_slice %slice3A_3083 {offsets = [0, 2176], sizes = [128, 128], strides = [1, 1]} : vector<128x2816xf32> to vector<128x128xf32>
    %add3A_3291 = vector.broadcast %slice3A_3082 : vector<128x1xf32> to vector<128x128xf32>
    %add3A_3292 = vector.broadcast %slice3A_3289 : vector<1x128xf32> to vector<128x128xf32>
    %add3A_3293 = arith.addf %add3A_3291, %add3A_3292 : vector<128x128xf32>
    %add3A_3294 = arith.addf %add3A_3293, %slice3A_3290 : vector<128x128xf32>
    %add3A_3295 = arith.constant 2176 : i32
    %add3A_3296 = vector.broadcast %add3A_3295 : i32 to vector<128x128xi32>
    %add3A_3297 = arith.addi %add3A_3087, %add3A_3296 : vector<128x128xi32>
    %lt3A_3298 = arith.cmpf olt, %add3A_3294, %select_n3A_3287 : vector<128x128xf32>
    %select_n3A_3299 = arith.select %lt3A_3298, %add3A_3294, %select_n3A_3287 : vector<128x128xi1>, vector<128x128xf32>
    %select_n3A_3300 = arith.select %lt3A_3298, %add3A_3297, %select_n3A_3288 : vector<128x128xi1>, vector<128x128xi32>
    %slice3A_3301 = vector.extract_strided_slice %get3A_2247 {offsets = [0, 2304], sizes = [1, 128], strides = [1, 1]} : vector<1x2816xf32> to vector<1x128xf32>
    %slice3A_3302 = vector.extract_strided_slice %slice3A_3083 {offsets = [0, 2304], sizes = [128, 128], strides = [1, 1]} : vector<128x2816xf32> to vector<128x128xf32>
    %add3A_3303 = vector.broadcast %slice3A_3082 : vector<128x1xf32> to vector<128x128xf32>
    %add3A_3304 = vector.broadcast %slice3A_3301 : vector<1x128xf32> to vector<128x128xf32>
    %add3A_3305 = arith.addf %add3A_3303, %add3A_3304 : vector<128x128xf32>
    %add3A_3306 = arith.addf %add3A_3305, %slice3A_3302 : vector<128x128xf32>
    %add3A_3307 = arith.constant 2304 : i32
    %add3A_3308 = vector.broadcast %add3A_3307 : i32 to vector<128x128xi32>
    %add3A_3309 = arith.addi %add3A_3087, %add3A_3308 : vector<128x128xi32>
    %lt3A_3310 = arith.cmpf olt, %add3A_3306, %select_n3A_3299 : vector<128x128xf32>
    %select_n3A_3311 = arith.select %lt3A_3310, %add3A_3306, %select_n3A_3299 : vector<128x128xi1>, vector<128x128xf32>
    %select_n3A_3312 = arith.select %lt3A_3310, %add3A_3309, %select_n3A_3300 : vector<128x128xi1>, vector<128x128xi32>
    %slice3A_3313 = vector.extract_strided_slice %get3A_2247 {offsets = [0, 2432], sizes = [1, 128], strides = [1, 1]} : vector<1x2816xf32> to vector<1x128xf32>
    %slice3A_3314 = vector.extract_strided_slice %slice3A_3083 {offsets = [0, 2432], sizes = [128, 128], strides = [1, 1]} : vector<128x2816xf32> to vector<128x128xf32>
    %add3A_3315 = vector.broadcast %slice3A_3082 : vector<128x1xf32> to vector<128x128xf32>
    %add3A_3316 = vector.broadcast %slice3A_3313 : vector<1x128xf32> to vector<128x128xf32>
    %add3A_3317 = arith.addf %add3A_3315, %add3A_3316 : vector<128x128xf32>
    %add3A_3318 = arith.addf %add3A_3317, %slice3A_3314 : vector<128x128xf32>
    %add3A_3319 = arith.constant 2432 : i32
    %add3A_3320 = vector.broadcast %add3A_3319 : i32 to vector<128x128xi32>
    %add3A_3321 = arith.addi %add3A_3087, %add3A_3320 : vector<128x128xi32>
    %lt3A_3322 = arith.cmpf olt, %add3A_3318, %select_n3A_3311 : vector<128x128xf32>
    %select_n3A_3323 = arith.select %lt3A_3322, %add3A_3318, %select_n3A_3311 : vector<128x128xi1>, vector<128x128xf32>
    %select_n3A_3324 = arith.select %lt3A_3322, %add3A_3321, %select_n3A_3312 : vector<128x128xi1>, vector<128x128xi32>
    %slice3A_3325 = vector.extract_strided_slice %get3A_2247 {offsets = [0, 2560], sizes = [1, 128], strides = [1, 1]} : vector<1x2816xf32> to vector<1x128xf32>
    %slice3A_3326 = vector.extract_strided_slice %slice3A_3083 {offsets = [0, 2560], sizes = [128, 128], strides = [1, 1]} : vector<128x2816xf32> to vector<128x128xf32>
    %add3A_3327 = vector.broadcast %slice3A_3082 : vector<128x1xf32> to vector<128x128xf32>
    %add3A_3328 = vector.broadcast %slice3A_3325 : vector<1x128xf32> to vector<128x128xf32>
    %add3A_3329 = arith.addf %add3A_3327, %add3A_3328 : vector<128x128xf32>
    %add3A_3330 = arith.addf %add3A_3329, %slice3A_3326 : vector<128x128xf32>
    %add3A_3331 = arith.constant 2560 : i32
    %add3A_3332 = vector.broadcast %add3A_3331 : i32 to vector<128x128xi32>
    %add3A_3333 = arith.addi %add3A_3087, %add3A_3332 : vector<128x128xi32>
    %lt3A_3334 = arith.cmpf olt, %add3A_3330, %select_n3A_3323 : vector<128x128xf32>
    %select_n3A_3335 = arith.select %lt3A_3334, %add3A_3330, %select_n3A_3323 : vector<128x128xi1>, vector<128x128xf32>
    %select_n3A_3336 = arith.select %lt3A_3334, %add3A_3333, %select_n3A_3324 : vector<128x128xi1>, vector<128x128xi32>
    %slice3A_3337 = vector.extract_strided_slice %get3A_2247 {offsets = [0, 2688], sizes = [1, 128], strides = [1, 1]} : vector<1x2816xf32> to vector<1x128xf32>
    %slice3A_3338 = vector.extract_strided_slice %slice3A_3083 {offsets = [0, 2688], sizes = [128, 128], strides = [1, 1]} : vector<128x2816xf32> to vector<128x128xf32>
    %add3A_3339 = vector.broadcast %slice3A_3082 : vector<128x1xf32> to vector<128x128xf32>
    %add3A_3340 = vector.broadcast %slice3A_3337 : vector<1x128xf32> to vector<128x128xf32>
    %add3A_3341 = arith.addf %add3A_3339, %add3A_3340 : vector<128x128xf32>
    %add3A_3342 = arith.addf %add3A_3341, %slice3A_3338 : vector<128x128xf32>
    %add3A_3343 = arith.constant 2688 : i32
    %add3A_3344 = vector.broadcast %add3A_3343 : i32 to vector<128x128xi32>
    %add3A_3345 = arith.addi %add3A_3087, %add3A_3344 : vector<128x128xi32>
    %lt3A_3346 = arith.cmpf olt, %add3A_3342, %select_n3A_3335 : vector<128x128xf32>
    %select_n3A_3347 = arith.select %lt3A_3346, %add3A_3342, %select_n3A_3335 : vector<128x128xi1>, vector<128x128xf32>
    %select_n3A_3348 = arith.select %lt3A_3346, %add3A_3345, %select_n3A_3336 : vector<128x128xi1>, vector<128x128xi32>
    %reduce_min3A_3349 = arith.constant dense<0x7F800000> : vector<128xf32>
    %reduce_min3A_3350 = vector.multi_reduction <minimumf>, %select_n3A_3347, %reduce_min3A_3349 [1] : vector<128x128xf32> to vector<128xf32>
    %broadcast_in_dim3A_3351 = vector.shape_cast %reduce_min3A_3350 : vector<128xf32> to vector<128x1xf32>
    %eq3A_3352 = vector.broadcast %broadcast_in_dim3A_3351 : vector<128x1xf32> to vector<128x128xf32>
    %eq3A_3353 = arith.cmpf oeq, %select_n3A_3347, %eq3A_3352 : vector<128x128xf32>
    %jit3A_3354 = arith.constant 8192 : i32
    %broadcast_in_dim3A_3355 = vector.broadcast %jit3A_3354 : i32 to vector<128x128xi32>
    %select_n3A_3356 = arith.select %eq3A_3353, %select_n3A_3348, %broadcast_in_dim3A_3355 : vector<128x128xi1>, vector<128x128xi32>
    %reduce_min3A_3357 = arith.constant dense<2147483647> : vector<128xi32>
    %reduce_min3A_3358 = vector.multi_reduction <minsi>, %select_n3A_3356, %reduce_min3A_3357 [1] : vector<128x128xi32> to vector<128xi32>
    %broadcast_in_dim3A_3359 = vector.shape_cast %reduce_min3A_3358 : vector<128xi32> to vector<128x1xi32>
    %concatenate3A_3360 = tpu.concatenate %broadcast_in_dim3A_2517, %broadcast_in_dim3A_2795, %broadcast_in_dim3A_3073, %broadcast_in_dim3A_3351 in 0 : vector<128x1xf32>, vector<128x1xf32>, vector<128x1xf32>, vector<128x1xf32> -> vector<512x1xf32>
    %concatenate3A_3361 = tpu.concatenate %broadcast_in_dim3A_2525, %broadcast_in_dim3A_2803, %broadcast_in_dim3A_3081, %broadcast_in_dim3A_3359 in 0 : vector<128x1xi32>, vector<128x1xi32>, vector<128x1xi32>, vector<128x1xi32> -> vector<512x1xi32>
    %convert_element_type3A_3362 = arith.truncf %concatenate3A : vector<512x1xf32> to vector<512x1xbf16>
    %convert_element_type3A_3363 = arith.extf %convert_element_type3A_3362 : vector<512x1xbf16> to vector<512x1xf32>
    %lt3A_3364 = arith.cmpf olt, %concatenate3A_2238, %convert_element_type3A_3363 : vector<512x1xf32>
    %select_n3A_3365 = arith.select %lt3A_3364, %concatenate3A_2238, %convert_element_type3A_3363 : vector<512x1xi1>, vector<512x1xf32>
    %select_n3A_3366 = arith.select %lt3A_3364, %concatenate3A_2238, %concatenate3A : vector<512x1xi1>, vector<512x1xf32>
    %select_n3A_3367 = arith.select %lt3A_3364, %concatenate3A_2239, %concatenate3A_1117 : vector<512x1xi1>, vector<512x1xi32>
    %convert_element_type3A_3368 = arith.truncf %select_n3A_3365 : vector<512x1xf32> to vector<512x1xbf16>
    %convert_element_type3A_3369 = arith.extf %convert_element_type3A_3368 : vector<512x1xbf16> to vector<512x1xf32>
    %lt3A_3370 = arith.cmpf olt, %concatenate3A_3360, %convert_element_type3A_3369 : vector<512x1xf32>
    %select_n3A_3371 = arith.select %lt3A_3370, %concatenate3A_3360, %select_n3A_3366 : vector<512x1xi1>, vector<512x1xf32>
    %select_n3A_3372 = arith.select %lt3A_3370, %concatenate3A_3361, %select_n3A_3367 : vector<512x1xi1>, vector<512x1xi32>
    %swap3A = arith.constant 0 : index
    %swap3A_3373 = arith.constant 0 : index
    %swap3A_3374 = arith.constant 0 : index
    %swap3A_3375 = vector.load %arg3[%swap3A, %swap3A_3373, %swap3A_3374] : memref<1x512x1xi32, #tpu.memory_space<vmem>>, vector<1x512x1xi32>
    %swap3A_3376 = vector.shape_cast %swap3A_3375 : vector<1x512x1xi32> to vector<512x1xi32>
    %swap3A_3377 = vector.shape_cast %select_n3A_3372 : vector<512x1xi32> to vector<1x512x1xi32>
    tpu.vector_store %arg3[%swap3A, %swap3A_3373, %swap3A_3374], %swap3A_3377 {strides = array<i32>} : memref<1x512x1xi32, #tpu.memory_space<vmem>>, vector<1x512x1xi32>,
    %swap3A_3378 = arith.constant 0 : index
    %swap3A_3379 = arith.constant 0 : index
    %swap3A_3380 = arith.constant 0 : index
    %swap3A_3381 = vector.load %arg4[%swap3A_3378, %swap3A_3379, %swap3A_3380] : memref<1x512x1xf32, #tpu.memory_space<vmem>>, vector<1x512x1xf32>
    %swap3A_3382 = vector.shape_cast %swap3A_3381 : vector<1x512x1xf32> to vector<512x1xf32>
    %swap3A_3383 = vector.shape_cast %select_n3A_3371 : vector<512x1xf32> to vector<1x512x1xf32>
    tpu.vector_store %arg4[%swap3A_3378, %swap3A_3379, %swap3A_3380], %swap3A_3383 {strides = array<i32>} : memref<1x512x1xf32, #tpu.memory_space<vmem>>, vector<1x512x1xf32>,
    return
  }
  func.func @transform_0(%arg0: i32) -> (i32, i32) {
    %c0_i32 = arith.constant 0 : i32
    %c0_i32_0 = arith.constant 0 : i32
    return %arg0, %c0_i32 : i32, i32
  }
  func.func @transform_2(%arg0: i32) -> (i32, i32, i32) {
    %c0_i32 = arith.constant 0 : i32
    %c0_i32_0 = arith.constant 0 : i32
    %c0_i32_1 = arith.constant 0 : i32
    return %arg0, %c0_i32, %c0_i32_0 : i32, i32, i32
  }
  func.func @transform_3(%arg0: i32) -> (i32, i32, i32) {
    %c0_i32 = arith.constant 0 : i32
    %c0_i32_0 = arith.constant 0 : i32
    %c0_i32_1 = arith.constant 0 : i32
    return %arg0, %c0_i32, %c0_i32_0 : i32, i32, i32
  }
}

</mosaic_0001>

<sc_bundles>
// kernel: kernel.4.cloned.1.call-start
scs
__scs_entry_jumppad:
0x0: {  	(pc) =	sbr.rel $0x88, $3  }
0x1: {  	(tag) =	ssettag $0x0;
	lr =	simm.s32 $0x1  }
0x2: {  	[smem:$0x3F9F] =	sst lr;
	_ =	strace $0xD0000000  }
0x3: {  	_ = 	snop  }
0x4: {  	_ = 	snop  }
0x5: {  	_ = 	snop  }
0x6: {  	_ = 	snop  }
0x7: {  	_ = 	snop  }
__scs_overlays_trampoline_lowered:
0x8: {  	[smem:$0x3FAE] =	sst s0  }
0x9: {  	[smem:$0x3FAF] =	sst s1  }
0xa: {  	[smem:$0x3FB0] =	sst s2  }
0xb: {  	[smem:$0x3FB1] =	sst s3  }
0xc: {  	[smem:$0x3FB2] =	sst s4  }
0xd: {  	[smem:$0x3FB3] =	sst s5  }
0xe: {  	[smem:$0x3FB4] =	sst s6  }
0xf: {  	[smem:$0x3FB5] =	sst s7  }
0x10: {  	[smem:$0x3FB6] =	sst s8  }
0x11: {  	[smem:$0x3FB7] =	sst s9;
	s0 =	simm.s32 @!p0 $0x0  }
0x12: {  	s1 =	sld [smem:$0x3F9D];
	s0 =	simm.s32 @p0 $0x1  }
0x13: {  	[smem:$0x3FB8] =	sst s0;
	s0 =	simm.s32 @!p1 $0x0  }
0x14: {  	s2 =	sld [smem:$0x3F9C];
	s0 =	simm.s32 @p1 $0x1  }
0x15: {  	[smem:$0x3FB9] =	sst s0;
	s0 =	simm.s32 @!p2 $0x0  }
0x16: {  	s3 =	sld [smem:$0x3FDB];
	s0 =	simm.s32 @p2 $0x1  }
0x17: {  	s4 =	simm.s32 $0x1BF5;
	[smem:$0x3FBB] =	sst s0  }
0x18: {  	s0 =	sld [smem:$0x3F9E];
	_ =	swait.ge [sflag:s4], $0x0  }
0x19: {  	s7 =	sld [smem:$0x3F9F]  }
0x1a: {  	s8 =	sadd.s32 $0xFFFFE003, lr  }
0x1b: {  	s9 =	sadd.s32 $0xFFFFFEF7, lr;
	s5 =	simm.s32 $0xFFFFFFFF;
	p2 =	slt.u32 s8, $0xFFFFF086  }
0x1c: {  	p1 =	slt.u32 s9, $0xF7A;
	s5 =	simm.s32 @!p2 $0x0  }
0x1d: {  	s5 =	simm.s32 @p1 $0x1;
	p0 =	seq.s32 s7, s2  }
0x1e: {  	s7 =	smul.u32 @!p0 $0xF7A, s2;
	p2 =	seq.s32 @!p0 s5, $0x0  }
0x1f: {  	s9 =	smul.u32 $0xF7A, s1;
	s8 =	simm.s32 @!p0 $0x1BF5;
	p2 =	por !p2, p0  }
0x20: {  	[sflag:s8] =	ssyncset.s32 @!p0 $0xFFFFF086;
	s6 =	sadd.s32 @!p0 s3, s7;
	s7 =	simm.s32 @!p0 $0x108  }
0x21: {  	s3 =	sadd.s32 s3, s9;
	s6 =	sadd.s32 @!p0 $0x88, s6;
	s7 =	simm.s32 @p2 $0x1082  }
0x22: {  	[simem:s7], [sflag:s8] =	dma.local @!p0 [hbm:s6], $0xF7A  }
0x23: {  	s9 =	sor.u32 $0xD0000000, s2;
	s6 =	simm.s32 $0x108;
	_ =	swait.ge @!p0 [sflag:s8], $0x0  }
0x24: {  	s3 =	sadd.s32 $0x88, s3;
	s6 =	simm.s32 @!p1 $0x1082;
	[sflag:s4] =	ssyncset.s32 $0xFFFFF086  }
0x25: {  	[simem:s6], [sflag:s4] =	dma.local [hbm:s3], $0xF7A  }
0x26: {  	[smem:$0x3F9F] =	sst s1;
	(tag) =	ssettag s2;
	_ =	strace s9  }
0x27: {  	s1 =	sld [smem:$0x3FAF]  }
0x28: {  	s2 =	sld [smem:$0x3FB0]  }
0x29: {  	s4 =	sld [smem:$0x3FB2]  }
0x2a: {  	p0 =	seq.s32 s5, $0x0;
	s5 =	sld [smem:$0x3FB3]  }
0x2b: {  	s6 =	sld [smem:$0x3FB4]  }
0x2c: {  	s7 =	sld [smem:$0x3FB5]  }
0x2d: {  	s3 =	simm.s32 $0x108;
	s8 =	sld [smem:$0x3FB6]  }
0x2e: {  	s3 =	simm.s32 @!p0 $0x1082;
	s9 =	sld [smem:$0x3FB7]  }
0x2f: {  	lr =	sadd.s32 s0, s3;
	s0 =	sld [smem:$0x3FAE]  }
0x30: {  	s3 =	sld [smem:$0x3FB1]  }
0x31: {  	[smem:$0x3FBA] =	sst s10  }
0x32: {  	s10 =	sld [smem:$0x3FB8];
	_ =	sdelay $0x3  }
0x33: {  	p0 =	seq.s32 s10, $0x1;
	s10 =	sld [smem:$0x3FBA];
	_ =	sdelay $0x3  }
0x34: {  	[smem:$0x3FBA] =	sst s10  }
0x35: {  	s10 =	sld [smem:$0x3FB9];
	_ =	sdelay $0x3  }
0x36: {  	p1 =	seq.s32 s10, $0x1;
	s10 =	sld [smem:$0x3FBA];
	_ =	sdelay $0x3  }
0x37: {  	[smem:$0x3FBA] =	sst s10  }
0x38: {  	s10 =	sld [smem:$0x3FBB]  }
0x39: {  	_ = 	snop;
	(pc) =	sbr.ind lr, $3  }
0x3a: {  	_ = 	snop  }
0x3b: {  	_ = 	snop  }
0x3c: {  	p2 =	seq.s32 s10, $0x1;
	s10 =	sld [smem:$0x3FBA]  }
0x3d: {  	_ =	shalt  }
0x3e: {  	_ =	shalt  }
0x3f: {  	_ =	shalt  }
0x40: {  	_ =	shalt  }
0x41: {  	_ =	shalt  }
0x42: {  	_ =	shalt  }
0x43: {  	_ =	shalt  }
0x44: {  	_ =	shalt  }
0x45: {  	_ =	shalt  }
0x46: {  	_ =	shalt  }
0x47: {  	_ =	shalt  }
0x48: {  	_ =	shalt  }
0x49: {  	_ =	shalt  }
0x4a: {  	_ =	shalt  }
0x4b: {  	_ =	shalt  }
0x4c: {  	_ =	shalt  }
0x4d: {  	_ =	shalt  }
0x4e: {  	_ =	shalt  }
0x4f: {  	_ =	shalt  }
0x50: {  	_ =	shalt  }
0x51: {  	_ =	shalt  }
0x52: {  	_ =	shalt  }
0x53: {  	_ =	shalt  }
0x54: {  	_ =	shalt  }
0x55: {  	_ =	shalt  }
0x56: {  	_ =	shalt  }
0x57: {  	_ =	shalt  }
0x58: {  	_ =	shalt  }
0x59: {  	_ =	shalt  }
0x5a: {  	_ =	shalt  }
0x5b: {  	_ =	shalt  }
0x5c: {  	_ =	shalt  }
0x5d: {  	_ =	shalt  }
0x5e: {  	_ =	shalt  }
0x5f: {  	_ =	shalt  }
0x60: {  	_ =	shalt  }
0x61: {  	_ =	shalt  }
0x62: {  	_ =	shalt  }
0x63: {  	_ =	shalt  }
0x64: {  	_ =	shalt  }
0x65: {  	_ =	shalt  }
0x66: {  	_ =	shalt  }
0x67: {  	_ =	shalt  }
0x68: {  	_ =	shalt  }
0x69: {  	_ =	shalt  }
0x6a: {  	_ =	shalt  }
0x6b: {  	_ =	shalt  }
0x6c: {  	_ =	shalt  }
0x6d: {  	_ =	shalt  }
0x6e: {  	_ =	shalt  }
0x6f: {  	_ =	shalt  }
0x70: {  	_ =	shalt  }
0x71: {  	_ =	shalt  }
0x72: {  	_ =	shalt  }
0x73: {  	_ =	shalt  }
0x74: {  	_ =	shalt  }
0x75: {  	_ =	shalt  }
0x76: {  	_ =	shalt  }
0x77: {  	_ =	shalt  }
0x78: {  	_ =	shalt  }
0x79: {  	_ =	shalt  }
0x7a: {  	_ =	shalt  }
0x7b: {  	_ =	shalt  }
0x7c: {  	_ =	shalt  }
0x7d: {  	_ =	shalt  }
0x7e: {  	_ =	shalt  }
0x7f: {  	_ =	shalt  }
0x80: {  	_ =	shalt  }
0x81: {  	_ =	shalt  }
0x82: {  	_ =	shalt  }
0x83: {  	_ =	shalt  }
0x84: {  	_ =	shalt  }
0x85: {  	_ =	shalt  }
0x86: {  	_ =	shalt  }
0x87: {  	_ =	shalt  }
.Lfunc_end0:
.L_simem_size_0:
called_computation_lowered:
.L_overlay_start_0:
0x88: {  	s2 =	sld [smem:$0x3FD9]  }
0x89: {  	s3 =	sld [smem:$0x3FFE];
	_ =	sdelay $0x1  }
0x8a: {  	s1 =	srdreg.scid  }
0x8b: {  	s0 =	sand.u32 $0x1, s1  }
0x8c: {  	s14 =	sshll.u32 s0, $0xA;
	s2 =	sadd.s32 s3, s2  }
0x8d: {  	s2 =	sadd.s32 s2, s14  }
0x8e: {  	[smem:$0x3FC6] =	sst s2  }
0x8f: {  	_ = 	snop  }
0x90: {  	s2 =	sld [smem:$0x3FD0];
	_ =	sdelay $0x2  }
0x91: {  	s4 =	simm.s32 $0xA;
	s5 =	simm.s32 $0x10;
	s15 =	sld [smem:$0x3FC8]  }
0x92: {  	[smem:s5], [sflag:s4] =	dma.local [hbm:s2], $0x1  }
0x93: {  	_ =	swait.eq [sflag:s4], $0x1  }
0x94: {  	[sflag:s4] =	ssyncset.done $0x0  }
0x95: {  	[sflag:s4] =	ssyncadd.s32 $0xFFFFFFFF  }
0x96: {  	s16 =	sld [smem:$0x10];
	(tm) =	ssettm $0x1  }
0x97: {  	s17 =	sld [smem:$0x3FFB];
	_ =	sdelay $0x3  }
0x98: {  	_ =	strace s17  }
0x99: {  	s4 =	sld [smem:$0x3FFC];
	_ =	sdelay $0x3  }
0x9a: {  	_ =	strace s4  }
0x9b: {  	s4 =	sld [smem:$0x3FFD];
	_ =	sdelay $0x3  }
0x9c: {  	_ =	strace s4  }
0x9d: {  	_ =	strace $0x8FFFFFFF  }
0x9e: {  	s18 =	sld [smem:$0x3FDB];
	_ =	sdelay $0x1  }
0x9f: {  	s19 =	simm.s32 $_scs_section_size  }
0xa0: {  	s6 =	simm.s32 $_size__tile_overlayer_lowered;
	s7 =	simm.s32 $_tile_overlayer_lowered  }
0xa1: {  	s22 =	simm.s32 $0x1BFF;
	s21 =	sshll.u32 s7, $0x1;
	s4 =	sadd.s32 s19, s18  }
0xa2: {  	s8 =	simm.s32 $0x0;
	s20 =	sshll.u32 s6, $0x1;
	s6 =	sadd.s32 s21, s4  }
0xa3: {  	[timem:s8], [sflag:s22] =	dma.local [hbm:s6], s20  }
0xa4: {  	_ =	swait.ge [sflag:s22], s20  }
0xa5: {  	s5 =	ssub.s32 $0x0, s20;
	[sflag:s22] =	ssyncset.done $0x0  }
0xa6: {  	[sflag:s22] =	ssyncadd.s32 s5;
	_ =	sdelay $0x1  }
0xa7: {  	s23 =	simm.s32 $0x1B8B  }
0xa8: {  	_ =	swait.ge [sflag:s23], $0x1  }
0xa9: {  	[sflag:s23] =	ssyncset.done $0x0  }
0xaa: {  	s25 =	simm.s32 $0x1B8E;
	s24 =	sld [smem:$0x3FFE];
	[sflag:s23] =	ssyncadd.s32 $0xFFFFFFFF  }
0xab: {  	s26 =	simm.s32 $execute0_lowered;
	[smem:$0x3FD2] =	sst s25  }
0xac: {  	s6 =	sshll.u32 s26, $0x1;
	_ =	strace $0x80000046;
	[dreg:$0x1] =	wrdreg $0xFFFFFFFF  }
0xad: {  	s28 =	simm.s32 $_size_execute0_lowered;
	s4 =	sadd.s32 s4, s6;
	[dreg:$0x0] =	wrdreg $0x0  }
0xae: {  	s6 =	sshll.u32 s28, $0x1;
	[dreg:$0x2] =	wrdreg s4  }
0xaf: {  	[dreg:$0x3] =	wrdreg s6  }
0xb0: {  	[dreg:$0x4] =	wrdreg $0xC0  }
0xb1: {  	_ =	task [dreg:s8], $0x5FFFF  }
0xb2: {  	[dreg:$0x1] =	wrdreg $0xFFFFFFFF  }
0xb3: {  	[dreg:$0x0] =	wrdreg $0x60  }
0xb4: {  	[dreg:$0x2] =	wrdreg s15  }
0xb5: {  	[dreg:$0x3] =	wrdreg s24  }
0xb6: {  	[dreg:$0x4] =	wrdreg s16  }
0xb7: {  	[dreg:$0x5] =	wrdreg $0x9  }
0xb8: {  	_ =	task.clear_ibuf [dreg:s8], $0x6FFFF;
	_ =	strace $0x90000046  }
0xb9: {  	s29 =	simm.s32 $0x9;
	_ =	strace $0x80000048  }
0xba: {  	_ =	swait.ge [sflag:s29], $0x1  }
0xbb: {  	[sflag:s29] =	ssyncadd.s32 $0xFFFFFFFF  }
0xbc: {  	_ =	strace $0x90000048  }
0xbd: {  	_ =	sfence  }
0xbe: {  	s30 =	sld [smem:$0x0];
	_ =	sdelay $0x2  }
0xbf: {  	s31 =	sshll.u32 s1, $0xD;
	s1 =	sshrl.u32 s1, $0x2  }
0xc0: {  	s3 =	sand.u32 $0x4000, s31;
	s1 =	sadd.s32 s1, s30  }
0xc1: {  	s0 =	sor.u32 s3, s0;
	s1 =	sshll.u32 s1, $0x11  }
0xc2: {  	s0 =	sor.u32 s1, s0  }
0xc3: {  	s0 =	sadd.s32 $0x8F2B, s0  }
0xc4: {  	[sflag:s0] =	ssyncadd.remote.s32 $0x1  }
0xc5: {  	_ =	sfence.sel $0xFFFF  }
0xc6: {  	[dreg:$0x0] =	wrdreg $0xFFFFFFFF;
	(pc) =	sbr.abs _section_cstart, $3  }
0xc7: {  	[dreg:$0x1] =	wrdreg $0xFFFFFFFF  }
0xc8: {  	_ =	task.clear_ibuf [dreg:s8], $0x2FFFF;
	_ =	strace $0x9FFFFFFF  }
0xc9: {  	(tm) =	ssettm $0x7FFFFFFF  }
tec
execute0_lowered:
.L_overlay_start_1:
0x0: {  	(tag) =	ssettag $0x1  }
0x1: {  	s1 =	rddreg [dreg:$0x0]  }
0x2: {  	s0 =	rddreg [dreg:$0x1]  }
0x3: {  	s2 =	rddreg [dreg:$0x2];
	s3 =	simm.s32 $0x0;
	s4 =	srdreg.scid  }
0x4: {  	s5 =	stileid.u32;
	s28 =	simm.s32 $0x100;
	s12 =	simm.s32 $0x1  }
0x5: {  	[smem:$0x7FF] =	sst s3;
	s4 =	sand.u32 $0x1, s4;
	s5 =	sshll.u32 s5, $0x1  }
0x6: {  	s0 =	sadd.s32 $0x80E00, s0;
	_ =	strace $0x80000047;
	s5 =	sor.u32 s4, s5  }
0x7: {  	s4 =	ssub.s32 $0x2, s4;
	s6 =	sshll.u32 s5, $0x7;
	s7 =	sshll.u32 s5, $0xA  }
0x8: {  	s5 =	sshll.u32 s5, $0xF;
	s24 =	sshrl.u32 s4, $0x1;
	s6 =	sadd.s32 s0, s6  }
0x9: {  	s8 =	sor.u32 $0x100, s7;
	s5 =	sadd.s32 s2, s5;
	s23 =	sor.u32 $0x200, s7  }
0xa: {  	s7 =	sor.u32 $0x300, s7;
	[dreg:$0x4] =	wrdreg s6;
	s19 =	sshrl.u32 s8, $0x3  }
0xb: {  	[dreg:$0x5] =	wrdreg s5;
	s21 =	sshll.u32 s8, $0x5;
	s20 =	sadd.s32 s0, s19  }
0xc: {  	s25 =	sshrl.u32 s23, $0x3;
	s22 =	sadd.s32 s2, s21;
	[dreg:$0x6] =	wrdreg s20  }
0xd: {  	s6 =	sshll.u32 s23, $0x5;
	s5 =	sadd.s32 s0, s25;
	[dreg:$0x7] =	wrdreg s22  }
0xe: {  	s29 =	sshrl.u32 s7, $0x3;
	s26 =	sadd.s32 s2, s6;
	[dreg:$0x8] =	wrdreg s5  }
0xf: {  	v2 =	vlaneseq.u32;
	s30 =	sshll.u32 s7, $0x5;
	s0 =	sadd.s32 s0, s29;
	[dreg:$0x9] =	wrdreg s26  }
0x10: {  	vm0 =	vmmov $0xffff;
	v1 =	vshrl.u32 v2, $0x3;
	s4 =	ssub.s32 s4, s24;
	s31 =	sadd.s32 s2, s30;
	[dreg:$0xa] =	wrdreg s0  }
0x11: {  	v0 =	vand.u32 $0x7, v2;
	v2 =	vor.u32 $0x8, v2;
	v1 =	vmul.u32 $0x8, v1;
	s4 =	smax.u32 s4, $0x1;
	[dreg:$0xb] =	wrdreg s31;
	s5 =	simm.s32 $0x2  }
.LBB2_1:
0x12: {  	s13 =	rddreg [dreg:$0x4]  }
0x13: {  	[tilespmem:s3], [sflag:$0x2] =	stream.linear.gather [hbm4b:s13+s3], $0x100, $0x38;
	[tilespmem:$0x10100] =	vst v63  }
0x14: {  	_ =	swait.ge [sflag:s5], $0x100  }
0x15: {  	[sflag:s5] =	ssyncset.done $0x0  }
0x16: {  	[sflag:s5] =	ssyncadd.s32 $0xFFFFFF00  }
0x17: {  	v3 =	vld [tilespmem:$0x0];
	_ =	sdelay $0x4  }
0x18: {  	v4 =	vshll.u32 v3, $0x1  }
0x19: {  	v3 =	vand.u32 $0x7, v3;
	v4 =	vand.u32 $0xFFFFFFF0, v4  }
0x1a: {  	v3 =	vor.u32 v3, v4  }
0x1b: {  	v4 =	vperm.xlane v3, v0;
	_ =	sdelay $0x1  }
0x1c: {  	v3 =	vperm.xlane v3, v2;
	v4 =	vadd.s32 v1, v4;
	_ =	sdelay $0x1  }
0x1d: {  	v3 =	vadd.s32 v1, v3;
	_ =	sdelay $0x2  }
0x1e: {  	[tilespmem:s28], [sflag:$0x1] =	stream.indirect_vreg.gather [hbm4b:s1+s3], $0x80, v4, vm0, $0xb8;
	[tilespmem:$0x10100] =	vst v63  }
0x1f: {  	s0 =	simm.s32 $0x900  }
0x20: {  	[tilespmem:s0], [sflag:$0x1] =	stream.indirect_vreg.gather [hbm4b:s1+s3], $0x80, v3, vm0, $0xb8;
	[tilespmem:$0x10100] =	vst v63  }
0x21: {  	v3 =	vld [tilespmem:$0x10];
	_ =	sdelay $0x4  }
0x22: {  	v57 =	vshll.u32 v3, $0x1  }
0x23: {  	v3 =	vand.u32 $0x7, v3;
	v4 =	vand.u32 $0xFFFFFFF0, v57  }
0x24: {  	v3 =	vor.u32 v3, v4  }
0x25: {  	v4 =	vperm.xlane v3, v0;
	_ =	sdelay $0x1  }
0x26: {  	v3 =	vperm.xlane v3, v2;
	v4 =	vadd.s32 v1, v4;
	_ =	sdelay $0x1  }
0x27: {  	v3 =	vadd.s32 v1, v3;
	_ =	sdelay $0x1  }
0x28: {  	s7 =	simm.s32 $0x1100  }
0x29: {  	[tilespmem:s7], [sflag:$0x1] =	stream.indirect_vreg.gather [hbm4b:s1+s3], $0x80, v4, vm0, $0xb8;
	[tilespmem:$0x10100] =	vst v63  }
0x2a: {  	s8 =	simm.s32 $0x1900  }
0x2b: {  	[tilespmem:s8], [sflag:$0x1] =	stream.indirect_vreg.gather [hbm4b:s1+s3], $0x80, v3, vm0, $0xb8;
	[tilespmem:$0x10100] =	vst v63  }
0x2c: {  	v3 =	vld [tilespmem:$0x20];
	_ =	sdelay $0x4  }
0x2d: {  	v58 =	vshll.u32 v3, $0x1  }
0x2e: {  	v3 =	vand.u32 $0x7, v3;
	v4 =	vand.u32 $0xFFFFFFF0, v58  }
0x2f: {  	v3 =	vor.u32 v3, v4  }
0x30: {  	v4 =	vperm.xlane v3, v0;
	_ =	sdelay $0x1  }
0x31: {  	v3 =	vperm.xlane v3, v2;
	v4 =	vadd.s32 v1, v4;
	_ =	sdelay $0x1  }
0x32: {  	v3 =	vadd.s32 v1, v3;
	_ =	sdelay $0x1  }
0x33: {  	s9 =	simm.s32 $0x2100  }
0x34: {  	[tilespmem:s9], [sflag:$0x1] =	stream.indirect_vreg.gather [hbm4b:s1+s3], $0x80, v4, vm0, $0xb8;
	[tilespmem:$0x10100] =	vst v63  }
0x35: {  	s10 =	simm.s32 $0x2900  }
0x36: {  	[tilespmem:s10], [sflag:$0x1] =	stream.indirect_vreg.gather [hbm4b:s1+s3], $0x80, v3, vm0, $0xb8;
	[tilespmem:$0x10100] =	vst v63  }
0x37: {  	v3 =	vld [tilespmem:$0x30];
	_ =	sdelay $0x4  }
0x38: {  	v59 =	vshll.u32 v3, $0x1  }
0x39: {  	v3 =	vand.u32 $0x7, v3;
	v4 =	vand.u32 $0xFFFFFFF0, v59  }
0x3a: {  	v3 =	vor.u32 v3, v4  }
0x3b: {  	v4 =	vperm.xlane v3, v0;
	_ =	sdelay $0x1  }
0x3c: {  	v3 =	vperm.xlane v3, v2;
	v4 =	vadd.s32 v1, v4;
	_ =	sdelay $0x1  }
0x3d: {  	v3 =	vadd.s32 v1, v3;
	_ =	sdelay $0x1  }
0x3e: {  	s11 =	simm.s32 $0x3100  }
0x3f: {  	[tilespmem:s11], [sflag:$0x1] =	stream.indirect_vreg.gather [hbm4b:s1+s3], $0x80, v4, vm0, $0xb8;
	[tilespmem:$0x10100] =	vst v63  }
0x40: {  	s13 =	simm.s32 $0x3900  }
0x41: {  	[tilespmem:s13], [sflag:$0x1] =	stream.indirect_vreg.gather [hbm4b:s1+s3], $0x80, v3, vm0, $0xb8;
	[tilespmem:$0x10100] =	vst v63  }
0x42: {  	v3 =	vld [tilespmem:$0x40];
	_ =	sdelay $0x4  }
0x43: {  	v60 =	vshll.u32 v3, $0x1  }
0x44: {  	v3 =	vand.u32 $0x7, v3;
	v4 =	vand.u32 $0xFFFFFFF0, v60  }
0x45: {  	v3 =	vor.u32 v3, v4  }
0x46: {  	v4 =	vperm.xlane v3, v0;
	_ =	sdelay $0x1  }
0x47: {  	v3 =	vperm.xlane v3, v2;
	v4 =	vadd.s32 v1, v4;
	_ =	sdelay $0x1  }
0x48: {  	v3 =	vadd.s32 v1, v3;
	_ =	sdelay $0x1  }
0x49: {  	s14 =	simm.s32 $0x4100  }
0x4a: {  	[tilespmem:s14], [sflag:$0x1] =	stream.indirect_vreg.gather [hbm4b:s1+s3], $0x80, v4, vm0, $0xb8;
	[tilespmem:$0x10100] =	vst v63  }
0x4b: {  	s15 =	simm.s32 $0x4900  }
0x4c: {  	[tilespmem:s15], [sflag:$0x1] =	stream.indirect_vreg.gather [hbm4b:s1+s3], $0x80, v3, vm0, $0xb8;
	[tilespmem:$0x10100] =	vst v63  }
0x4d: {  	v3 =	vld [tilespmem:$0x50];
	_ =	sdelay $0x4  }
0x4e: {  	v61 =	vshll.u32 v3, $0x1  }
0x4f: {  	v3 =	vand.u32 $0x7, v3;
	v4 =	vand.u32 $0xFFFFFFF0, v61  }
0x50: {  	v3 =	vor.u32 v3, v4  }
0x51: {  	v4 =	vperm.xlane v3, v0;
	_ =	sdelay $0x1  }
0x52: {  	v3 =	vperm.xlane v3, v2;
	v4 =	vadd.s32 v1, v4;
	_ =	sdelay $0x1  }
0x53: {  	v3 =	vadd.s32 v1, v3;
	_ =	sdelay $0x1  }
0x54: {  	s16 =	simm.s32 $0x5100  }
0x55: {  	[tilespmem:s16], [sflag:$0x1] =	stream.indirect_vreg.gather [hbm4b:s1+s3], $0x80, v4, vm0, $0xb8;
	[tilespmem:$0x10100] =	vst v63  }
0x56: {  	s17 =	simm.s32 $0x5900  }
0x57: {  	[tilespmem:s17], [sflag:$0x1] =	stream.indirect_vreg.gather [hbm4b:s1+s3], $0x80, v3, vm0, $0xb8;
	[tilespmem:$0x10100] =	vst v63  }
0x58: {  	v3 =	vld [tilespmem:$0x60];
	_ =	sdelay $0x4  }
0x59: {  	v62 =	vshll.u32 v3, $0x1  }
0x5a: {  	v3 =	vand.u32 $0x7, v3;
	v4 =	vand.u32 $0xFFFFFFF0, v62  }
0x5b: {  	v3 =	vor.u32 v3, v4  }
0x5c: {  	v4 =	vperm.xlane v3, v0;
	_ =	sdelay $0x1  }
0x5d: {  	v3 =	vperm.xlane v3, v2;
	v4 =	vadd.s32 v1, v4;
	_ =	sdelay $0x1  }
0x5e: {  	v3 =	vadd.s32 v1, v3;
	_ =	sdelay $0x1  }
0x5f: {  	s18 =	simm.s32 $0x6100  }
0x60: {  	[tilespmem:s18], [sflag:$0x1] =	stream.indirect_vreg.gather [hbm4b:s1+s3], $0x80, v4, vm0, $0xb8;
	[tilespmem:$0x10100] =	vst v63  }
0x61: {  	s19 =	simm.s32 $0x6900  }
0x62: {  	[tilespmem:s19], [sflag:$0x1] =	stream.indirect_vreg.gather [hbm4b:s1+s3], $0x80, v3, vm0, $0xb8;
	[tilespmem:$0x10100] =	vst v63  }
0x63: {  	v3 =	vld [tilespmem:$0x70];
	_ =	sdelay $0x4  }
0x64: {  	v63 =	vshll.u32 v3, $0x1  }
0x65: {  	v3 =	vand.u32 $0x7, v3;
	v4 =	vand.u32 $0xFFFFFFF0, v63  }
0x66: {  	v3 =	vor.u32 v3, v4  }
0x67: {  	v4 =	vperm.xlane v3, v0;
	_ =	sdelay $0x1  }
0x68: {  	v3 =	vperm.xlane v3, v2;
	v4 =	vadd.s32 v1, v4;
	_ =	sdelay $0x1  }
0x69: {  	v3 =	vadd.s32 v1, v3;
	_ =	sdelay $0x1  }
0x6a: {  	s20 =	simm.s32 $0x7100  }
0x6b: {  	[tilespmem:s20], [sflag:$0x1] =	stream.indirect_vreg.gather [hbm4b:s1+s3], $0x80, v4, vm0, $0xb8;
	[tilespmem:$0x10100] =	vst v63  }
0x6c: {  	s21 =	simm.s32 $0x7900  }
0x6d: {  	[tilespmem:s21], [sflag:$0x1] =	stream.indirect_vreg.gather [hbm4b:s1+s3], $0x80, v3, vm0, $0xb8;
	[tilespmem:$0x10100] =	vst v63  }
0x6e: {  	v3 =	vld [tilespmem:$0x80];
	_ =	sdelay $0x4  }
0x6f: {  	v8 =	vshll.u32 v3, $0x1  }
0x70: {  	v3 =	vand.u32 $0x7, v3;
	v4 =	vand.u32 $0xFFFFFFF0, v8  }
0x71: {  	v3 =	vor.u32 v3, v4  }
0x72: {  	v4 =	vperm.xlane v3, v0;
	_ =	sdelay $0x1  }
0x73: {  	v3 =	vperm.xlane v3, v2;
	v4 =	vadd.s32 v1, v4;
	_ =	sdelay $0x1  }
0x74: {  	v3 =	vadd.s32 v1, v3;
	_ =	sdelay $0x1  }
0x75: {  	s22 =	simm.s32 $0x8100  }
0x76: {  	[tilespmem:s22], [sflag:$0x1] =	stream.indirect_vreg.gather [hbm4b:s1+s3], $0x80, v4, vm0, $0xb8;
	[tilespmem:$0x10100] =	vst v63  }
0x77: {  	s23 =	simm.s32 $0x8900  }
0x78: {  	[tilespmem:s23], [sflag:$0x1] =	stream.indirect_vreg.gather [hbm4b:s1+s3], $0x80, v3, vm0, $0xb8;
	[tilespmem:$0x10100] =	vst v63  }
0x79: {  	v3 =	vld [tilespmem:$0x90];
	_ =	sdelay $0x4  }
0x7a: {  	v9 =	vshll.u32 v3, $0x1  }
0x7b: {  	v3 =	vand.u32 $0x7, v3;
	v4 =	vand.u32 $0xFFFFFFF0, v9  }
0x7c: {  	v3 =	vor.u32 v3, v4  }
0x7d: {  	v4 =	vperm.xlane v3, v0;
	_ =	sdelay $0x1  }
0x7e: {  	v3 =	vperm.xlane v3, v2;
	v4 =	vadd.s32 v1, v4;
	_ =	sdelay $0x1  }
0x7f: {  	v3 =	vadd.s32 v1, v3;
	_ =	sdelay $0x1  }
0x80: {  	s24 =	simm.s32 $0x9100  }
0x81: {  	[tilespmem:s24], [sflag:$0x1] =	stream.indirect_vreg.gather [hbm4b:s1+s3], $0x80, v4, vm0, $0xb8;
	[tilespmem:$0x10100] =	vst v63  }
0x82: {  	s25 =	simm.s32 $0x9900  }
0x83: {  	[tilespmem:s25], [sflag:$0x1] =	stream.indirect_vreg.gather [hbm4b:s1+s3], $0x80, v3, vm0, $0xb8;
	[tilespmem:$0x10100] =	vst v63  }
0x84: {  	v3 =	vld [tilespmem:$0xA0];
	_ =	sdelay $0x4  }
0x85: {  	v10 =	vshll.u32 v3, $0x1  }
0x86: {  	v3 =	vand.u32 $0x7, v3;
	v4 =	vand.u32 $0xFFFFFFF0, v10  }
0x87: {  	v3 =	vor.u32 v3, v4  }
0x88: {  	v4 =	vperm.xlane v3, v0;
	_ =	sdelay $0x1  }
0x89: {  	v3 =	vperm.xlane v3, v2;
	v4 =	vadd.s32 v1, v4;
	_ =	sdelay $0x1  }
0x8a: {  	v3 =	vadd.s32 v1, v3;
	_ =	sdelay $0x1  }
0x8b: {  	s26 =	simm.s32 $0xA100  }
0x8c: {  	[tilespmem:s26], [sflag:$0x1] =	stream.indirect_vreg.gather [hbm4b:s1+s3], $0x80, v4, vm0, $0xb8;
	[tilespmem:$0x10100] =	vst v63  }
0x8d: {  	s29 =	simm.s32 $0xA900  }
0x8e: {  	[tilespmem:s29], [sflag:$0x1] =	stream.indirect_vreg.gather [hbm4b:s1+s3], $0x80, v3, vm0, $0xb8;
	[tilespmem:$0x10100] =	vst v63  }
0x8f: {  	v3 =	vld [tilespmem:$0xB0];
	_ =	sdelay $0x4  }
0x90: {  	v11 =	vshll.u32 v3, $0x1  }
0x91: {  	v3 =	vand.u32 $0x7, v3;
	v4 =	vand.u32 $0xFFFFFFF0, v11  }
0x92: {  	v3 =	vor.u32 v3, v4  }
0x93: {  	v4 =	vperm.xlane v3, v0;
	_ =	sdelay $0x1  }
0x94: {  	v3 =	vperm.xlane v3, v2;
	v4 =	vadd.s32 v1, v4;
	_ =	sdelay $0x1  }
0x95: {  	v3 =	vadd.s32 v1, v3;
	_ =	sdelay $0x1  }
0x96: {  	s30 =	simm.s32 $0xB100  }
0x97: {  	[tilespmem:s30], [sflag:$0x1] =	stream.indirect_vreg.gather [hbm4b:s1+s3], $0x80, v4, vm0, $0xb8;
	[tilespmem:$0x10100] =	vst v63  }
0x98: {  	s31 =	simm.s32 $0xB900  }
0x99: {  	[tilespmem:s31], [sflag:$0x1] =	stream.indirect_vreg.gather [hbm4b:s1+s3], $0x80, v3, vm0, $0xb8;
	[tilespmem:$0x10100] =	vst v63  }
0x9a: {  	v3 =	vld [tilespmem:$0xC0];
	_ =	sdelay $0x4  }
0x9b: {  	v12 =	vshll.u32 v3, $0x1  }
0x9c: {  	v3 =	vand.u32 $0x7, v3;
	v4 =	vand.u32 $0xFFFFFFF0, v12  }
0x9d: {  	v3 =	vor.u32 v3, v4  }
0x9e: {  	v4 =	vperm.xlane v3, v0;
	_ =	sdelay $0x1  }
0x9f: {  	v3 =	vperm.xlane v3, v2;
	v4 =	vadd.s32 v1, v4;
	_ =	sdelay $0x1  }
0xa0: {  	v3 =	vadd.s32 v1, v3;
	_ =	sdelay $0x1  }
0xa1: {  	s9 =	simm.s32 $0xC100  }
0xa2: {  	[tilespmem:s9], [sflag:$0x1] =	stream.indirect_vreg.gather [hbm4b:s1+s3], $0x80, v4, vm0, $0xb8;
	[tilespmem:$0x10100] =	vst v63  }
0xa3: {  	s11 =	simm.s32 $0xC900  }
0xa4: {  	[tilespmem:s11], [sflag:$0x1] =	stream.indirect_vreg.gather [hbm4b:s1+s3], $0x80, v3, vm0, $0xb8;
	[tilespmem:$0x10100] =	vst v63  }
0xa5: {  	v3 =	vld [tilespmem:$0xD0];
	_ =	sdelay $0x4  }
0xa6: {  	v13 =	vshll.u32 v3, $0x1  }
0xa7: {  	v3 =	vand.u32 $0x7, v3;
	v4 =	vand.u32 $0xFFFFFFF0, v13  }
0xa8: {  	v3 =	vor.u32 v3, v4  }
0xa9: {  	v4 =	vperm.xlane v3, v0;
	_ =	sdelay $0x1  }
0xaa: {  	v3 =	vperm.xlane v3, v2;
	v4 =	vadd.s32 v1, v4;
	_ =	sdelay $0x1  }
0xab: {  	v3 =	vadd.s32 v1, v3;
	_ =	sdelay $0x1  }
0xac: {  	s14 =	simm.s32 $0xD100  }
0xad: {  	[tilespmem:s14], [sflag:$0x1] =	stream.indirect_vreg.gather [hbm4b:s1+s3], $0x80, v4, vm0, $0xb8;
	[tilespmem:$0x10100] =	vst v63  }
0xae: {  	s15 =	simm.s32 $0xD900  }
0xaf: {  	[tilespmem:s15], [sflag:$0x1] =	stream.indirect_vreg.gather [hbm4b:s1+s3], $0x80, v3, vm0, $0xb8;
	[tilespmem:$0x10100] =	vst v63  }
0xb0: {  	v3 =	vld [tilespmem:$0xE0];
	_ =	sdelay $0x4  }
0xb1: {  	v14 =	vshll.u32 v3, $0x1  }
0xb2: {  	v3 =	vand.u32 $0x7, v3;
	v4 =	vand.u32 $0xFFFFFFF0, v14  }
0xb3: {  	v3 =	vor.u32 v3, v4  }
0xb4: {  	v4 =	vperm.xlane v3, v0;
	_ =	sdelay $0x1  }
0xb5: {  	v3 =	vperm.xlane v3, v2;
	v4 =	vadd.s32 v1, v4;
	_ =	sdelay $0x1  }
0xb6: {  	v3 =	vadd.s32 v1, v3;
	_ =	sdelay $0x1  }
0xb7: {  	s16 =	simm.s32 $0xE100  }
0xb8: {  	[tilespmem:s16], [sflag:$0x1] =	stream.indirect_vreg.gather [hbm4b:s1+s3], $0x80, v4, vm0, $0xb8;
	[tilespmem:$0x10100] =	vst v63  }
0xb9: {  	s18 =	simm.s32 $0xE900  }
0xba: {  	[tilespmem:s18], [sflag:$0x1] =	stream.indirect_vreg.gather [hbm4b:s1+s3], $0x80, v3, vm0, $0xb8;
	[tilespmem:$0x10100] =	vst v63  }
0xbb: {  	v3 =	vld [tilespmem:$0xF0];
	_ =	sdelay $0x4  }
0xbc: {  	v15 =	vshll.u32 v3, $0x1  }
0xbd: {  	v3 =	vand.u32 $0x7, v3;
	v4 =	vand.u32 $0xFFFFFFF0, v15  }
0xbe: {  	v3 =	vor.u32 v3, v4  }
0xbf: {  	v4 =	vperm.xlane v3, v0;
	_ =	sdelay $0x1  }
0xc0: {  	v3 =	vperm.xlane v3, v2;
	v4 =	vadd.s32 v1, v4;
	_ =	sdelay $0x1  }
0xc1: {  	v3 =	vadd.s32 v1, v3;
	_ =	sdelay $0x1  }
0xc2: {  	s19 =	simm.s32 $0xF100  }
0xc3: {  	[tilespmem:s19], [sflag:$0x1] =	stream.indirect_vreg.gather [hbm4b:s1+s3], $0x80, v4, vm0, $0xb8;
	[tilespmem:$0x10100] =	vst v63  }
0xc4: {  	s20 =	simm.s32 $0xF900  }
0xc5: {  	[tilespmem:s20], [sflag:$0x1] =	stream.indirect_vreg.gather [hbm4b:s1+s3], $0x80, v3, vm0, $0xb8;
	[tilespmem:$0x10100] =	vst v63  }
0xc6: {  	_ =	swait.ge [sflag:s12], $0x10000  }
0xc7: {  	[sflag:s12] =	ssyncset.done $0x0  }
0xc8: {  	s21 =	rddreg [dreg:$0x5];
	[sflag:s12] =	ssyncadd.s32 $0xFFFF0000  }
0xc9: {  	[hbm4b:s21+s3] =	stream.linear.scatter [tilespmem:s28], [sflag:$0x2], $0x10000, $0x38;
	[tilespmem:$0x10100] =	vst v63  }
0xca: {  	_ =	swait.ge [sflag:s5], $0x10000  }
0xcb: {  	[sflag:s5] =	ssyncset.done $0x0  }
0xcc: {  	s22 =	rddreg [dreg:$0x6];
	[sflag:s5] =	ssyncadd.s32 $0xFFFF0000  }
0xcd: {  	[tilespmem:s3], [sflag:$0x2] =	stream.linear.gather [hbm4b:s22+s3], $0x100, $0x38;
	[tilespmem:$0x10100] =	vst v63  }
0xce: {  	_ =	swait.ge [sflag:s5], $0x100  }
0xcf: {  	[sflag:s5] =	ssyncset.done $0x0  }
0xd0: {  	[sflag:s5] =	ssyncadd.s32 $0xFFFFFF00  }
0xd1: {  	v3 =	vld [tilespmem:$0x0];
	_ =	sdelay $0x4  }
0xd2: {  	v16 =	vshll.u32 v3, $0x1  }
0xd3: {  	v3 =	vand.u32 $0x7, v3;
	v4 =	vand.u32 $0xFFFFFFF0, v16  }
0xd4: {  	v3 =	vor.u32 v3, v4  }
0xd5: {  	v4 =	vperm.xlane v3, v0;
	_ =	sdelay $0x1  }
0xd6: {  	v3 =	vperm.xlane v3, v2;
	v4 =	vadd.s32 v1, v4;
	_ =	sdelay $0x1  }
0xd7: {  	v3 =	vadd.s32 v1, v3;
	_ =	sdelay $0x2  }
0xd8: {  	[tilespmem:s28], [sflag:$0x1] =	stream.indirect_vreg.gather [hbm4b:s1+s3], $0x80, v4, vm0, $0xb8;
	[tilespmem:$0x10100] =	vst v63  }
0xd9: {  	s6 =	simm.s32 $0x900  }
0xda: {  	[tilespmem:s6], [sflag:$0x1] =	stream.indirect_vreg.gather [hbm4b:s1+s3], $0x80, v3, vm0, $0xb8;
	[tilespmem:$0x10100] =	vst v63  }
0xdb: {  	v3 =	vld [tilespmem:$0x10];
	_ =	sdelay $0x4  }
0xdc: {  	v17 =	vshll.u32 v3, $0x1  }
0xdd: {  	v3 =	vand.u32 $0x7, v3;
	v4 =	vand.u32 $0xFFFFFFF0, v17  }
0xde: {  	v3 =	vor.u32 v3, v4  }
0xdf: {  	v4 =	vperm.xlane v3, v0;
	_ =	sdelay $0x1  }
0xe0: {  	v3 =	vperm.xlane v3, v2;
	v4 =	vadd.s32 v1, v4;
	_ =	sdelay $0x1  }
0xe1: {  	v3 =	vadd.s32 v1, v3;
	_ =	sdelay $0x1  }
0xe2: {  	s2 =	simm.s32 $0x1100  }
0xe3: {  	[tilespmem:s2], [sflag:$0x1] =	stream.indirect_vreg.gather [hbm4b:s1+s3], $0x80, v4, vm0, $0xb8;
	[tilespmem:$0x10100] =	vst v63  }
0xe4: {  	s8 =	simm.s32 $0x1900  }
0xe5: {  	[tilespmem:s8], [sflag:$0x1] =	stream.indirect_vreg.gather [hbm4b:s1+s3], $0x80, v3, vm0, $0xb8;
	[tilespmem:$0x10100] =	vst v63  }
0xe6: {  	v3 =	vld [tilespmem:$0x20];
	_ =	sdelay $0x4  }
0xe7: {  	v18 =	vshll.u32 v3, $0x1  }
0xe8: {  	v3 =	vand.u32 $0x7, v3;
	v4 =	vand.u32 $0xFFFFFFF0, v18  }
0xe9: {  	v3 =	vor.u32 v3, v4  }
0xea: {  	v4 =	vperm.xlane v3, v0;
	_ =	sdelay $0x1  }
0xeb: {  	v3 =	vperm.xlane v3, v2;
	v4 =	vadd.s32 v1, v4;
	_ =	sdelay $0x1  }
0xec: {  	v3 =	vadd.s32 v1, v3;
	_ =	sdelay $0x1  }
0xed: {  	s6 =	simm.s32 $0x2100  }
0xee: {  	[tilespmem:s6], [sflag:$0x1] =	stream.indirect_vreg.gather [hbm4b:s1+s3], $0x80, v4, vm0, $0xb8;
	[tilespmem:$0x10100] =	vst v63  }
0xef: {  	s9 =	simm.s32 $0x2900  }
0xf0: {  	[tilespmem:s9], [sflag:$0x1] =	stream.indirect_vreg.gather [hbm4b:s1+s3], $0x80, v3, vm0, $0xb8;
	[tilespmem:$0x10100] =	vst v63  }
0xf1: {  	v3 =	vld [tilespmem:$0x30];
	_ =	sdelay $0x4  }
0xf2: {  	v19 =	vshll.u32 v3, $0x1  }
0xf3: {  	v3 =	vand.u32 $0x7, v3;
	v4 =	vand.u32 $0xFFFFFFF0, v19  }
0xf4: {  	v3 =	vor.u32 v3, v4  }
0xf5: {  	v4 =	vperm.xlane v3, v0;
	_ =	sdelay $0x1  }
0xf6: {  	v3 =	vperm.xlane v3, v2;
	v4 =	vadd.s32 v1, v4;
	_ =	sdelay $0x1  }
0xf7: {  	v3 =	vadd.s32 v1, v3;
	_ =	sdelay $0x1  }
0xf8: {  	s7 =	simm.s32 $0x3100  }
0xf9: {  	[tilespmem:s7], [sflag:$0x1] =	stream.indirect_vreg.gather [hbm4b:s1+s3], $0x80, v4, vm0, $0xb8;
	[tilespmem:$0x10100] =	vst v63  }
0xfa: {  	s10 =	simm.s32 $0x3900  }
0xfb: {  	[tilespmem:s10], [sflag:$0x1] =	stream.indirect_vreg.gather [hbm4b:s1+s3], $0x80, v3, vm0, $0xb8;
	[tilespmem:$0x10100] =	vst v63  }
0xfc: {  	v3 =	vld [tilespmem:$0x40];
	_ =	sdelay $0x4  }
0xfd: {  	v20 =	vshll.u32 v3, $0x1  }
0xfe: {  	v3 =	vand.u32 $0x7, v3;
	v4 =	vand.u32 $0xFFFFFFF0, v20  }
0xff: {  	v3 =	vor.u32 v3, v4  }
0x100: {  	v4 =	vperm.xlane v3, v0;
	_ =	sdelay $0x1  }
0x101: {  	v3 =	vperm.xlane v3, v2;
	v4 =	vadd.s32 v1, v4;
	_ =	sdelay $0x1  }
0x102: {  	v3 =	vadd.s32 v1, v3;
	_ =	sdelay $0x1  }
0x103: {  	s10 =	simm.s32 $0x4100  }
0x104: {  	[tilespmem:s10], [sflag:$0x1] =	stream.indirect_vreg.gather [hbm4b:s1+s3], $0x80, v4, vm0, $0xb8;
	[tilespmem:$0x10100] =	vst v63  }
0x105: {  	s11 =	simm.s32 $0x4900  }
0x106: {  	[tilespmem:s11], [sflag:$0x1] =	stream.indirect_vreg.gather [hbm4b:s1+s3], $0x80, v3, vm0, $0xb8;
	[tilespmem:$0x10100] =	vst v63  }
0x107: {  	v3 =	vld [tilespmem:$0x50];
	_ =	sdelay $0x4  }
0x108: {  	v21 =	vshll.u32 v3, $0x1  }
0x109: {  	v3 =	vand.u32 $0x7, v3;
	v4 =	vand.u32 $0xFFFFFFF0, v21  }
0x10a: {  	v3 =	vor.u32 v3, v4  }
0x10b: {  	v4 =	vperm.xlane v3, v0;
	_ =	sdelay $0x1  }
0x10c: {  	v3 =	vperm.xlane v3, v2;
	v4 =	vadd.s32 v1, v4;
	_ =	sdelay $0x1  }
0x10d: {  	v3 =	vadd.s32 v1, v3;
	_ =	sdelay $0x1  }
0x10e: {  	s14 =	simm.s32 $0x5100  }
0x10f: {  	[tilespmem:s14], [sflag:$0x1] =	stream.indirect_vreg.gather [hbm4b:s1+s3], $0x80, v4, vm0, $0xb8;
	[tilespmem:$0x10100] =	vst v63  }
0x110: {  	s15 =	simm.s32 $0x5900  }
0x111: {  	[tilespmem:s15], [sflag:$0x1] =	stream.indirect_vreg.gather [hbm4b:s1+s3], $0x80, v3, vm0, $0xb8;
	[tilespmem:$0x10100] =	vst v63  }
0x112: {  	v3 =	vld [tilespmem:$0x60];
	_ =	sdelay $0x4  }
0x113: {  	v22 =	vshll.u32 v3, $0x1  }
0x114: {  	v3 =	vand.u32 $0x7, v3;
	v4 =	vand.u32 $0xFFFFFFF0, v22  }
0x115: {  	v3 =	vor.u32 v3, v4  }
0x116: {  	v4 =	vperm.xlane v3, v0;
	_ =	sdelay $0x1  }
0x117: {  	v3 =	vperm.xlane v3, v2;
	v4 =	vadd.s32 v1, v4;
	_ =	sdelay $0x1  }
0x118: {  	v3 =	vadd.s32 v1, v3;
	_ =	sdelay $0x1  }
0x119: {  	s16 =	simm.s32 $0x6100  }
0x11a: {  	[tilespmem:s16], [sflag:$0x1] =	stream.indirect_vreg.gather [hbm4b:s1+s3], $0x80, v4, vm0, $0xb8;
	[tilespmem:$0x10100] =	vst v63  }
0x11b: {  	s18 =	simm.s32 $0x6900  }
0x11c: {  	[tilespmem:s18], [sflag:$0x1] =	stream.indirect_vreg.gather [hbm4b:s1+s3], $0x80, v3, vm0, $0xb8;
	[tilespmem:$0x10100] =	vst v63  }
0x11d: {  	v3 =	vld [tilespmem:$0x70];
	_ =	sdelay $0x4  }
0x11e: {  	v23 =	vshll.u32 v3, $0x1  }
0x11f: {  	v3 =	vand.u32 $0x7, v3;
	v4 =	vand.u32 $0xFFFFFFF0, v23  }
0x120: {  	v3 =	vor.u32 v3, v4  }
0x121: {  	v4 =	vperm.xlane v3, v0;
	_ =	sdelay $0x1  }
0x122: {  	v3 =	vperm.xlane v3, v2;
	v4 =	vadd.s32 v1, v4;
	_ =	sdelay $0x1  }
0x123: {  	v3 =	vadd.s32 v1, v3;
	_ =	sdelay $0x1  }
0x124: {  	s19 =	simm.s32 $0x7100  }
0x125: {  	[tilespmem:s19], [sflag:$0x1] =	stream.indirect_vreg.gather [hbm4b:s1+s3], $0x80, v4, vm0, $0xb8;
	[tilespmem:$0x10100] =	vst v63  }
0x126: {  	s20 =	simm.s32 $0x7900  }
0x127: {  	[tilespmem:s20], [sflag:$0x1] =	stream.indirect_vreg.gather [hbm4b:s1+s3], $0x80, v3, vm0, $0xb8;
	[tilespmem:$0x10100] =	vst v63  }
0x128: {  	v3 =	vld [tilespmem:$0x80];
	_ =	sdelay $0x4  }
0x129: {  	v24 =	vshll.u32 v3, $0x1  }
0x12a: {  	v3 =	vand.u32 $0x7, v3;
	v4 =	vand.u32 $0xFFFFFFF0, v24  }
0x12b: {  	v3 =	vor.u32 v3, v4  }
0x12c: {  	v4 =	vperm.xlane v3, v0;
	_ =	sdelay $0x1  }
0x12d: {  	v3 =	vperm.xlane v3, v2;
	v4 =	vadd.s32 v1, v4;
	_ =	sdelay $0x1  }
0x12e: {  	v3 =	vadd.s32 v1, v3;
	_ =	sdelay $0x1  }
0x12f: {  	s21 =	simm.s32 $0x8100  }
0x130: {  	[tilespmem:s21], [sflag:$0x1] =	stream.indirect_vreg.gather [hbm4b:s1+s3], $0x80, v4, vm0, $0xb8;
	[tilespmem:$0x10100] =	vst v63  }
0x131: {  	s22 =	simm.s32 $0x8900  }
0x132: {  	[tilespmem:s22], [sflag:$0x1] =	stream.indirect_vreg.gather [hbm4b:s1+s3], $0x80, v3, vm0, $0xb8;
	[tilespmem:$0x10100] =	vst v63  }
0x133: {  	v3 =	vld [tilespmem:$0x90];
	_ =	sdelay $0x4  }
0x134: {  	v25 =	vshll.u32 v3, $0x1  }
0x135: {  	v3 =	vand.u32 $0x7, v3;
	v4 =	vand.u32 $0xFFFFFFF0, v25  }
0x136: {  	v3 =	vor.u32 v3, v4  }
0x137: {  	v4 =	vperm.xlane v3, v0;
	_ =	sdelay $0x1  }
0x138: {  	v3 =	vperm.xlane v3, v2;
	v4 =	vadd.s32 v1, v4;
	_ =	sdelay $0x1  }
0x139: {  	v3 =	vadd.s32 v1, v3;
	_ =	sdelay $0x1  }
0x13a: {  	s0 =	simm.s32 $0x9100  }
0x13b: {  	[tilespmem:s0], [sflag:$0x1] =	stream.indirect_vreg.gather [hbm4b:s1+s3], $0x80, v4, vm0, $0xb8;
	[tilespmem:$0x10100] =	vst v63  }
0x13c: {  	s7 =	simm.s32 $0x9900  }
0x13d: {  	[tilespmem:s7], [sflag:$0x1] =	stream.indirect_vreg.gather [hbm4b:s1+s3], $0x80, v3, vm0, $0xb8;
	[tilespmem:$0x10100] =	vst v63  }
0x13e: {  	v3 =	vld [tilespmem:$0xA0];
	_ =	sdelay $0x4  }
0x13f: {  	v26 =	vshll.u32 v3, $0x1  }
0x140: {  	v3 =	vand.u32 $0x7, v3;
	v4 =	vand.u32 $0xFFFFFFF0, v26  }
0x141: {  	v3 =	vor.u32 v3, v4  }
0x142: {  	v4 =	vperm.xlane v3, v0;
	_ =	sdelay $0x1  }
0x143: {  	v3 =	vperm.xlane v3, v2;
	v4 =	vadd.s32 v1, v4;
	_ =	sdelay $0x1  }
0x144: {  	v3 =	vadd.s32 v1, v3;
	_ =	sdelay $0x1  }
0x145: {  	s2 =	simm.s32 $0xA100  }
0x146: {  	[tilespmem:s2], [sflag:$0x1] =	stream.indirect_vreg.gather [hbm4b:s1+s3], $0x80, v4, vm0, $0xb8;
	[tilespmem:$0x10100] =	vst v63  }
0x147: {  	s8 =	simm.s32 $0xA900  }
0x148: {  	[tilespmem:s8], [sflag:$0x1] =	stream.indirect_vreg.gather [hbm4b:s1+s3], $0x80, v3, vm0, $0xb8;
	[tilespmem:$0x10100] =	vst v63  }
0x149: {  	v3 =	vld [tilespmem:$0xB0];
	_ =	sdelay $0x4  }
0x14a: {  	v27 =	vshll.u32 v3, $0x1  }
0x14b: {  	v3 =	vand.u32 $0x7, v3;
	v4 =	vand.u32 $0xFFFFFFF0, v27  }
0x14c: {  	v3 =	vor.u32 v3, v4  }
0x14d: {  	v4 =	vperm.xlane v3, v0;
	_ =	sdelay $0x1  }
0x14e: {  	v3 =	vperm.xlane v3, v2;
	v4 =	vadd.s32 v1, v4;
	_ =	sdelay $0x1  }
0x14f: {  	v3 =	vadd.s32 v1, v3;
	_ =	sdelay $0x1  }
0x150: {  	s17 =	simm.s32 $0xB100  }
0x151: {  	[tilespmem:s17], [sflag:$0x1] =	stream.indirect_vreg.gather [hbm4b:s1+s3], $0x80, v4, vm0, $0xb8;
	[tilespmem:$0x10100] =	vst v63  }
0x152: {  	s17 =	simm.s32 $0xB900  }
0x153: {  	[tilespmem:s17], [sflag:$0x1] =	stream.indirect_vreg.gather [hbm4b:s1+s3], $0x80, v3, vm0, $0xb8;
	[tilespmem:$0x10100] =	vst v63  }
0x154: {  	v3 =	vld [tilespmem:$0xC0];
	_ =	sdelay $0x4  }
0x155: {  	v28 =	vshll.u32 v3, $0x1  }
0x156: {  	v3 =	vand.u32 $0x7, v3;
	v4 =	vand.u32 $0xFFFFFFF0, v28  }
0x157: {  	v3 =	vor.u32 v3, v4  }
0x158: {  	v4 =	vperm.xlane v3, v0;
	_ =	sdelay $0x1  }
0x159: {  	v3 =	vperm.xlane v3, v2;
	v4 =	vadd.s32 v1, v4;
	_ =	sdelay $0x1  }
0x15a: {  	v3 =	vadd.s32 v1, v3;
	_ =	sdelay $0x1  }
0x15b: {  	s30 =	simm.s32 $0xC100  }
0x15c: {  	[tilespmem:s30], [sflag:$0x1] =	stream.indirect_vreg.gather [hbm4b:s1+s3], $0x80, v4, vm0, $0xb8;
	[tilespmem:$0x10100] =	vst v63  }
0x15d: {  	s23 =	simm.s32 $0xC900  }
0x15e: {  	[tilespmem:s23], [sflag:$0x1] =	stream.indirect_vreg.gather [hbm4b:s1+s3], $0x80, v3, vm0, $0xb8;
	[tilespmem:$0x10100] =	vst v63  }
0x15f: {  	v3 =	vld [tilespmem:$0xD0];
	_ =	sdelay $0x4  }
0x160: {  	v29 =	vshll.u32 v3, $0x1  }
0x161: {  	v3 =	vand.u32 $0x7, v3;
	v4 =	vand.u32 $0xFFFFFFF0, v29  }
0x162: {  	v3 =	vor.u32 v3, v4  }
0x163: {  	v4 =	vperm.xlane v3, v0;
	_ =	sdelay $0x1  }
0x164: {  	v3 =	vperm.xlane v3, v2;
	v4 =	vadd.s32 v1, v4;
	_ =	sdelay $0x1  }
0x165: {  	v3 =	vadd.s32 v1, v3;
	_ =	sdelay $0x1  }
0x166: {  	s31 =	simm.s32 $0xD100  }
0x167: {  	[tilespmem:s31], [sflag:$0x1] =	stream.indirect_vreg.gather [hbm4b:s1+s3], $0x80, v4, vm0, $0xb8;
	[tilespmem:$0x10100] =	vst v63  }
0x168: {  	s24 =	simm.s32 $0xD900  }
0x169: {  	[tilespmem:s24], [sflag:$0x1] =	stream.indirect_vreg.gather [hbm4b:s1+s3], $0x80, v3, vm0, $0xb8;
	[tilespmem:$0x10100] =	vst v63  }
0x16a: {  	v3 =	vld [tilespmem:$0xE0];
	_ =	sdelay $0x4  }
0x16b: {  	v30 =	vshll.u32 v3, $0x1  }
0x16c: {  	v3 =	vand.u32 $0x7, v3;
	v4 =	vand.u32 $0xFFFFFFF0, v30  }
0x16d: {  	v3 =	vor.u32 v3, v4  }
0x16e: {  	v4 =	vperm.xlane v3, v0;
	_ =	sdelay $0x1  }
0x16f: {  	v3 =	vperm.xlane v3, v2;
	v4 =	vadd.s32 v1, v4;
	_ =	sdelay $0x1  }
0x170: {  	v3 =	vadd.s32 v1, v3;
	_ =	sdelay $0x1  }
0x171: {  	s24 =	simm.s32 $0xE100  }
0x172: {  	[tilespmem:s24], [sflag:$0x1] =	stream.indirect_vreg.gather [hbm4b:s1+s3], $0x80, v4, vm0, $0xb8;
	[tilespmem:$0x10100] =	vst v63  }
0x173: {  	s25 =	simm.s32 $0xE900  }
0x174: {  	[tilespmem:s25], [sflag:$0x1] =	stream.indirect_vreg.gather [hbm4b:s1+s3], $0x80, v3, vm0, $0xb8;
	[tilespmem:$0x10100] =	vst v63  }
0x175: {  	v3 =	vld [tilespmem:$0xF0];
	_ =	sdelay $0x4  }
0x176: {  	v31 =	vshll.u32 v3, $0x1  }
0x177: {  	v3 =	vand.u32 $0x7, v3;
	v4 =	vand.u32 $0xFFFFFFF0, v31  }
0x178: {  	v3 =	vor.u32 v3, v4  }
0x179: {  	v4 =	vperm.xlane v3, v0;
	_ =	sdelay $0x1  }
0x17a: {  	v3 =	vperm.xlane v3, v2;
	v4 =	vadd.s32 v1, v4;
	_ =	sdelay $0x1  }
0x17b: {  	v3 =	vadd.s32 v1, v3;
	_ =	sdelay $0x1  }
0x17c: {  	s25 =	simm.s32 $0xF100  }
0x17d: {  	[tilespmem:s25], [sflag:$0x1] =	stream.indirect_vreg.gather [hbm4b:s1+s3], $0x80, v4, vm0, $0xb8;
	[tilespmem:$0x10100] =	vst v63  }
0x17e: {  	s26 =	simm.s32 $0xF900  }
0x17f: {  	[tilespmem:s26], [sflag:$0x1] =	stream.indirect_vreg.gather [hbm4b:s1+s3], $0x80, v3, vm0, $0xb8;
	[tilespmem:$0x10100] =	vst v63  }
0x180: {  	_ =	swait.ge [sflag:s12], $0x10000  }
0x181: {  	[sflag:s12] =	ssyncset.done $0x0  }
0x182: {  	s26 =	rddreg [dreg:$0x7];
	[sflag:s12] =	ssyncadd.s32 $0xFFFF0000  }
0x183: {  	[hbm4b:s26+s3] =	stream.linear.scatter [tilespmem:s28], [sflag:$0x2], $0x10000, $0x38;
	[tilespmem:$0x10100] =	vst v63  }
0x184: {  	_ =	swait.ge [sflag:s5], $0x10000  }
0x185: {  	[sflag:s5] =	ssyncset.done $0x0  }
0x186: {  	s23 =	rddreg [dreg:$0x8];
	[sflag:s5] =	ssyncadd.s32 $0xFFFF0000  }
0x187: {  	[tilespmem:s3], [sflag:$0x2] =	stream.linear.gather [hbm4b:s23+s3], $0x100, $0x38;
	[tilespmem:$0x10100] =	vst v63  }
0x188: {  	_ =	swait.ge [sflag:s5], $0x100  }
0x189: {  	[sflag:s5] =	ssyncset.done $0x0  }
0x18a: {  	[sflag:s5] =	ssyncadd.s32 $0xFFFFFF00  }
0x18b: {  	v3 =	vld [tilespmem:$0x0];
	_ =	sdelay $0x4  }
0x18c: {  	v32 =	vshll.u32 v3, $0x1  }
0x18d: {  	v3 =	vand.u32 $0x7, v3;
	v4 =	vand.u32 $0xFFFFFFF0, v32  }
0x18e: {  	v3 =	vor.u32 v3, v4  }
0x18f: {  	v4 =	vperm.xlane v3, v0;
	_ =	sdelay $0x1  }
0x190: {  	v3 =	vperm.xlane v3, v2;
	v4 =	vadd.s32 v1, v4;
	_ =	sdelay $0x1  }
0x191: {  	v3 =	vadd.s32 v1, v3;
	_ =	sdelay $0x2  }
0x192: {  	[tilespmem:s28], [sflag:$0x1] =	stream.indirect_vreg.gather [hbm4b:s1+s3], $0x80, v4, vm0, $0xb8;
	[tilespmem:$0x10100] =	vst v63  }
0x193: {  	s25 =	simm.s32 $0x900  }
0x194: {  	[tilespmem:s25], [sflag:$0x1] =	stream.indirect_vreg.gather [hbm4b:s1+s3], $0x80, v3, vm0, $0xb8;
	[tilespmem:$0x10100] =	vst v63  }
0x195: {  	v3 =	vld [tilespmem:$0x10];
	_ =	sdelay $0x4  }
0x196: {  	v33 =	vshll.u32 v3, $0x1  }
0x197: {  	v3 =	vand.u32 $0x7, v3;
	v4 =	vand.u32 $0xFFFFFFF0, v33  }
0x198: {  	v3 =	vor.u32 v3, v4  }
0x199: {  	v4 =	vperm.xlane v3, v0;
	_ =	sdelay $0x1  }
0x19a: {  	v3 =	vperm.xlane v3, v2;
	v4 =	vadd.s32 v1, v4;
	_ =	sdelay $0x1  }
0x19b: {  	v3 =	vadd.s32 v1, v3;
	_ =	sdelay $0x1  }
0x19c: {  	s26 =	simm.s32 $0x1100  }
0x19d: {  	[tilespmem:s26], [sflag:$0x1] =	stream.indirect_vreg.gather [hbm4b:s1+s3], $0x80, v4, vm0, $0xb8;
	[tilespmem:$0x10100] =	vst v63  }
0x19e: {  	s23 =	simm.s32 $0x1900  }
0x19f: {  	[tilespmem:s23], [sflag:$0x1] =	stream.indirect_vreg.gather [hbm4b:s1+s3], $0x80, v3, vm0, $0xb8;
	[tilespmem:$0x10100] =	vst v63  }
0x1a0: {  	v3 =	vld [tilespmem:$0x20];
	_ =	sdelay $0x4  }
0x1a1: {  	v34 =	vshll.u32 v3, $0x1  }
0x1a2: {  	v3 =	vand.u32 $0x7, v3;
	v4 =	vand.u32 $0xFFFFFFF0, v34  }
0x1a3: {  	v3 =	vor.u32 v3, v4  }
0x1a4: {  	v4 =	vperm.xlane v3, v0;
	_ =	sdelay $0x1  }
0x1a5: {  	v3 =	vperm.xlane v3, v2;
	v4 =	vadd.s32 v1, v4;
	_ =	sdelay $0x1  }
0x1a6: {  	v3 =	vadd.s32 v1, v3;
	_ =	sdelay $0x2  }
0x1a7: {  	[tilespmem:s6], [sflag:$0x1] =	stream.indirect_vreg.gather [hbm4b:s1+s3], $0x80, v4, vm0, $0xb8;
	[tilespmem:$0x10100] =	vst v63  }
0x1a8: {  	_ = 	snop  }
0x1a9: {  	[tilespmem:s9], [sflag:$0x1] =	stream.indirect_vreg.gather [hbm4b:s1+s3], $0x80, v3, vm0, $0xb8;
	[tilespmem:$0x10100] =	vst v63  }
0x1aa: {  	v3 =	vld [tilespmem:$0x30];
	_ =	sdelay $0x4  }
0x1ab: {  	v35 =	vshll.u32 v3, $0x1  }
0x1ac: {  	v3 =	vand.u32 $0x7, v3;
	v4 =	vand.u32 $0xFFFFFFF0, v35  }
0x1ad: {  	v3 =	vor.u32 v3, v4  }
0x1ae: {  	v4 =	vperm.xlane v3, v0;
	_ =	sdelay $0x1  }
0x1af: {  	v3 =	vperm.xlane v3, v2;
	v4 =	vadd.s32 v1, v4;
	_ =	sdelay $0x1  }
0x1b0: {  	v3 =	vadd.s32 v1, v3;
	_ =	sdelay $0x1  }
0x1b1: {  	s25 =	simm.s32 $0x3100  }
0x1b2: {  	[tilespmem:s25], [sflag:$0x1] =	stream.indirect_vreg.gather [hbm4b:s1+s3], $0x80, v4, vm0, $0xb8;
	[tilespmem:$0x10100] =	vst v63  }
0x1b3: {  	s26 =	simm.s32 $0x3900  }
0x1b4: {  	[tilespmem:s26], [sflag:$0x1] =	stream.indirect_vreg.gather [hbm4b:s1+s3], $0x80, v3, vm0, $0xb8;
	[tilespmem:$0x10100] =	vst v63  }
0x1b5: {  	v3 =	vld [tilespmem:$0x40];
	_ =	sdelay $0x4  }
0x1b6: {  	v36 =	vshll.u32 v3, $0x1  }
0x1b7: {  	v3 =	vand.u32 $0x7, v3;
	v4 =	vand.u32 $0xFFFFFFF0, v36  }
0x1b8: {  	v3 =	vor.u32 v3, v4  }
0x1b9: {  	v4 =	vperm.xlane v3, v0;
	_ =	sdelay $0x1  }
0x1ba: {  	v3 =	vperm.xlane v3, v2;
	v4 =	vadd.s32 v1, v4;
	_ =	sdelay $0x1  }
0x1bb: {  	v3 =	vadd.s32 v1, v3;
	_ =	sdelay $0x2  }
0x1bc: {  	[tilespmem:s10], [sflag:$0x1] =	stream.indirect_vreg.gather [hbm4b:s1+s3], $0x80, v4, vm0, $0xb8;
	[tilespmem:$0x10100] =	vst v63  }
0x1bd: {  	_ = 	snop  }
0x1be: {  	[tilespmem:s11], [sflag:$0x1] =	stream.indirect_vreg.gather [hbm4b:s1+s3], $0x80, v3, vm0, $0xb8;
	[tilespmem:$0x10100] =	vst v63  }
0x1bf: {  	v3 =	vld [tilespmem:$0x50];
	_ =	sdelay $0x4  }
0x1c0: {  	v37 =	vshll.u32 v3, $0x1  }
0x1c1: {  	v3 =	vand.u32 $0x7, v3;
	v4 =	vand.u32 $0xFFFFFFF0, v37  }
0x1c2: {  	v3 =	vor.u32 v3, v4  }
0x1c3: {  	v4 =	vperm.xlane v3, v0;
	_ =	sdelay $0x1  }
0x1c4: {  	v3 =	vperm.xlane v3, v2;
	v4 =	vadd.s32 v1, v4;
	_ =	sdelay $0x1  }
0x1c5: {  	v3 =	vadd.s32 v1, v3;
	_ =	sdelay $0x2  }
0x1c6: {  	[tilespmem:s14], [sflag:$0x1] =	stream.indirect_vreg.gather [hbm4b:s1+s3], $0x80, v4, vm0, $0xb8;
	[tilespmem:$0x10100] =	vst v63  }
0x1c7: {  	_ = 	snop  }
0x1c8: {  	[tilespmem:s15], [sflag:$0x1] =	stream.indirect_vreg.gather [hbm4b:s1+s3], $0x80, v3, vm0, $0xb8;
	[tilespmem:$0x10100] =	vst v63  }
0x1c9: {  	v3 =	vld [tilespmem:$0x60];
	_ =	sdelay $0x4  }
0x1ca: {  	v38 =	vshll.u32 v3, $0x1  }
0x1cb: {  	v3 =	vand.u32 $0x7, v3;
	v4 =	vand.u32 $0xFFFFFFF0, v38  }
0x1cc: {  	v3 =	vor.u32 v3, v4  }
0x1cd: {  	v4 =	vperm.xlane v3, v0;
	_ =	sdelay $0x1  }
0x1ce: {  	v3 =	vperm.xlane v3, v2;
	v4 =	vadd.s32 v1, v4;
	_ =	sdelay $0x1  }
0x1cf: {  	v3 =	vadd.s32 v1, v3;
	_ =	sdelay $0x2  }
0x1d0: {  	[tilespmem:s16], [sflag:$0x1] =	stream.indirect_vreg.gather [hbm4b:s1+s3], $0x80, v4, vm0, $0xb8;
	[tilespmem:$0x10100] =	vst v63  }
0x1d1: {  	_ = 	snop  }
0x1d2: {  	[tilespmem:s18], [sflag:$0x1] =	stream.indirect_vreg.gather [hbm4b:s1+s3], $0x80, v3, vm0, $0xb8;
	[tilespmem:$0x10100] =	vst v63  }
0x1d3: {  	v3 =	vld [tilespmem:$0x70];
	_ =	sdelay $0x4  }
0x1d4: {  	v39 =	vshll.u32 v3, $0x1  }
0x1d5: {  	v3 =	vand.u32 $0x7, v3;
	v4 =	vand.u32 $0xFFFFFFF0, v39  }
0x1d6: {  	v3 =	vor.u32 v3, v4  }
0x1d7: {  	v4 =	vperm.xlane v3, v0;
	_ =	sdelay $0x1  }
0x1d8: {  	v3 =	vperm.xlane v3, v2;
	v4 =	vadd.s32 v1, v4;
	_ =	sdelay $0x1  }
0x1d9: {  	v3 =	vadd.s32 v1, v3;
	_ =	sdelay $0x2  }
0x1da: {  	[tilespmem:s19], [sflag:$0x1] =	stream.indirect_vreg.gather [hbm4b:s1+s3], $0x80, v4, vm0, $0xb8;
	[tilespmem:$0x10100] =	vst v63  }
0x1db: {  	_ = 	snop  }
0x1dc: {  	[tilespmem:s20], [sflag:$0x1] =	stream.indirect_vreg.gather [hbm4b:s1+s3], $0x80, v3, vm0, $0xb8;
	[tilespmem:$0x10100] =	vst v63  }
0x1dd: {  	v3 =	vld [tilespmem:$0x80];
	_ =	sdelay $0x4  }
0x1de: {  	v40 =	vshll.u32 v3, $0x1  }
0x1df: {  	v3 =	vand.u32 $0x7, v3;
	v4 =	vand.u32 $0xFFFFFFF0, v40  }
0x1e0: {  	v3 =	vor.u32 v3, v4  }
0x1e1: {  	v4 =	vperm.xlane v3, v0;
	_ =	sdelay $0x1  }
0x1e2: {  	v3 =	vperm.xlane v3, v2;
	v4 =	vadd.s32 v1, v4;
	_ =	sdelay $0x1  }
0x1e3: {  	v3 =	vadd.s32 v1, v3;
	_ =	sdelay $0x2  }
0x1e4: {  	[tilespmem:s21], [sflag:$0x1] =	stream.indirect_vreg.gather [hbm4b:s1+s3], $0x80, v4, vm0, $0xb8;
	[tilespmem:$0x10100] =	vst v63  }
0x1e5: {  	_ = 	snop  }
0x1e6: {  	[tilespmem:s22], [sflag:$0x1] =	stream.indirect_vreg.gather [hbm4b:s1+s3], $0x80, v3, vm0, $0xb8;
	[tilespmem:$0x10100] =	vst v63  }
0x1e7: {  	v3 =	vld [tilespmem:$0x90];
	_ =	sdelay $0x4  }
0x1e8: {  	v41 =	vshll.u32 v3, $0x1  }
0x1e9: {  	v3 =	vand.u32 $0x7, v3;
	v4 =	vand.u32 $0xFFFFFFF0, v41  }
0x1ea: {  	v3 =	vor.u32 v3, v4  }
0x1eb: {  	v4 =	vperm.xlane v3, v0;
	_ =	sdelay $0x1  }
0x1ec: {  	v3 =	vperm.xlane v3, v2;
	v4 =	vadd.s32 v1, v4;
	_ =	sdelay $0x1  }
0x1ed: {  	v3 =	vadd.s32 v1, v3;
	_ =	sdelay $0x2  }
0x1ee: {  	[tilespmem:s0], [sflag:$0x1] =	stream.indirect_vreg.gather [hbm4b:s1+s3], $0x80, v4, vm0, $0xb8;
	[tilespmem:$0x10100] =	vst v63  }
0x1ef: {  	_ = 	snop  }
0x1f0: {  	[tilespmem:s7], [sflag:$0x1] =	stream.indirect_vreg.gather [hbm4b:s1+s3], $0x80, v3, vm0, $0xb8;
	[tilespmem:$0x10100] =	vst v63  }
0x1f1: {  	v3 =	vld [tilespmem:$0xA0];
	_ =	sdelay $0x4  }
0x1f2: {  	v42 =	vshll.u32 v3, $0x1  }
0x1f3: {  	v3 =	vand.u32 $0x7, v3;
	v4 =	vand.u32 $0xFFFFFFF0, v42  }
0x1f4: {  	v3 =	vor.u32 v3, v4  }
0x1f5: {  	v4 =	vperm.xlane v3, v0;
	_ =	sdelay $0x1  }
0x1f6: {  	v3 =	vperm.xlane v3, v2;
	v4 =	vadd.s32 v1, v4;
	_ =	sdelay $0x1  }
0x1f7: {  	v3 =	vadd.s32 v1, v3;
	_ =	sdelay $0x2  }
0x1f8: {  	[tilespmem:s2], [sflag:$0x1] =	stream.indirect_vreg.gather [hbm4b:s1+s3], $0x80, v4, vm0, $0xb8;
	[tilespmem:$0x10100] =	vst v63  }
0x1f9: {  	_ = 	snop  }
0x1fa: {  	[tilespmem:s8], [sflag:$0x1] =	stream.indirect_vreg.gather [hbm4b:s1+s3], $0x80, v3, vm0, $0xb8;
	[tilespmem:$0x10100] =	vst v63  }
0x1fb: {  	v3 =	vld [tilespmem:$0xB0];
	_ =	sdelay $0x4  }
0x1fc: {  	v43 =	vshll.u32 v3, $0x1  }
0x1fd: {  	v3 =	vand.u32 $0x7, v3;
	v4 =	vand.u32 $0xFFFFFFF0, v43  }
0x1fe: {  	v3 =	vor.u32 v3, v4  }
0x1ff: {  	v4 =	vperm.xlane v3, v0;
	_ =	sdelay $0x1  }
0x200: {  	v3 =	vperm.xlane v3, v2;
	v4 =	vadd.s32 v1, v4;
	_ =	sdelay $0x1  }
0x201: {  	v3 =	vadd.s32 v1, v3;
	_ =	sdelay $0x1  }
0x202: {  	s29 =	simm.s32 $0xB100  }
0x203: {  	[tilespmem:s29], [sflag:$0x1] =	stream.indirect_vreg.gather [hbm4b:s1+s3], $0x80, v4, vm0, $0xb8;
	[tilespmem:$0x10100] =	vst v63  }
0x204: {  	_ = 	snop  }
0x205: {  	[tilespmem:s17], [sflag:$0x1] =	stream.indirect_vreg.gather [hbm4b:s1+s3], $0x80, v3, vm0, $0xb8;
	[tilespmem:$0x10100] =	vst v63  }
0x206: {  	v3 =	vld [tilespmem:$0xC0];
	_ =	sdelay $0x4  }
0x207: {  	v44 =	vshll.u32 v3, $0x1  }
0x208: {  	v3 =	vand.u32 $0x7, v3;
	v4 =	vand.u32 $0xFFFFFFF0, v44  }
0x209: {  	v3 =	vor.u32 v3, v4  }
0x20a: {  	v4 =	vperm.xlane v3, v0;
	_ =	sdelay $0x1  }
0x20b: {  	v3 =	vperm.xlane v3, v2;
	v4 =	vadd.s32 v1, v4;
	_ =	sdelay $0x1  }
0x20c: {  	v3 =	vadd.s32 v1, v3;
	_ =	sdelay $0x1  }
0x20d: {  	s29 =	simm.s32 $0xC100  }
0x20e: {  	[tilespmem:s29], [sflag:$0x1] =	stream.indirect_vreg.gather [hbm4b:s1+s3], $0x80, v4, vm0, $0xb8;
	[tilespmem:$0x10100] =	vst v63  }
0x20f: {  	s30 =	simm.s32 $0xC900  }
0x210: {  	[tilespmem:s30], [sflag:$0x1] =	stream.indirect_vreg.gather [hbm4b:s1+s3], $0x80, v3, vm0, $0xb8;
	[tilespmem:$0x10100] =	vst v63  }
0x211: {  	v3 =	vld [tilespmem:$0xD0];
	_ =	sdelay $0x4  }
0x212: {  	v45 =	vshll.u32 v3, $0x1  }
0x213: {  	v3 =	vand.u32 $0x7, v3;
	v4 =	vand.u32 $0xFFFFFFF0, v45  }
0x214: {  	v3 =	vor.u32 v3, v4  }
0x215: {  	v4 =	vperm.xlane v3, v0;
	_ =	sdelay $0x1  }
0x216: {  	v3 =	vperm.xlane v3, v2;
	v4 =	vadd.s32 v1, v4;
	_ =	sdelay $0x1  }
0x217: {  	v3 =	vadd.s32 v1, v3;
	_ =	sdelay $0x1  }
0x218: {  	s31 =	simm.s32 $0xD100  }
0x219: {  	[tilespmem:s31], [sflag:$0x1] =	stream.indirect_vreg.gather [hbm4b:s1+s3], $0x80, v4, vm0, $0xb8;
	[tilespmem:$0x10100] =	vst v63  }
0x21a: {  	s17 =	simm.s32 $0xD900  }
0x21b: {  	[tilespmem:s17], [sflag:$0x1] =	stream.indirect_vreg.gather [hbm4b:s1+s3], $0x80, v3, vm0, $0xb8;
	[tilespmem:$0x10100] =	vst v63  }
0x21c: {  	v3 =	vld [tilespmem:$0xE0];
	_ =	sdelay $0x4  }
0x21d: {  	v46 =	vshll.u32 v3, $0x1  }
0x21e: {  	v3 =	vand.u32 $0x7, v3;
	v4 =	vand.u32 $0xFFFFFFF0, v46  }
0x21f: {  	v3 =	vor.u32 v3, v4  }
0x220: {  	v4 =	vperm.xlane v3, v0;
	_ =	sdelay $0x1  }
0x221: {  	v3 =	vperm.xlane v3, v2;
	v4 =	vadd.s32 v1, v4;
	_ =	sdelay $0x1  }
0x222: {  	v3 =	vadd.s32 v1, v3;
	_ =	sdelay $0x1  }
0x223: {  	s31 =	simm.s32 $0xE100  }
0x224: {  	[tilespmem:s31], [sflag:$0x1] =	stream.indirect_vreg.gather [hbm4b:s1+s3], $0x80, v4, vm0, $0xb8;
	[tilespmem:$0x10100] =	vst v63  }
0x225: {  	s17 =	simm.s32 $0xE900  }
0x226: {  	[tilespmem:s17], [sflag:$0x1] =	stream.indirect_vreg.gather [hbm4b:s1+s3], $0x80, v3, vm0, $0xb8;
	[tilespmem:$0x10100] =	vst v63  }
0x227: {  	v3 =	vld [tilespmem:$0xF0];
	_ =	sdelay $0x4  }
0x228: {  	v47 =	vshll.u32 v3, $0x1  }
0x229: {  	v3 =	vand.u32 $0x7, v3;
	v4 =	vand.u32 $0xFFFFFFF0, v47  }
0x22a: {  	v3 =	vor.u32 v3, v4  }
0x22b: {  	v4 =	vperm.xlane v3, v0;
	_ =	sdelay $0x1  }
0x22c: {  	v3 =	vperm.xlane v3, v2;
	v4 =	vadd.s32 v1, v4;
	_ =	sdelay $0x1  }
0x22d: {  	v3 =	vadd.s32 v1, v3;
	_ =	sdelay $0x1  }
0x22e: {  	s24 =	simm.s32 $0xF100  }
0x22f: {  	[tilespmem:s24], [sflag:$0x1] =	stream.indirect_vreg.gather [hbm4b:s1+s3], $0x80, v4, vm0, $0xb8;
	[tilespmem:$0x10100] =	vst v63  }
0x230: {  	s24 =	simm.s32 $0xF900  }
0x231: {  	[tilespmem:s24], [sflag:$0x1] =	stream.indirect_vreg.gather [hbm4b:s1+s3], $0x80, v3, vm0, $0xb8;
	[tilespmem:$0x10100] =	vst v63  }
0x232: {  	_ =	swait.ge [sflag:s12], $0x10000  }
0x233: {  	[sflag:s12] =	ssyncset.done $0x0  }
0x234: {  	s13 =	rddreg [dreg:$0x9];
	[sflag:s12] =	ssyncadd.s32 $0xFFFF0000  }
0x235: {  	[hbm4b:s13+s3] =	stream.linear.scatter [tilespmem:s28], [sflag:$0x2], $0x10000, $0x38;
	[tilespmem:$0x10100] =	vst v63  }
0x236: {  	_ =	swait.ge [sflag:s5], $0x10000  }
0x237: {  	[sflag:s5] =	ssyncset.done $0x0  }
0x238: {  	s13 =	rddreg [dreg:$0xa];
	[sflag:s5] =	ssyncadd.s32 $0xFFFF0000  }
0x239: {  	[tilespmem:s3], [sflag:$0x2] =	stream.linear.gather [hbm4b:s13+s3], $0x100, $0x38;
	[tilespmem:$0x10100] =	vst v63  }
0x23a: {  	_ =	swait.ge [sflag:s5], $0x100  }
0x23b: {  	[sflag:s5] =	ssyncset.done $0x0  }
0x23c: {  	[sflag:s5] =	ssyncadd.s32 $0xFFFFFF00  }
0x23d: {  	v3 =	vld [tilespmem:$0x0];
	_ =	sdelay $0x4  }
0x23e: {  	v48 =	vshll.u32 v3, $0x1  }
0x23f: {  	v3 =	vand.u32 $0x7, v3;
	v4 =	vand.u32 $0xFFFFFFF0, v48  }
0x240: {  	v3 =	vor.u32 v3, v4  }
0x241: {  	v4 =	vperm.xlane v3, v0;
	_ =	sdelay $0x1  }
0x242: {  	v3 =	vperm.xlane v3, v2;
	v4 =	vadd.s32 v1, v4;
	_ =	sdelay $0x1  }
0x243: {  	v3 =	vadd.s32 v1, v3;
	_ =	sdelay $0x2  }
0x244: {  	[tilespmem:s28], [sflag:$0x1] =	stream.indirect_vreg.gather [hbm4b:s1+s3], $0x80, v4, vm0, $0xb8;
	[tilespmem:$0x10100] =	vst v63  }
0x245: {  	s13 =	simm.s32 $0x900  }
0x246: {  	[tilespmem:s13], [sflag:$0x1] =	stream.indirect_vreg.gather [hbm4b:s1+s3], $0x80, v3, vm0, $0xb8;
	[tilespmem:$0x10100] =	vst v63  }
0x247: {  	v3 =	vld [tilespmem:$0x10];
	_ =	sdelay $0x4  }
0x248: {  	v49 =	vshll.u32 v3, $0x1  }
0x249: {  	v3 =	vand.u32 $0x7, v3;
	v4 =	vand.u32 $0xFFFFFFF0, v49  }
0x24a: {  	v3 =	vor.u32 v3, v4  }
0x24b: {  	v4 =	vperm.xlane v3, v0;
	_ =	sdelay $0x1  }
0x24c: {  	v3 =	vperm.xlane v3, v2;
	v4 =	vadd.s32 v1, v4;
	_ =	sdelay $0x1  }
0x24d: {  	v3 =	vadd.s32 v1, v3;
	_ =	sdelay $0x1  }
0x24e: {  	s13 =	simm.s32 $0x1100  }
0x24f: {  	[tilespmem:s13], [sflag:$0x1] =	stream.indirect_vreg.gather [hbm4b:s1+s3], $0x80, v4, vm0, $0xb8;
	[tilespmem:$0x10100] =	vst v63  }
0x250: {  	s13 =	simm.s32 $0x1900  }
0x251: {  	[tilespmem:s13], [sflag:$0x1] =	stream.indirect_vreg.gather [hbm4b:s1+s3], $0x80, v3, vm0, $0xb8;
	[tilespmem:$0x10100] =	vst v63  }
0x252: {  	v3 =	vld [tilespmem:$0x20];
	_ =	sdelay $0x4  }
0x253: {  	v50 =	vshll.u32 v3, $0x1  }
0x254: {  	v3 =	vand.u32 $0x7, v3;
	v4 =	vand.u32 $0xFFFFFFF0, v50  }
0x255: {  	v3 =	vor.u32 v3, v4  }
0x256: {  	v4 =	vperm.xlane v3, v0;
	_ =	sdelay $0x1  }
0x257: {  	v3 =	vperm.xlane v3, v2;
	v4 =	vadd.s32 v1, v4;
	_ =	sdelay $0x1  }
0x258: {  	v3 =	vadd.s32 v1, v3;
	_ =	sdelay $0x1  }
0x259: {  	s6 =	simm.s32 $0x2100  }
0x25a: {  	[tilespmem:s6], [sflag:$0x1] =	stream.indirect_vreg.gather [hbm4b:s1+s3], $0x80, v4, vm0, $0xb8;
	[tilespmem:$0x10100] =	vst v63  }
0x25b: {  	s9 =	simm.s32 $0x2900  }
0x25c: {  	[tilespmem:s9], [sflag:$0x1] =	stream.indirect_vreg.gather [hbm4b:s1+s3], $0x80, v3, vm0, $0xb8;
	[tilespmem:$0x10100] =	vst v63  }
0x25d: {  	v3 =	vld [tilespmem:$0x30];
	_ =	sdelay $0x4  }
0x25e: {  	v51 =	vshll.u32 v3, $0x1  }
0x25f: {  	v3 =	vand.u32 $0x7, v3;
	v4 =	vand.u32 $0xFFFFFFF0, v51  }
0x260: {  	v3 =	vor.u32 v3, v4  }
0x261: {  	v4 =	vperm.xlane v3, v0;
	_ =	sdelay $0x1  }
0x262: {  	v3 =	vperm.xlane v3, v2;
	v4 =	vadd.s32 v1, v4;
	_ =	sdelay $0x1  }
0x263: {  	v3 =	vadd.s32 v1, v3;
	_ =	sdelay $0x1  }
0x264: {  	s9 =	simm.s32 $0x3100  }
0x265: {  	[tilespmem:s9], [sflag:$0x1] =	stream.indirect_vreg.gather [hbm4b:s1+s3], $0x80, v4, vm0, $0xb8;
	[tilespmem:$0x10100] =	vst v63  }
0x266: {  	s13 =	simm.s32 $0x3900  }
0x267: {  	[tilespmem:s13], [sflag:$0x1] =	stream.indirect_vreg.gather [hbm4b:s1+s3], $0x80, v3, vm0, $0xb8;
	[tilespmem:$0x10100] =	vst v63  }
0x268: {  	v3 =	vld [tilespmem:$0x40];
	_ =	sdelay $0x4  }
0x269: {  	v52 =	vshll.u32 v3, $0x1  }
0x26a: {  	v3 =	vand.u32 $0x7, v3;
	v4 =	vand.u32 $0xFFFFFFF0, v52  }
0x26b: {  	v3 =	vor.u32 v3, v4  }
0x26c: {  	v4 =	vperm.xlane v3, v0;
	_ =	sdelay $0x1  }
0x26d: {  	v3 =	vperm.xlane v3, v2;
	v4 =	vadd.s32 v1, v4;
	_ =	sdelay $0x1  }
0x26e: {  	v3 =	vadd.s32 v1, v3;
	_ =	sdelay $0x1  }
0x26f: {  	s26 =	simm.s32 $0x4100  }
0x270: {  	[tilespmem:s26], [sflag:$0x1] =	stream.indirect_vreg.gather [hbm4b:s1+s3], $0x80, v4, vm0, $0xb8;
	[tilespmem:$0x10100] =	vst v63  }
0x271: {  	s11 =	simm.s32 $0x4900  }
0x272: {  	[tilespmem:s11], [sflag:$0x1] =	stream.indirect_vreg.gather [hbm4b:s1+s3], $0x80, v3, vm0, $0xb8;
	[tilespmem:$0x10100] =	vst v63  }
0x273: {  	v3 =	vld [tilespmem:$0x50];
	_ =	sdelay $0x4  }
0x274: {  	v53 =	vshll.u32 v3, $0x1  }
0x275: {  	v3 =	vand.u32 $0x7, v3;
	v4 =	vand.u32 $0xFFFFFFF0, v53  }
0x276: {  	v3 =	vor.u32 v3, v4  }
0x277: {  	v4 =	vperm.xlane v3, v0;
	_ =	sdelay $0x1  }
0x278: {  	v3 =	vperm.xlane v3, v2;
	v4 =	vadd.s32 v1, v4;
	_ =	sdelay $0x1  }
0x279: {  	v3 =	vadd.s32 v1, v3;
	_ =	sdelay $0x1  }
0x27a: {  	s14 =	simm.s32 $0x5100  }
0x27b: {  	[tilespmem:s14], [sflag:$0x1] =	stream.indirect_vreg.gather [hbm4b:s1+s3], $0x80, v4, vm0, $0xb8;
	[tilespmem:$0x10100] =	vst v63  }
0x27c: {  	s15 =	simm.s32 $0x5900  }
0x27d: {  	[tilespmem:s15], [sflag:$0x1] =	stream.indirect_vreg.gather [hbm4b:s1+s3], $0x80, v3, vm0, $0xb8;
	[tilespmem:$0x10100] =	vst v63  }
0x27e: {  	v3 =	vld [tilespmem:$0x60];
	_ =	sdelay $0x4  }
0x27f: {  	v54 =	vshll.u32 v3, $0x1  }
0x280: {  	v3 =	vand.u32 $0x7, v3;
	v4 =	vand.u32 $0xFFFFFFF0, v54  }
0x281: {  	v3 =	vor.u32 v3, v4  }
0x282: {  	v4 =	vperm.xlane v3, v0;
	_ =	sdelay $0x1  }
0x283: {  	v3 =	vperm.xlane v3, v2;
	v4 =	vadd.s32 v1, v4;
	_ =	sdelay $0x1  }
0x284: {  	v3 =	vadd.s32 v1, v3;
	_ =	sdelay $0x1  }
0x285: {  	s16 =	simm.s32 $0x6100  }
0x286: {  	[tilespmem:s16], [sflag:$0x1] =	stream.indirect_vreg.gather [hbm4b:s1+s3], $0x80, v4, vm0, $0xb8;
	[tilespmem:$0x10100] =	vst v63  }
0x287: {  	s18 =	simm.s32 $0x6900  }
0x288: {  	[tilespmem:s18], [sflag:$0x1] =	stream.indirect_vreg.gather [hbm4b:s1+s3], $0x80, v3, vm0, $0xb8;
	[tilespmem:$0x10100] =	vst v63  }
0x289: {  	v3 =	vld [tilespmem:$0x70];
	_ =	sdelay $0x4  }
0x28a: {  	v55 =	vshll.u32 v3, $0x1  }
0x28b: {  	v3 =	vand.u32 $0x7, v3;
	v4 =	vand.u32 $0xFFFFFFF0, v55  }
0x28c: {  	v3 =	vor.u32 v3, v4  }
0x28d: {  	v4 =	vperm.xlane v3, v0;
	_ =	sdelay $0x1  }
0x28e: {  	v3 =	vperm.xlane v3, v2;
	v4 =	vadd.s32 v1, v4;
	_ =	sdelay $0x1  }
0x28f: {  	v3 =	vadd.s32 v1, v3;
	_ =	sdelay $0x1  }
0x290: {  	s19 =	simm.s32 $0x7100  }
0x291: {  	[tilespmem:s19], [sflag:$0x1] =	stream.indirect_vreg.gather [hbm4b:s1+s3], $0x80, v4, vm0, $0xb8;
	[tilespmem:$0x10100] =	vst v63  }
0x292: {  	s20 =	simm.s32 $0x7900  }
0x293: {  	[tilespmem:s20], [sflag:$0x1] =	stream.indirect_vreg.gather [hbm4b:s1+s3], $0x80, v3, vm0, $0xb8;
	[tilespmem:$0x10100] =	vst v63  }
0x294: {  	v3 =	vld [tilespmem:$0x80];
	_ =	sdelay $0x4  }
0x295: {  	v56 =	vshll.u32 v3, $0x1  }
0x296: {  	v3 =	vand.u32 $0x7, v3;
	v4 =	vand.u32 $0xFFFFFFF0, v56  }
0x297: {  	v3 =	vor.u32 v3, v4  }
0x298: {  	v4 =	vperm.xlane v3, v0;
	_ =	sdelay $0x1  }
0x299: {  	v3 =	vperm.xlane v3, v2;
	v4 =	vadd.s32 v1, v4;
	_ =	sdelay $0x1  }
0x29a: {  	v3 =	vadd.s32 v1, v3;
	_ =	sdelay $0x1  }
0x29b: {  	s21 =	simm.s32 $0x8100  }
0x29c: {  	[tilespmem:s21], [sflag:$0x1] =	stream.indirect_vreg.gather [hbm4b:s1+s3], $0x80, v4, vm0, $0xb8;
	[tilespmem:$0x10100] =	vst v63  }
0x29d: {  	s22 =	simm.s32 $0x8900  }
0x29e: {  	[tilespmem:s22], [sflag:$0x1] =	stream.indirect_vreg.gather [hbm4b:s1+s3], $0x80, v3, vm0, $0xb8;
	[tilespmem:$0x10100] =	vst v63  }
0x29f: {  	v3 =	vld [tilespmem:$0x90];
	_ =	sdelay $0x4  }
0x2a0: {  	v57 =	vshll.u32 v3, $0x1  }
0x2a1: {  	v3 =	vand.u32 $0x7, v3;
	v4 =	vand.u32 $0xFFFFFFF0, v57  }
0x2a2: {  	v3 =	vor.u32 v3, v4  }
0x2a3: {  	v4 =	vperm.xlane v3, v0;
	_ =	sdelay $0x1  }
0x2a4: {  	v3 =	vperm.xlane v3, v2;
	v4 =	vadd.s32 v1, v4;
	_ =	sdelay $0x1  }
0x2a5: {  	v3 =	vadd.s32 v1, v3;
	_ =	sdelay $0x1  }
0x2a6: {  	s0 =	simm.s32 $0x9100  }
0x2a7: {  	[tilespmem:s0], [sflag:$0x1] =	stream.indirect_vreg.gather [hbm4b:s1+s3], $0x80, v4, vm0, $0xb8;
	[tilespmem:$0x10100] =	vst v63  }
0x2a8: {  	s7 =	simm.s32 $0x9900  }
0x2a9: {  	[tilespmem:s7], [sflag:$0x1] =	stream.indirect_vreg.gather [hbm4b:s1+s3], $0x80, v3, vm0, $0xb8;
	[tilespmem:$0x10100] =	vst v63  }
0x2aa: {  	v3 =	vld [tilespmem:$0xA0];
	_ =	sdelay $0x4  }
0x2ab: {  	v58 =	vshll.u32 v3, $0x1  }
0x2ac: {  	v3 =	vand.u32 $0x7, v3;
	v4 =	vand.u32 $0xFFFFFFF0, v58  }
0x2ad: {  	v3 =	vor.u32 v3, v4  }
0x2ae: {  	v4 =	vperm.xlane v3, v0;
	_ =	sdelay $0x1  }
0x2af: {  	v3 =	vperm.xlane v3, v2;
	v4 =	vadd.s32 v1, v4;
	_ =	sdelay $0x1  }
0x2b0: {  	v3 =	vadd.s32 v1, v3;
	_ =	sdelay $0x1  }
0x2b1: {  	s2 =	simm.s32 $0xA100  }
0x2b2: {  	[tilespmem:s2], [sflag:$0x1] =	stream.indirect_vreg.gather [hbm4b:s1+s3], $0x80, v4, vm0, $0xb8;
	[tilespmem:$0x10100] =	vst v63  }
0x2b3: {  	s8 =	simm.s32 $0xA900  }
0x2b4: {  	[tilespmem:s8], [sflag:$0x1] =	stream.indirect_vreg.gather [hbm4b:s1+s3], $0x80, v3, vm0, $0xb8;
	[tilespmem:$0x10100] =	vst v63  }
0x2b5: {  	v3 =	vld [tilespmem:$0xB0];
	_ =	sdelay $0x4  }
0x2b6: {  	v59 =	vshll.u32 v3, $0x1  }
0x2b7: {  	v3 =	vand.u32 $0x7, v3;
	v4 =	vand.u32 $0xFFFFFFF0, v59  }
0x2b8: {  	v3 =	vor.u32 v3, v4  }
0x2b9: {  	v4 =	vperm.xlane v3, v0;
	_ =	sdelay $0x1  }
0x2ba: {  	v3 =	vperm.xlane v3, v2;
	v4 =	vadd.s32 v1, v4;
	_ =	sdelay $0x1  }
0x2bb: {  	v3 =	vadd.s32 v1, v3;
	_ =	sdelay $0x1  }
0x2bc: {  	s23 =	simm.s32 $0xB100  }
0x2bd: {  	[tilespmem:s23], [sflag:$0x1] =	stream.indirect_vreg.gather [hbm4b:s1+s3], $0x80, v4, vm0, $0xb8;
	[tilespmem:$0x10100] =	vst v63  }
0x2be: {  	s10 =	simm.s32 $0xB900  }
0x2bf: {  	[tilespmem:s10], [sflag:$0x1] =	stream.indirect_vreg.gather [hbm4b:s1+s3], $0x80, v3, vm0, $0xb8;
	[tilespmem:$0x10100] =	vst v63  }
0x2c0: {  	v3 =	vld [tilespmem:$0xC0];
	_ =	sdelay $0x4  }
0x2c1: {  	v60 =	vshll.u32 v3, $0x1  }
0x2c2: {  	v3 =	vand.u32 $0x7, v3;
	v4 =	vand.u32 $0xFFFFFFF0, v60  }
0x2c3: {  	v3 =	vor.u32 v3, v4  }
0x2c4: {  	v4 =	vperm.xlane v3, v0;
	_ =	sdelay $0x1  }
0x2c5: {  	v3 =	vperm.xlane v3, v2;
	v4 =	vadd.s32 v1, v4;
	_ =	sdelay $0x1  }
0x2c6: {  	v3 =	vadd.s32 v1, v3;
	_ =	sdelay $0x1  }
0x2c7: {  	s25 =	simm.s32 $0xC100  }
0x2c8: {  	[tilespmem:s25], [sflag:$0x1] =	stream.indirect_vreg.gather [hbm4b:s1+s3], $0x80, v4, vm0, $0xb8;
	[tilespmem:$0x10100] =	vst v63  }
0x2c9: {  	s29 =	simm.s32 $0xC900  }
0x2ca: {  	[tilespmem:s29], [sflag:$0x1] =	stream.indirect_vreg.gather [hbm4b:s1+s3], $0x80, v3, vm0, $0xb8;
	[tilespmem:$0x10100] =	vst v63  }
0x2cb: {  	v3 =	vld [tilespmem:$0xD0];
	_ =	sdelay $0x4  }
0x2cc: {  	v61 =	vshll.u32 v3, $0x1  }
0x2cd: {  	v3 =	vand.u32 $0x7, v3;
	v4 =	vand.u32 $0xFFFFFFF0, v61  }
0x2ce: {  	v3 =	vor.u32 v3, v4  }
0x2cf: {  	v4 =	vperm.xlane v3, v0;
	_ =	sdelay $0x1  }
0x2d0: {  	v3 =	vperm.xlane v3, v2;
	v4 =	vadd.s32 v1, v4;
	_ =	sdelay $0x1  }
0x2d1: {  	v3 =	vadd.s32 v1, v3;
	_ =	sdelay $0x1  }
0x2d2: {  	s30 =	simm.s32 $0xD100  }
0x2d3: {  	[tilespmem:s30], [sflag:$0x1] =	stream.indirect_vreg.gather [hbm4b:s1+s3], $0x80, v4, vm0, $0xb8;
	[tilespmem:$0x10100] =	vst v63  }
0x2d4: {  	s29 =	simm.s32 $0xD900  }
0x2d5: {  	[tilespmem:s29], [sflag:$0x1] =	stream.indirect_vreg.gather [hbm4b:s1+s3], $0x80, v3, vm0, $0xb8;
	[tilespmem:$0x10100] =	vst v63  }
0x2d6: {  	v3 =	vld [tilespmem:$0xE0];
	_ =	sdelay $0x4  }
0x2d7: {  	v62 =	vshll.u32 v3, $0x1  }
0x2d8: {  	v3 =	vand.u32 $0x7, v3;
	v4 =	vand.u32 $0xFFFFFFF0, v62  }
0x2d9: {  	v3 =	vor.u32 v3, v4  }
0x2da: {  	v4 =	vperm.xlane v3, v0;
	_ =	sdelay $0x1  }
0x2db: {  	v3 =	vperm.xlane v3, v2;
	v4 =	vadd.s32 v1, v4;
	_ =	sdelay $0x1  }
0x2dc: {  	v3 =	vadd.s32 v1, v3;
	_ =	sdelay $0x1  }
0x2dd: {  	s31 =	simm.s32 $0xE100  }
0x2de: {  	[tilespmem:s31], [sflag:$0x1] =	stream.indirect_vreg.gather [hbm4b:s1+s3], $0x80, v4, vm0, $0xb8;
	[tilespmem:$0x10100] =	vst v63  }
0x2df: {  	s30 =	simm.s32 $0xE900  }
0x2e0: {  	[tilespmem:s30], [sflag:$0x1] =	stream.indirect_vreg.gather [hbm4b:s1+s3], $0x80, v3, vm0, $0xb8;
	[tilespmem:$0x10100] =	vst v63  }
0x2e1: {  	v3 =	vld [tilespmem:$0xF0];
	_ =	sdelay $0x4  }
0x2e2: {  	v63 =	vshll.u32 v3, $0x1  }
0x2e3: {  	v3 =	vand.u32 $0x7, v3;
	v4 =	vand.u32 $0xFFFFFFF0, v63  }
0x2e4: {  	v3 =	vor.u32 v3, v4  }
0x2e5: {  	v4 =	vperm.xlane v3, v0;
	_ =	sdelay $0x1  }
0x2e6: {  	v3 =	vperm.xlane v3, v2;
	v4 =	vadd.s32 v1, v4;
	_ =	sdelay $0x1  }
0x2e7: {  	v3 =	vadd.s32 v1, v3;
	_ =	sdelay $0x1  }
0x2e8: {  	s17 =	simm.s32 $0xF100  }
0x2e9: {  	[tilespmem:s17], [sflag:$0x1] =	stream.indirect_vreg.gather [hbm4b:s1+s3], $0x80, v4, vm0, $0xb8;
	[tilespmem:$0x10100] =	vst v63  }
0x2ea: {  	s24 =	simm.s32 $0xF900  }
0x2eb: {  	[tilespmem:s24], [sflag:$0x1] =	stream.indirect_vreg.gather [hbm4b:s1+s3], $0x80, v3, vm0, $0xb8;
	[tilespmem:$0x10100] =	vst v63  }
0x2ec: {  	_ =	swait.ge [sflag:s12], $0x10000  }
0x2ed: {  	p0 =	sne.s32 s4, $0x1;
	[sflag:s12] =	ssyncset.done $0x0  }
.Ltmp0:
0x2ee: {  	s31 =	rddreg [dreg:$0xb];
	[sflag:s12] =	ssyncadd.s32 $0xFFFF0000;
	(pc) =	sbr.rel @p0 .LBB2_1-.Ltmp0, $4  }
0x2ef: {  	[hbm4b:s31+s3] =	stream.linear.scatter [tilespmem:s28], [sflag:$0x2], $0x10000, $0x38;
	[tilespmem:$0x10100] =	vst v63  }
0x2f0: {  	_ =	swait.ge [sflag:s5], $0x10000  }
0x2f1: {  	[sflag:s5] =	ssyncset.done $0x0  }
0x2f2: {  	s4 =	sadd.s32 $0xFFFFFFFF, s4;
	[sflag:s5] =	ssyncadd.s32 $0xFFFF0000  }
0x2f3: {  	_ =	sfence.sel $0x180000  }
0x2f4: {  	[bflag:$0x0] =	sbarrier.arrive $0xFFFF  }
0x2f5: {  	_ =	strace $0x90000047  }
0x2f6: {  	s0 =	stileid.u32;
	[bflag:$0x2] =	sbarrier.arrive $0xFFFF  }
0x2f7: {  	p0 =	sne.s32 s0, $0x0;
	s0 =	rddreg [dreg:$0x3]  }
0x2f8: {  	s0 =	sadd.s32 @!p0 $0x100000, s0  }
0x2f9: {  	[sflag:s0] =	ssyncadd.tile.s32 @!p0 $0x1;
	_ =	shalt  }
.Lfunc_end2:
_tile_overlayer_lowered:
.L_overlay_start_2:
0x2fa: {  	(tag) =	ssettag $0x2  }
0x2fb: {  	s0 =	rddreg [dreg:$0x0];
	s2 =	stileid.u32  }
0x2fc: {  	s1 =	rddreg [dreg:$0x1];
	p0 =	sne.s32 s2, $0x0  }
0x2fd: {  	s3 =	rddreg [dreg:$0x2];
	[bflag:$0x3] =	sbarrier.arrive $0xFFFF;
	s2 =	simm.s32 @!p0 $0x1C02  }
0x2fe: {  	[timem:s3], [sflag:s2] =	dma.local @!p0 [hbm:s0], s1  }
0x2ff: {  	s0 =	simm.s32 @!p0 $0x2  }
0x300: {  	_ =	swait.ge @!p0 [sflag:s0], s1  }
0x301: {  	s1 =	ssub.s32 @!p0 $0x0, s1;
	[sflag:s0] =	ssyncset.done @!p0 $0x0  }
0x302: {  	[sflag:s0] =	ssyncadd.s32 @!p0 s1  }
0x303: {  	[bflag:$0x3] =	sbarrier.arrive $0xFFFF  }
0x304: {  	_ =	shalt  }

</sc_bundles>
